<compile_context>
chip_gen: v7x
topology: tpu7x:2x2x1
jax: 0.10.2.dev20260603
libtpu: 0.0.44.dev20260713+nightly
codegen_flags: <defaults>
</compile_context>

<pallas_src>
import math

import jax
import jax.numpy as jnp
from jax import lax
from jax.experimental import pallas as pl
from jax.experimental.pallas import tpu as pltpu
from jax.experimental.pallas import tpu_sc as plsc

N = 10000
E = 320000
F = 128
NUM_BOUNCES = 8
FSM_GAMMA = 0.001
AIR = 0.001
FSM = math.exp(-math.log(FSM_GAMMA) / (NUM_BOUNCES * F))

NT = 16
EW = E // NT
NP = 10240
NSL = NP // NT


def _sqrt16(y):
    i = plsc.bitcast(y, jnp.int32)
    i = jnp.int32(0x1FBD1DF5) + lax.shift_right_logical(i, 1)
    x = plsc.bitcast(i, jnp.float32)
    for _ in range(3):
        x = 0.5 * (x + y / x)
    return x


def _sc_body(row_h, col_h, kb0_h, kb1_h, da_h, abs_h, sct_h,
             rx_h, ry_h, rz_h, gm_h, rcv_h, src_h, env_h, out_h,
             row_v, col_v, kbh_v, val_v, msg_v, v_v, tab_v,
             acc_v, zero_v, rcv_v, src_v, px_v, py_v, pz_v, pg_v,
             echo_v, env_v, est_v, u_sh, est_sh):
    cid = lax.axis_index("c")
    wid = lax.axis_index("s")
    be = wid * EW
    bn = wid * NSL

    pltpu.sync_copy(row_h.at[pl.ds(be, EW)], row_v)
    pltpu.sync_copy(col_h.at[pl.ds(be, EW)], col_v)
    pltpu.sync_copy(da_h.at[pl.ds(be, EW)], val_v)
    pltpu.sync_copy(abs_h, v_v.at[pl.ds(0, N)])
    pltpu.sync_copy(sct_h, tab_v.at[pl.ds(0, N)])
    pltpu.sync_copy(rcv_h, rcv_v)
    pltpu.sync_copy(src_h, src_v)

    pltpu.sync_copy(kb0_h.at[pl.ds(be, EW)], kbh_v)
    pltpu.sync_copy(kb1_h.at[pl.ds(be, EW)], msg_v)

    @plsc.parallel_loop(0, EW, step=16, unroll=4)
    def _(o):
        cols = col_v[pl.ds(o, 16)]
        a = plsc.load_gather(v_v, [cols])
        s = plsc.load_gather(tab_v, [cols])
        kv = (1.0 - a) * (s * kbh_v[pl.ds(o, 16)]
                          + (1.0 - s) * msg_v[pl.ds(o, 16)])
        val_v[pl.ds(o, 16)] = kv * val_v[pl.ds(o, 16)] * FSM

    @plsc.parallel_loop(0, NSL, step=16)
    def _(o):
        zero_v[pl.ds(o, 16)] = jnp.zeros((16,), jnp.float32)

    ntail = N - (NT - 1) * NSL

    @pl.when(wid < NT - 1)
    def _():
        pltpu.sync_copy(rx_h.at[pl.ds(bn, NSL)], px_v)
        pltpu.sync_copy(ry_h.at[pl.ds(bn, NSL)], py_v)
        pltpu.sync_copy(rz_h.at[pl.ds(bn, NSL)], pz_v)
        pltpu.sync_copy(gm_h.at[pl.ds(bn, NSL)], pg_v)

    @pl.when(wid == NT - 1)
    def _():
        b15 = (NT - 1) * NSL
        pltpu.sync_copy(rx_h.at[pl.ds(b15, ntail)], px_v.at[pl.ds(0, ntail)])
        pltpu.sync_copy(ry_h.at[pl.ds(b15, ntail)], py_v.at[pl.ds(0, ntail)])
        pltpu.sync_copy(rz_h.at[pl.ds(b15, ntail)], pz_v.at[pl.ds(0, ntail)])
        pltpu.sync_copy(gm_h.at[pl.ds(b15, ntail)], pg_v.at[pl.ds(0, ntail)])

        @plsc.parallel_loop(ntail, NSL, step=16)
        def _(o):
            z16 = jnp.zeros((16,), jnp.float32)
            px_v[pl.ds(o, 16)] = z16
            py_v[pl.ds(o, 16)] = z16
            pz_v[pl.ds(o, 16)] = z16
            pg_v[pl.ds(o, 16)] = z16

    @plsc.parallel_loop(0, NSL, step=16, unroll=2)
    def _(o):
        dx = px_v[pl.ds(o, 16)] - rcv_v[pl.ds(0, 16)]
        dy = py_v[pl.ds(o, 16)] - rcv_v[pl.ds(16, 16)]
        dz = pz_v[pl.ds(o, 16)] - rcv_v[pl.ds(32, 16)]
        d2 = dx * dx + dy * dy + dz * dz
        d = _sqrt16(d2)
        acc_v[pl.ds(o, 16)] = (pg_v[pl.ds(o, 16)] / (d2 + 1.0)
                               * jnp.exp(-AIR * d))

    pltpu.sync_copy(acc_v, u_sh.at[pl.ds(bn, NSL)])
    plsc.subcore_barrier()
    pltpu.sync_copy(u_sh, v_v)
    plsc.subcore_barrier()

    for _ in range(NUM_BOUNCES):
        pltpu.sync_copy(zero_v, u_sh.at[pl.ds(bn, NSL)])
        plsc.subcore_barrier()

        @plsc.parallel_loop(0, EW, step=16, unroll=8)
        def _(o):
            rows = row_v[pl.ds(o, 16)]
            g = plsc.load_gather(v_v, [rows])
            msg_v[pl.ds(o, 16)] = val_v[pl.ds(o, 16)] * g

        pltpu.sync_copy(msg_v, u_sh.at[col_v], add=True)
        plsc.subcore_barrier()

        pltpu.sync_copy(u_sh, v_v)

        @plsc.parallel_loop(0, NSL, step=16, unroll=2)
        def _(o):
            acc_v[pl.ds(o, 16)] = (acc_v[pl.ds(o, 16)]
                                   + v_v[pl.ds(bn + o, 16)])
        plsc.subcore_barrier()

    @plsc.parallel_loop(0, NSL, step=16, unroll=2)
    def _(o):
        dx = px_v[pl.ds(o, 16)] - src_v[pl.ds(0, 16)]
        dy = py_v[pl.ds(o, 16)] - src_v[pl.ds(16, 16)]
        dz = pz_v[pl.ds(o, 16)] - src_v[pl.ds(32, 16)]
        d2 = dx * dx + dy * dy + dz * dz
        d = _sqrt16(d2)
        q = jnp.exp(-AIR * d)
        a = acc_v[pl.ds(o, 16)] * pg_v[pl.ds(o, 16)] / (d2 + 1.0) * q
        px_v[pl.ds(o, 16)] = a
        zero_v[pl.ds(o, 16)] = q

    lane0 = lax.iota(jnp.int32, 16) == 0

    nhalf = NSL // 32
    for h in range(2):
        base = h * (NSL // 2)
        qs = tuple(zero_v[pl.ds(base + k * 16, 16)] for k in range(nhalf))
        p0 = tuple(px_v[pl.ds(base + k * 16, 16)] for k in range(nhalf))

        def f_body(f, ps, _h=h, _qs=qs):
            a16 = ps[0]
            for p in ps[1:]:
                a16 = a16 + p
            s16 = jnp.full((16,), jnp.sum(a16), jnp.float32)
            idx = jnp.full((16,), f, jnp.int32)
            if _h == 0:
                plsc.store_scatter(echo_v, [idx], s16, mask=lane0)
            else:
                plsc.addupdate_scatter(echo_v, [idx], s16, mask=lane0)
            return tuple(p * q for p, q in zip(ps, _qs))
        lax.fori_loop(0, F, f_body, p0)

    pltpu.sync_copy(echo_v, est_sh.at[pl.ds(wid * F, F)])
    plsc.subcore_barrier()

    @pl.when((cid == 0) & (wid == 0))
    def _():
        pltpu.sync_copy(est_sh, est_v)
        pltpu.sync_copy(env_h, env_v)
        ddx = rcv_v[pl.ds(0, 16)] - src_v[pl.ds(0, 16)]
        ddy = rcv_v[pl.ds(16, 16)] - src_v[pl.ds(16, 16)]
        ddz = rcv_v[pl.ds(32, 16)] - src_v[pl.ds(32, 16)]
        dd2 = ddx * ddx + ddy * ddy + ddz * ddz
        direct = jnp.exp(-AIR * _sqrt16(dd2)) / (dd2 + 1.0)
        for j in range(F // 16):
            o = j * 16
            s16 = est_v[pl.ds(o, 16)]
            for t in range(1, NT):
                s16 = s16 + est_v[pl.ds(t * F + o, 16)]
            echo_v[pl.ds(o, 16)] = ((s16 + direct)
                                    * jnp.exp(env_v[pl.ds(o, 16)]))
        pltpu.sync_copy(echo_v, out_h)


def _sc_transfer(rowp, col3, kb0, kb1, dap, absp, sctp, rx, ry, rz, gmp,
                 rcv, src, env):
    f32 = jnp.float32
    mesh = plsc.VectorSubcoreMesh(core_axis_name="c", subcore_axis_name="s",
                                  num_cores=2, num_subcores=NT)
    return pl.kernel(
        _sc_body,
        out_type=jax.ShapeDtypeStruct((F,), f32),
        mesh=mesh,
        compiler_params=pltpu.CompilerParams(needs_layout_passes=False),
        scratch_types=[
            pltpu.VMEM((EW,), jnp.int32),
            pltpu.VMEM((EW,), jnp.int32),
            pltpu.VMEM((EW,), f32),
            pltpu.VMEM((EW,), f32),
            pltpu.VMEM((EW,), f32),
            pltpu.VMEM((NP,), f32),
            pltpu.VMEM((NP,), f32),
            pltpu.VMEM((NSL,), f32),
            pltpu.VMEM((NSL,), f32),
            pltpu.VMEM((48,), f32),
            pltpu.VMEM((48,), f32),
            pltpu.VMEM((NSL,), f32),
            pltpu.VMEM((NSL,), f32),
            pltpu.VMEM((NSL,), f32),
            pltpu.VMEM((NSL,), f32),
            pltpu.VMEM((F,), f32),
            pltpu.VMEM((F,), f32),
            pltpu.VMEM((NT * F,), f32),
            pltpu.VMEM_SHARED((NP,), f32),
            pltpu.VMEM_SHARED((NT * F,), f32),
        ],
    )(rowp, col3, kb0, kb1, dap, absp, sctp, rx, ry, rz, gmp, rcv, src, env)


def kernel(source_pos, receiver_pos, absorption_coefficient,
           scattering_coefficient, radiance_pos, geometry, kernel_basis,
           delay_atten, envelope, row, col):
    f32 = jnp.float32
    rowp = row
    col3 = col
    kbt = kernel_basis.T
    kb0 = kbt[0]
    kb1 = kbt[1]
    dap = delay_atten
    absp = absorption_coefficient
    sctp = scattering_coefficient
    rx = radiance_pos[:, 0]
    ry = radiance_pos[:, 1]
    rz = radiance_pos[:, 2]
    gmp = geometry
    rcv = jnp.repeat(receiver_pos, 16)
    src = jnp.repeat(source_pos, 16)

    return _sc_transfer(rowp, col3, kb0, kb1, dap, absp, sctp,
                        rx, ry, rz, gmp, rcv, src, envelope)

# --- scband reference (transcript-rebuilt; emitter-appended) ---
"""Pipeline reference for scband-acoustic-radiance-transfer-patch-to-patch-89893665505845 (READ-ONLY COPY).

The authoritative reference and input builder live on the scoring server;
editing this copy changes nothing except your own understanding.
"""

import jax, jax.numpy as jnp
import numpy as np

N = 10000          # number of valid patch-pair radiances
E = 320000         # nnz entries of the sparse reflection kernel
F = 128            # frequency bins (main_loop_domain='frequency')
NUM_BOUNCES = 8
FSM_GAMMA = 0.001
AIR = 0.001        # air absorption coefficient


def setup_inputs(seed: int = 0) -> dict:
    key = jax.random.key(seed)
    ks = jax.random.split(key, 11)
    return {
        "source_pos": jax.random.normal(ks[0], (3,), jnp.float32),
        "receiver_pos": jax.random.normal(ks[1], (3,), jnp.float32),
        "absorption_coefficient": jax.random.uniform(ks[2], (N,), jnp.float32),
        "scattering_coefficient": jax.random.uniform(ks[3], (N,), jnp.float32),
        "radiance_pos": jax.random.normal(ks[4], (N, 3), jnp.float32),
        "geometry": jax.random.uniform(ks[5], (N,), jnp.float32),
        "kernel_basis": jax.random.uniform(ks[6], (E, 2), jnp.float32),
        "delay_atten": jax.random.uniform(ks[7], (E,), jnp.float32),
        "envelope": jnp.zeros((F,), jnp.float32),
        "row": jax.random.randint(ks[8], (E,), 0, N, dtype=jnp.int32),
        "col": jax.random.randint(ks[9], (E,), 0, N, dtype=jnp.int32),
    }


def reference(source_pos, receiver_pos, absorption_coefficient, scattering_coefficient,
              radiance_pos, geometry, kernel_basis, delay_atten, envelope, row, col):
    # ---- compose_kernel: BRDF mixture (diffuse/specular) weighted by material coefficients ----
    reflect = 1.0 - absorption_coefficient[col]            # gather reflector materials
    s = scattering_coefficient[col]
    kernel_vals = reflect * (s * kernel_basis[:, 0] + (1.0 - s) * kernel_basis[:, 1]) * delay_atten

    # ---- injection: source -> initial radiance per (radiance, freq-bin) ----
    d_src = jnp.linalg.norm(radiance_pos - source_pos[None, :], axis=-1)
    amp = geometry / (d_src ** 2 + 1.0)
    freqs = jnp.arange(F, dtype=jnp.float32)
    initial_radiance = amp[:, None] * jnp.exp(-AIR * d_src[:, None] * (1.0 + freqs[None, :]))

    # ---- main loop in frequency domain: sparse scatter-add transport, num_bounces times ----
    fsm_comp = jnp.float32(np.exp(-np.log(FSM_GAMMA) / (NUM_BOUNCES * F)))  # FSM gamma correction
    r = initial_radiance
    total = initial_radiance
    for _ in range(NUM_BOUNCES):
        msg = kernel_vals[:, None] * r[col]                # gather [E, F]
        r = jax.ops.segment_sum(msg, row, num_segments=N) * fsm_comp  # scatter-add [N, F]
        total = total + r

    # ---- detection: receiver gathers all radiances ----
    d_rec = jnp.linalg.norm(radiance_pos - receiver_pos[None, :], axis=-1)
    w = geometry / (d_rec ** 2 + 1.0) * jnp.exp(-AIR * d_rec)
    echogram = (w[:, None] * total).sum(0)                 # [F]

    # ---- direct arrival ----
    d_dir = jnp.linalg.norm(source_pos - receiver_pos)
    echogram = echogram + jnp.exp(-AIR * d_dir) / (d_dir ** 2 + 1.0)

    # ---- learnable envelope ----
    echogram = echogram * jnp.exp(envelope)
    return echogram

if __name__ == "__main__":
    import jax
    _d = setup_inputs()
    print(jax.jit(kernel)(*tuple(_d.values())))

</pallas_src>

<mosaic_0001>
#map = affine_map<(d0, d1) -> (0)>
module attributes {stable_mosaic.version = 14 : i64} {
  func.func @_sc_body(%arg0: i32, %arg1: i32, %arg2: memref<320000xi32, #tpu.memory_space<hbm>>, %arg3: memref<320000xi32, #tpu.memory_space<hbm>>, %arg4: memref<320000xf32, #tpu.memory_space<hbm>>, %arg5: memref<320000xf32, #tpu.memory_space<hbm>>, %arg6: memref<320000xf32, #tpu.memory_space<hbm>>, %arg7: memref<10000xf32, #tpu.memory_space<hbm>>, %arg8: memref<10000xf32, #tpu.memory_space<hbm>>, %arg9: memref<10000xf32, #tpu.memory_space<hbm>>, %arg10: memref<10000xf32, #tpu.memory_space<hbm>>, %arg11: memref<10000xf32, #tpu.memory_space<hbm>>, %arg12: memref<10000xf32, #tpu.memory_space<hbm>>, %arg13: memref<48xf32, #tpu.memory_space<hbm>>, %arg14: memref<48xf32, #tpu.memory_space<hbm>>, %arg15: memref<128xf32, #tpu.memory_space<hbm>>, %arg16: memref<128xf32, #tpu.memory_space<hbm>>, %arg17: memref<20000xi32, #tpu.memory_space<vmem>>, %arg18: memref<20000xi32, #tpu.memory_space<vmem>>, %arg19: memref<20000xf32, #tpu.memory_space<vmem>>, %arg20: memref<20000xf32, #tpu.memory_space<vmem>>, %arg21: memref<20000xf32, #tpu.memory_space<vmem>>, %arg22: memref<10240xf32, #tpu.memory_space<vmem>>, %arg23: memref<10240xf32, #tpu.memory_space<vmem>>, %arg24: memref<640xf32, #tpu.memory_space<vmem>>, %arg25: memref<640xf32, #tpu.memory_space<vmem>>, %arg26: memref<48xf32, #tpu.memory_space<vmem>>, %arg27: memref<48xf32, #tpu.memory_space<vmem>>, %arg28: memref<640xf32, #tpu.memory_space<vmem>>, %arg29: memref<640xf32, #tpu.memory_space<vmem>>, %arg30: memref<640xf32, #tpu.memory_space<vmem>>, %arg31: memref<640xf32, #tpu.memory_space<vmem>>, %arg32: memref<128xf32, #tpu.memory_space<vmem>>, %arg33: memref<128xf32, #tpu.memory_space<vmem>>, %arg34: memref<2048xf32, #tpu.memory_space<vmem>>, %arg35: memref<10240xf32, #tpu.memory_space<vmem_shared>>, %arg36: memref<2048xf32, #tpu.memory_space<vmem_shared>>) attributes {dimension_semantics = [#tpu.dimension_semantics<core_parallel>, #tpu.dimension_semantics<subcore_parallel>], iteration_bounds = array<i64: 2, 16>, scalar_prefetch = 0 : i64, scratch_operands = 20 : i64, tpu.core_type = #tpu.core_type<sc_vector_subcore>, window_params = [{transform_indices = #map}, {transform_indices = #map}, {transform_indices = #map}, {transform_indices = #map}, {transform_indices = #map}, {transform_indices = #map}, {transform_indices = #map}, {transform_indices = #map}, {transform_indices = #map}, {transform_indices = #map}, {transform_indices = #map}, {transform_indices = #map}, {transform_indices = #map}, {transform_indices = #map}, {transform_indices = #map}]} {
    %mul3A = arith.constant 20000 : i32
    %mul3A_0 = arith.muli %arg1, %mul3A : i32
    %mul3A_1 = arith.constant 640 : i32
    %mul3A_2 = arith.muli %arg1, %mul3A_1 : i32
    "tpu.region"() ({
      %run_scoped3A = tpu.sem_alloc : memref<!tpu.dma_semaphore, #tpu.memory_space<semaphore_mem>>
      %dma_start3A = tpu.memref_slice %arg2[%mul3A_0] : memref<320000xi32, #tpu.memory_space<hbm>> -> memref<20000xi32, #tpu.memory_space<hbm>>
      %dma_start3A_276 = tpu.memref_slice %arg2[%mul3A_0] : memref<320000xi32, #tpu.memory_space<hbm>> -> memref<20000xi32, #tpu.memory_space<hbm>>
      tpu.enqueue_dma source(%dma_start3A_276 : memref<20000xi32, #tpu.memory_space<hbm>>) target(%arg17 : memref<20000xi32, #tpu.memory_space<vmem>>) target_semaphore(%run_scoped3A : memref<!tpu.dma_semaphore, #tpu.memory_space<semaphore_mem>>)
      %dma_wait3A = tpu.memref_slice %arg2[%mul3A_0] : memref<320000xi32, #tpu.memory_space<hbm>> -> memref<20000xi32, #tpu.memory_space<hbm>>
      %dma_wait3A_277 = tpu.memref_slice %arg2[%mul3A_0] : memref<320000xi32, #tpu.memory_space<hbm>> -> memref<20000xi32, #tpu.memory_space<hbm>>
      tpu.wait_dma2 semaphore(%run_scoped3A : memref<!tpu.dma_semaphore, #tpu.memory_space<semaphore_mem>>) src(%dma_wait3A_277 : memref<20000xi32, #tpu.memory_space<hbm>>) dst(%arg17 : memref<20000xi32, #tpu.memory_space<vmem>>)
      tpu.yield
    }) : () -> ()
    "tpu.region"() ({
      %run_scoped3A = tpu.sem_alloc : memref<!tpu.dma_semaphore, #tpu.memory_space<semaphore_mem>>
      %dma_start3A = tpu.memref_slice %arg3[%mul3A_0] : memref<320000xi32, #tpu.memory_space<hbm>> -> memref<20000xi32, #tpu.memory_space<hbm>>
      %dma_start3A_276 = tpu.memref_slice %arg3[%mul3A_0] : memref<320000xi32, #tpu.memory_space<hbm>> -> memref<20000xi32, #tpu.memory_space<hbm>>
      tpu.enqueue_dma source(%dma_start3A_276 : memref<20000xi32, #tpu.memory_space<hbm>>) target(%arg18 : memref<20000xi32, #tpu.memory_space<vmem>>) target_semaphore(%run_scoped3A : memref<!tpu.dma_semaphore, #tpu.memory_space<semaphore_mem>>)
      %dma_wait3A = tpu.memref_slice %arg3[%mul3A_0] : memref<320000xi32, #tpu.memory_space<hbm>> -> memref<20000xi32, #tpu.memory_space<hbm>>
      %dma_wait3A_277 = tpu.memref_slice %arg3[%mul3A_0] : memref<320000xi32, #tpu.memory_space<hbm>> -> memref<20000xi32, #tpu.memory_space<hbm>>
      tpu.wait_dma2 semaphore(%run_scoped3A : memref<!tpu.dma_semaphore, #tpu.memory_space<semaphore_mem>>) src(%dma_wait3A_277 : memref<20000xi32, #tpu.memory_space<hbm>>) dst(%arg18 : memref<20000xi32, #tpu.memory_space<vmem>>)
      tpu.yield
    }) : () -> ()
    "tpu.region"() ({
      %run_scoped3A = tpu.sem_alloc : memref<!tpu.dma_semaphore, #tpu.memory_space<semaphore_mem>>
      %dma_start3A = tpu.memref_slice %arg6[%mul3A_0] : memref<320000xf32, #tpu.memory_space<hbm>> -> memref<20000xf32, #tpu.memory_space<hbm>>
      %dma_start3A_276 = tpu.memref_slice %arg6[%mul3A_0] : memref<320000xf32, #tpu.memory_space<hbm>> -> memref<20000xf32, #tpu.memory_space<hbm>>
      tpu.enqueue_dma source(%dma_start3A_276 : memref<20000xf32, #tpu.memory_space<hbm>>) target(%arg20 : memref<20000xf32, #tpu.memory_space<vmem>>) target_semaphore(%run_scoped3A : memref<!tpu.dma_semaphore, #tpu.memory_space<semaphore_mem>>)
      %dma_wait3A = tpu.memref_slice %arg6[%mul3A_0] : memref<320000xf32, #tpu.memory_space<hbm>> -> memref<20000xf32, #tpu.memory_space<hbm>>
      %dma_wait3A_277 = tpu.memref_slice %arg6[%mul3A_0] : memref<320000xf32, #tpu.memory_space<hbm>> -> memref<20000xf32, #tpu.memory_space<hbm>>
      tpu.wait_dma2 semaphore(%run_scoped3A : memref<!tpu.dma_semaphore, #tpu.memory_space<semaphore_mem>>) src(%dma_wait3A_277 : memref<20000xf32, #tpu.memory_space<hbm>>) dst(%arg20 : memref<20000xf32, #tpu.memory_space<vmem>>)
      tpu.yield
    }) : () -> ()
    "tpu.region"() ({
      %run_scoped3A = tpu.sem_alloc : memref<!tpu.dma_semaphore, #tpu.memory_space<semaphore_mem>>
      %dma_start3A = arith.constant 0 : i32
      %dma_start3A_276 = tpu.memref_slice %arg22[%dma_start3A] : memref<10240xf32, #tpu.memory_space<vmem>> -> memref<10000xf32, #tpu.memory_space<vmem>>
      %dma_start3A_277 = arith.constant 0 : i32
      %dma_start3A_278 = tpu.memref_slice %arg22[%dma_start3A_277] : memref<10240xf32, #tpu.memory_space<vmem>> -> memref<10000xf32, #tpu.memory_space<vmem>>
      tpu.enqueue_dma source(%arg7 : memref<10000xf32, #tpu.memory_space<hbm>>) target(%dma_start3A_278 : memref<10000xf32, #tpu.memory_space<vmem>>) target_semaphore(%run_scoped3A : memref<!tpu.dma_semaphore, #tpu.memory_space<semaphore_mem>>)
      %dma_wait3A = arith.constant 0 : i32
      %dma_wait3A_279 = tpu.memref_slice %arg22[%dma_wait3A] : memref<10240xf32, #tpu.memory_space<vmem>> -> memref<10000xf32, #tpu.memory_space<vmem>>
      %dma_wait3A_280 = arith.constant 0 : i32
      %dma_wait3A_281 = tpu.memref_slice %arg22[%dma_wait3A_280] : memref<10240xf32, #tpu.memory_space<vmem>> -> memref<10000xf32, #tpu.memory_space<vmem>>
      tpu.wait_dma2 semaphore(%run_scoped3A : memref<!tpu.dma_semaphore, #tpu.memory_space<semaphore_mem>>) src(%arg7 : memref<10000xf32, #tpu.memory_space<hbm>>) dst(%dma_wait3A_281 : memref<10000xf32, #tpu.memory_space<vmem>>)
      tpu.yield
    }) : () -> ()
    "tpu.region"() ({
      %run_scoped3A = tpu.sem_alloc : memref<!tpu.dma_semaphore, #tpu.memory_space<semaphore_mem>>
      %dma_start3A = arith.constant 0 : i32
      %dma_start3A_276 = tpu.memref_slice %arg23[%dma_start3A] : memref<10240xf32, #tpu.memory_space<vmem>> -> memref<10000xf32, #tpu.memory_space<vmem>>
      %dma_start3A_277 = arith.constant 0 : i32
      %dma_start3A_278 = tpu.memref_slice %arg23[%dma_start3A_277] : memref<10240xf32, #tpu.memory_space<vmem>> -> memref<10000xf32, #tpu.memory_space<vmem>>
      tpu.enqueue_dma source(%arg8 : memref<10000xf32, #tpu.memory_space<hbm>>) target(%dma_start3A_278 : memref<10000xf32, #tpu.memory_space<vmem>>) target_semaphore(%run_scoped3A : memref<!tpu.dma_semaphore, #tpu.memory_space<semaphore_mem>>)
      %dma_wait3A = arith.constant 0 : i32
      %dma_wait3A_279 = tpu.memref_slice %arg23[%dma_wait3A] : memref<10240xf32, #tpu.memory_space<vmem>> -> memref<10000xf32, #tpu.memory_space<vmem>>
      %dma_wait3A_280 = arith.constant 0 : i32
      %dma_wait3A_281 = tpu.memref_slice %arg23[%dma_wait3A_280] : memref<10240xf32, #tpu.memory_space<vmem>> -> memref<10000xf32, #tpu.memory_space<vmem>>
      tpu.wait_dma2 semaphore(%run_scoped3A : memref<!tpu.dma_semaphore, #tpu.memory_space<semaphore_mem>>) src(%arg8 : memref<10000xf32, #tpu.memory_space<hbm>>) dst(%dma_wait3A_281 : memref<10000xf32, #tpu.memory_space<vmem>>)
      tpu.yield
    }) : () -> ()
    "tpu.region"() ({
      %run_scoped3A = tpu.sem_alloc : memref<!tpu.dma_semaphore, #tpu.memory_space<semaphore_mem>>
      tpu.enqueue_dma source(%arg13 : memref<48xf32, #tpu.memory_space<hbm>>) target(%arg26 : memref<48xf32, #tpu.memory_space<vmem>>) target_semaphore(%run_scoped3A : memref<!tpu.dma_semaphore, #tpu.memory_space<semaphore_mem>>)
      tpu.wait_dma2 semaphore(%run_scoped3A : memref<!tpu.dma_semaphore, #tpu.memory_space<semaphore_mem>>) src(%arg13 : memref<48xf32, #tpu.memory_space<hbm>>) dst(%arg26 : memref<48xf32, #tpu.memory_space<vmem>>)
      tpu.yield
    }) : () -> ()
    "tpu.region"() ({
      %run_scoped3A = tpu.sem_alloc : memref<!tpu.dma_semaphore, #tpu.memory_space<semaphore_mem>>
      tpu.enqueue_dma source(%arg14 : memref<48xf32, #tpu.memory_space<hbm>>) target(%arg27 : memref<48xf32, #tpu.memory_space<vmem>>) target_semaphore(%run_scoped3A : memref<!tpu.dma_semaphore, #tpu.memory_space<semaphore_mem>>)
      tpu.wait_dma2 semaphore(%run_scoped3A : memref<!tpu.dma_semaphore, #tpu.memory_space<semaphore_mem>>) src(%arg14 : memref<48xf32, #tpu.memory_space<hbm>>) dst(%arg27 : memref<48xf32, #tpu.memory_space<vmem>>)
      tpu.yield
    }) : () -> ()
    "tpu.region"() ({
      %run_scoped3A = tpu.sem_alloc : memref<!tpu.dma_semaphore, #tpu.memory_space<semaphore_mem>>
      %dma_start3A = tpu.memref_slice %arg4[%mul3A_0] : memref<320000xf32, #tpu.memory_space<hbm>> -> memref<20000xf32, #tpu.memory_space<hbm>>
      %dma_start3A_276 = tpu.memref_slice %arg4[%mul3A_0] : memref<320000xf32, #tpu.memory_space<hbm>> -> memref<20000xf32, #tpu.memory_space<hbm>>
      tpu.enqueue_dma source(%dma_start3A_276 : memref<20000xf32, #tpu.memory_space<hbm>>) target(%arg19 : memref<20000xf32, #tpu.memory_space<vmem>>) target_semaphore(%run_scoped3A : memref<!tpu.dma_semaphore, #tpu.memory_space<semaphore_mem>>)
      %dma_wait3A = tpu.memref_slice %arg4[%mul3A_0] : memref<320000xf32, #tpu.memory_space<hbm>> -> memref<20000xf32, #tpu.memory_space<hbm>>
      %dma_wait3A_277 = tpu.memref_slice %arg4[%mul3A_0] : memref<320000xf32, #tpu.memory_space<hbm>> -> memref<20000xf32, #tpu.memory_space<hbm>>
      tpu.wait_dma2 semaphore(%run_scoped3A : memref<!tpu.dma_semaphore, #tpu.memory_space<semaphore_mem>>) src(%dma_wait3A_277 : memref<20000xf32, #tpu.memory_space<hbm>>) dst(%arg19 : memref<20000xf32, #tpu.memory_space<vmem>>)
      tpu.yield
    }) : () -> ()
    "tpu.region"() ({
      %run_scoped3A = tpu.sem_alloc : memref<!tpu.dma_semaphore, #tpu.memory_space<semaphore_mem>>
      %dma_start3A = tpu.memref_slice %arg5[%mul3A_0] : memref<320000xf32, #tpu.memory_space<hbm>> -> memref<20000xf32, #tpu.memory_space<hbm>>
      %dma_start3A_276 = tpu.memref_slice %arg5[%mul3A_0] : memref<320000xf32, #tpu.memory_space<hbm>> -> memref<20000xf32, #tpu.memory_space<hbm>>
      tpu.enqueue_dma source(%dma_start3A_276 : memref<20000xf32, #tpu.memory_space<hbm>>) target(%arg21 : memref<20000xf32, #tpu.memory_space<vmem>>) target_semaphore(%run_scoped3A : memref<!tpu.dma_semaphore, #tpu.memory_space<semaphore_mem>>)
      %dma_wait3A = tpu.memref_slice %arg5[%mul3A_0] : memref<320000xf32, #tpu.memory_space<hbm>> -> memref<20000xf32, #tpu.memory_space<hbm>>
      %dma_wait3A_277 = tpu.memref_slice %arg5[%mul3A_0] : memref<320000xf32, #tpu.memory_space<hbm>> -> memref<20000xf32, #tpu.memory_space<hbm>>
      tpu.wait_dma2 semaphore(%run_scoped3A : memref<!tpu.dma_semaphore, #tpu.memory_space<semaphore_mem>>) src(%dma_wait3A_277 : memref<20000xf32, #tpu.memory_space<hbm>>) dst(%arg21 : memref<20000xf32, #tpu.memory_space<vmem>>)
      tpu.yield
    }) : () -> ()
    %parallel_loop3A = arith.constant 0 : i32
    %parallel_loop3A_3 = arith.constant 20000 : i32
    %parallel_loop3A_4 = arith.constant 16 : i32
    scf.for %parallel_loop3A_276 = %parallel_loop3A to %parallel_loop3A_3 step %parallel_loop3A_4  : i32 {
      %parallel_loop3A_277 = arith.index_cast %parallel_loop3A_276 : i32 to index
      %parallel_loop3A_278 = tpu.vector_load %arg18[%parallel_loop3A_277] {strides = array<i32>} : memref<20000xi32, #tpu.memory_space<vmem>>, vector<16xi32>,
      %parallel_loop3A_279 = tpu.vector_load_idx %arg22[%parallel_loop3A_278] : memref<10240xf32, #tpu.memory_space<vmem>>[vector<16xi32>], vector<16xf32>,
      %parallel_loop3A_280 = tpu.vector_load_idx %arg23[%parallel_loop3A_278] : memref<10240xf32, #tpu.memory_space<vmem>>[vector<16xi32>], vector<16xf32>,
      %parallel_loop3A_281 = arith.constant 1.000000e+00 : f32
      %parallel_loop3A_282 = vector.broadcast %parallel_loop3A_281 : f32 to vector<16xf32>
      %parallel_loop3A_283 = arith.subf %parallel_loop3A_282, %parallel_loop3A_279 : vector<16xf32>
      %parallel_loop3A_284 = arith.index_cast %parallel_loop3A_276 : i32 to index
      %parallel_loop3A_285 = tpu.vector_load %arg19[%parallel_loop3A_284] {strides = array<i32>} : memref<20000xf32, #tpu.memory_space<vmem>>, vector<16xf32>,
      %parallel_loop3A_286 = arith.mulf %parallel_loop3A_280, %parallel_loop3A_285 : vector<16xf32>
      %parallel_loop3A_287 = arith.constant 1.000000e+00 : f32
      %parallel_loop3A_288 = vector.broadcast %parallel_loop3A_287 : f32 to vector<16xf32>
      %parallel_loop3A_289 = arith.subf %parallel_loop3A_288, %parallel_loop3A_280 : vector<16xf32>
      %parallel_loop3A_290 = arith.index_cast %parallel_loop3A_276 : i32 to index
      %parallel_loop3A_291 = tpu.vector_load %arg21[%parallel_loop3A_290] {strides = array<i32>} : memref<20000xf32, #tpu.memory_space<vmem>>, vector<16xf32>,
      %parallel_loop3A_292 = arith.mulf %parallel_loop3A_289, %parallel_loop3A_291 : vector<16xf32>
      %parallel_loop3A_293 = arith.addf %parallel_loop3A_286, %parallel_loop3A_292 : vector<16xf32>
      %parallel_loop3A_294 = arith.mulf %parallel_loop3A_283, %parallel_loop3A_293 : vector<16xf32>
      %parallel_loop3A_295 = arith.index_cast %parallel_loop3A_276 : i32 to index
      %parallel_loop3A_296 = tpu.vector_load %arg20[%parallel_loop3A_295] {strides = array<i32>} : memref<20000xf32, #tpu.memory_space<vmem>>, vector<16xf32>,
      %parallel_loop3A_297 = arith.mulf %parallel_loop3A_294, %parallel_loop3A_296 : vector<16xf32>
      %parallel_loop3A_298 = arith.constant 1.0067687 : f32
      %parallel_loop3A_299 = vector.broadcast %parallel_loop3A_298 : f32 to vector<16xf32>
      %parallel_loop3A_300 = arith.mulf %parallel_loop3A_297, %parallel_loop3A_299 : vector<16xf32>
      %parallel_loop3A_301 = arith.index_cast %parallel_loop3A_276 : i32 to index
      %parallel_loop3A_302 = tpu.vector_load %arg20[%parallel_loop3A_301] {strides = array<i32>} : memref<20000xf32, #tpu.memory_space<vmem>>, vector<16xf32>,
      tpu.vector_store %arg20[%parallel_loop3A_301], %parallel_loop3A_300 {strides = array<i32>} : memref<20000xf32, #tpu.memory_space<vmem>>, vector<16xf32>,
    } {sc.loop_unroll_factor = 4 : i64, sc.parallel_access}
    %parallel_loop3A_5 = arith.constant 0 : i32
    %parallel_loop3A_6 = arith.constant 640 : i32
    %parallel_loop3A_7 = arith.constant 16 : i32
    scf.for %parallel_loop3A_276 = %parallel_loop3A_5 to %parallel_loop3A_6 step %parallel_loop3A_7  : i32 {
      %parallel_loop3A_277 = arith.constant 0.000000e+00 : f32
      %parallel_loop3A_278 = vector.broadcast %parallel_loop3A_277 : f32 to vector<16xf32>
      %parallel_loop3A_279 = arith.index_cast %parallel_loop3A_276 : i32 to index
      %parallel_loop3A_280 = tpu.vector_load %arg25[%parallel_loop3A_279] {strides = array<i32>} : memref<640xf32, #tpu.memory_space<vmem>>, vector<16xf32>,
      tpu.vector_store %arg25[%parallel_loop3A_279], %parallel_loop3A_278 {strides = array<i32>} : memref<640xf32, #tpu.memory_space<vmem>>, vector<16xf32>,
    } {sc.loop_unroll_factor = 1 : i64, sc.parallel_access}
    %lt3A = arith.constant 15 : i32
    %lt3A_8 = arith.cmpi slt, %arg1, %lt3A : i32
    %convert_element_type3A = arith.extui %lt3A_8 : i1 to i32
    %cond3A = arith.constant 0 : i32
    %cond3A_9 = arith.cmpi ne, %convert_element_type3A, %cond3A : i32
    scf.if %cond3A_9 {
      "tpu.region"() ({
        %run_scoped3A = tpu.sem_alloc : memref<!tpu.dma_semaphore, #tpu.memory_space<semaphore_mem>>
        %dma_start3A = tpu.memref_slice %arg9[%mul3A_2] : memref<10000xf32, #tpu.memory_space<hbm>> -> memref<640xf32, #tpu.memory_space<hbm>>
        %dma_start3A_276 = tpu.memref_slice %arg9[%mul3A_2] : memref<10000xf32, #tpu.memory_space<hbm>> -> memref<640xf32, #tpu.memory_space<hbm>>
        tpu.enqueue_dma source(%dma_start3A_276 : memref<640xf32, #tpu.memory_space<hbm>>) target(%arg28 : memref<640xf32, #tpu.memory_space<vmem>>) target_semaphore(%run_scoped3A : memref<!tpu.dma_semaphore, #tpu.memory_space<semaphore_mem>>)
        %dma_wait3A = tpu.memref_slice %arg9[%mul3A_2] : memref<10000xf32, #tpu.memory_space<hbm>> -> memref<640xf32, #tpu.memory_space<hbm>>
        %dma_wait3A_277 = tpu.memref_slice %arg9[%mul3A_2] : memref<10000xf32, #tpu.memory_space<hbm>> -> memref<640xf32, #tpu.memory_space<hbm>>
        tpu.wait_dma2 semaphore(%run_scoped3A : memref<!tpu.dma_semaphore, #tpu.memory_space<semaphore_mem>>) src(%dma_wait3A_277 : memref<640xf32, #tpu.memory_space<hbm>>) dst(%arg28 : memref<640xf32, #tpu.memory_space<vmem>>)
        tpu.yield
      }) : () -> ()
      "tpu.region"() ({
        %run_scoped3A = tpu.sem_alloc : memref<!tpu.dma_semaphore, #tpu.memory_space<semaphore_mem>>
        %dma_start3A = tpu.memref_slice %arg10[%mul3A_2] : memref<10000xf32, #tpu.memory_space<hbm>> -> memref<640xf32, #tpu.memory_space<hbm>>
        %dma_start3A_276 = tpu.memref_slice %arg10[%mul3A_2] : memref<10000xf32, #tpu.memory_space<hbm>> -> memref<640xf32, #tpu.memory_space<hbm>>
        tpu.enqueue_dma source(%dma_start3A_276 : memref<640xf32, #tpu.memory_space<hbm>>) target(%arg29 : memref<640xf32, #tpu.memory_space<vmem>>) target_semaphore(%run_scoped3A : memref<!tpu.dma_semaphore, #tpu.memory_space<semaphore_mem>>)
        %dma_wait3A = tpu.memref_slice %arg10[%mul3A_2] : memref<10000xf32, #tpu.memory_space<hbm>> -> memref<640xf32, #tpu.memory_space<hbm>>
        %dma_wait3A_277 = tpu.memref_slice %arg10[%mul3A_2] : memref<10000xf32, #tpu.memory_space<hbm>> -> memref<640xf32, #tpu.memory_space<hbm>>
        tpu.wait_dma2 semaphore(%run_scoped3A : memref<!tpu.dma_semaphore, #tpu.memory_space<semaphore_mem>>) src(%dma_wait3A_277 : memref<640xf32, #tpu.memory_space<hbm>>) dst(%arg29 : memref<640xf32, #tpu.memory_space<vmem>>)
        tpu.yield
      }) : () -> ()
      "tpu.region"() ({
        %run_scoped3A = tpu.sem_alloc : memref<!tpu.dma_semaphore, #tpu.memory_space<semaphore_mem>>
        %dma_start3A = tpu.memref_slice %arg11[%mul3A_2] : memref<10000xf32, #tpu.memory_space<hbm>> -> memref<640xf32, #tpu.memory_space<hbm>>
        %dma_start3A_276 = tpu.memref_slice %arg11[%mul3A_2] : memref<10000xf32, #tpu.memory_space<hbm>> -> memref<640xf32, #tpu.memory_space<hbm>>
        tpu.enqueue_dma source(%dma_start3A_276 : memref<640xf32, #tpu.memory_space<hbm>>) target(%arg30 : memref<640xf32, #tpu.memory_space<vmem>>) target_semaphore(%run_scoped3A : memref<!tpu.dma_semaphore, #tpu.memory_space<semaphore_mem>>)
        %dma_wait3A = tpu.memref_slice %arg11[%mul3A_2] : memref<10000xf32, #tpu.memory_space<hbm>> -> memref<640xf32, #tpu.memory_space<hbm>>
        %dma_wait3A_277 = tpu.memref_slice %arg11[%mul3A_2] : memref<10000xf32, #tpu.memory_space<hbm>> -> memref<640xf32, #tpu.memory_space<hbm>>
        tpu.wait_dma2 semaphore(%run_scoped3A : memref<!tpu.dma_semaphore, #tpu.memory_space<semaphore_mem>>) src(%dma_wait3A_277 : memref<640xf32, #tpu.memory_space<hbm>>) dst(%arg30 : memref<640xf32, #tpu.memory_space<vmem>>)
        tpu.yield
      }) : () -> ()
      "tpu.region"() ({
        %run_scoped3A = tpu.sem_alloc : memref<!tpu.dma_semaphore, #tpu.memory_space<semaphore_mem>>
        %dma_start3A = tpu.memref_slice %arg12[%mul3A_2] : memref<10000xf32, #tpu.memory_space<hbm>> -> memref<640xf32, #tpu.memory_space<hbm>>
        %dma_start3A_276 = tpu.memref_slice %arg12[%mul3A_2] : memref<10000xf32, #tpu.memory_space<hbm>> -> memref<640xf32, #tpu.memory_space<hbm>>
        tpu.enqueue_dma source(%dma_start3A_276 : memref<640xf32, #tpu.memory_space<hbm>>) target(%arg31 : memref<640xf32, #tpu.memory_space<vmem>>) target_semaphore(%run_scoped3A : memref<!tpu.dma_semaphore, #tpu.memory_space<semaphore_mem>>)
        %dma_wait3A = tpu.memref_slice %arg12[%mul3A_2] : memref<10000xf32, #tpu.memory_space<hbm>> -> memref<640xf32, #tpu.memory_space<hbm>>
        %dma_wait3A_277 = tpu.memref_slice %arg12[%mul3A_2] : memref<10000xf32, #tpu.memory_space<hbm>> -> memref<640xf32, #tpu.memory_space<hbm>>
        tpu.wait_dma2 semaphore(%run_scoped3A : memref<!tpu.dma_semaphore, #tpu.memory_space<semaphore_mem>>) src(%dma_wait3A_277 : memref<640xf32, #tpu.memory_space<hbm>>) dst(%arg31 : memref<640xf32, #tpu.memory_space<vmem>>)
        tpu.yield
      }) : () -> ()
    } else {
    }
    %eq3A = arith.constant 15 : i32
    %eq3A_10 = arith.cmpi eq, %arg1, %eq3A : i32
    %convert_element_type3A_11 = arith.extui %eq3A_10 : i1 to i32
    %cond3A_12 = arith.constant 0 : i32
    %cond3A_13 = arith.cmpi ne, %convert_element_type3A_11, %cond3A_12 : i32
    scf.if %cond3A_13 {
      "tpu.region"() ({
        %run_scoped3A = tpu.sem_alloc : memref<!tpu.dma_semaphore, #tpu.memory_space<semaphore_mem>>
        %dma_start3A = arith.constant 0 : i32
        %dma_start3A_279 = tpu.memref_slice %arg28[%dma_start3A] : memref<640xf32, #tpu.memory_space<vmem>> -> memref<400xf32, #tpu.memory_space<vmem>>
        %dma_start3A_280 = arith.constant 9600 : i32
        %dma_start3A_281 = tpu.memref_slice %arg9[%dma_start3A_280] : memref<10000xf32, #tpu.memory_space<hbm>> -> memref<400xf32, #tpu.memory_space<hbm>>
        %dma_start3A_282 = arith.constant 0 : i32
        %dma_start3A_283 = tpu.memref_slice %arg28[%dma_start3A_282] : memref<640xf32, #tpu.memory_space<vmem>> -> memref<400xf32, #tpu.memory_space<vmem>>
        %dma_start3A_284 = arith.constant 9600 : i32
        %dma_start3A_285 = tpu.memref_slice %arg9[%dma_start3A_284] : memref<10000xf32, #tpu.memory_space<hbm>> -> memref<400xf32, #tpu.memory_space<hbm>>
        tpu.enqueue_dma source(%dma_start3A_285 : memref<400xf32, #tpu.memory_space<hbm>>) target(%dma_start3A_283 : memref<400xf32, #tpu.memory_space<vmem>>) target_semaphore(%run_scoped3A : memref<!tpu.dma_semaphore, #tpu.memory_space<semaphore_mem>>)
        %dma_wait3A = arith.constant 0 : i32
        %dma_wait3A_286 = tpu.memref_slice %arg28[%dma_wait3A] : memref<640xf32, #tpu.memory_space<vmem>> -> memref<400xf32, #tpu.memory_space<vmem>>
        %dma_wait3A_287 = arith.constant 9600 : i32
        %dma_wait3A_288 = tpu.memref_slice %arg9[%dma_wait3A_287] : memref<10000xf32, #tpu.memory_space<hbm>> -> memref<400xf32, #tpu.memory_space<hbm>>
        %dma_wait3A_289 = arith.constant 0 : i32
        %dma_wait3A_290 = tpu.memref_slice %arg28[%dma_wait3A_289] : memref<640xf32, #tpu.memory_space<vmem>> -> memref<400xf32, #tpu.memory_space<vmem>>
        %dma_wait3A_291 = arith.constant 9600 : i32
        %dma_wait3A_292 = tpu.memref_slice %arg9[%dma_wait3A_291] : memref<10000xf32, #tpu.memory_space<hbm>> -> memref<400xf32, #tpu.memory_space<hbm>>
        tpu.wait_dma2 semaphore(%run_scoped3A : memref<!tpu.dma_semaphore, #tpu.memory_space<semaphore_mem>>) src(%dma_wait3A_292 : memref<400xf32, #tpu.memory_space<hbm>>) dst(%dma_wait3A_290 : memref<400xf32, #tpu.memory_space<vmem>>)
        tpu.yield
      }) : () -> ()
      "tpu.region"() ({
        %run_scoped3A = tpu.sem_alloc : memref<!tpu.dma_semaphore, #tpu.memory_space<semaphore_mem>>
        %dma_start3A = arith.constant 0 : i32
        %dma_start3A_279 = tpu.memref_slice %arg29[%dma_start3A] : memref<640xf32, #tpu.memory_space<vmem>> -> memref<400xf32, #tpu.memory_space<vmem>>
        %dma_start3A_280 = arith.constant 9600 : i32
        %dma_start3A_281 = tpu.memref_slice %arg10[%dma_start3A_280] : memref<10000xf32, #tpu.memory_space<hbm>> -> memref<400xf32, #tpu.memory_space<hbm>>
        %dma_start3A_282 = arith.constant 0 : i32
        %dma_start3A_283 = tpu.memref_slice %arg29[%dma_start3A_282] : memref<640xf32, #tpu.memory_space<vmem>> -> memref<400xf32, #tpu.memory_space<vmem>>
        %dma_start3A_284 = arith.constant 9600 : i32
        %dma_start3A_285 = tpu.memref_slice %arg10[%dma_start3A_284] : memref<10000xf32, #tpu.memory_space<hbm>> -> memref<400xf32, #tpu.memory_space<hbm>>
        tpu.enqueue_dma source(%dma_start3A_285 : memref<400xf32, #tpu.memory_space<hbm>>) target(%dma_start3A_283 : memref<400xf32, #tpu.memory_space<vmem>>) target_semaphore(%run_scoped3A : memref<!tpu.dma_semaphore, #tpu.memory_space<semaphore_mem>>)
        %dma_wait3A = arith.constant 0 : i32
        %dma_wait3A_286 = tpu.memref_slice %arg29[%dma_wait3A] : memref<640xf32, #tpu.memory_space<vmem>> -> memref<400xf32, #tpu.memory_space<vmem>>
        %dma_wait3A_287 = arith.constant 9600 : i32
        %dma_wait3A_288 = tpu.memref_slice %arg10[%dma_wait3A_287] : memref<10000xf32, #tpu.memory_space<hbm>> -> memref<400xf32, #tpu.memory_space<hbm>>
        %dma_wait3A_289 = arith.constant 0 : i32
        %dma_wait3A_290 = tpu.memref_slice %arg29[%dma_wait3A_289] : memref<640xf32, #tpu.memory_space<vmem>> -> memref<400xf32, #tpu.memory_space<vmem>>
        %dma_wait3A_291 = arith.constant 9600 : i32
        %dma_wait3A_292 = tpu.memref_slice %arg10[%dma_wait3A_291] : memref<10000xf32, #tpu.memory_space<hbm>> -> memref<400xf32, #tpu.memory_space<hbm>>
        tpu.wait_dma2 semaphore(%run_scoped3A : memref<!tpu.dma_semaphore, #tpu.memory_space<semaphore_mem>>) src(%dma_wait3A_292 : memref<400xf32, #tpu.memory_space<hbm>>) dst(%dma_wait3A_290 : memref<400xf32, #tpu.memory_space<vmem>>)
        tpu.yield
      }) : () -> ()
      "tpu.region"() ({
        %run_scoped3A = tpu.sem_alloc : memref<!tpu.dma_semaphore, #tpu.memory_space<semaphore_mem>>
        %dma_start3A = arith.constant 0 : i32
        %dma_start3A_279 = tpu.memref_slice %arg30[%dma_start3A] : memref<640xf32, #tpu.memory_space<vmem>> -> memref<400xf32, #tpu.memory_space<vmem>>
        %dma_start3A_280 = arith.constant 9600 : i32
        %dma_start3A_281 = tpu.memref_slice %arg11[%dma_start3A_280] : memref<10000xf32, #tpu.memory_space<hbm>> -> memref<400xf32, #tpu.memory_space<hbm>>
        %dma_start3A_282 = arith.constant 0 : i32
        %dma_start3A_283 = tpu.memref_slice %arg30[%dma_start3A_282] : memref<640xf32, #tpu.memory_space<vmem>> -> memref<400xf32, #tpu.memory_space<vmem>>
        %dma_start3A_284 = arith.constant 9600 : i32
        %dma_start3A_285 = tpu.memref_slice %arg11[%dma_start3A_284] : memref<10000xf32, #tpu.memory_space<hbm>> -> memref<400xf32, #tpu.memory_space<hbm>>
        tpu.enqueue_dma source(%dma_start3A_285 : memref<400xf32, #tpu.memory_space<hbm>>) target(%dma_start3A_283 : memref<400xf32, #tpu.memory_space<vmem>>) target_semaphore(%run_scoped3A : memref<!tpu.dma_semaphore, #tpu.memory_space<semaphore_mem>>)
        %dma_wait3A = arith.constant 0 : i32
        %dma_wait3A_286 = tpu.memref_slice %arg30[%dma_wait3A] : memref<640xf32, #tpu.memory_space<vmem>> -> memref<400xf32, #tpu.memory_space<vmem>>
        %dma_wait3A_287 = arith.constant 9600 : i32
        %dma_wait3A_288 = tpu.memref_slice %arg11[%dma_wait3A_287] : memref<10000xf32, #tpu.memory_space<hbm>> -> memref<400xf32, #tpu.memory_space<hbm>>
        %dma_wait3A_289 = arith.constant 0 : i32
        %dma_wait3A_290 = tpu.memref_slice %arg30[%dma_wait3A_289] : memref<640xf32, #tpu.memory_space<vmem>> -> memref<400xf32, #tpu.memory_space<vmem>>
        %dma_wait3A_291 = arith.constant 9600 : i32
        %dma_wait3A_292 = tpu.memref_slice %arg11[%dma_wait3A_291] : memref<10000xf32, #tpu.memory_space<hbm>> -> memref<400xf32, #tpu.memory_space<hbm>>
        tpu.wait_dma2 semaphore(%run_scoped3A : memref<!tpu.dma_semaphore, #tpu.memory_space<semaphore_mem>>) src(%dma_wait3A_292 : memref<400xf32, #tpu.memory_space<hbm>>) dst(%dma_wait3A_290 : memref<400xf32, #tpu.memory_space<vmem>>)
        tpu.yield
      }) : () -> ()
      "tpu.region"() ({
        %run_scoped3A = tpu.sem_alloc : memref<!tpu.dma_semaphore, #tpu.memory_space<semaphore_mem>>
        %dma_start3A = arith.constant 0 : i32
        %dma_start3A_279 = tpu.memref_slice %arg31[%dma_start3A] : memref<640xf32, #tpu.memory_space<vmem>> -> memref<400xf32, #tpu.memory_space<vmem>>
        %dma_start3A_280 = arith.constant 9600 : i32
        %dma_start3A_281 = tpu.memref_slice %arg12[%dma_start3A_280] : memref<10000xf32, #tpu.memory_space<hbm>> -> memref<400xf32, #tpu.memory_space<hbm>>
        %dma_start3A_282 = arith.constant 0 : i32
        %dma_start3A_283 = tpu.memref_slice %arg31[%dma_start3A_282] : memref<640xf32, #tpu.memory_space<vmem>> -> memref<400xf32, #tpu.memory_space<vmem>>
        %dma_start3A_284 = arith.constant 9600 : i32
        %dma_start3A_285 = tpu.memref_slice %arg12[%dma_start3A_284] : memref<10000xf32, #tpu.memory_space<hbm>> -> memref<400xf32, #tpu.memory_space<hbm>>
        tpu.enqueue_dma source(%dma_start3A_285 : memref<400xf32, #tpu.memory_space<hbm>>) target(%dma_start3A_283 : memref<400xf32, #tpu.memory_space<vmem>>) target_semaphore(%run_scoped3A : memref<!tpu.dma_semaphore, #tpu.memory_space<semaphore_mem>>)
        %dma_wait3A = arith.constant 0 : i32
        %dma_wait3A_286 = tpu.memref_slice %arg31[%dma_wait3A] : memref<640xf32, #tpu.memory_space<vmem>> -> memref<400xf32, #tpu.memory_space<vmem>>
        %dma_wait3A_287 = arith.constant 9600 : i32
        %dma_wait3A_288 = tpu.memref_slice %arg12[%dma_wait3A_287] : memref<10000xf32, #tpu.memory_space<hbm>> -> memref<400xf32, #tpu.memory_space<hbm>>
        %dma_wait3A_289 = arith.constant 0 : i32
        %dma_wait3A_290 = tpu.memref_slice %arg31[%dma_wait3A_289] : memref<640xf32, #tpu.memory_space<vmem>> -> memref<400xf32, #tpu.memory_space<vmem>>
        %dma_wait3A_291 = arith.constant 9600 : i32
        %dma_wait3A_292 = tpu.memref_slice %arg12[%dma_wait3A_291] : memref<10000xf32, #tpu.memory_space<hbm>> -> memref<400xf32, #tpu.memory_space<hbm>>
        tpu.wait_dma2 semaphore(%run_scoped3A : memref<!tpu.dma_semaphore, #tpu.memory_space<semaphore_mem>>) src(%dma_wait3A_292 : memref<400xf32, #tpu.memory_space<hbm>>) dst(%dma_wait3A_290 : memref<400xf32, #tpu.memory_space<vmem>>)
        tpu.yield
      }) : () -> ()
      %parallel_loop3A_276 = arith.constant 400 : i32
      %parallel_loop3A_277 = arith.constant 640 : i32
      %parallel_loop3A_278 = arith.constant 16 : i32
      scf.for %parallel_loop3A_279 = %parallel_loop3A_276 to %parallel_loop3A_277 step %parallel_loop3A_278  : i32 {
        %parallel_loop3A_280 = arith.constant 0.000000e+00 : f32
        %parallel_loop3A_281 = vector.broadcast %parallel_loop3A_280 : f32 to vector<16xf32>
        %parallel_loop3A_282 = arith.index_cast %parallel_loop3A_279 : i32 to index
        %parallel_loop3A_283 = tpu.vector_load %arg28[%parallel_loop3A_282] {strides = array<i32>} : memref<640xf32, #tpu.memory_space<vmem>>, vector<16xf32>,
        tpu.vector_store %arg28[%parallel_loop3A_282], %parallel_loop3A_281 {strides = array<i32>} : memref<640xf32, #tpu.memory_space<vmem>>, vector<16xf32>,
        %parallel_loop3A_284 = arith.index_cast %parallel_loop3A_279 : i32 to index
        %parallel_loop3A_285 = tpu.vector_load %arg29[%parallel_loop3A_284] {strides = array<i32>} : memref<640xf32, #tpu.memory_space<vmem>>, vector<16xf32>,
        tpu.vector_store %arg29[%parallel_loop3A_284], %parallel_loop3A_281 {strides = array<i32>} : memref<640xf32, #tpu.memory_space<vmem>>, vector<16xf32>,
        %parallel_loop3A_286 = arith.index_cast %parallel_loop3A_279 : i32 to index
        %parallel_loop3A_287 = tpu.vector_load %arg30[%parallel_loop3A_286] {strides = array<i32>} : memref<640xf32, #tpu.memory_space<vmem>>, vector<16xf32>,
        tpu.vector_store %arg30[%parallel_loop3A_286], %parallel_loop3A_281 {strides = array<i32>} : memref<640xf32, #tpu.memory_space<vmem>>, vector<16xf32>,
        %parallel_loop3A_288 = arith.index_cast %parallel_loop3A_279 : i32 to index
        %parallel_loop3A_289 = tpu.vector_load %arg31[%parallel_loop3A_288] {strides = array<i32>} : memref<640xf32, #tpu.memory_space<vmem>>, vector<16xf32>,
        tpu.vector_store %arg31[%parallel_loop3A_288], %parallel_loop3A_281 {strides = array<i32>} : memref<640xf32, #tpu.memory_space<vmem>>, vector<16xf32>,
      } {sc.loop_unroll_factor = 1 : i64, sc.parallel_access}
    } else {
    }
    %parallel_loop3A_14 = arith.constant 0 : i32
    %parallel_loop3A_15 = arith.constant 640 : i32
    %parallel_loop3A_16 = arith.constant 16 : i32
    scf.for %parallel_loop3A_276 = %parallel_loop3A_14 to %parallel_loop3A_15 step %parallel_loop3A_16  : i32 {
      %parallel_loop3A_277 = arith.index_cast %parallel_loop3A_276 : i32 to index
      %parallel_loop3A_278 = tpu.vector_load %arg28[%parallel_loop3A_277] {strides = array<i32>} : memref<640xf32, #tpu.memory_space<vmem>>, vector<16xf32>,
      %parallel_loop3A_279 = arith.constant 0 : index
      %parallel_loop3A_280 = tpu.vector_load %arg26[%parallel_loop3A_279] {strides = array<i32>} : memref<48xf32, #tpu.memory_space<vmem>>, vector<16xf32>,
      %parallel_loop3A_281 = arith.subf %parallel_loop3A_278, %parallel_loop3A_280 : vector<16xf32>
      %parallel_loop3A_282 = arith.index_cast %parallel_loop3A_276 : i32 to index
      %parallel_loop3A_283 = tpu.vector_load %arg29[%parallel_loop3A_282] {strides = array<i32>} : memref<640xf32, #tpu.memory_space<vmem>>, vector<16xf32>,
      %parallel_loop3A_284 = arith.constant 16 : index
      %parallel_loop3A_285 = tpu.vector_load %arg26[%parallel_loop3A_284] {strides = array<i32>} : memref<48xf32, #tpu.memory_space<vmem>>, vector<16xf32>,
      %parallel_loop3A_286 = arith.subf %parallel_loop3A_283, %parallel_loop3A_285 : vector<16xf32>
      %parallel_loop3A_287 = arith.index_cast %parallel_loop3A_276 : i32 to index
      %parallel_loop3A_288 = tpu.vector_load %arg30[%parallel_loop3A_287] {strides = array<i32>} : memref<640xf32, #tpu.memory_space<vmem>>, vector<16xf32>,
      %parallel_loop3A_289 = arith.constant 32 : index
      %parallel_loop3A_290 = tpu.vector_load %arg26[%parallel_loop3A_289] {strides = array<i32>} : memref<48xf32, #tpu.memory_space<vmem>>, vector<16xf32>,
      %parallel_loop3A_291 = arith.subf %parallel_loop3A_288, %parallel_loop3A_290 : vector<16xf32>
      %parallel_loop3A_292 = arith.mulf %parallel_loop3A_281, %parallel_loop3A_281 : vector<16xf32>
      %parallel_loop3A_293 = arith.mulf %parallel_loop3A_286, %parallel_loop3A_286 : vector<16xf32>
      %parallel_loop3A_294 = arith.addf %parallel_loop3A_292, %parallel_loop3A_293 : vector<16xf32>
      %parallel_loop3A_295 = arith.mulf %parallel_loop3A_291, %parallel_loop3A_291 : vector<16xf32>
      %parallel_loop3A_296 = arith.addf %parallel_loop3A_294, %parallel_loop3A_295 : vector<16xf32>
      %parallel_loop3A_297 = vector.bitcast %parallel_loop3A_296 : vector<16xf32> to vector<16xi32>
      %parallel_loop3A_298 = arith.constant 1 : i32
      %parallel_loop3A_299 = vector.broadcast %parallel_loop3A_298 : i32 to vector<16xi32>
      %parallel_loop3A_300 = arith.shrui %parallel_loop3A_297, %parallel_loop3A_299 : vector<16xi32>
      %parallel_loop3A_301 = arith.constant 532487669 : i32
      %parallel_loop3A_302 = vector.broadcast %parallel_loop3A_301 : i32 to vector<16xi32>
      %parallel_loop3A_303 = arith.addi %parallel_loop3A_302, %parallel_loop3A_300 : vector<16xi32>
      %parallel_loop3A_304 = vector.bitcast %parallel_loop3A_303 : vector<16xi32> to vector<16xf32>
      %parallel_loop3A_305 = arith.divf %parallel_loop3A_296, %parallel_loop3A_304 : vector<16xf32>
      %parallel_loop3A_306 = arith.addf %parallel_loop3A_304, %parallel_loop3A_305 : vector<16xf32>
      %parallel_loop3A_307 = arith.constant 5.000000e-01 : f32
      %parallel_loop3A_308 = vector.broadcast %parallel_loop3A_307 : f32 to vector<16xf32>
      %parallel_loop3A_309 = arith.mulf %parallel_loop3A_308, %parallel_loop3A_306 : vector<16xf32>
      %parallel_loop3A_310 = arith.divf %parallel_loop3A_296, %parallel_loop3A_309 : vector<16xf32>
      %parallel_loop3A_311 = arith.addf %parallel_loop3A_309, %parallel_loop3A_310 : vector<16xf32>
      %parallel_loop3A_312 = arith.constant 5.000000e-01 : f32
      %parallel_loop3A_313 = vector.broadcast %parallel_loop3A_312 : f32 to vector<16xf32>
      %parallel_loop3A_314 = arith.mulf %parallel_loop3A_313, %parallel_loop3A_311 : vector<16xf32>
      %parallel_loop3A_315 = arith.divf %parallel_loop3A_296, %parallel_loop3A_314 : vector<16xf32>
      %parallel_loop3A_316 = arith.addf %parallel_loop3A_314, %parallel_loop3A_315 : vector<16xf32>
      %parallel_loop3A_317 = arith.constant 5.000000e-01 : f32
      %parallel_loop3A_318 = vector.broadcast %parallel_loop3A_317 : f32 to vector<16xf32>
      %parallel_loop3A_319 = arith.mulf %parallel_loop3A_318, %parallel_loop3A_316 : vector<16xf32>
      %parallel_loop3A_320 = arith.index_cast %parallel_loop3A_276 : i32 to index
      %parallel_loop3A_321 = tpu.vector_load %arg31[%parallel_loop3A_320] {strides = array<i32>} : memref<640xf32, #tpu.memory_space<vmem>>, vector<16xf32>,
      %parallel_loop3A_322 = arith.constant 1.000000e+00 : f32
      %parallel_loop3A_323 = vector.broadcast %parallel_loop3A_322 : f32 to vector<16xf32>
      %parallel_loop3A_324 = arith.addf %parallel_loop3A_296, %parallel_loop3A_323 : vector<16xf32>
      %parallel_loop3A_325 = arith.divf %parallel_loop3A_321, %parallel_loop3A_324 : vector<16xf32>
      %parallel_loop3A_326 = arith.constant -1.000000e-03 : f32
      %parallel_loop3A_327 = vector.broadcast %parallel_loop3A_326 : f32 to vector<16xf32>
      %parallel_loop3A_328 = arith.mulf %parallel_loop3A_327, %parallel_loop3A_319 : vector<16xf32>
      %parallel_loop3A_329 = math.exp %parallel_loop3A_328 : vector<16xf32>
      %parallel_loop3A_330 = arith.mulf %parallel_loop3A_325, %parallel_loop3A_329 : vector<16xf32>
      %parallel_loop3A_331 = arith.index_cast %parallel_loop3A_276 : i32 to index
      %parallel_loop3A_332 = tpu.vector_load %arg24[%parallel_loop3A_331] {strides = array<i32>} : memref<640xf32, #tpu.memory_space<vmem>>, vector<16xf32>,
      tpu.vector_store %arg24[%parallel_loop3A_331], %parallel_loop3A_330 {strides = array<i32>} : memref<640xf32, #tpu.memory_space<vmem>>, vector<16xf32>,
    } {sc.loop_unroll_factor = 2 : i64, sc.parallel_access}
    "tpu.region"() ({
      %run_scoped3A = tpu.sem_alloc : memref<!tpu.dma_semaphore, #tpu.memory_space<semaphore_mem>>
      %dma_start3A = tpu.memref_slice %arg35[%mul3A_2] : memref<10240xf32, #tpu.memory_space<vmem_shared>> -> memref<640xf32, #tpu.memory_space<vmem_shared>>
      %dma_start3A_276 = tpu.memref_slice %arg35[%mul3A_2] : memref<10240xf32, #tpu.memory_space<vmem_shared>> -> memref<640xf32, #tpu.memory_space<vmem_shared>>
      tpu.enqueue_dma source(%arg24 : memref<640xf32, #tpu.memory_space<vmem>>) target(%dma_start3A_276 : memref<640xf32, #tpu.memory_space<vmem_shared>>) target_semaphore(%run_scoped3A : memref<!tpu.dma_semaphore, #tpu.memory_space<semaphore_mem>>)
      %dma_wait3A = tpu.memref_slice %arg35[%mul3A_2] : memref<10240xf32, #tpu.memory_space<vmem_shared>> -> memref<640xf32, #tpu.memory_space<vmem_shared>>
      %dma_wait3A_277 = tpu.memref_slice %arg35[%mul3A_2] : memref<10240xf32, #tpu.memory_space<vmem_shared>> -> memref<640xf32, #tpu.memory_space<vmem_shared>>
      tpu.wait_dma2 semaphore(%run_scoped3A : memref<!tpu.dma_semaphore, #tpu.memory_space<semaphore_mem>>) src(%arg24 : memref<640xf32, #tpu.memory_space<vmem>>) dst(%dma_wait3A_277 : memref<640xf32, #tpu.memory_space<vmem_shared>>)
      tpu.yield
    }) : () -> ()
    %barrier3A = arith.constant 0 : index
    tpu.barrier barrier_id(%barrier3A)
    "tpu.region"() ({
      %run_scoped3A = tpu.sem_alloc : memref<!tpu.dma_semaphore, #tpu.memory_space<semaphore_mem>>
      tpu.enqueue_dma source(%arg35 : memref<10240xf32, #tpu.memory_space<vmem_shared>>) target(%arg22 : memref<10240xf32, #tpu.memory_space<vmem>>) target_semaphore(%run_scoped3A : memref<!tpu.dma_semaphore, #tpu.memory_space<semaphore_mem>>)
      tpu.wait_dma2 semaphore(%run_scoped3A : memref<!tpu.dma_semaphore, #tpu.memory_space<semaphore_mem>>) src(%arg35 : memref<10240xf32, #tpu.memory_space<vmem_shared>>) dst(%arg22 : memref<10240xf32, #tpu.memory_space<vmem>>)
      tpu.yield
    }) : () -> ()
    %barrier3A_17 = arith.constant 0 : index
    tpu.barrier barrier_id(%barrier3A_17)
    "tpu.region"() ({
      %run_scoped3A = tpu.sem_alloc : memref<!tpu.dma_semaphore, #tpu.memory_space<semaphore_mem>>
      %dma_start3A = tpu.memref_slice %arg35[%mul3A_2] : memref<10240xf32, #tpu.memory_space<vmem_shared>> -> memref<640xf32, #tpu.memory_space<vmem_shared>>
      %dma_start3A_276 = tpu.memref_slice %arg35[%mul3A_2] : memref<10240xf32, #tpu.memory_space<vmem_shared>> -> memref<640xf32, #tpu.memory_space<vmem_shared>>
      tpu.enqueue_dma source(%arg25 : memref<640xf32, #tpu.memory_space<vmem>>) target(%dma_start3A_276 : memref<640xf32, #tpu.memory_space<vmem_shared>>) target_semaphore(%run_scoped3A : memref<!tpu.dma_semaphore, #tpu.memory_space<semaphore_mem>>)
      %dma_wait3A = tpu.memref_slice %arg35[%mul3A_2] : memref<10240xf32, #tpu.memory_space<vmem_shared>> -> memref<640xf32, #tpu.memory_space<vmem_shared>>
      %dma_wait3A_277 = tpu.memref_slice %arg35[%mul3A_2] : memref<10240xf32, #tpu.memory_space<vmem_shared>> -> memref<640xf32, #tpu.memory_space<vmem_shared>>
      tpu.wait_dma2 semaphore(%run_scoped3A : memref<!tpu.dma_semaphore, #tpu.memory_space<semaphore_mem>>) src(%arg25 : memref<640xf32, #tpu.memory_space<vmem>>) dst(%dma_wait3A_277 : memref<640xf32, #tpu.memory_space<vmem_shared>>)
      tpu.yield
    }) : () -> ()
    %barrier3A_18 = arith.constant 0 : index
    tpu.barrier barrier_id(%barrier3A_18)
    %parallel_loop3A_19 = arith.constant 0 : i32
    %parallel_loop3A_20 = arith.constant 20000 : i32
    %parallel_loop3A_21 = arith.constant 16 : i32
    scf.for %parallel_loop3A_276 = %parallel_loop3A_19 to %parallel_loop3A_20 step %parallel_loop3A_21  : i32 {
      %parallel_loop3A_277 = arith.index_cast %parallel_loop3A_276 : i32 to index
      %parallel_loop3A_278 = tpu.vector_load %arg17[%parallel_loop3A_277] {strides = array<i32>} : memref<20000xi32, #tpu.memory_space<vmem>>, vector<16xi32>,
      %parallel_loop3A_279 = tpu.vector_load_idx %arg22[%parallel_loop3A_278] : memref<10240xf32, #tpu.memory_space<vmem>>[vector<16xi32>], vector<16xf32>,
      %parallel_loop3A_280 = arith.index_cast %parallel_loop3A_276 : i32 to index
      %parallel_loop3A_281 = tpu.vector_load %arg20[%parallel_loop3A_280] {strides = array<i32>} : memref<20000xf32, #tpu.memory_space<vmem>>, vector<16xf32>,
      %parallel_loop3A_282 = arith.mulf %parallel_loop3A_281, %parallel_loop3A_279 : vector<16xf32>
      %parallel_loop3A_283 = arith.index_cast %parallel_loop3A_276 : i32 to index
      %parallel_loop3A_284 = tpu.vector_load %arg21[%parallel_loop3A_283] {strides = array<i32>} : memref<20000xf32, #tpu.memory_space<vmem>>, vector<16xf32>,
      tpu.vector_store %arg21[%parallel_loop3A_283], %parallel_loop3A_282 {strides = array<i32>} : memref<20000xf32, #tpu.memory_space<vmem>>, vector<16xf32>,
    } {sc.loop_unroll_factor = 8 : i64, sc.parallel_access}
    "tpu.region"() ({
      %run_scoped3A = tpu.sem_alloc : memref<!tpu.dma_semaphore, #tpu.memory_space<semaphore_mem>>
      %dma_start3A = arith.constant 0 : i32
      %dma_start3A_276 = tpu.memref_slice %arg35[%dma_start3A] : memref<10240xf32, #tpu.memory_space<vmem_shared>> -> memref<10240xf32, #tpu.memory_space<vmem_shared>>
      tpu.enqueue_indirect_dma source(%arg21 : memref<20000xf32, #tpu.memory_space<vmem>>) target(%dma_start3A_276 : memref<10240xf32, #tpu.memory_space<vmem_shared>>) offsets(%arg18 : memref<20000xi32, #tpu.memory_space<vmem>>) semaphore(%run_scoped3A : memref<!tpu.dma_semaphore, #tpu.memory_space<semaphore_mem>>) {add = true}
      %dma_wait3A = arith.constant 0 : i32
      %dma_wait3A_277 = tpu.memref_slice %arg35[%dma_wait3A] : memref<10240xf32, #tpu.memory_space<vmem_shared>> -> memref<10240xf32, #tpu.memory_space<vmem_shared>>
      tpu.wait_indirect_dma semaphore(%run_scoped3A : memref<!tpu.dma_semaphore, #tpu.memory_space<semaphore_mem>>) src(%arg21 : memref<20000xf32, #tpu.memory_space<vmem>>) dst(%dma_wait3A_277 : memref<10240xf32, #tpu.memory_space<vmem_shared>>)
      tpu.yield
    }) : () -> ()
    %barrier3A_22 = arith.constant 0 : index
    tpu.barrier barrier_id(%barrier3A_22)
    "tpu.region"() ({
      %run_scoped3A = tpu.sem_alloc : memref<!tpu.dma_semaphore, #tpu.memory_space<semaphore_mem>>
      tpu.enqueue_dma source(%arg35 : memref<10240xf32, #tpu.memory_space<vmem_shared>>) target(%arg22 : memref<10240xf32, #tpu.memory_space<vmem>>) target_semaphore(%run_scoped3A : memref<!tpu.dma_semaphore, #tpu.memory_space<semaphore_mem>>)
      tpu.wait_dma2 semaphore(%run_scoped3A : memref<!tpu.dma_semaphore, #tpu.memory_space<semaphore_mem>>) src(%arg35 : memref<10240xf32, #tpu.memory_space<vmem_shared>>) dst(%arg22 : memref<10240xf32, #tpu.memory_space<vmem>>)
      tpu.yield
    }) : () -> ()
    %parallel_loop3A_23 = arith.constant 0 : i32
    %parallel_loop3A_24 = arith.constant 640 : i32
    %parallel_loop3A_25 = arith.constant 16 : i32
    scf.for %parallel_loop3A_276 = %parallel_loop3A_23 to %parallel_loop3A_24 step %parallel_loop3A_25  : i32 {
      %parallel_loop3A_277 = arith.index_cast %parallel_loop3A_276 : i32 to index
      %parallel_loop3A_278 = tpu.vector_load %arg24[%parallel_loop3A_277] {strides = array<i32>} : memref<640xf32, #tpu.memory_space<vmem>>, vector<16xf32>,
      %parallel_loop3A_279 = arith.addi %mul3A_2, %parallel_loop3A_276 : i32
      %parallel_loop3A_280 = arith.index_cast %parallel_loop3A_279 : i32 to index
      %parallel_loop3A_281 = tpu.vector_load %arg22[%parallel_loop3A_280] {strides = array<i32>} : memref<10240xf32, #tpu.memory_space<vmem>>, vector<16xf32>,
      %parallel_loop3A_282 = arith.addf %parallel_loop3A_278, %parallel_loop3A_281 : vector<16xf32>
      %parallel_loop3A_283 = arith.index_cast %parallel_loop3A_276 : i32 to index
      %parallel_loop3A_284 = tpu.vector_load %arg24[%parallel_loop3A_283] {strides = array<i32>} : memref<640xf32, #tpu.memory_space<vmem>>, vector<16xf32>,
      tpu.vector_store %arg24[%parallel_loop3A_283], %parallel_loop3A_282 {strides = array<i32>} : memref<640xf32, #tpu.memory_space<vmem>>, vector<16xf32>,
    } {sc.loop_unroll_factor = 2 : i64, sc.parallel_access}
    %barrier3A_26 = arith.constant 0 : index
    tpu.barrier barrier_id(%barrier3A_26)
    "tpu.region"() ({
      %run_scoped3A = tpu.sem_alloc : memref<!tpu.dma_semaphore, #tpu.memory_space<semaphore_mem>>
      %dma_start3A = tpu.memref_slice %arg35[%mul3A_2] : memref<10240xf32, #tpu.memory_space<vmem_shared>> -> memref<640xf32, #tpu.memory_space<vmem_shared>>
      %dma_start3A_276 = tpu.memref_slice %arg35[%mul3A_2] : memref<10240xf32, #tpu.memory_space<vmem_shared>> -> memref<640xf32, #tpu.memory_space<vmem_shared>>
      tpu.enqueue_dma source(%arg25 : memref<640xf32, #tpu.memory_space<vmem>>) target(%dma_start3A_276 : memref<640xf32, #tpu.memory_space<vmem_shared>>) target_semaphore(%run_scoped3A : memref<!tpu.dma_semaphore, #tpu.memory_space<semaphore_mem>>)
      %dma_wait3A = tpu.memref_slice %arg35[%mul3A_2] : memref<10240xf32, #tpu.memory_space<vmem_shared>> -> memref<640xf32, #tpu.memory_space<vmem_shared>>
      %dma_wait3A_277 = tpu.memref_slice %arg35[%mul3A_2] : memref<10240xf32, #tpu.memory_space<vmem_shared>> -> memref<640xf32, #tpu.memory_space<vmem_shared>>
      tpu.wait_dma2 semaphore(%run_scoped3A : memref<!tpu.dma_semaphore, #tpu.memory_space<semaphore_mem>>) src(%arg25 : memref<640xf32, #tpu.memory_space<vmem>>) dst(%dma_wait3A_277 : memref<640xf32, #tpu.memory_space<vmem_shared>>)
      tpu.yield
    }) : () -> ()
    %barrier3A_27 = arith.constant 0 : index
    tpu.barrier barrier_id(%barrier3A_27)
    %parallel_loop3A_28 = arith.constant 0 : i32
    %parallel_loop3A_29 = arith.constant 20000 : i32
    %parallel_loop3A_30 = arith.constant 16 : i32
    scf.for %parallel_loop3A_276 = %parallel_loop3A_28 to %parallel_loop3A_29 step %parallel_loop3A_30  : i32 {
      %parallel_loop3A_277 = arith.index_cast %parallel_loop3A_276 : i32 to index
      %parallel_loop3A_278 = tpu.vector_load %arg17[%parallel_loop3A_277] {strides = array<i32>} : memref<20000xi32, #tpu.memory_space<vmem>>, vector<16xi32>,
      %parallel_loop3A_279 = tpu.vector_load_idx %arg22[%parallel_loop3A_278] : memref<10240xf32, #tpu.memory_space<vmem>>[vector<16xi32>], vector<16xf32>,
      %parallel_loop3A_280 = arith.index_cast %parallel_loop3A_276 : i32 to index
      %parallel_loop3A_281 = tpu.vector_load %arg20[%parallel_loop3A_280] {strides = array<i32>} : memref<20000xf32, #tpu.memory_space<vmem>>, vector<16xf32>,
      %parallel_loop3A_282 = arith.mulf %parallel_loop3A_281, %parallel_loop3A_279 : vector<16xf32>
      %parallel_loop3A_283 = arith.index_cast %parallel_loop3A_276 : i32 to index
      %parallel_loop3A_284 = tpu.vector_load %arg21[%parallel_loop3A_283] {strides = array<i32>} : memref<20000xf32, #tpu.memory_space<vmem>>, vector<16xf32>,
      tpu.vector_store %arg21[%parallel_loop3A_283], %parallel_loop3A_282 {strides = array<i32>} : memref<20000xf32, #tpu.memory_space<vmem>>, vector<16xf32>,
    } {sc.loop_unroll_factor = 8 : i64, sc.parallel_access}
    "tpu.region"() ({
      %run_scoped3A = tpu.sem_alloc : memref<!tpu.dma_semaphore, #tpu.memory_space<semaphore_mem>>
      %dma_start3A = arith.constant 0 : i32
      %dma_start3A_276 = tpu.memref_slice %arg35[%dma_start3A] : memref<10240xf32, #tpu.memory_space<vmem_shared>> -> memref<10240xf32, #tpu.memory_space<vmem_shared>>
      tpu.enqueue_indirect_dma source(%arg21 : memref<20000xf32, #tpu.memory_space<vmem>>) target(%dma_start3A_276 : memref<10240xf32, #tpu.memory_space<vmem_shared>>) offsets(%arg18 : memref<20000xi32, #tpu.memory_space<vmem>>) semaphore(%run_scoped3A : memref<!tpu.dma_semaphore, #tpu.memory_space<semaphore_mem>>) {add = true}
      %dma_wait3A = arith.constant 0 : i32
      %dma_wait3A_277 = tpu.memref_slice %arg35[%dma_wait3A] : memref<10240xf32, #tpu.memory_space<vmem_shared>> -> memref<10240xf32, #tpu.memory_space<vmem_shared>>
      tpu.wait_indirect_dma semaphore(%run_scoped3A : memref<!tpu.dma_semaphore, #tpu.memory_space<semaphore_mem>>) src(%arg21 : memref<20000xf32, #tpu.memory_space<vmem>>) dst(%dma_wait3A_277 : memref<10240xf32, #tpu.memory_space<vmem_shared>>)
      tpu.yield
    }) : () -> ()
    %barrier3A_31 = arith.constant 0 : index
    tpu.barrier barrier_id(%barrier3A_31)
    "tpu.region"() ({
      %run_scoped3A = tpu.sem_alloc : memref<!tpu.dma_semaphore, #tpu.memory_space<semaphore_mem>>
      tpu.enqueue_dma source(%arg35 : memref<10240xf32, #tpu.memory_space<vmem_shared>>) target(%arg22 : memref<10240xf32, #tpu.memory_space<vmem>>) target_semaphore(%run_scoped3A : memref<!tpu.dma_semaphore, #tpu.memory_space<semaphore_mem>>)
      tpu.wait_dma2 semaphore(%run_scoped3A : memref<!tpu.dma_semaphore, #tpu.memory_space<semaphore_mem>>) src(%arg35 : memref<10240xf32, #tpu.memory_space<vmem_shared>>) dst(%arg22 : memref<10240xf32, #tpu.memory_space<vmem>>)
      tpu.yield
    }) : () -> ()
    %parallel_loop3A_32 = arith.constant 0 : i32
    %parallel_loop3A_33 = arith.constant 640 : i32
    %parallel_loop3A_34 = arith.constant 16 : i32
    scf.for %parallel_loop3A_276 = %parallel_loop3A_32 to %parallel_loop3A_33 step %parallel_loop3A_34  : i32 {
      %parallel_loop3A_277 = arith.index_cast %parallel_loop3A_276 : i32 to index
      %parallel_loop3A_278 = tpu.vector_load %arg24[%parallel_loop3A_277] {strides = array<i32>} : memref<640xf32, #tpu.memory_space<vmem>>, vector<16xf32>,
      %parallel_loop3A_279 = arith.addi %mul3A_2, %parallel_loop3A_276 : i32
      %parallel_loop3A_280 = arith.index_cast %parallel_loop3A_279 : i32 to index
      %parallel_loop3A_281 = tpu.vector_load %arg22[%parallel_loop3A_280] {strides = array<i32>} : memref<10240xf32, #tpu.memory_space<vmem>>, vector<16xf32>,
      %parallel_loop3A_282 = arith.addf %parallel_loop3A_278, %parallel_loop3A_281 : vector<16xf32>
      %parallel_loop3A_283 = arith.index_cast %parallel_loop3A_276 : i32 to index
      %parallel_loop3A_284 = tpu.vector_load %arg24[%parallel_loop3A_283] {strides = array<i32>} : memref<640xf32, #tpu.memory_space<vmem>>, vector<16xf32>,
      tpu.vector_store %arg24[%parallel_loop3A_283], %parallel_loop3A_282 {strides = array<i32>} : memref<640xf32, #tpu.memory_space<vmem>>, vector<16xf32>,
    } {sc.loop_unroll_factor = 2 : i64, sc.parallel_access}
    %barrier3A_35 = arith.constant 0 : index
    tpu.barrier barrier_id(%barrier3A_35)
    "tpu.region"() ({
      %run_scoped3A = tpu.sem_alloc : memref<!tpu.dma_semaphore, #tpu.memory_space<semaphore_mem>>
      %dma_start3A = tpu.memref_slice %arg35[%mul3A_2] : memref<10240xf32, #tpu.memory_space<vmem_shared>> -> memref<640xf32, #tpu.memory_space<vmem_shared>>
      %dma_start3A_276 = tpu.memref_slice %arg35[%mul3A_2] : memref<10240xf32, #tpu.memory_space<vmem_shared>> -> memref<640xf32, #tpu.memory_space<vmem_shared>>
      tpu.enqueue_dma source(%arg25 : memref<640xf32, #tpu.memory_space<vmem>>) target(%dma_start3A_276 : memref<640xf32, #tpu.memory_space<vmem_shared>>) target_semaphore(%run_scoped3A : memref<!tpu.dma_semaphore, #tpu.memory_space<semaphore_mem>>)
      %dma_wait3A = tpu.memref_slice %arg35[%mul3A_2] : memref<10240xf32, #tpu.memory_space<vmem_shared>> -> memref<640xf32, #tpu.memory_space<vmem_shared>>
      %dma_wait3A_277 = tpu.memref_slice %arg35[%mul3A_2] : memref<10240xf32, #tpu.memory_space<vmem_shared>> -> memref<640xf32, #tpu.memory_space<vmem_shared>>
      tpu.wait_dma2 semaphore(%run_scoped3A : memref<!tpu.dma_semaphore, #tpu.memory_space<semaphore_mem>>) src(%arg25 : memref<640xf32, #tpu.memory_space<vmem>>) dst(%dma_wait3A_277 : memref<640xf32, #tpu.memory_space<vmem_shared>>)
      tpu.yield
    }) : () -> ()
    %barrier3A_36 = arith.constant 0 : index
    tpu.barrier barrier_id(%barrier3A_36)
    %parallel_loop3A_37 = arith.constant 0 : i32
    %parallel_loop3A_38 = arith.constant 20000 : i32
    %parallel_loop3A_39 = arith.constant 16 : i32
    scf.for %parallel_loop3A_276 = %parallel_loop3A_37 to %parallel_loop3A_38 step %parallel_loop3A_39  : i32 {
      %parallel_loop3A_277 = arith.index_cast %parallel_loop3A_276 : i32 to index
      %parallel_loop3A_278 = tpu.vector_load %arg17[%parallel_loop3A_277] {strides = array<i32>} : memref<20000xi32, #tpu.memory_space<vmem>>, vector<16xi32>,
      %parallel_loop3A_279 = tpu.vector_load_idx %arg22[%parallel_loop3A_278] : memref<10240xf32, #tpu.memory_space<vmem>>[vector<16xi32>], vector<16xf32>,
      %parallel_loop3A_280 = arith.index_cast %parallel_loop3A_276 : i32 to index
      %parallel_loop3A_281 = tpu.vector_load %arg20[%parallel_loop3A_280] {strides = array<i32>} : memref<20000xf32, #tpu.memory_space<vmem>>, vector<16xf32>,
      %parallel_loop3A_282 = arith.mulf %parallel_loop3A_281, %parallel_loop3A_279 : vector<16xf32>
      %parallel_loop3A_283 = arith.index_cast %parallel_loop3A_276 : i32 to index
      %parallel_loop3A_284 = tpu.vector_load %arg21[%parallel_loop3A_283] {strides = array<i32>} : memref<20000xf32, #tpu.memory_space<vmem>>, vector<16xf32>,
      tpu.vector_store %arg21[%parallel_loop3A_283], %parallel_loop3A_282 {strides = array<i32>} : memref<20000xf32, #tpu.memory_space<vmem>>, vector<16xf32>,
    } {sc.loop_unroll_factor = 8 : i64, sc.parallel_access}
    "tpu.region"() ({
      %run_scoped3A = tpu.sem_alloc : memref<!tpu.dma_semaphore, #tpu.memory_space<semaphore_mem>>
      %dma_start3A = arith.constant 0 : i32
      %dma_start3A_276 = tpu.memref_slice %arg35[%dma_start3A] : memref<10240xf32, #tpu.memory_space<vmem_shared>> -> memref<10240xf32, #tpu.memory_space<vmem_shared>>
      tpu.enqueue_indirect_dma source(%arg21 : memref<20000xf32, #tpu.memory_space<vmem>>) target(%dma_start3A_276 : memref<10240xf32, #tpu.memory_space<vmem_shared>>) offsets(%arg18 : memref<20000xi32, #tpu.memory_space<vmem>>) semaphore(%run_scoped3A : memref<!tpu.dma_semaphore, #tpu.memory_space<semaphore_mem>>) {add = true}
      %dma_wait3A = arith.constant 0 : i32
      %dma_wait3A_277 = tpu.memref_slice %arg35[%dma_wait3A] : memref<10240xf32, #tpu.memory_space<vmem_shared>> -> memref<10240xf32, #tpu.memory_space<vmem_shared>>
      tpu.wait_indirect_dma semaphore(%run_scoped3A : memref<!tpu.dma_semaphore, #tpu.memory_space<semaphore_mem>>) src(%arg21 : memref<20000xf32, #tpu.memory_space<vmem>>) dst(%dma_wait3A_277 : memref<10240xf32, #tpu.memory_space<vmem_shared>>)
      tpu.yield
    }) : () -> ()
    %barrier3A_40 = arith.constant 0 : index
    tpu.barrier barrier_id(%barrier3A_40)
    "tpu.region"() ({
      %run_scoped3A = tpu.sem_alloc : memref<!tpu.dma_semaphore, #tpu.memory_space<semaphore_mem>>
      tpu.enqueue_dma source(%arg35 : memref<10240xf32, #tpu.memory_space<vmem_shared>>) target(%arg22 : memref<10240xf32, #tpu.memory_space<vmem>>) target_semaphore(%run_scoped3A : memref<!tpu.dma_semaphore, #tpu.memory_space<semaphore_mem>>)
      tpu.wait_dma2 semaphore(%run_scoped3A : memref<!tpu.dma_semaphore, #tpu.memory_space<semaphore_mem>>) src(%arg35 : memref<10240xf32, #tpu.memory_space<vmem_shared>>) dst(%arg22 : memref<10240xf32, #tpu.memory_space<vmem>>)
      tpu.yield
    }) : () -> ()
    %parallel_loop3A_41 = arith.constant 0 : i32
    %parallel_loop3A_42 = arith.constant 640 : i32
    %parallel_loop3A_43 = arith.constant 16 : i32
    scf.for %parallel_loop3A_276 = %parallel_loop3A_41 to %parallel_loop3A_42 step %parallel_loop3A_43  : i32 {
      %parallel_loop3A_277 = arith.index_cast %parallel_loop3A_276 : i32 to index
      %parallel_loop3A_278 = tpu.vector_load %arg24[%parallel_loop3A_277] {strides = array<i32>} : memref<640xf32, #tpu.memory_space<vmem>>, vector<16xf32>,
      %parallel_loop3A_279 = arith.addi %mul3A_2, %parallel_loop3A_276 : i32
      %parallel_loop3A_280 = arith.index_cast %parallel_loop3A_279 : i32 to index
      %parallel_loop3A_281 = tpu.vector_load %arg22[%parallel_loop3A_280] {strides = array<i32>} : memref<10240xf32, #tpu.memory_space<vmem>>, vector<16xf32>,
      %parallel_loop3A_282 = arith.addf %parallel_loop3A_278, %parallel_loop3A_281 : vector<16xf32>
      %parallel_loop3A_283 = arith.index_cast %parallel_loop3A_276 : i32 to index
      %parallel_loop3A_284 = tpu.vector_load %arg24[%parallel_loop3A_283] {strides = array<i32>} : memref<640xf32, #tpu.memory_space<vmem>>, vector<16xf32>,
      tpu.vector_store %arg24[%parallel_loop3A_283], %parallel_loop3A_282 {strides = array<i32>} : memref<640xf32, #tpu.memory_space<vmem>>, vector<16xf32>,
    } {sc.loop_unroll_factor = 2 : i64, sc.parallel_access}
    %barrier3A_44 = arith.constant 0 : index
    tpu.barrier barrier_id(%barrier3A_44)
    "tpu.region"() ({
      %run_scoped3A = tpu.sem_alloc : memref<!tpu.dma_semaphore, #tpu.memory_space<semaphore_mem>>
      %dma_start3A = tpu.memref_slice %arg35[%mul3A_2] : memref<10240xf32, #tpu.memory_space<vmem_shared>> -> memref<640xf32, #tpu.memory_space<vmem_shared>>
      %dma_start3A_276 = tpu.memref_slice %arg35[%mul3A_2] : memref<10240xf32, #tpu.memory_space<vmem_shared>> -> memref<640xf32, #tpu.memory_space<vmem_shared>>
      tpu.enqueue_dma source(%arg25 : memref<640xf32, #tpu.memory_space<vmem>>) target(%dma_start3A_276 : memref<640xf32, #tpu.memory_space<vmem_shared>>) target_semaphore(%run_scoped3A : memref<!tpu.dma_semaphore, #tpu.memory_space<semaphore_mem>>)
      %dma_wait3A = tpu.memref_slice %arg35[%mul3A_2] : memref<10240xf32, #tpu.memory_space<vmem_shared>> -> memref<640xf32, #tpu.memory_space<vmem_shared>>
      %dma_wait3A_277 = tpu.memref_slice %arg35[%mul3A_2] : memref<10240xf32, #tpu.memory_space<vmem_shared>> -> memref<640xf32, #tpu.memory_space<vmem_shared>>
      tpu.wait_dma2 semaphore(%run_scoped3A : memref<!tpu.dma_semaphore, #tpu.memory_space<semaphore_mem>>) src(%arg25 : memref<640xf32, #tpu.memory_space<vmem>>) dst(%dma_wait3A_277 : memref<640xf32, #tpu.memory_space<vmem_shared>>)
      tpu.yield
    }) : () -> ()
    %barrier3A_45 = arith.constant 0 : index
    tpu.barrier barrier_id(%barrier3A_45)
    %parallel_loop3A_46 = arith.constant 0 : i32
    %parallel_loop3A_47 = arith.constant 20000 : i32
    %parallel_loop3A_48 = arith.constant 16 : i32
    scf.for %parallel_loop3A_276 = %parallel_loop3A_46 to %parallel_loop3A_47 step %parallel_loop3A_48  : i32 {
      %parallel_loop3A_277 = arith.index_cast %parallel_loop3A_276 : i32 to index
      %parallel_loop3A_278 = tpu.vector_load %arg17[%parallel_loop3A_277] {strides = array<i32>} : memref<20000xi32, #tpu.memory_space<vmem>>, vector<16xi32>,
      %parallel_loop3A_279 = tpu.vector_load_idx %arg22[%parallel_loop3A_278] : memref<10240xf32, #tpu.memory_space<vmem>>[vector<16xi32>], vector<16xf32>,
      %parallel_loop3A_280 = arith.index_cast %parallel_loop3A_276 : i32 to index
      %parallel_loop3A_281 = tpu.vector_load %arg20[%parallel_loop3A_280] {strides = array<i32>} : memref<20000xf32, #tpu.memory_space<vmem>>, vector<16xf32>,
      %parallel_loop3A_282 = arith.mulf %parallel_loop3A_281, %parallel_loop3A_279 : vector<16xf32>
      %parallel_loop3A_283 = arith.index_cast %parallel_loop3A_276 : i32 to index
      %parallel_loop3A_284 = tpu.vector_load %arg21[%parallel_loop3A_283] {strides = array<i32>} : memref<20000xf32, #tpu.memory_space<vmem>>, vector<16xf32>,
      tpu.vector_store %arg21[%parallel_loop3A_283], %parallel_loop3A_282 {strides = array<i32>} : memref<20000xf32, #tpu.memory_space<vmem>>, vector<16xf32>,
    } {sc.loop_unroll_factor = 8 : i64, sc.parallel_access}
    "tpu.region"() ({
      %run_scoped3A = tpu.sem_alloc : memref<!tpu.dma_semaphore, #tpu.memory_space<semaphore_mem>>
      %dma_start3A = arith.constant 0 : i32
      %dma_start3A_276 = tpu.memref_slice %arg35[%dma_start3A] : memref<10240xf32, #tpu.memory_space<vmem_shared>> -> memref<10240xf32, #tpu.memory_space<vmem_shared>>
      tpu.enqueue_indirect_dma source(%arg21 : memref<20000xf32, #tpu.memory_space<vmem>>) target(%dma_start3A_276 : memref<10240xf32, #tpu.memory_space<vmem_shared>>) offsets(%arg18 : memref<20000xi32, #tpu.memory_space<vmem>>) semaphore(%run_scoped3A : memref<!tpu.dma_semaphore, #tpu.memory_space<semaphore_mem>>) {add = true}
      %dma_wait3A = arith.constant 0 : i32
      %dma_wait3A_277 = tpu.memref_slice %arg35[%dma_wait3A] : memref<10240xf32, #tpu.memory_space<vmem_shared>> -> memref<10240xf32, #tpu.memory_space<vmem_shared>>
      tpu.wait_indirect_dma semaphore(%run_scoped3A : memref<!tpu.dma_semaphore, #tpu.memory_space<semaphore_mem>>) src(%arg21 : memref<20000xf32, #tpu.memory_space<vmem>>) dst(%dma_wait3A_277 : memref<10240xf32, #tpu.memory_space<vmem_shared>>)
      tpu.yield
    }) : () -> ()
    %barrier3A_49 = arith.constant 0 : index
    tpu.barrier barrier_id(%barrier3A_49)
    "tpu.region"() ({
      %run_scoped3A = tpu.sem_alloc : memref<!tpu.dma_semaphore, #tpu.memory_space<semaphore_mem>>
      tpu.enqueue_dma source(%arg35 : memref<10240xf32, #tpu.memory_space<vmem_shared>>) target(%arg22 : memref<10240xf32, #tpu.memory_space<vmem>>) target_semaphore(%run_scoped3A : memref<!tpu.dma_semaphore, #tpu.memory_space<semaphore_mem>>)
      tpu.wait_dma2 semaphore(%run_scoped3A : memref<!tpu.dma_semaphore, #tpu.memory_space<semaphore_mem>>) src(%arg35 : memref<10240xf32, #tpu.memory_space<vmem_shared>>) dst(%arg22 : memref<10240xf32, #tpu.memory_space<vmem>>)
      tpu.yield
    }) : () -> ()
    %parallel_loop3A_50 = arith.constant 0 : i32
    %parallel_loop3A_51 = arith.constant 640 : i32
    %parallel_loop3A_52 = arith.constant 16 : i32
    scf.for %parallel_loop3A_276 = %parallel_loop3A_50 to %parallel_loop3A_51 step %parallel_loop3A_52  : i32 {
      %parallel_loop3A_277 = arith.index_cast %parallel_loop3A_276 : i32 to index
      %parallel_loop3A_278 = tpu.vector_load %arg24[%parallel_loop3A_277] {strides = array<i32>} : memref<640xf32, #tpu.memory_space<vmem>>, vector<16xf32>,
      %parallel_loop3A_279 = arith.addi %mul3A_2, %parallel_loop3A_276 : i32
      %parallel_loop3A_280 = arith.index_cast %parallel_loop3A_279 : i32 to index
      %parallel_loop3A_281 = tpu.vector_load %arg22[%parallel_loop3A_280] {strides = array<i32>} : memref<10240xf32, #tpu.memory_space<vmem>>, vector<16xf32>,
      %parallel_loop3A_282 = arith.addf %parallel_loop3A_278, %parallel_loop3A_281 : vector<16xf32>
      %parallel_loop3A_283 = arith.index_cast %parallel_loop3A_276 : i32 to index
      %parallel_loop3A_284 = tpu.vector_load %arg24[%parallel_loop3A_283] {strides = array<i32>} : memref<640xf32, #tpu.memory_space<vmem>>, vector<16xf32>,
      tpu.vector_store %arg24[%parallel_loop3A_283], %parallel_loop3A_282 {strides = array<i32>} : memref<640xf32, #tpu.memory_space<vmem>>, vector<16xf32>,
    } {sc.loop_unroll_factor = 2 : i64, sc.parallel_access}
    %barrier3A_53 = arith.constant 0 : index
    tpu.barrier barrier_id(%barrier3A_53)
    "tpu.region"() ({
      %run_scoped3A = tpu.sem_alloc : memref<!tpu.dma_semaphore, #tpu.memory_space<semaphore_mem>>
      %dma_start3A = tpu.memref_slice %arg35[%mul3A_2] : memref<10240xf32, #tpu.memory_space<vmem_shared>> -> memref<640xf32, #tpu.memory_space<vmem_shared>>
      %dma_start3A_276 = tpu.memref_slice %arg35[%mul3A_2] : memref<10240xf32, #tpu.memory_space<vmem_shared>> -> memref<640xf32, #tpu.memory_space<vmem_shared>>
      tpu.enqueue_dma source(%arg25 : memref<640xf32, #tpu.memory_space<vmem>>) target(%dma_start3A_276 : memref<640xf32, #tpu.memory_space<vmem_shared>>) target_semaphore(%run_scoped3A : memref<!tpu.dma_semaphore, #tpu.memory_space<semaphore_mem>>)
      %dma_wait3A = tpu.memref_slice %arg35[%mul3A_2] : memref<10240xf32, #tpu.memory_space<vmem_shared>> -> memref<640xf32, #tpu.memory_space<vmem_shared>>
      %dma_wait3A_277 = tpu.memref_slice %arg35[%mul3A_2] : memref<10240xf32, #tpu.memory_space<vmem_shared>> -> memref<640xf32, #tpu.memory_space<vmem_shared>>
      tpu.wait_dma2 semaphore(%run_scoped3A : memref<!tpu.dma_semaphore, #tpu.memory_space<semaphore_mem>>) src(%arg25 : memref<640xf32, #tpu.memory_space<vmem>>) dst(%dma_wait3A_277 : memref<640xf32, #tpu.memory_space<vmem_shared>>)
      tpu.yield
    }) : () -> ()
    %barrier3A_54 = arith.constant 0 : index
    tpu.barrier barrier_id(%barrier3A_54)
    %parallel_loop3A_55 = arith.constant 0 : i32
    %parallel_loop3A_56 = arith.constant 20000 : i32
    %parallel_loop3A_57 = arith.constant 16 : i32
    scf.for %parallel_loop3A_276 = %parallel_loop3A_55 to %parallel_loop3A_56 step %parallel_loop3A_57  : i32 {
      %parallel_loop3A_277 = arith.index_cast %parallel_loop3A_276 : i32 to index
      %parallel_loop3A_278 = tpu.vector_load %arg17[%parallel_loop3A_277] {strides = array<i32>} : memref<20000xi32, #tpu.memory_space<vmem>>, vector<16xi32>,
      %parallel_loop3A_279 = tpu.vector_load_idx %arg22[%parallel_loop3A_278] : memref<10240xf32, #tpu.memory_space<vmem>>[vector<16xi32>], vector<16xf32>,
      %parallel_loop3A_280 = arith.index_cast %parallel_loop3A_276 : i32 to index
      %parallel_loop3A_281 = tpu.vector_load %arg20[%parallel_loop3A_280] {strides = array<i32>} : memref<20000xf32, #tpu.memory_space<vmem>>, vector<16xf32>,
      %parallel_loop3A_282 = arith.mulf %parallel_loop3A_281, %parallel_loop3A_279 : vector<16xf32>
      %parallel_loop3A_283 = arith.index_cast %parallel_loop3A_276 : i32 to index
      %parallel_loop3A_284 = tpu.vector_load %arg21[%parallel_loop3A_283] {strides = array<i32>} : memref<20000xf32, #tpu.memory_space<vmem>>, vector<16xf32>,
      tpu.vector_store %arg21[%parallel_loop3A_283], %parallel_loop3A_282 {strides = array<i32>} : memref<20000xf32, #tpu.memory_space<vmem>>, vector<16xf32>,
    } {sc.loop_unroll_factor = 8 : i64, sc.parallel_access}
    "tpu.region"() ({
      %run_scoped3A = tpu.sem_alloc : memref<!tpu.dma_semaphore, #tpu.memory_space<semaphore_mem>>
      %dma_start3A = arith.constant 0 : i32
      %dma_start3A_276 = tpu.memref_slice %arg35[%dma_start3A] : memref<10240xf32, #tpu.memory_space<vmem_shared>> -> memref<10240xf32, #tpu.memory_space<vmem_shared>>
      tpu.enqueue_indirect_dma source(%arg21 : memref<20000xf32, #tpu.memory_space<vmem>>) target(%dma_start3A_276 : memref<10240xf32, #tpu.memory_space<vmem_shared>>) offsets(%arg18 : memref<20000xi32, #tpu.memory_space<vmem>>) semaphore(%run_scoped3A : memref<!tpu.dma_semaphore, #tpu.memory_space<semaphore_mem>>) {add = true}
      %dma_wait3A = arith.constant 0 : i32
      %dma_wait3A_277 = tpu.memref_slice %arg35[%dma_wait3A] : memref<10240xf32, #tpu.memory_space<vmem_shared>> -> memref<10240xf32, #tpu.memory_space<vmem_shared>>
      tpu.wait_indirect_dma semaphore(%run_scoped3A : memref<!tpu.dma_semaphore, #tpu.memory_space<semaphore_mem>>) src(%arg21 : memref<20000xf32, #tpu.memory_space<vmem>>) dst(%dma_wait3A_277 : memref<10240xf32, #tpu.memory_space<vmem_shared>>)
      tpu.yield
    }) : () -> ()
    %barrier3A_58 = arith.constant 0 : index
    tpu.barrier barrier_id(%barrier3A_58)
    "tpu.region"() ({
      %run_scoped3A = tpu.sem_alloc : memref<!tpu.dma_semaphore, #tpu.memory_space<semaphore_mem>>
      tpu.enqueue_dma source(%arg35 : memref<10240xf32, #tpu.memory_space<vmem_shared>>) target(%arg22 : memref<10240xf32, #tpu.memory_space<vmem>>) target_semaphore(%run_scoped3A : memref<!tpu.dma_semaphore, #tpu.memory_space<semaphore_mem>>)
      tpu.wait_dma2 semaphore(%run_scoped3A : memref<!tpu.dma_semaphore, #tpu.memory_space<semaphore_mem>>) src(%arg35 : memref<10240xf32, #tpu.memory_space<vmem_shared>>) dst(%arg22 : memref<10240xf32, #tpu.memory_space<vmem>>)
      tpu.yield
    }) : () -> ()
    %parallel_loop3A_59 = arith.constant 0 : i32
    %parallel_loop3A_60 = arith.constant 640 : i32
    %parallel_loop3A_61 = arith.constant 16 : i32
    scf.for %parallel_loop3A_276 = %parallel_loop3A_59 to %parallel_loop3A_60 step %parallel_loop3A_61  : i32 {
      %parallel_loop3A_277 = arith.index_cast %parallel_loop3A_276 : i32 to index
      %parallel_loop3A_278 = tpu.vector_load %arg24[%parallel_loop3A_277] {strides = array<i32>} : memref<640xf32, #tpu.memory_space<vmem>>, vector<16xf32>,
      %parallel_loop3A_279 = arith.addi %mul3A_2, %parallel_loop3A_276 : i32
      %parallel_loop3A_280 = arith.index_cast %parallel_loop3A_279 : i32 to index
      %parallel_loop3A_281 = tpu.vector_load %arg22[%parallel_loop3A_280] {strides = array<i32>} : memref<10240xf32, #tpu.memory_space<vmem>>, vector<16xf32>,
      %parallel_loop3A_282 = arith.addf %parallel_loop3A_278, %parallel_loop3A_281 : vector<16xf32>
      %parallel_loop3A_283 = arith.index_cast %parallel_loop3A_276 : i32 to index
      %parallel_loop3A_284 = tpu.vector_load %arg24[%parallel_loop3A_283] {strides = array<i32>} : memref<640xf32, #tpu.memory_space<vmem>>, vector<16xf32>,
      tpu.vector_store %arg24[%parallel_loop3A_283], %parallel_loop3A_282 {strides = array<i32>} : memref<640xf32, #tpu.memory_space<vmem>>, vector<16xf32>,
    } {sc.loop_unroll_factor = 2 : i64, sc.parallel_access}
    %barrier3A_62 = arith.constant 0 : index
    tpu.barrier barrier_id(%barrier3A_62)
    "tpu.region"() ({
      %run_scoped3A = tpu.sem_alloc : memref<!tpu.dma_semaphore, #tpu.memory_space<semaphore_mem>>
      %dma_start3A = tpu.memref_slice %arg35[%mul3A_2] : memref<10240xf32, #tpu.memory_space<vmem_shared>> -> memref<640xf32, #tpu.memory_space<vmem_shared>>
      %dma_start3A_276 = tpu.memref_slice %arg35[%mul3A_2] : memref<10240xf32, #tpu.memory_space<vmem_shared>> -> memref<640xf32, #tpu.memory_space<vmem_shared>>
      tpu.enqueue_dma source(%arg25 : memref<640xf32, #tpu.memory_space<vmem>>) target(%dma_start3A_276 : memref<640xf32, #tpu.memory_space<vmem_shared>>) target_semaphore(%run_scoped3A : memref<!tpu.dma_semaphore, #tpu.memory_space<semaphore_mem>>)
      %dma_wait3A = tpu.memref_slice %arg35[%mul3A_2] : memref<10240xf32, #tpu.memory_space<vmem_shared>> -> memref<640xf32, #tpu.memory_space<vmem_shared>>
      %dma_wait3A_277 = tpu.memref_slice %arg35[%mul3A_2] : memref<10240xf32, #tpu.memory_space<vmem_shared>> -> memref<640xf32, #tpu.memory_space<vmem_shared>>
      tpu.wait_dma2 semaphore(%run_scoped3A : memref<!tpu.dma_semaphore, #tpu.memory_space<semaphore_mem>>) src(%arg25 : memref<640xf32, #tpu.memory_space<vmem>>) dst(%dma_wait3A_277 : memref<640xf32, #tpu.memory_space<vmem_shared>>)
      tpu.yield
    }) : () -> ()
    %barrier3A_63 = arith.constant 0 : index
    tpu.barrier barrier_id(%barrier3A_63)
    %parallel_loop3A_64 = arith.constant 0 : i32
    %parallel_loop3A_65 = arith.constant 20000 : i32
    %parallel_loop3A_66 = arith.constant 16 : i32
    scf.for %parallel_loop3A_276 = %parallel_loop3A_64 to %parallel_loop3A_65 step %parallel_loop3A_66  : i32 {
      %parallel_loop3A_277 = arith.index_cast %parallel_loop3A_276 : i32 to index
      %parallel_loop3A_278 = tpu.vector_load %arg17[%parallel_loop3A_277] {strides = array<i32>} : memref<20000xi32, #tpu.memory_space<vmem>>, vector<16xi32>,
      %parallel_loop3A_279 = tpu.vector_load_idx %arg22[%parallel_loop3A_278] : memref<10240xf32, #tpu.memory_space<vmem>>[vector<16xi32>], vector<16xf32>,
      %parallel_loop3A_280 = arith.index_cast %parallel_loop3A_276 : i32 to index
      %parallel_loop3A_281 = tpu.vector_load %arg20[%parallel_loop3A_280] {strides = array<i32>} : memref<20000xf32, #tpu.memory_space<vmem>>, vector<16xf32>,
      %parallel_loop3A_282 = arith.mulf %parallel_loop3A_281, %parallel_loop3A_279 : vector<16xf32>
      %parallel_loop3A_283 = arith.index_cast %parallel_loop3A_276 : i32 to index
      %parallel_loop3A_284 = tpu.vector_load %arg21[%parallel_loop3A_283] {strides = array<i32>} : memref<20000xf32, #tpu.memory_space<vmem>>, vector<16xf32>,
      tpu.vector_store %arg21[%parallel_loop3A_283], %parallel_loop3A_282 {strides = array<i32>} : memref<20000xf32, #tpu.memory_space<vmem>>, vector<16xf32>,
    } {sc.loop_unroll_factor = 8 : i64, sc.parallel_access}
    "tpu.region"() ({
      %run_scoped3A = tpu.sem_alloc : memref<!tpu.dma_semaphore, #tpu.memory_space<semaphore_mem>>
      %dma_start3A = arith.constant 0 : i32
      %dma_start3A_276 = tpu.memref_slice %arg35[%dma_start3A] : memref<10240xf32, #tpu.memory_space<vmem_shared>> -> memref<10240xf32, #tpu.memory_space<vmem_shared>>
      tpu.enqueue_indirect_dma source(%arg21 : memref<20000xf32, #tpu.memory_space<vmem>>) target(%dma_start3A_276 : memref<10240xf32, #tpu.memory_space<vmem_shared>>) offsets(%arg18 : memref<20000xi32, #tpu.memory_space<vmem>>) semaphore(%run_scoped3A : memref<!tpu.dma_semaphore, #tpu.memory_space<semaphore_mem>>) {add = true}
      %dma_wait3A = arith.constant 0 : i32
      %dma_wait3A_277 = tpu.memref_slice %arg35[%dma_wait3A] : memref<10240xf32, #tpu.memory_space<vmem_shared>> -> memref<10240xf32, #tpu.memory_space<vmem_shared>>
      tpu.wait_indirect_dma semaphore(%run_scoped3A : memref<!tpu.dma_semaphore, #tpu.memory_space<semaphore_mem>>) src(%arg21 : memref<20000xf32, #tpu.memory_space<vmem>>) dst(%dma_wait3A_277 : memref<10240xf32, #tpu.memory_space<vmem_shared>>)
      tpu.yield
    }) : () -> ()
    %barrier3A_67 = arith.constant 0 : index
    tpu.barrier barrier_id(%barrier3A_67)
    "tpu.region"() ({
      %run_scoped3A = tpu.sem_alloc : memref<!tpu.dma_semaphore, #tpu.memory_space<semaphore_mem>>
      tpu.enqueue_dma source(%arg35 : memref<10240xf32, #tpu.memory_space<vmem_shared>>) target(%arg22 : memref<10240xf32, #tpu.memory_space<vmem>>) target_semaphore(%run_scoped3A : memref<!tpu.dma_semaphore, #tpu.memory_space<semaphore_mem>>)
      tpu.wait_dma2 semaphore(%run_scoped3A : memref<!tpu.dma_semaphore, #tpu.memory_space<semaphore_mem>>) src(%arg35 : memref<10240xf32, #tpu.memory_space<vmem_shared>>) dst(%arg22 : memref<10240xf32, #tpu.memory_space<vmem>>)
      tpu.yield
    }) : () -> ()
    %parallel_loop3A_68 = arith.constant 0 : i32
    %parallel_loop3A_69 = arith.constant 640 : i32
    %parallel_loop3A_70 = arith.constant 16 : i32
    scf.for %parallel_loop3A_276 = %parallel_loop3A_68 to %parallel_loop3A_69 step %parallel_loop3A_70  : i32 {
      %parallel_loop3A_277 = arith.index_cast %parallel_loop3A_276 : i32 to index
      %parallel_loop3A_278 = tpu.vector_load %arg24[%parallel_loop3A_277] {strides = array<i32>} : memref<640xf32, #tpu.memory_space<vmem>>, vector<16xf32>,
      %parallel_loop3A_279 = arith.addi %mul3A_2, %parallel_loop3A_276 : i32
      %parallel_loop3A_280 = arith.index_cast %parallel_loop3A_279 : i32 to index
      %parallel_loop3A_281 = tpu.vector_load %arg22[%parallel_loop3A_280] {strides = array<i32>} : memref<10240xf32, #tpu.memory_space<vmem>>, vector<16xf32>,
      %parallel_loop3A_282 = arith.addf %parallel_loop3A_278, %parallel_loop3A_281 : vector<16xf32>
      %parallel_loop3A_283 = arith.index_cast %parallel_loop3A_276 : i32 to index
      %parallel_loop3A_284 = tpu.vector_load %arg24[%parallel_loop3A_283] {strides = array<i32>} : memref<640xf32, #tpu.memory_space<vmem>>, vector<16xf32>,
      tpu.vector_store %arg24[%parallel_loop3A_283], %parallel_loop3A_282 {strides = array<i32>} : memref<640xf32, #tpu.memory_space<vmem>>, vector<16xf32>,
    } {sc.loop_unroll_factor = 2 : i64, sc.parallel_access}
    %barrier3A_71 = arith.constant 0 : index
    tpu.barrier barrier_id(%barrier3A_71)
    "tpu.region"() ({
      %run_scoped3A = tpu.sem_alloc : memref<!tpu.dma_semaphore, #tpu.memory_space<semaphore_mem>>
      %dma_start3A = tpu.memref_slice %arg35[%mul3A_2] : memref<10240xf32, #tpu.memory_space<vmem_shared>> -> memref<640xf32, #tpu.memory_space<vmem_shared>>
      %dma_start3A_276 = tpu.memref_slice %arg35[%mul3A_2] : memref<10240xf32, #tpu.memory_space<vmem_shared>> -> memref<640xf32, #tpu.memory_space<vmem_shared>>
      tpu.enqueue_dma source(%arg25 : memref<640xf32, #tpu.memory_space<vmem>>) target(%dma_start3A_276 : memref<640xf32, #tpu.memory_space<vmem_shared>>) target_semaphore(%run_scoped3A : memref<!tpu.dma_semaphore, #tpu.memory_space<semaphore_mem>>)
      %dma_wait3A = tpu.memref_slice %arg35[%mul3A_2] : memref<10240xf32, #tpu.memory_space<vmem_shared>> -> memref<640xf32, #tpu.memory_space<vmem_shared>>
      %dma_wait3A_277 = tpu.memref_slice %arg35[%mul3A_2] : memref<10240xf32, #tpu.memory_space<vmem_shared>> -> memref<640xf32, #tpu.memory_space<vmem_shared>>
      tpu.wait_dma2 semaphore(%run_scoped3A : memref<!tpu.dma_semaphore, #tpu.memory_space<semaphore_mem>>) src(%arg25 : memref<640xf32, #tpu.memory_space<vmem>>) dst(%dma_wait3A_277 : memref<640xf32, #tpu.memory_space<vmem_shared>>)
      tpu.yield
    }) : () -> ()
    %barrier3A_72 = arith.constant 0 : index
    tpu.barrier barrier_id(%barrier3A_72)
    %parallel_loop3A_73 = arith.constant 0 : i32
    %parallel_loop3A_74 = arith.constant 20000 : i32
    %parallel_loop3A_75 = arith.constant 16 : i32
    scf.for %parallel_loop3A_276 = %parallel_loop3A_73 to %parallel_loop3A_74 step %parallel_loop3A_75  : i32 {
      %parallel_loop3A_277 = arith.index_cast %parallel_loop3A_276 : i32 to index
      %parallel_loop3A_278 = tpu.vector_load %arg17[%parallel_loop3A_277] {strides = array<i32>} : memref<20000xi32, #tpu.memory_space<vmem>>, vector<16xi32>,
      %parallel_loop3A_279 = tpu.vector_load_idx %arg22[%parallel_loop3A_278] : memref<10240xf32, #tpu.memory_space<vmem>>[vector<16xi32>], vector<16xf32>,
      %parallel_loop3A_280 = arith.index_cast %parallel_loop3A_276 : i32 to index
      %parallel_loop3A_281 = tpu.vector_load %arg20[%parallel_loop3A_280] {strides = array<i32>} : memref<20000xf32, #tpu.memory_space<vmem>>, vector<16xf32>,
      %parallel_loop3A_282 = arith.mulf %parallel_loop3A_281, %parallel_loop3A_279 : vector<16xf32>
      %parallel_loop3A_283 = arith.index_cast %parallel_loop3A_276 : i32 to index
      %parallel_loop3A_284 = tpu.vector_load %arg21[%parallel_loop3A_283] {strides = array<i32>} : memref<20000xf32, #tpu.memory_space<vmem>>, vector<16xf32>,
      tpu.vector_store %arg21[%parallel_loop3A_283], %parallel_loop3A_282 {strides = array<i32>} : memref<20000xf32, #tpu.memory_space<vmem>>, vector<16xf32>,
    } {sc.loop_unroll_factor = 8 : i64, sc.parallel_access}
    "tpu.region"() ({
      %run_scoped3A = tpu.sem_alloc : memref<!tpu.dma_semaphore, #tpu.memory_space<semaphore_mem>>
      %dma_start3A = arith.constant 0 : i32
      %dma_start3A_276 = tpu.memref_slice %arg35[%dma_start3A] : memref<10240xf32, #tpu.memory_space<vmem_shared>> -> memref<10240xf32, #tpu.memory_space<vmem_shared>>
      tpu.enqueue_indirect_dma source(%arg21 : memref<20000xf32, #tpu.memory_space<vmem>>) target(%dma_start3A_276 : memref<10240xf32, #tpu.memory_space<vmem_shared>>) offsets(%arg18 : memref<20000xi32, #tpu.memory_space<vmem>>) semaphore(%run_scoped3A : memref<!tpu.dma_semaphore, #tpu.memory_space<semaphore_mem>>) {add = true}
      %dma_wait3A = arith.constant 0 : i32
      %dma_wait3A_277 = tpu.memref_slice %arg35[%dma_wait3A] : memref<10240xf32, #tpu.memory_space<vmem_shared>> -> memref<10240xf32, #tpu.memory_space<vmem_shared>>
      tpu.wait_indirect_dma semaphore(%run_scoped3A : memref<!tpu.dma_semaphore, #tpu.memory_space<semaphore_mem>>) src(%arg21 : memref<20000xf32, #tpu.memory_space<vmem>>) dst(%dma_wait3A_277 : memref<10240xf32, #tpu.memory_space<vmem_shared>>)
      tpu.yield
    }) : () -> ()
    %barrier3A_76 = arith.constant 0 : index
    tpu.barrier barrier_id(%barrier3A_76)
    "tpu.region"() ({
      %run_scoped3A = tpu.sem_alloc : memref<!tpu.dma_semaphore, #tpu.memory_space<semaphore_mem>>
      tpu.enqueue_dma source(%arg35 : memref<10240xf32, #tpu.memory_space<vmem_shared>>) target(%arg22 : memref<10240xf32, #tpu.memory_space<vmem>>) target_semaphore(%run_scoped3A : memref<!tpu.dma_semaphore, #tpu.memory_space<semaphore_mem>>)
      tpu.wait_dma2 semaphore(%run_scoped3A : memref<!tpu.dma_semaphore, #tpu.memory_space<semaphore_mem>>) src(%arg35 : memref<10240xf32, #tpu.memory_space<vmem_shared>>) dst(%arg22 : memref<10240xf32, #tpu.memory_space<vmem>>)
      tpu.yield
    }) : () -> ()
    %parallel_loop3A_77 = arith.constant 0 : i32
    %parallel_loop3A_78 = arith.constant 640 : i32
    %parallel_loop3A_79 = arith.constant 16 : i32
    scf.for %parallel_loop3A_276 = %parallel_loop3A_77 to %parallel_loop3A_78 step %parallel_loop3A_79  : i32 {
      %parallel_loop3A_277 = arith.index_cast %parallel_loop3A_276 : i32 to index
      %parallel_loop3A_278 = tpu.vector_load %arg24[%parallel_loop3A_277] {strides = array<i32>} : memref<640xf32, #tpu.memory_space<vmem>>, vector<16xf32>,
      %parallel_loop3A_279 = arith.addi %mul3A_2, %parallel_loop3A_276 : i32
      %parallel_loop3A_280 = arith.index_cast %parallel_loop3A_279 : i32 to index
      %parallel_loop3A_281 = tpu.vector_load %arg22[%parallel_loop3A_280] {strides = array<i32>} : memref<10240xf32, #tpu.memory_space<vmem>>, vector<16xf32>,
      %parallel_loop3A_282 = arith.addf %parallel_loop3A_278, %parallel_loop3A_281 : vector<16xf32>
      %parallel_loop3A_283 = arith.index_cast %parallel_loop3A_276 : i32 to index
      %parallel_loop3A_284 = tpu.vector_load %arg24[%parallel_loop3A_283] {strides = array<i32>} : memref<640xf32, #tpu.memory_space<vmem>>, vector<16xf32>,
      tpu.vector_store %arg24[%parallel_loop3A_283], %parallel_loop3A_282 {strides = array<i32>} : memref<640xf32, #tpu.memory_space<vmem>>, vector<16xf32>,
    } {sc.loop_unroll_factor = 2 : i64, sc.parallel_access}
    %barrier3A_80 = arith.constant 0 : index
    tpu.barrier barrier_id(%barrier3A_80)
    "tpu.region"() ({
      %run_scoped3A = tpu.sem_alloc : memref<!tpu.dma_semaphore, #tpu.memory_space<semaphore_mem>>
      %dma_start3A = tpu.memref_slice %arg35[%mul3A_2] : memref<10240xf32, #tpu.memory_space<vmem_shared>> -> memref<640xf32, #tpu.memory_space<vmem_shared>>
      %dma_start3A_276 = tpu.memref_slice %arg35[%mul3A_2] : memref<10240xf32, #tpu.memory_space<vmem_shared>> -> memref<640xf32, #tpu.memory_space<vmem_shared>>
      tpu.enqueue_dma source(%arg25 : memref<640xf32, #tpu.memory_space<vmem>>) target(%dma_start3A_276 : memref<640xf32, #tpu.memory_space<vmem_shared>>) target_semaphore(%run_scoped3A : memref<!tpu.dma_semaphore, #tpu.memory_space<semaphore_mem>>)
      %dma_wait3A = tpu.memref_slice %arg35[%mul3A_2] : memref<10240xf32, #tpu.memory_space<vmem_shared>> -> memref<640xf32, #tpu.memory_space<vmem_shared>>
      %dma_wait3A_277 = tpu.memref_slice %arg35[%mul3A_2] : memref<10240xf32, #tpu.memory_space<vmem_shared>> -> memref<640xf32, #tpu.memory_space<vmem_shared>>
      tpu.wait_dma2 semaphore(%run_scoped3A : memref<!tpu.dma_semaphore, #tpu.memory_space<semaphore_mem>>) src(%arg25 : memref<640xf32, #tpu.memory_space<vmem>>) dst(%dma_wait3A_277 : memref<640xf32, #tpu.memory_space<vmem_shared>>)
      tpu.yield
    }) : () -> ()
    %barrier3A_81 = arith.constant 0 : index
    tpu.barrier barrier_id(%barrier3A_81)
    %parallel_loop3A_82 = arith.constant 0 : i32
    %parallel_loop3A_83 = arith.constant 20000 : i32
    %parallel_loop3A_84 = arith.constant 16 : i32
    scf.for %parallel_loop3A_276 = %parallel_loop3A_82 to %parallel_loop3A_83 step %parallel_loop3A_84  : i32 {
      %parallel_loop3A_277 = arith.index_cast %parallel_loop3A_276 : i32 to index
      %parallel_loop3A_278 = tpu.vector_load %arg17[%parallel_loop3A_277] {strides = array<i32>} : memref<20000xi32, #tpu.memory_space<vmem>>, vector<16xi32>,
      %parallel_loop3A_279 = tpu.vector_load_idx %arg22[%parallel_loop3A_278] : memref<10240xf32, #tpu.memory_space<vmem>>[vector<16xi32>], vector<16xf32>,
      %parallel_loop3A_280 = arith.index_cast %parallel_loop3A_276 : i32 to index
      %parallel_loop3A_281 = tpu.vector_load %arg20[%parallel_loop3A_280] {strides = array<i32>} : memref<20000xf32, #tpu.memory_space<vmem>>, vector<16xf32>,
      %parallel_loop3A_282 = arith.mulf %parallel_loop3A_281, %parallel_loop3A_279 : vector<16xf32>
      %parallel_loop3A_283 = arith.index_cast %parallel_loop3A_276 : i32 to index
      %parallel_loop3A_284 = tpu.vector_load %arg21[%parallel_loop3A_283] {strides = array<i32>} : memref<20000xf32, #tpu.memory_space<vmem>>, vector<16xf32>,
      tpu.vector_store %arg21[%parallel_loop3A_283], %parallel_loop3A_282 {strides = array<i32>} : memref<20000xf32, #tpu.memory_space<vmem>>, vector<16xf32>,
    } {sc.loop_unroll_factor = 8 : i64, sc.parallel_access}
    "tpu.region"() ({
      %run_scoped3A = tpu.sem_alloc : memref<!tpu.dma_semaphore, #tpu.memory_space<semaphore_mem>>
      %dma_start3A = arith.constant 0 : i32
      %dma_start3A_276 = tpu.memref_slice %arg35[%dma_start3A] : memref<10240xf32, #tpu.memory_space<vmem_shared>> -> memref<10240xf32, #tpu.memory_space<vmem_shared>>
      tpu.enqueue_indirect_dma source(%arg21 : memref<20000xf32, #tpu.memory_space<vmem>>) target(%dma_start3A_276 : memref<10240xf32, #tpu.memory_space<vmem_shared>>) offsets(%arg18 : memref<20000xi32, #tpu.memory_space<vmem>>) semaphore(%run_scoped3A : memref<!tpu.dma_semaphore, #tpu.memory_space<semaphore_mem>>) {add = true}
      %dma_wait3A = arith.constant 0 : i32
      %dma_wait3A_277 = tpu.memref_slice %arg35[%dma_wait3A] : memref<10240xf32, #tpu.memory_space<vmem_shared>> -> memref<10240xf32, #tpu.memory_space<vmem_shared>>
      tpu.wait_indirect_dma semaphore(%run_scoped3A : memref<!tpu.dma_semaphore, #tpu.memory_space<semaphore_mem>>) src(%arg21 : memref<20000xf32, #tpu.memory_space<vmem>>) dst(%dma_wait3A_277 : memref<10240xf32, #tpu.memory_space<vmem_shared>>)
      tpu.yield
    }) : () -> ()
    %barrier3A_85 = arith.constant 0 : index
    tpu.barrier barrier_id(%barrier3A_85)
    "tpu.region"() ({
      %run_scoped3A = tpu.sem_alloc : memref<!tpu.dma_semaphore, #tpu.memory_space<semaphore_mem>>
      tpu.enqueue_dma source(%arg35 : memref<10240xf32, #tpu.memory_space<vmem_shared>>) target(%arg22 : memref<10240xf32, #tpu.memory_space<vmem>>) target_semaphore(%run_scoped3A : memref<!tpu.dma_semaphore, #tpu.memory_space<semaphore_mem>>)
      tpu.wait_dma2 semaphore(%run_scoped3A : memref<!tpu.dma_semaphore, #tpu.memory_space<semaphore_mem>>) src(%arg35 : memref<10240xf32, #tpu.memory_space<vmem_shared>>) dst(%arg22 : memref<10240xf32, #tpu.memory_space<vmem>>)
      tpu.yield
    }) : () -> ()
    %parallel_loop3A_86 = arith.constant 0 : i32
    %parallel_loop3A_87 = arith.constant 640 : i32
    %parallel_loop3A_88 = arith.constant 16 : i32
    scf.for %parallel_loop3A_276 = %parallel_loop3A_86 to %parallel_loop3A_87 step %parallel_loop3A_88  : i32 {
      %parallel_loop3A_277 = arith.index_cast %parallel_loop3A_276 : i32 to index
      %parallel_loop3A_278 = tpu.vector_load %arg24[%parallel_loop3A_277] {strides = array<i32>} : memref<640xf32, #tpu.memory_space<vmem>>, vector<16xf32>,
      %parallel_loop3A_279 = arith.addi %mul3A_2, %parallel_loop3A_276 : i32
      %parallel_loop3A_280 = arith.index_cast %parallel_loop3A_279 : i32 to index
      %parallel_loop3A_281 = tpu.vector_load %arg22[%parallel_loop3A_280] {strides = array<i32>} : memref<10240xf32, #tpu.memory_space<vmem>>, vector<16xf32>,
      %parallel_loop3A_282 = arith.addf %parallel_loop3A_278, %parallel_loop3A_281 : vector<16xf32>
      %parallel_loop3A_283 = arith.index_cast %parallel_loop3A_276 : i32 to index
      %parallel_loop3A_284 = tpu.vector_load %arg24[%parallel_loop3A_283] {strides = array<i32>} : memref<640xf32, #tpu.memory_space<vmem>>, vector<16xf32>,
      tpu.vector_store %arg24[%parallel_loop3A_283], %parallel_loop3A_282 {strides = array<i32>} : memref<640xf32, #tpu.memory_space<vmem>>, vector<16xf32>,
    } {sc.loop_unroll_factor = 2 : i64, sc.parallel_access}
    %barrier3A_89 = arith.constant 0 : index
    tpu.barrier barrier_id(%barrier3A_89)
    %parallel_loop3A_90 = arith.constant 0 : i32
    %parallel_loop3A_91 = arith.constant 640 : i32
    %parallel_loop3A_92 = arith.constant 16 : i32
    scf.for %parallel_loop3A_276 = %parallel_loop3A_90 to %parallel_loop3A_91 step %parallel_loop3A_92  : i32 {
      %parallel_loop3A_277 = arith.index_cast %parallel_loop3A_276 : i32 to index
      %parallel_loop3A_278 = tpu.vector_load %arg28[%parallel_loop3A_277] {strides = array<i32>} : memref<640xf32, #tpu.memory_space<vmem>>, vector<16xf32>,
      %parallel_loop3A_279 = arith.constant 0 : index
      %parallel_loop3A_280 = tpu.vector_load %arg27[%parallel_loop3A_279] {strides = array<i32>} : memref<48xf32, #tpu.memory_space<vmem>>, vector<16xf32>,
      %parallel_loop3A_281 = arith.subf %parallel_loop3A_278, %parallel_loop3A_280 : vector<16xf32>
      %parallel_loop3A_282 = arith.index_cast %parallel_loop3A_276 : i32 to index
      %parallel_loop3A_283 = tpu.vector_load %arg29[%parallel_loop3A_282] {strides = array<i32>} : memref<640xf32, #tpu.memory_space<vmem>>, vector<16xf32>,
      %parallel_loop3A_284 = arith.constant 16 : index
      %parallel_loop3A_285 = tpu.vector_load %arg27[%parallel_loop3A_284] {strides = array<i32>} : memref<48xf32, #tpu.memory_space<vmem>>, vector<16xf32>,
      %parallel_loop3A_286 = arith.subf %parallel_loop3A_283, %parallel_loop3A_285 : vector<16xf32>
      %parallel_loop3A_287 = arith.index_cast %parallel_loop3A_276 : i32 to index
      %parallel_loop3A_288 = tpu.vector_load %arg30[%parallel_loop3A_287] {strides = array<i32>} : memref<640xf32, #tpu.memory_space<vmem>>, vector<16xf32>,
      %parallel_loop3A_289 = arith.constant 32 : index
      %parallel_loop3A_290 = tpu.vector_load %arg27[%parallel_loop3A_289] {strides = array<i32>} : memref<48xf32, #tpu.memory_space<vmem>>, vector<16xf32>,
      %parallel_loop3A_291 = arith.subf %parallel_loop3A_288, %parallel_loop3A_290 : vector<16xf32>
      %parallel_loop3A_292 = arith.mulf %parallel_loop3A_281, %parallel_loop3A_281 : vector<16xf32>
      %parallel_loop3A_293 = arith.mulf %parallel_loop3A_286, %parallel_loop3A_286 : vector<16xf32>
      %parallel_loop3A_294 = arith.addf %parallel_loop3A_292, %parallel_loop3A_293 : vector<16xf32>
      %parallel_loop3A_295 = arith.mulf %parallel_loop3A_291, %parallel_loop3A_291 : vector<16xf32>
      %parallel_loop3A_296 = arith.addf %parallel_loop3A_294, %parallel_loop3A_295 : vector<16xf32>
      %parallel_loop3A_297 = vector.bitcast %parallel_loop3A_296 : vector<16xf32> to vector<16xi32>
      %parallel_loop3A_298 = arith.constant 1 : i32
      %parallel_loop3A_299 = vector.broadcast %parallel_loop3A_298 : i32 to vector<16xi32>
      %parallel_loop3A_300 = arith.shrui %parallel_loop3A_297, %parallel_loop3A_299 : vector<16xi32>
      %parallel_loop3A_301 = arith.constant 532487669 : i32
      %parallel_loop3A_302 = vector.broadcast %parallel_loop3A_301 : i32 to vector<16xi32>
      %parallel_loop3A_303 = arith.addi %parallel_loop3A_302, %parallel_loop3A_300 : vector<16xi32>
      %parallel_loop3A_304 = vector.bitcast %parallel_loop3A_303 : vector<16xi32> to vector<16xf32>
      %parallel_loop3A_305 = arith.divf %parallel_loop3A_296, %parallel_loop3A_304 : vector<16xf32>
      %parallel_loop3A_306 = arith.addf %parallel_loop3A_304, %parallel_loop3A_305 : vector<16xf32>
      %parallel_loop3A_307 = arith.constant 5.000000e-01 : f32
      %parallel_loop3A_308 = vector.broadcast %parallel_loop3A_307 : f32 to vector<16xf32>
      %parallel_loop3A_309 = arith.mulf %parallel_loop3A_308, %parallel_loop3A_306 : vector<16xf32>
      %parallel_loop3A_310 = arith.divf %parallel_loop3A_296, %parallel_loop3A_309 : vector<16xf32>
      %parallel_loop3A_311 = arith.addf %parallel_loop3A_309, %parallel_loop3A_310 : vector<16xf32>
      %parallel_loop3A_312 = arith.constant 5.000000e-01 : f32
      %parallel_loop3A_313 = vector.broadcast %parallel_loop3A_312 : f32 to vector<16xf32>
      %parallel_loop3A_314 = arith.mulf %parallel_loop3A_313, %parallel_loop3A_311 : vector<16xf32>
      %parallel_loop3A_315 = arith.divf %parallel_loop3A_296, %parallel_loop3A_314 : vector<16xf32>
      %parallel_loop3A_316 = arith.addf %parallel_loop3A_314, %parallel_loop3A_315 : vector<16xf32>
      %parallel_loop3A_317 = arith.constant 5.000000e-01 : f32
      %parallel_loop3A_318 = vector.broadcast %parallel_loop3A_317 : f32 to vector<16xf32>
      %parallel_loop3A_319 = arith.mulf %parallel_loop3A_318, %parallel_loop3A_316 : vector<16xf32>
      %parallel_loop3A_320 = arith.constant -1.000000e-03 : f32
      %parallel_loop3A_321 = vector.broadcast %parallel_loop3A_320 : f32 to vector<16xf32>
      %parallel_loop3A_322 = arith.mulf %parallel_loop3A_321, %parallel_loop3A_319 : vector<16xf32>
      %parallel_loop3A_323 = math.exp %parallel_loop3A_322 : vector<16xf32>
      %parallel_loop3A_324 = arith.index_cast %parallel_loop3A_276 : i32 to index
      %parallel_loop3A_325 = tpu.vector_load %arg24[%parallel_loop3A_324] {strides = array<i32>} : memref<640xf32, #tpu.memory_space<vmem>>, vector<16xf32>,
      %parallel_loop3A_326 = arith.index_cast %parallel_loop3A_276 : i32 to index
      %parallel_loop3A_327 = tpu.vector_load %arg31[%parallel_loop3A_326] {strides = array<i32>} : memref<640xf32, #tpu.memory_space<vmem>>, vector<16xf32>,
      %parallel_loop3A_328 = arith.mulf %parallel_loop3A_325, %parallel_loop3A_327 : vector<16xf32>
      %parallel_loop3A_329 = arith.constant 1.000000e+00 : f32
      %parallel_loop3A_330 = vector.broadcast %parallel_loop3A_329 : f32 to vector<16xf32>
      %parallel_loop3A_331 = arith.addf %parallel_loop3A_296, %parallel_loop3A_330 : vector<16xf32>
      %parallel_loop3A_332 = arith.divf %parallel_loop3A_328, %parallel_loop3A_331 : vector<16xf32>
      %parallel_loop3A_333 = arith.mulf %parallel_loop3A_332, %parallel_loop3A_323 : vector<16xf32>
      %parallel_loop3A_334 = arith.index_cast %parallel_loop3A_276 : i32 to index
      %parallel_loop3A_335 = tpu.vector_load %arg28[%parallel_loop3A_334] {strides = array<i32>} : memref<640xf32, #tpu.memory_space<vmem>>, vector<16xf32>,
      tpu.vector_store %arg28[%parallel_loop3A_334], %parallel_loop3A_333 {strides = array<i32>} : memref<640xf32, #tpu.memory_space<vmem>>, vector<16xf32>,
      %parallel_loop3A_336 = arith.index_cast %parallel_loop3A_276 : i32 to index
      %parallel_loop3A_337 = tpu.vector_load %arg25[%parallel_loop3A_336] {strides = array<i32>} : memref<640xf32, #tpu.memory_space<vmem>>, vector<16xf32>,
      tpu.vector_store %arg25[%parallel_loop3A_336], %parallel_loop3A_323 {strides = array<i32>} : memref<640xf32, #tpu.memory_space<vmem>>, vector<16xf32>,
    } {sc.loop_unroll_factor = 2 : i64, sc.parallel_access}
    %iota3A = tpu.iota {dimensions = array<i32: 0>} : vector<16xi32>
    %eq3A_93 = arith.constant 0 : i32
    %eq3A_94 = vector.broadcast %eq3A_93 : i32 to vector<16xi32>
    %eq3A_95 = arith.cmpi eq, %iota3A, %eq3A_94 : vector<16xi32>
    %get3A = arith.constant 0 : index
    %get3A_96 = tpu.vector_load %arg25[%get3A] {strides = array<i32>} : memref<640xf32, #tpu.memory_space<vmem>>, vector<16xf32>,
    %get3A_97 = arith.constant 16 : index
    %get3A_98 = tpu.vector_load %arg25[%get3A_97] {strides = array<i32>} : memref<640xf32, #tpu.memory_space<vmem>>, vector<16xf32>,
    %get3A_99 = arith.constant 32 : index
    %get3A_100 = tpu.vector_load %arg25[%get3A_99] {strides = array<i32>} : memref<640xf32, #tpu.memory_space<vmem>>, vector<16xf32>,
    %get3A_101 = arith.constant 48 : index
    %get3A_102 = tpu.vector_load %arg25[%get3A_101] {strides = array<i32>} : memref<640xf32, #tpu.memory_space<vmem>>, vector<16xf32>,
    %get3A_103 = arith.constant 64 : index
    %get3A_104 = tpu.vector_load %arg25[%get3A_103] {strides = array<i32>} : memref<640xf32, #tpu.memory_space<vmem>>, vector<16xf32>,
    %get3A_105 = arith.constant 80 : index
    %get3A_106 = tpu.vector_load %arg25[%get3A_105] {strides = array<i32>} : memref<640xf32, #tpu.memory_space<vmem>>, vector<16xf32>,
    %get3A_107 = arith.constant 96 : index
    %get3A_108 = tpu.vector_load %arg25[%get3A_107] {strides = array<i32>} : memref<640xf32, #tpu.memory_space<vmem>>, vector<16xf32>,
    %get3A_109 = arith.constant 112 : index
    %get3A_110 = tpu.vector_load %arg25[%get3A_109] {strides = array<i32>} : memref<640xf32, #tpu.memory_space<vmem>>, vector<16xf32>,
    %get3A_111 = arith.constant 128 : index
    %get3A_112 = tpu.vector_load %arg25[%get3A_111] {strides = array<i32>} : memref<640xf32, #tpu.memory_space<vmem>>, vector<16xf32>,
    %get3A_113 = arith.constant 144 : index
    %get3A_114 = tpu.vector_load %arg25[%get3A_113] {strides = array<i32>} : memref<640xf32, #tpu.memory_space<vmem>>, vector<16xf32>,
    %get3A_115 = arith.constant 160 : index
    %get3A_116 = tpu.vector_load %arg25[%get3A_115] {strides = array<i32>} : memref<640xf32, #tpu.memory_space<vmem>>, vector<16xf32>,
    %get3A_117 = arith.constant 176 : index
    %get3A_118 = tpu.vector_load %arg25[%get3A_117] {strides = array<i32>} : memref<640xf32, #tpu.memory_space<vmem>>, vector<16xf32>,
    %get3A_119 = arith.constant 192 : index
    %get3A_120 = tpu.vector_load %arg25[%get3A_119] {strides = array<i32>} : memref<640xf32, #tpu.memory_space<vmem>>, vector<16xf32>,
    %get3A_121 = arith.constant 208 : index
    %get3A_122 = tpu.vector_load %arg25[%get3A_121] {strides = array<i32>} : memref<640xf32, #tpu.memory_space<vmem>>, vector<16xf32>,
    %get3A_123 = arith.constant 224 : index
    %get3A_124 = tpu.vector_load %arg25[%get3A_123] {strides = array<i32>} : memref<640xf32, #tpu.memory_space<vmem>>, vector<16xf32>,
    %get3A_125 = arith.constant 240 : index
    %get3A_126 = tpu.vector_load %arg25[%get3A_125] {strides = array<i32>} : memref<640xf32, #tpu.memory_space<vmem>>, vector<16xf32>,
    %get3A_127 = arith.constant 256 : index
    %get3A_128 = tpu.vector_load %arg25[%get3A_127] {strides = array<i32>} : memref<640xf32, #tpu.memory_space<vmem>>, vector<16xf32>,
    %get3A_129 = arith.constant 272 : index
    %get3A_130 = tpu.vector_load %arg25[%get3A_129] {strides = array<i32>} : memref<640xf32, #tpu.memory_space<vmem>>, vector<16xf32>,
    %get3A_131 = arith.constant 288 : index
    %get3A_132 = tpu.vector_load %arg25[%get3A_131] {strides = array<i32>} : memref<640xf32, #tpu.memory_space<vmem>>, vector<16xf32>,
    %get3A_133 = arith.constant 304 : index
    %get3A_134 = tpu.vector_load %arg25[%get3A_133] {strides = array<i32>} : memref<640xf32, #tpu.memory_space<vmem>>, vector<16xf32>,
    %get3A_135 = arith.constant 0 : index
    %get3A_136 = tpu.vector_load %arg28[%get3A_135] {strides = array<i32>} : memref<640xf32, #tpu.memory_space<vmem>>, vector<16xf32>,
    %get3A_137 = arith.constant 16 : index
    %get3A_138 = tpu.vector_load %arg28[%get3A_137] {strides = array<i32>} : memref<640xf32, #tpu.memory_space<vmem>>, vector<16xf32>,
    %get3A_139 = arith.constant 32 : index
    %get3A_140 = tpu.vector_load %arg28[%get3A_139] {strides = array<i32>} : memref<640xf32, #tpu.memory_space<vmem>>, vector<16xf32>,
    %get3A_141 = arith.constant 48 : index
    %get3A_142 = tpu.vector_load %arg28[%get3A_141] {strides = array<i32>} : memref<640xf32, #tpu.memory_space<vmem>>, vector<16xf32>,
    %get3A_143 = arith.constant 64 : index
    %get3A_144 = tpu.vector_load %arg28[%get3A_143] {strides = array<i32>} : memref<640xf32, #tpu.memory_space<vmem>>, vector<16xf32>,
    %get3A_145 = arith.constant 80 : index
    %get3A_146 = tpu.vector_load %arg28[%get3A_145] {strides = array<i32>} : memref<640xf32, #tpu.memory_space<vmem>>, vector<16xf32>,
    %get3A_147 = arith.constant 96 : index
    %get3A_148 = tpu.vector_load %arg28[%get3A_147] {strides = array<i32>} : memref<640xf32, #tpu.memory_space<vmem>>, vector<16xf32>,
    %get3A_149 = arith.constant 112 : index
    %get3A_150 = tpu.vector_load %arg28[%get3A_149] {strides = array<i32>} : memref<640xf32, #tpu.memory_space<vmem>>, vector<16xf32>,
    %get3A_151 = arith.constant 128 : index
    %get3A_152 = tpu.vector_load %arg28[%get3A_151] {strides = array<i32>} : memref<640xf32, #tpu.memory_space<vmem>>, vector<16xf32>,
    %get3A_153 = arith.constant 144 : index
    %get3A_154 = tpu.vector_load %arg28[%get3A_153] {strides = array<i32>} : memref<640xf32, #tpu.memory_space<vmem>>, vector<16xf32>,
    %get3A_155 = arith.constant 160 : index
    %get3A_156 = tpu.vector_load %arg28[%get3A_155] {strides = array<i32>} : memref<640xf32, #tpu.memory_space<vmem>>, vector<16xf32>,
    %get3A_157 = arith.constant 176 : index
    %get3A_158 = tpu.vector_load %arg28[%get3A_157] {strides = array<i32>} : memref<640xf32, #tpu.memory_space<vmem>>, vector<16xf32>,
    %get3A_159 = arith.constant 192 : index
    %get3A_160 = tpu.vector_load %arg28[%get3A_159] {strides = array<i32>} : memref<640xf32, #tpu.memory_space<vmem>>, vector<16xf32>,
    %get3A_161 = arith.constant 208 : index
    %get3A_162 = tpu.vector_load %arg28[%get3A_161] {strides = array<i32>} : memref<640xf32, #tpu.memory_space<vmem>>, vector<16xf32>,
    %get3A_163 = arith.constant 224 : index
    %get3A_164 = tpu.vector_load %arg28[%get3A_163] {strides = array<i32>} : memref<640xf32, #tpu.memory_space<vmem>>, vector<16xf32>,
    %get3A_165 = arith.constant 240 : index
    %get3A_166 = tpu.vector_load %arg28[%get3A_165] {strides = array<i32>} : memref<640xf32, #tpu.memory_space<vmem>>, vector<16xf32>,
    %get3A_167 = arith.constant 256 : index
    %get3A_168 = tpu.vector_load %arg28[%get3A_167] {strides = array<i32>} : memref<640xf32, #tpu.memory_space<vmem>>, vector<16xf32>,
    %get3A_169 = arith.constant 272 : index
    %get3A_170 = tpu.vector_load %arg28[%get3A_169] {strides = array<i32>} : memref<640xf32, #tpu.memory_space<vmem>>, vector<16xf32>,
    %get3A_171 = arith.constant 288 : index
    %get3A_172 = tpu.vector_load %arg28[%get3A_171] {strides = array<i32>} : memref<640xf32, #tpu.memory_space<vmem>>, vector<16xf32>,
    %get3A_173 = arith.constant 304 : index
    %get3A_174 = tpu.vector_load %arg28[%get3A_173] {strides = array<i32>} : memref<640xf32, #tpu.memory_space<vmem>>, vector<16xf32>,
    %scan3A = arith.constant 0 : i32
    %scan3A_175 = arith.constant 128 : i32
    %scan3A_176 = arith.addi %scan3A, %scan3A_175 : i32
    %scan3A_177 = arith.constant 1 : i32
    %scan3A_178:20 = scf.for %scan3A_276 = %scan3A to %scan3A_176 step %scan3A_177 iter_args(%scan3A_277 = %get3A_136, %scan3A_278 = %get3A_138, %scan3A_279 = %get3A_140, %scan3A_280 = %get3A_142, %scan3A_281 = %get3A_144, %scan3A_282 = %get3A_146, %scan3A_283 = %get3A_148, %scan3A_284 = %get3A_150, %scan3A_285 = %get3A_152, %scan3A_286 = %get3A_154, %scan3A_287 = %get3A_156, %scan3A_288 = %get3A_158, %scan3A_289 = %get3A_160, %scan3A_290 = %get3A_162, %scan3A_291 = %get3A_164, %scan3A_292 = %get3A_166, %scan3A_293 = %get3A_168, %scan3A_294 = %get3A_170, %scan3A_295 = %get3A_172, %scan3A_296 = %get3A_174) -> (vector<16xf32>, vector<16xf32>, vector<16xf32>, vector<16xf32>, vector<16xf32>, vector<16xf32>, vector<16xf32>, vector<16xf32>, vector<16xf32>, vector<16xf32>, vector<16xf32>, vector<16xf32>, vector<16xf32>, vector<16xf32>, vector<16xf32>, vector<16xf32>, vector<16xf32>, vector<16xf32>, vector<16xf32>, vector<16xf32>)  : i32 {
      %add3A = arith.addf %scan3A_277, %scan3A_278 : vector<16xf32>
      %add3A_297 = arith.addf %add3A, %scan3A_279 : vector<16xf32>
      %add3A_298 = arith.addf %add3A_297, %scan3A_280 : vector<16xf32>
      %add3A_299 = arith.addf %add3A_298, %scan3A_281 : vector<16xf32>
      %add3A_300 = arith.addf %add3A_299, %scan3A_282 : vector<16xf32>
      %add3A_301 = arith.addf %add3A_300, %scan3A_283 : vector<16xf32>
      %add3A_302 = arith.addf %add3A_301, %scan3A_284 : vector<16xf32>
      %add3A_303 = arith.addf %add3A_302, %scan3A_285 : vector<16xf32>
      %add3A_304 = arith.addf %add3A_303, %scan3A_286 : vector<16xf32>
      %add3A_305 = arith.addf %add3A_304, %scan3A_287 : vector<16xf32>
      %add3A_306 = arith.addf %add3A_305, %scan3A_288 : vector<16xf32>
      %add3A_307 = arith.addf %add3A_306, %scan3A_289 : vector<16xf32>
      %add3A_308 = arith.addf %add3A_307, %scan3A_290 : vector<16xf32>
      %add3A_309 = arith.addf %add3A_308, %scan3A_291 : vector<16xf32>
      %add3A_310 = arith.addf %add3A_309, %scan3A_292 : vector<16xf32>
      %add3A_311 = arith.addf %add3A_310, %scan3A_293 : vector<16xf32>
      %add3A_312 = arith.addf %add3A_311, %scan3A_294 : vector<16xf32>
      %add3A_313 = arith.addf %add3A_312, %scan3A_295 : vector<16xf32>
      %add3A_314 = arith.addf %add3A_313, %scan3A_296 : vector<16xf32>
      %reduce_sum3A = arith.constant true
      %reduce_sum3A_315 = vector.broadcast %reduce_sum3A : i1 to vector<16xi1>
      %reduce_sum3A_316 = tpu.scan <sum>, %add3A_314 masked %reduce_sum3A_315 : vector<16xf32>, vector<16xi1> -> vector<16xf32>
      %reduce_sum3A_317 = vector.extract %reduce_sum3A_316[15] : f32 from vector<16xf32>
      %broadcast_in_dim3A = vector.broadcast %reduce_sum3A_317 : f32 to vector<16xf32>
      %broadcast_in_dim3A_318 = vector.broadcast %scan3A_276 : i32 to vector<16xi32>
      tpu.vector_store_idx %arg32[%broadcast_in_dim3A_318], %broadcast_in_dim3A masked %eq3A_95 : memref<128xf32, #tpu.memory_space<vmem>>[vector<16xi32>], vector<16xf32>, vector<16xi1>
      %mul3A_319 = arith.mulf %scan3A_277, %get3A_96 : vector<16xf32>
      %mul3A_320 = arith.mulf %scan3A_278, %get3A_98 : vector<16xf32>
      %mul3A_321 = arith.mulf %scan3A_279, %get3A_100 : vector<16xf32>
      %mul3A_322 = arith.mulf %scan3A_280, %get3A_102 : vector<16xf32>
      %mul3A_323 = arith.mulf %scan3A_281, %get3A_104 : vector<16xf32>
      %mul3A_324 = arith.mulf %scan3A_282, %get3A_106 : vector<16xf32>
      %mul3A_325 = arith.mulf %scan3A_283, %get3A_108 : vector<16xf32>
      %mul3A_326 = arith.mulf %scan3A_284, %get3A_110 : vector<16xf32>
      %mul3A_327 = arith.mulf %scan3A_285, %get3A_112 : vector<16xf32>
      %mul3A_328 = arith.mulf %scan3A_286, %get3A_114 : vector<16xf32>
      %mul3A_329 = arith.mulf %scan3A_287, %get3A_116 : vector<16xf32>
      %mul3A_330 = arith.mulf %scan3A_288, %get3A_118 : vector<16xf32>
      %mul3A_331 = arith.mulf %scan3A_289, %get3A_120 : vector<16xf32>
      %mul3A_332 = arith.mulf %scan3A_290, %get3A_122 : vector<16xf32>
      %mul3A_333 = arith.mulf %scan3A_291, %get3A_124 : vector<16xf32>
      %mul3A_334 = arith.mulf %scan3A_292, %get3A_126 : vector<16xf32>
      %mul3A_335 = arith.mulf %scan3A_293, %get3A_128 : vector<16xf32>
      %mul3A_336 = arith.mulf %scan3A_294, %get3A_130 : vector<16xf32>
      %mul3A_337 = arith.mulf %scan3A_295, %get3A_132 : vector<16xf32>
      %mul3A_338 = arith.mulf %scan3A_296, %get3A_134 : vector<16xf32>
      scf.yield %mul3A_319, %mul3A_320, %mul3A_321, %mul3A_322, %mul3A_323, %mul3A_324, %mul3A_325, %mul3A_326, %mul3A_327, %mul3A_328, %mul3A_329, %mul3A_330, %mul3A_331, %mul3A_332, %mul3A_333, %mul3A_334, %mul3A_335, %mul3A_336, %mul3A_337, %mul3A_338 : vector<16xf32>, vector<16xf32>, vector<16xf32>, vector<16xf32>, vector<16xf32>, vector<16xf32>, vector<16xf32>, vector<16xf32>, vector<16xf32>, vector<16xf32>, vector<16xf32>, vector<16xf32>, vector<16xf32>, vector<16xf32>, vector<16xf32>, vector<16xf32>, vector<16xf32>, vector<16xf32>, vector<16xf32>, vector<16xf32>
    }
    %scan3A_179 = arith.constant 128 : i32
    %get3A_180 = arith.constant 320 : index
    %get3A_181 = tpu.vector_load %arg25[%get3A_180] {strides = array<i32>} : memref<640xf32, #tpu.memory_space<vmem>>, vector<16xf32>,
    %get3A_182 = arith.constant 336 : index
    %get3A_183 = tpu.vector_load %arg25[%get3A_182] {strides = array<i32>} : memref<640xf32, #tpu.memory_space<vmem>>, vector<16xf32>,
    %get3A_184 = arith.constant 352 : index
    %get3A_185 = tpu.vector_load %arg25[%get3A_184] {strides = array<i32>} : memref<640xf32, #tpu.memory_space<vmem>>, vector<16xf32>,
    %get3A_186 = arith.constant 368 : index
    %get3A_187 = tpu.vector_load %arg25[%get3A_186] {strides = array<i32>} : memref<640xf32, #tpu.memory_space<vmem>>, vector<16xf32>,
    %get3A_188 = arith.constant 384 : index
    %get3A_189 = tpu.vector_load %arg25[%get3A_188] {strides = array<i32>} : memref<640xf32, #tpu.memory_space<vmem>>, vector<16xf32>,
    %get3A_190 = arith.constant 400 : index
    %get3A_191 = tpu.vector_load %arg25[%get3A_190] {strides = array<i32>} : memref<640xf32, #tpu.memory_space<vmem>>, vector<16xf32>,
    %get3A_192 = arith.constant 416 : index
    %get3A_193 = tpu.vector_load %arg25[%get3A_192] {strides = array<i32>} : memref<640xf32, #tpu.memory_space<vmem>>, vector<16xf32>,
    %get3A_194 = arith.constant 432 : index
    %get3A_195 = tpu.vector_load %arg25[%get3A_194] {strides = array<i32>} : memref<640xf32, #tpu.memory_space<vmem>>, vector<16xf32>,
    %get3A_196 = arith.constant 448 : index
    %get3A_197 = tpu.vector_load %arg25[%get3A_196] {strides = array<i32>} : memref<640xf32, #tpu.memory_space<vmem>>, vector<16xf32>,
    %get3A_198 = arith.constant 464 : index
    %get3A_199 = tpu.vector_load %arg25[%get3A_198] {strides = array<i32>} : memref<640xf32, #tpu.memory_space<vmem>>, vector<16xf32>,
    %get3A_200 = arith.constant 480 : index
    %get3A_201 = tpu.vector_load %arg25[%get3A_200] {strides = array<i32>} : memref<640xf32, #tpu.memory_space<vmem>>, vector<16xf32>,
    %get3A_202 = arith.constant 496 : index
    %get3A_203 = tpu.vector_load %arg25[%get3A_202] {strides = array<i32>} : memref<640xf32, #tpu.memory_space<vmem>>, vector<16xf32>,
    %get3A_204 = arith.constant 512 : index
    %get3A_205 = tpu.vector_load %arg25[%get3A_204] {strides = array<i32>} : memref<640xf32, #tpu.memory_space<vmem>>, vector<16xf32>,
    %get3A_206 = arith.constant 528 : index
    %get3A_207 = tpu.vector_load %arg25[%get3A_206] {strides = array<i32>} : memref<640xf32, #tpu.memory_space<vmem>>, vector<16xf32>,
    %get3A_208 = arith.constant 544 : index
    %get3A_209 = tpu.vector_load %arg25[%get3A_208] {strides = array<i32>} : memref<640xf32, #tpu.memory_space<vmem>>, vector<16xf32>,
    %get3A_210 = arith.constant 560 : index
    %get3A_211 = tpu.vector_load %arg25[%get3A_210] {strides = array<i32>} : memref<640xf32, #tpu.memory_space<vmem>>, vector<16xf32>,
    %get3A_212 = arith.constant 576 : index
    %get3A_213 = tpu.vector_load %arg25[%get3A_212] {strides = array<i32>} : memref<640xf32, #tpu.memory_space<vmem>>, vector<16xf32>,
    %get3A_214 = arith.constant 592 : index
    %get3A_215 = tpu.vector_load %arg25[%get3A_214] {strides = array<i32>} : memref<640xf32, #tpu.memory_space<vmem>>, vector<16xf32>,
    %get3A_216 = arith.constant 608 : index
    %get3A_217 = tpu.vector_load %arg25[%get3A_216] {strides = array<i32>} : memref<640xf32, #tpu.memory_space<vmem>>, vector<16xf32>,
    %get3A_218 = arith.constant 624 : index
    %get3A_219 = tpu.vector_load %arg25[%get3A_218] {strides = array<i32>} : memref<640xf32, #tpu.memory_space<vmem>>, vector<16xf32>,
    %get3A_220 = arith.constant 320 : index
    %get3A_221 = tpu.vector_load %arg28[%get3A_220] {strides = array<i32>} : memref<640xf32, #tpu.memory_space<vmem>>, vector<16xf32>,
    %get3A_222 = arith.constant 336 : index
    %get3A_223 = tpu.vector_load %arg28[%get3A_222] {strides = array<i32>} : memref<640xf32, #tpu.memory_space<vmem>>, vector<16xf32>,
    %get3A_224 = arith.constant 352 : index
    %get3A_225 = tpu.vector_load %arg28[%get3A_224] {strides = array<i32>} : memref<640xf32, #tpu.memory_space<vmem>>, vector<16xf32>,
    %get3A_226 = arith.constant 368 : index
    %get3A_227 = tpu.vector_load %arg28[%get3A_226] {strides = array<i32>} : memref<640xf32, #tpu.memory_space<vmem>>, vector<16xf32>,
    %get3A_228 = arith.constant 384 : index
    %get3A_229 = tpu.vector_load %arg28[%get3A_228] {strides = array<i32>} : memref<640xf32, #tpu.memory_space<vmem>>, vector<16xf32>,
    %get3A_230 = arith.constant 400 : index
    %get3A_231 = tpu.vector_load %arg28[%get3A_230] {strides = array<i32>} : memref<640xf32, #tpu.memory_space<vmem>>, vector<16xf32>,
    %get3A_232 = arith.constant 416 : index
    %get3A_233 = tpu.vector_load %arg28[%get3A_232] {strides = array<i32>} : memref<640xf32, #tpu.memory_space<vmem>>, vector<16xf32>,
    %get3A_234 = arith.constant 432 : index
    %get3A_235 = tpu.vector_load %arg28[%get3A_234] {strides = array<i32>} : memref<640xf32, #tpu.memory_space<vmem>>, vector<16xf32>,
    %get3A_236 = arith.constant 448 : index
    %get3A_237 = tpu.vector_load %arg28[%get3A_236] {strides = array<i32>} : memref<640xf32, #tpu.memory_space<vmem>>, vector<16xf32>,
    %get3A_238 = arith.constant 464 : index
    %get3A_239 = tpu.vector_load %arg28[%get3A_238] {strides = array<i32>} : memref<640xf32, #tpu.memory_space<vmem>>, vector<16xf32>,
    %get3A_240 = arith.constant 480 : index
    %get3A_241 = tpu.vector_load %arg28[%get3A_240] {strides = array<i32>} : memref<640xf32, #tpu.memory_space<vmem>>, vector<16xf32>,
    %get3A_242 = arith.constant 496 : index
    %get3A_243 = tpu.vector_load %arg28[%get3A_242] {strides = array<i32>} : memref<640xf32, #tpu.memory_space<vmem>>, vector<16xf32>,
    %get3A_244 = arith.constant 512 : index
    %get3A_245 = tpu.vector_load %arg28[%get3A_244] {strides = array<i32>} : memref<640xf32, #tpu.memory_space<vmem>>, vector<16xf32>,
    %get3A_246 = arith.constant 528 : index
    %get3A_247 = tpu.vector_load %arg28[%get3A_246] {strides = array<i32>} : memref<640xf32, #tpu.memory_space<vmem>>, vector<16xf32>,
    %get3A_248 = arith.constant 544 : index
    %get3A_249 = tpu.vector_load %arg28[%get3A_248] {strides = array<i32>} : memref<640xf32, #tpu.memory_space<vmem>>, vector<16xf32>,
    %get3A_250 = arith.constant 560 : index
    %get3A_251 = tpu.vector_load %arg28[%get3A_250] {strides = array<i32>} : memref<640xf32, #tpu.memory_space<vmem>>, vector<16xf32>,
    %get3A_252 = arith.constant 576 : index
    %get3A_253 = tpu.vector_load %arg28[%get3A_252] {strides = array<i32>} : memref<640xf32, #tpu.memory_space<vmem>>, vector<16xf32>,
    %get3A_254 = arith.constant 592 : index
    %get3A_255 = tpu.vector_load %arg28[%get3A_254] {strides = array<i32>} : memref<640xf32, #tpu.memory_space<vmem>>, vector<16xf32>,
    %get3A_256 = arith.constant 608 : index
    %get3A_257 = tpu.vector_load %arg28[%get3A_256] {strides = array<i32>} : memref<640xf32, #tpu.memory_space<vmem>>, vector<16xf32>,
    %get3A_258 = arith.constant 624 : index
    %get3A_259 = tpu.vector_load %arg28[%get3A_258] {strides = array<i32>} : memref<640xf32, #tpu.memory_space<vmem>>, vector<16xf32>,
    %scan3A_260 = arith.constant 0 : i32
    %scan3A_261 = arith.constant 128 : i32
    %scan3A_262 = arith.addi %scan3A_260, %scan3A_261 : i32
    %scan3A_263 = arith.constant 1 : i32
    %scan3A_264:20 = scf.for %scan3A_276 = %scan3A_260 to %scan3A_262 step %scan3A_263 iter_args(%scan3A_277 = %get3A_221, %scan3A_278 = %get3A_223, %scan3A_279 = %get3A_225, %scan3A_280 = %get3A_227, %scan3A_281 = %get3A_229, %scan3A_282 = %get3A_231, %scan3A_283 = %get3A_233, %scan3A_284 = %get3A_235, %scan3A_285 = %get3A_237, %scan3A_286 = %get3A_239, %scan3A_287 = %get3A_241, %scan3A_288 = %get3A_243, %scan3A_289 = %get3A_245, %scan3A_290 = %get3A_247, %scan3A_291 = %get3A_249, %scan3A_292 = %get3A_251, %scan3A_293 = %get3A_253, %scan3A_294 = %get3A_255, %scan3A_295 = %get3A_257, %scan3A_296 = %get3A_259) -> (vector<16xf32>, vector<16xf32>, vector<16xf32>, vector<16xf32>, vector<16xf32>, vector<16xf32>, vector<16xf32>, vector<16xf32>, vector<16xf32>, vector<16xf32>, vector<16xf32>, vector<16xf32>, vector<16xf32>, vector<16xf32>, vector<16xf32>, vector<16xf32>, vector<16xf32>, vector<16xf32>, vector<16xf32>, vector<16xf32>)  : i32 {
      %add3A = arith.addf %scan3A_277, %scan3A_278 : vector<16xf32>
      %add3A_297 = arith.addf %add3A, %scan3A_279 : vector<16xf32>
      %add3A_298 = arith.addf %add3A_297, %scan3A_280 : vector<16xf32>
      %add3A_299 = arith.addf %add3A_298, %scan3A_281 : vector<16xf32>
      %add3A_300 = arith.addf %add3A_299, %scan3A_282 : vector<16xf32>
      %add3A_301 = arith.addf %add3A_300, %scan3A_283 : vector<16xf32>
      %add3A_302 = arith.addf %add3A_301, %scan3A_284 : vector<16xf32>
      %add3A_303 = arith.addf %add3A_302, %scan3A_285 : vector<16xf32>
      %add3A_304 = arith.addf %add3A_303, %scan3A_286 : vector<16xf32>
      %add3A_305 = arith.addf %add3A_304, %scan3A_287 : vector<16xf32>
      %add3A_306 = arith.addf %add3A_305, %scan3A_288 : vector<16xf32>
      %add3A_307 = arith.addf %add3A_306, %scan3A_289 : vector<16xf32>
      %add3A_308 = arith.addf %add3A_307, %scan3A_290 : vector<16xf32>
      %add3A_309 = arith.addf %add3A_308, %scan3A_291 : vector<16xf32>
      %add3A_310 = arith.addf %add3A_309, %scan3A_292 : vector<16xf32>
      %add3A_311 = arith.addf %add3A_310, %scan3A_293 : vector<16xf32>
      %add3A_312 = arith.addf %add3A_311, %scan3A_294 : vector<16xf32>
      %add3A_313 = arith.addf %add3A_312, %scan3A_295 : vector<16xf32>
      %add3A_314 = arith.addf %add3A_313, %scan3A_296 : vector<16xf32>
      %reduce_sum3A = arith.constant true
      %reduce_sum3A_315 = vector.broadcast %reduce_sum3A : i1 to vector<16xi1>
      %reduce_sum3A_316 = tpu.scan <sum>, %add3A_314 masked %reduce_sum3A_315 : vector<16xf32>, vector<16xi1> -> vector<16xf32>
      %reduce_sum3A_317 = vector.extract %reduce_sum3A_316[15] : f32 from vector<16xf32>
      %broadcast_in_dim3A = vector.broadcast %reduce_sum3A_317 : f32 to vector<16xf32>
      %broadcast_in_dim3A_318 = vector.broadcast %scan3A_276 : i32 to vector<16xi32>
      tpu.vector_store_idx %arg32[%broadcast_in_dim3A_318], %broadcast_in_dim3A masked %eq3A_95 {add = true} : memref<128xf32, #tpu.memory_space<vmem>>[vector<16xi32>], vector<16xf32>, vector<16xi1>
      %mul3A_319 = arith.mulf %scan3A_277, %get3A_181 : vector<16xf32>
      %mul3A_320 = arith.mulf %scan3A_278, %get3A_183 : vector<16xf32>
      %mul3A_321 = arith.mulf %scan3A_279, %get3A_185 : vector<16xf32>
      %mul3A_322 = arith.mulf %scan3A_280, %get3A_187 : vector<16xf32>
      %mul3A_323 = arith.mulf %scan3A_281, %get3A_189 : vector<16xf32>
      %mul3A_324 = arith.mulf %scan3A_282, %get3A_191 : vector<16xf32>
      %mul3A_325 = arith.mulf %scan3A_283, %get3A_193 : vector<16xf32>
      %mul3A_326 = arith.mulf %scan3A_284, %get3A_195 : vector<16xf32>
      %mul3A_327 = arith.mulf %scan3A_285, %get3A_197 : vector<16xf32>
      %mul3A_328 = arith.mulf %scan3A_286, %get3A_199 : vector<16xf32>
      %mul3A_329 = arith.mulf %scan3A_287, %get3A_201 : vector<16xf32>
      %mul3A_330 = arith.mulf %scan3A_288, %get3A_203 : vector<16xf32>
      %mul3A_331 = arith.mulf %scan3A_289, %get3A_205 : vector<16xf32>
      %mul3A_332 = arith.mulf %scan3A_290, %get3A_207 : vector<16xf32>
      %mul3A_333 = arith.mulf %scan3A_291, %get3A_209 : vector<16xf32>
      %mul3A_334 = arith.mulf %scan3A_292, %get3A_211 : vector<16xf32>
      %mul3A_335 = arith.mulf %scan3A_293, %get3A_213 : vector<16xf32>
      %mul3A_336 = arith.mulf %scan3A_294, %get3A_215 : vector<16xf32>
      %mul3A_337 = arith.mulf %scan3A_295, %get3A_217 : vector<16xf32>
      %mul3A_338 = arith.mulf %scan3A_296, %get3A_219 : vector<16xf32>
      scf.yield %mul3A_319, %mul3A_320, %mul3A_321, %mul3A_322, %mul3A_323, %mul3A_324, %mul3A_325, %mul3A_326, %mul3A_327, %mul3A_328, %mul3A_329, %mul3A_330, %mul3A_331, %mul3A_332, %mul3A_333, %mul3A_334, %mul3A_335, %mul3A_336, %mul3A_337, %mul3A_338 : vector<16xf32>, vector<16xf32>, vector<16xf32>, vector<16xf32>, vector<16xf32>, vector<16xf32>, vector<16xf32>, vector<16xf32>, vector<16xf32>, vector<16xf32>, vector<16xf32>, vector<16xf32>, vector<16xf32>, vector<16xf32>, vector<16xf32>, vector<16xf32>, vector<16xf32>, vector<16xf32>, vector<16xf32>, vector<16xf32>
    }
    %scan3A_265 = arith.constant 128 : i32
    %mul3A_266 = arith.constant 128 : i32
    %mul3A_267 = arith.muli %arg1, %mul3A_266 : i32
    "tpu.region"() ({
      %run_scoped3A = tpu.sem_alloc : memref<!tpu.dma_semaphore, #tpu.memory_space<semaphore_mem>>
      %dma_start3A = tpu.memref_slice %arg36[%mul3A_267] : memref<2048xf32, #tpu.memory_space<vmem_shared>> -> memref<128xf32, #tpu.memory_space<vmem_shared>>
      %dma_start3A_276 = tpu.memref_slice %arg36[%mul3A_267] : memref<2048xf32, #tpu.memory_space<vmem_shared>> -> memref<128xf32, #tpu.memory_space<vmem_shared>>
      tpu.enqueue_dma source(%arg32 : memref<128xf32, #tpu.memory_space<vmem>>) target(%dma_start3A_276 : memref<128xf32, #tpu.memory_space<vmem_shared>>) target_semaphore(%run_scoped3A : memref<!tpu.dma_semaphore, #tpu.memory_space<semaphore_mem>>)
      %dma_wait3A = tpu.memref_slice %arg36[%mul3A_267] : memref<2048xf32, #tpu.memory_space<vmem_shared>> -> memref<128xf32, #tpu.memory_space<vmem_shared>>
      %dma_wait3A_277 = tpu.memref_slice %arg36[%mul3A_267] : memref<2048xf32, #tpu.memory_space<vmem_shared>> -> memref<128xf32, #tpu.memory_space<vmem_shared>>
      tpu.wait_dma2 semaphore(%run_scoped3A : memref<!tpu.dma_semaphore, #tpu.memory_space<semaphore_mem>>) src(%arg32 : memref<128xf32, #tpu.memory_space<vmem>>) dst(%dma_wait3A_277 : memref<128xf32, #tpu.memory_space<vmem_shared>>)
      tpu.yield
    }) : () -> ()
    %barrier3A_268 = arith.constant 0 : index
    tpu.barrier barrier_id(%barrier3A_268)
    %eq3A_269 = arith.constant 0 : i32
    %eq3A_270 = arith.cmpi eq, %arg0, %eq3A_269 : i32
    %eq3A_271 = arith.constant 0 : i32
    %eq3A_272 = arith.cmpi eq, %arg1, %eq3A_271 : i32
    %and3A = arith.andi %eq3A_270, %eq3A_272 : i1
    %convert_element_type3A_273 = arith.extui %and3A : i1 to i32
    %cond3A_274 = arith.constant 0 : i32
    %cond3A_275 = arith.cmpi ne, %convert_element_type3A_273, %cond3A_274 : i32
    scf.if %cond3A_275 {
      "tpu.region"() ({
        %run_scoped3A = tpu.sem_alloc : memref<!tpu.dma_semaphore, #tpu.memory_space<semaphore_mem>>
        tpu.enqueue_dma source(%arg36 : memref<2048xf32, #tpu.memory_space<vmem_shared>>) target(%arg34 : memref<2048xf32, #tpu.memory_space<vmem>>) target_semaphore(%run_scoped3A : memref<!tpu.dma_semaphore, #tpu.memory_space<semaphore_mem>>)
        tpu.wait_dma2 semaphore(%run_scoped3A : memref<!tpu.dma_semaphore, #tpu.memory_space<semaphore_mem>>) src(%arg36 : memref<2048xf32, #tpu.memory_space<vmem_shared>>) dst(%arg34 : memref<2048xf32, #tpu.memory_space<vmem>>)
        tpu.yield
      }) : () -> ()
      "tpu.region"() ({
        %run_scoped3A = tpu.sem_alloc : memref<!tpu.dma_semaphore, #tpu.memory_space<semaphore_mem>>
        tpu.enqueue_dma source(%arg15 : memref<128xf32, #tpu.memory_space<hbm>>) target(%arg33 : memref<128xf32, #tpu.memory_space<vmem>>) target_semaphore(%run_scoped3A : memref<!tpu.dma_semaphore, #tpu.memory_space<semaphore_mem>>)
        tpu.wait_dma2 semaphore(%run_scoped3A : memref<!tpu.dma_semaphore, #tpu.memory_space<semaphore_mem>>) src(%arg15 : memref<128xf32, #tpu.memory_space<hbm>>) dst(%arg33 : memref<128xf32, #tpu.memory_space<vmem>>)
        tpu.yield
      }) : () -> ()
      %get3A_276 = arith.constant 0 : index
      %get3A_277 = tpu.vector_load %arg26[%get3A_276] {strides = array<i32>} : memref<48xf32, #tpu.memory_space<vmem>>, vector<16xf32>,
      %get3A_278 = arith.constant 0 : index
      %get3A_279 = tpu.vector_load %arg27[%get3A_278] {strides = array<i32>} : memref<48xf32, #tpu.memory_space<vmem>>, vector<16xf32>,
      %sub3A = arith.subf %get3A_277, %get3A_279 : vector<16xf32>
      %get3A_280 = arith.constant 16 : index
      %get3A_281 = tpu.vector_load %arg26[%get3A_280] {strides = array<i32>} : memref<48xf32, #tpu.memory_space<vmem>>, vector<16xf32>,
      %get3A_282 = arith.constant 16 : index
      %get3A_283 = tpu.vector_load %arg27[%get3A_282] {strides = array<i32>} : memref<48xf32, #tpu.memory_space<vmem>>, vector<16xf32>,
      %sub3A_284 = arith.subf %get3A_281, %get3A_283 : vector<16xf32>
      %get3A_285 = arith.constant 32 : index
      %get3A_286 = tpu.vector_load %arg26[%get3A_285] {strides = array<i32>} : memref<48xf32, #tpu.memory_space<vmem>>, vector<16xf32>,
      %get3A_287 = arith.constant 32 : index
      %get3A_288 = tpu.vector_load %arg27[%get3A_287] {strides = array<i32>} : memref<48xf32, #tpu.memory_space<vmem>>, vector<16xf32>,
      %sub3A_289 = arith.subf %get3A_286, %get3A_288 : vector<16xf32>
      %mul3A_290 = arith.mulf %sub3A, %sub3A : vector<16xf32>
      %mul3A_291 = arith.mulf %sub3A_284, %sub3A_284 : vector<16xf32>
      %add3A = arith.addf %mul3A_290, %mul3A_291 : vector<16xf32>
      %mul3A_292 = arith.mulf %sub3A_289, %sub3A_289 : vector<16xf32>
      %add3A_293 = arith.addf %add3A, %mul3A_292 : vector<16xf32>
      %bitcast3A = vector.bitcast %add3A_293 : vector<16xf32> to vector<16xi32>
      %shift_right_logical3A = arith.constant 1 : i32
      %shift_right_logical3A_294 = vector.broadcast %shift_right_logical3A : i32 to vector<16xi32>
      %shift_right_logical3A_295 = arith.shrui %bitcast3A, %shift_right_logical3A_294 : vector<16xi32>
      %add3A_296 = arith.constant 532487669 : i32
      %add3A_297 = vector.broadcast %add3A_296 : i32 to vector<16xi32>
      %add3A_298 = arith.addi %add3A_297, %shift_right_logical3A_295 : vector<16xi32>
      %bitcast3A_299 = vector.bitcast %add3A_298 : vector<16xi32> to vector<16xf32>
      %div3A = arith.divf %add3A_293, %bitcast3A_299 : vector<16xf32>
      %add3A_300 = arith.addf %bitcast3A_299, %div3A : vector<16xf32>
      %mul3A_301 = arith.constant 5.000000e-01 : f32
      %mul3A_302 = vector.broadcast %mul3A_301 : f32 to vector<16xf32>
      %mul3A_303 = arith.mulf %mul3A_302, %add3A_300 : vector<16xf32>
      %div3A_304 = arith.divf %add3A_293, %mul3A_303 : vector<16xf32>
      %add3A_305 = arith.addf %mul3A_303, %div3A_304 : vector<16xf32>
      %mul3A_306 = arith.constant 5.000000e-01 : f32
      %mul3A_307 = vector.broadcast %mul3A_306 : f32 to vector<16xf32>
      %mul3A_308 = arith.mulf %mul3A_307, %add3A_305 : vector<16xf32>
      %div3A_309 = arith.divf %add3A_293, %mul3A_308 : vector<16xf32>
      %add3A_310 = arith.addf %mul3A_308, %div3A_309 : vector<16xf32>
      %mul3A_311 = arith.constant 5.000000e-01 : f32
      %mul3A_312 = vector.broadcast %mul3A_311 : f32 to vector<16xf32>
      %mul3A_313 = arith.mulf %mul3A_312, %add3A_310 : vector<16xf32>
      %mul3A_314 = arith.constant -1.000000e-03 : f32
      %mul3A_315 = vector.broadcast %mul3A_314 : f32 to vector<16xf32>
      %mul3A_316 = arith.mulf %mul3A_315, %mul3A_313 : vector<16xf32>
      %exp3A = math.exp %mul3A_316 : vector<16xf32>
      %add3A_317 = arith.constant 1.000000e+00 : f32
      %add3A_318 = vector.broadcast %add3A_317 : f32 to vector<16xf32>
      %add3A_319 = arith.addf %add3A_293, %add3A_318 : vector<16xf32>
      %div3A_320 = arith.divf %exp3A, %add3A_319 : vector<16xf32>
      %get3A_321 = arith.constant 0 : index
      %get3A_322 = tpu.vector_load %arg34[%get3A_321] {strides = array<i32>} : memref<2048xf32, #tpu.memory_space<vmem>>, vector<16xf32>,
      %get3A_323 = arith.constant 128 : index
      %get3A_324 = tpu.vector_load %arg34[%get3A_323] {strides = array<i32>} : memref<2048xf32, #tpu.memory_space<vmem>>, vector<16xf32>,
      %add3A_325 = arith.addf %get3A_322, %get3A_324 : vector<16xf32>
      %get3A_326 = arith.constant 256 : index
      %get3A_327 = tpu.vector_load %arg34[%get3A_326] {strides = array<i32>} : memref<2048xf32, #tpu.memory_space<vmem>>, vector<16xf32>,
      %add3A_328 = arith.addf %add3A_325, %get3A_327 : vector<16xf32>
      %get3A_329 = arith.constant 384 : index
      %get3A_330 = tpu.vector_load %arg34[%get3A_329] {strides = array<i32>} : memref<2048xf32, #tpu.memory_space<vmem>>, vector<16xf32>,
      %add3A_331 = arith.addf %add3A_328, %get3A_330 : vector<16xf32>
      %get3A_332 = arith.constant 512 : index
      %get3A_333 = tpu.vector_load %arg34[%get3A_332] {strides = array<i32>} : memref<2048xf32, #tpu.memory_space<vmem>>, vector<16xf32>,
      %add3A_334 = arith.addf %add3A_331, %get3A_333 : vector<16xf32>
      %get3A_335 = arith.constant 640 : index
      %get3A_336 = tpu.vector_load %arg34[%get3A_335] {strides = array<i32>} : memref<2048xf32, #tpu.memory_space<vmem>>, vector<16xf32>,
      %add3A_337 = arith.addf %add3A_334, %get3A_336 : vector<16xf32>
      %get3A_338 = arith.constant 768 : index
      %get3A_339 = tpu.vector_load %arg34[%get3A_338] {strides = array<i32>} : memref<2048xf32, #tpu.memory_space<vmem>>, vector<16xf32>,
      %add3A_340 = arith.addf %add3A_337, %get3A_339 : vector<16xf32>
      %get3A_341 = arith.constant 896 : index
      %get3A_342 = tpu.vector_load %arg34[%get3A_341] {strides = array<i32>} : memref<2048xf32, #tpu.memory_space<vmem>>, vector<16xf32>,
      %add3A_343 = arith.addf %add3A_340, %get3A_342 : vector<16xf32>
      %get3A_344 = arith.constant 1024 : index
      %get3A_345 = tpu.vector_load %arg34[%get3A_344] {strides = array<i32>} : memref<2048xf32, #tpu.memory_space<vmem>>, vector<16xf32>,
      %add3A_346 = arith.addf %add3A_343, %get3A_345 : vector<16xf32>
      %get3A_347 = arith.constant 1152 : index
      %get3A_348 = tpu.vector_load %arg34[%get3A_347] {strides = array<i32>} : memref<2048xf32, #tpu.memory_space<vmem>>, vector<16xf32>,
      %add3A_349 = arith.addf %add3A_346, %get3A_348 : vector<16xf32>
      %get3A_350 = arith.constant 1280 : index
      %get3A_351 = tpu.vector_load %arg34[%get3A_350] {strides = array<i32>} : memref<2048xf32, #tpu.memory_space<vmem>>, vector<16xf32>,
      %add3A_352 = arith.addf %add3A_349, %get3A_351 : vector<16xf32>
      %get3A_353 = arith.constant 1408 : index
      %get3A_354 = tpu.vector_load %arg34[%get3A_353] {strides = array<i32>} : memref<2048xf32, #tpu.memory_space<vmem>>, vector<16xf32>,
      %add3A_355 = arith.addf %add3A_352, %get3A_354 : vector<16xf32>
      %get3A_356 = arith.constant 1536 : index
      %get3A_357 = tpu.vector_load %arg34[%get3A_356] {strides = array<i32>} : memref<2048xf32, #tpu.memory_space<vmem>>, vector<16xf32>,
      %add3A_358 = arith.addf %add3A_355, %get3A_357 : vector<16xf32>
      %get3A_359 = arith.constant 1664 : index
      %get3A_360 = tpu.vector_load %arg34[%get3A_359] {strides = array<i32>} : memref<2048xf32, #tpu.memory_space<vmem>>, vector<16xf32>,
      %add3A_361 = arith.addf %add3A_358, %get3A_360 : vector<16xf32>
      %get3A_362 = arith.constant 1792 : index
      %get3A_363 = tpu.vector_load %arg34[%get3A_362] {strides = array<i32>} : memref<2048xf32, #tpu.memory_space<vmem>>, vector<16xf32>,
      %add3A_364 = arith.addf %add3A_361, %get3A_363 : vector<16xf32>
      %get3A_365 = arith.constant 1920 : index
      %get3A_366 = tpu.vector_load %arg34[%get3A_365] {strides = array<i32>} : memref<2048xf32, #tpu.memory_space<vmem>>, vector<16xf32>,
      %add3A_367 = arith.addf %add3A_364, %get3A_366 : vector<16xf32>
      %add3A_368 = arith.addf %add3A_367, %div3A_320 : vector<16xf32>
      %get3A_369 = arith.constant 0 : index
      %get3A_370 = tpu.vector_load %arg33[%get3A_369] {strides = array<i32>} : memref<128xf32, #tpu.memory_space<vmem>>, vector<16xf32>,
      %exp3A_371 = math.exp %get3A_370 : vector<16xf32>
      %mul3A_372 = arith.mulf %add3A_368, %exp3A_371 : vector<16xf32>
      %swap3A = arith.constant 0 : index
      %swap3A_373 = tpu.vector_load %arg32[%swap3A] {strides = array<i32>} : memref<128xf32, #tpu.memory_space<vmem>>, vector<16xf32>,
      tpu.vector_store %arg32[%swap3A], %mul3A_372 {strides = array<i32>} : memref<128xf32, #tpu.memory_space<vmem>>, vector<16xf32>,
      %get3A_374 = arith.constant 16 : index
      %get3A_375 = tpu.vector_load %arg34[%get3A_374] {strides = array<i32>} : memref<2048xf32, #tpu.memory_space<vmem>>, vector<16xf32>,
      %get3A_376 = arith.constant 144 : index
      %get3A_377 = tpu.vector_load %arg34[%get3A_376] {strides = array<i32>} : memref<2048xf32, #tpu.memory_space<vmem>>, vector<16xf32>,
      %add3A_378 = arith.addf %get3A_375, %get3A_377 : vector<16xf32>
      %get3A_379 = arith.constant 272 : index
      %get3A_380 = tpu.vector_load %arg34[%get3A_379] {strides = array<i32>} : memref<2048xf32, #tpu.memory_space<vmem>>, vector<16xf32>,
      %add3A_381 = arith.addf %add3A_378, %get3A_380 : vector<16xf32>
      %get3A_382 = arith.constant 400 : index
      %get3A_383 = tpu.vector_load %arg34[%get3A_382] {strides = array<i32>} : memref<2048xf32, #tpu.memory_space<vmem>>, vector<16xf32>,
      %add3A_384 = arith.addf %add3A_381, %get3A_383 : vector<16xf32>
      %get3A_385 = arith.constant 528 : index
      %get3A_386 = tpu.vector_load %arg34[%get3A_385] {strides = array<i32>} : memref<2048xf32, #tpu.memory_space<vmem>>, vector<16xf32>,
      %add3A_387 = arith.addf %add3A_384, %get3A_386 : vector<16xf32>
      %get3A_388 = arith.constant 656 : index
      %get3A_389 = tpu.vector_load %arg34[%get3A_388] {strides = array<i32>} : memref<2048xf32, #tpu.memory_space<vmem>>, vector<16xf32>,
      %add3A_390 = arith.addf %add3A_387, %get3A_389 : vector<16xf32>
      %get3A_391 = arith.constant 784 : index
      %get3A_392 = tpu.vector_load %arg34[%get3A_391] {strides = array<i32>} : memref<2048xf32, #tpu.memory_space<vmem>>, vector<16xf32>,
      %add3A_393 = arith.addf %add3A_390, %get3A_392 : vector<16xf32>
      %get3A_394 = arith.constant 912 : index
      %get3A_395 = tpu.vector_load %arg34[%get3A_394] {strides = array<i32>} : memref<2048xf32, #tpu.memory_space<vmem>>, vector<16xf32>,
      %add3A_396 = arith.addf %add3A_393, %get3A_395 : vector<16xf32>
      %get3A_397 = arith.constant 1040 : index
      %get3A_398 = tpu.vector_load %arg34[%get3A_397] {strides = array<i32>} : memref<2048xf32, #tpu.memory_space<vmem>>, vector<16xf32>,
      %add3A_399 = arith.addf %add3A_396, %get3A_398 : vector<16xf32>
      %get3A_400 = arith.constant 1168 : index
      %get3A_401 = tpu.vector_load %arg34[%get3A_400] {strides = array<i32>} : memref<2048xf32, #tpu.memory_space<vmem>>, vector<16xf32>,
      %add3A_402 = arith.addf %add3A_399, %get3A_401 : vector<16xf32>
      %get3A_403 = arith.constant 1296 : index
      %get3A_404 = tpu.vector_load %arg34[%get3A_403] {strides = array<i32>} : memref<2048xf32, #tpu.memory_space<vmem>>, vector<16xf32>,
      %add3A_405 = arith.addf %add3A_402, %get3A_404 : vector<16xf32>
      %get3A_406 = arith.constant 1424 : index
      %get3A_407 = tpu.vector_load %arg34[%get3A_406] {strides = array<i32>} : memref<2048xf32, #tpu.memory_space<vmem>>, vector<16xf32>,
      %add3A_408 = arith.addf %add3A_405, %get3A_407 : vector<16xf32>
      %get3A_409 = arith.constant 1552 : index
      %get3A_410 = tpu.vector_load %arg34[%get3A_409] {strides = array<i32>} : memref<2048xf32, #tpu.memory_space<vmem>>, vector<16xf32>,
      %add3A_411 = arith.addf %add3A_408, %get3A_410 : vector<16xf32>
      %get3A_412 = arith.constant 1680 : index
      %get3A_413 = tpu.vector_load %arg34[%get3A_412] {strides = array<i32>} : memref<2048xf32, #tpu.memory_space<vmem>>, vector<16xf32>,
      %add3A_414 = arith.addf %add3A_411, %get3A_413 : vector<16xf32>
      %get3A_415 = arith.constant 1808 : index
      %get3A_416 = tpu.vector_load %arg34[%get3A_415] {strides = array<i32>} : memref<2048xf32, #tpu.memory_space<vmem>>, vector<16xf32>,
      %add3A_417 = arith.addf %add3A_414, %get3A_416 : vector<16xf32>
      %get3A_418 = arith.constant 1936 : index
      %get3A_419 = tpu.vector_load %arg34[%get3A_418] {strides = array<i32>} : memref<2048xf32, #tpu.memory_space<vmem>>, vector<16xf32>,
      %add3A_420 = arith.addf %add3A_417, %get3A_419 : vector<16xf32>
      %add3A_421 = arith.addf %add3A_420, %div3A_320 : vector<16xf32>
      %get3A_422 = arith.constant 16 : index
      %get3A_423 = tpu.vector_load %arg33[%get3A_422] {strides = array<i32>} : memref<128xf32, #tpu.memory_space<vmem>>, vector<16xf32>,
      %exp3A_424 = math.exp %get3A_423 : vector<16xf32>
      %mul3A_425 = arith.mulf %add3A_421, %exp3A_424 : vector<16xf32>
      %swap3A_426 = arith.constant 16 : index
      %swap3A_427 = tpu.vector_load %arg32[%swap3A_426] {strides = array<i32>} : memref<128xf32, #tpu.memory_space<vmem>>, vector<16xf32>,
      tpu.vector_store %arg32[%swap3A_426], %mul3A_425 {strides = array<i32>} : memref<128xf32, #tpu.memory_space<vmem>>, vector<16xf32>,
      %get3A_428 = arith.constant 32 : index
      %get3A_429 = tpu.vector_load %arg34[%get3A_428] {strides = array<i32>} : memref<2048xf32, #tpu.memory_space<vmem>>, vector<16xf32>,
      %get3A_430 = arith.constant 160 : index
      %get3A_431 = tpu.vector_load %arg34[%get3A_430] {strides = array<i32>} : memref<2048xf32, #tpu.memory_space<vmem>>, vector<16xf32>,
      %add3A_432 = arith.addf %get3A_429, %get3A_431 : vector<16xf32>
      %get3A_433 = arith.constant 288 : index
      %get3A_434 = tpu.vector_load %arg34[%get3A_433] {strides = array<i32>} : memref<2048xf32, #tpu.memory_space<vmem>>, vector<16xf32>,
      %add3A_435 = arith.addf %add3A_432, %get3A_434 : vector<16xf32>
      %get3A_436 = arith.constant 416 : index
      %get3A_437 = tpu.vector_load %arg34[%get3A_436] {strides = array<i32>} : memref<2048xf32, #tpu.memory_space<vmem>>, vector<16xf32>,
      %add3A_438 = arith.addf %add3A_435, %get3A_437 : vector<16xf32>
      %get3A_439 = arith.constant 544 : index
      %get3A_440 = tpu.vector_load %arg34[%get3A_439] {strides = array<i32>} : memref<2048xf32, #tpu.memory_space<vmem>>, vector<16xf32>,
      %add3A_441 = arith.addf %add3A_438, %get3A_440 : vector<16xf32>
      %get3A_442 = arith.constant 672 : index
      %get3A_443 = tpu.vector_load %arg34[%get3A_442] {strides = array<i32>} : memref<2048xf32, #tpu.memory_space<vmem>>, vector<16xf32>,
      %add3A_444 = arith.addf %add3A_441, %get3A_443 : vector<16xf32>
      %get3A_445 = arith.constant 800 : index
      %get3A_446 = tpu.vector_load %arg34[%get3A_445] {strides = array<i32>} : memref<2048xf32, #tpu.memory_space<vmem>>, vector<16xf32>,
      %add3A_447 = arith.addf %add3A_444, %get3A_446 : vector<16xf32>
      %get3A_448 = arith.constant 928 : index
      %get3A_449 = tpu.vector_load %arg34[%get3A_448] {strides = array<i32>} : memref<2048xf32, #tpu.memory_space<vmem>>, vector<16xf32>,
      %add3A_450 = arith.addf %add3A_447, %get3A_449 : vector<16xf32>
      %get3A_451 = arith.constant 1056 : index
      %get3A_452 = tpu.vector_load %arg34[%get3A_451] {strides = array<i32>} : memref<2048xf32, #tpu.memory_space<vmem>>, vector<16xf32>,
      %add3A_453 = arith.addf %add3A_450, %get3A_452 : vector<16xf32>
      %get3A_454 = arith.constant 1184 : index
      %get3A_455 = tpu.vector_load %arg34[%get3A_454] {strides = array<i32>} : memref<2048xf32, #tpu.memory_space<vmem>>, vector<16xf32>,
      %add3A_456 = arith.addf %add3A_453, %get3A_455 : vector<16xf32>
      %get3A_457 = arith.constant 1312 : index
      %get3A_458 = tpu.vector_load %arg34[%get3A_457] {strides = array<i32>} : memref<2048xf32, #tpu.memory_space<vmem>>, vector<16xf32>,
      %add3A_459 = arith.addf %add3A_456, %get3A_458 : vector<16xf32>
      %get3A_460 = arith.constant 1440 : index
      %get3A_461 = tpu.vector_load %arg34[%get3A_460] {strides = array<i32>} : memref<2048xf32, #tpu.memory_space<vmem>>, vector<16xf32>,
      %add3A_462 = arith.addf %add3A_459, %get3A_461 : vector<16xf32>
      %get3A_463 = arith.constant 1568 : index
      %get3A_464 = tpu.vector_load %arg34[%get3A_463] {strides = array<i32>} : memref<2048xf32, #tpu.memory_space<vmem>>, vector<16xf32>,
      %add3A_465 = arith.addf %add3A_462, %get3A_464 : vector<16xf32>
      %get3A_466 = arith.constant 1696 : index
      %get3A_467 = tpu.vector_load %arg34[%get3A_466] {strides = array<i32>} : memref<2048xf32, #tpu.memory_space<vmem>>, vector<16xf32>,
      %add3A_468 = arith.addf %add3A_465, %get3A_467 : vector<16xf32>
      %get3A_469 = arith.constant 1824 : index
      %get3A_470 = tpu.vector_load %arg34[%get3A_469] {strides = array<i32>} : memref<2048xf32, #tpu.memory_space<vmem>>, vector<16xf32>,
      %add3A_471 = arith.addf %add3A_468, %get3A_470 : vector<16xf32>
      %get3A_472 = arith.constant 1952 : index
      %get3A_473 = tpu.vector_load %arg34[%get3A_472] {strides = array<i32>} : memref<2048xf32, #tpu.memory_space<vmem>>, vector<16xf32>,
      %add3A_474 = arith.addf %add3A_471, %get3A_473 : vector<16xf32>
      %add3A_475 = arith.addf %add3A_474, %div3A_320 : vector<16xf32>
      %get3A_476 = arith.constant 32 : index
      %get3A_477 = tpu.vector_load %arg33[%get3A_476] {strides = array<i32>} : memref<128xf32, #tpu.memory_space<vmem>>, vector<16xf32>,
      %exp3A_478 = math.exp %get3A_477 : vector<16xf32>
      %mul3A_479 = arith.mulf %add3A_475, %exp3A_478 : vector<16xf32>
      %swap3A_480 = arith.constant 32 : index
      %swap3A_481 = tpu.vector_load %arg32[%swap3A_480] {strides = array<i32>} : memref<128xf32, #tpu.memory_space<vmem>>, vector<16xf32>,
      tpu.vector_store %arg32[%swap3A_480], %mul3A_479 {strides = array<i32>} : memref<128xf32, #tpu.memory_space<vmem>>, vector<16xf32>,
      %get3A_482 = arith.constant 48 : index
      %get3A_483 = tpu.vector_load %arg34[%get3A_482] {strides = array<i32>} : memref<2048xf32, #tpu.memory_space<vmem>>, vector<16xf32>,
      %get3A_484 = arith.constant 176 : index
      %get3A_485 = tpu.vector_load %arg34[%get3A_484] {strides = array<i32>} : memref<2048xf32, #tpu.memory_space<vmem>>, vector<16xf32>,
      %add3A_486 = arith.addf %get3A_483, %get3A_485 : vector<16xf32>
      %get3A_487 = arith.constant 304 : index
      %get3A_488 = tpu.vector_load %arg34[%get3A_487] {strides = array<i32>} : memref<2048xf32, #tpu.memory_space<vmem>>, vector<16xf32>,
      %add3A_489 = arith.addf %add3A_486, %get3A_488 : vector<16xf32>
      %get3A_490 = arith.constant 432 : index
      %get3A_491 = tpu.vector_load %arg34[%get3A_490] {strides = array<i32>} : memref<2048xf32, #tpu.memory_space<vmem>>, vector<16xf32>,
      %add3A_492 = arith.addf %add3A_489, %get3A_491 : vector<16xf32>
      %get3A_493 = arith.constant 560 : index
      %get3A_494 = tpu.vector_load %arg34[%get3A_493] {strides = array<i32>} : memref<2048xf32, #tpu.memory_space<vmem>>, vector<16xf32>,
      %add3A_495 = arith.addf %add3A_492, %get3A_494 : vector<16xf32>
      %get3A_496 = arith.constant 688 : index
      %get3A_497 = tpu.vector_load %arg34[%get3A_496] {strides = array<i32>} : memref<2048xf32, #tpu.memory_space<vmem>>, vector<16xf32>,
      %add3A_498 = arith.addf %add3A_495, %get3A_497 : vector<16xf32>
      %get3A_499 = arith.constant 816 : index
      %get3A_500 = tpu.vector_load %arg34[%get3A_499] {strides = array<i32>} : memref<2048xf32, #tpu.memory_space<vmem>>, vector<16xf32>,
      %add3A_501 = arith.addf %add3A_498, %get3A_500 : vector<16xf32>
      %get3A_502 = arith.constant 944 : index
      %get3A_503 = tpu.vector_load %arg34[%get3A_502] {strides = array<i32>} : memref<2048xf32, #tpu.memory_space<vmem>>, vector<16xf32>,
      %add3A_504 = arith.addf %add3A_501, %get3A_503 : vector<16xf32>
      %get3A_505 = arith.constant 1072 : index
      %get3A_506 = tpu.vector_load %arg34[%get3A_505] {strides = array<i32>} : memref<2048xf32, #tpu.memory_space<vmem>>, vector<16xf32>,
      %add3A_507 = arith.addf %add3A_504, %get3A_506 : vector<16xf32>
      %get3A_508 = arith.constant 1200 : index
      %get3A_509 = tpu.vector_load %arg34[%get3A_508] {strides = array<i32>} : memref<2048xf32, #tpu.memory_space<vmem>>, vector<16xf32>,
      %add3A_510 = arith.addf %add3A_507, %get3A_509 : vector<16xf32>
      %get3A_511 = arith.constant 1328 : index
      %get3A_512 = tpu.vector_load %arg34[%get3A_511] {strides = array<i32>} : memref<2048xf32, #tpu.memory_space<vmem>>, vector<16xf32>,
      %add3A_513 = arith.addf %add3A_510, %get3A_512 : vector<16xf32>
      %get3A_514 = arith.constant 1456 : index
      %get3A_515 = tpu.vector_load %arg34[%get3A_514] {strides = array<i32>} : memref<2048xf32, #tpu.memory_space<vmem>>, vector<16xf32>,
      %add3A_516 = arith.addf %add3A_513, %get3A_515 : vector<16xf32>
      %get3A_517 = arith.constant 1584 : index
      %get3A_518 = tpu.vector_load %arg34[%get3A_517] {strides = array<i32>} : memref<2048xf32, #tpu.memory_space<vmem>>, vector<16xf32>,
      %add3A_519 = arith.addf %add3A_516, %get3A_518 : vector<16xf32>
      %get3A_520 = arith.constant 1712 : index
      %get3A_521 = tpu.vector_load %arg34[%get3A_520] {strides = array<i32>} : memref<2048xf32, #tpu.memory_space<vmem>>, vector<16xf32>,
      %add3A_522 = arith.addf %add3A_519, %get3A_521 : vector<16xf32>
      %get3A_523 = arith.constant 1840 : index
      %get3A_524 = tpu.vector_load %arg34[%get3A_523] {strides = array<i32>} : memref<2048xf32, #tpu.memory_space<vmem>>, vector<16xf32>,
      %add3A_525 = arith.addf %add3A_522, %get3A_524 : vector<16xf32>
      %get3A_526 = arith.constant 1968 : index
      %get3A_527 = tpu.vector_load %arg34[%get3A_526] {strides = array<i32>} : memref<2048xf32, #tpu.memory_space<vmem>>, vector<16xf32>,
      %add3A_528 = arith.addf %add3A_525, %get3A_527 : vector<16xf32>
      %add3A_529 = arith.addf %add3A_528, %div3A_320 : vector<16xf32>
      %get3A_530 = arith.constant 48 : index
      %get3A_531 = tpu.vector_load %arg33[%get3A_530] {strides = array<i32>} : memref<128xf32, #tpu.memory_space<vmem>>, vector<16xf32>,
      %exp3A_532 = math.exp %get3A_531 : vector<16xf32>
      %mul3A_533 = arith.mulf %add3A_529, %exp3A_532 : vector<16xf32>
      %swap3A_534 = arith.constant 48 : index
      %swap3A_535 = tpu.vector_load %arg32[%swap3A_534] {strides = array<i32>} : memref<128xf32, #tpu.memory_space<vmem>>, vector<16xf32>,
      tpu.vector_store %arg32[%swap3A_534], %mul3A_533 {strides = array<i32>} : memref<128xf32, #tpu.memory_space<vmem>>, vector<16xf32>,
      %get3A_536 = arith.constant 64 : index
      %get3A_537 = tpu.vector_load %arg34[%get3A_536] {strides = array<i32>} : memref<2048xf32, #tpu.memory_space<vmem>>, vector<16xf32>,
      %get3A_538 = arith.constant 192 : index
      %get3A_539 = tpu.vector_load %arg34[%get3A_538] {strides = array<i32>} : memref<2048xf32, #tpu.memory_space<vmem>>, vector<16xf32>,
      %add3A_540 = arith.addf %get3A_537, %get3A_539 : vector<16xf32>
      %get3A_541 = arith.constant 320 : index
      %get3A_542 = tpu.vector_load %arg34[%get3A_541] {strides = array<i32>} : memref<2048xf32, #tpu.memory_space<vmem>>, vector<16xf32>,
      %add3A_543 = arith.addf %add3A_540, %get3A_542 : vector<16xf32>
      %get3A_544 = arith.constant 448 : index
      %get3A_545 = tpu.vector_load %arg34[%get3A_544] {strides = array<i32>} : memref<2048xf32, #tpu.memory_space<vmem>>, vector<16xf32>,
      %add3A_546 = arith.addf %add3A_543, %get3A_545 : vector<16xf32>
      %get3A_547 = arith.constant 576 : index
      %get3A_548 = tpu.vector_load %arg34[%get3A_547] {strides = array<i32>} : memref<2048xf32, #tpu.memory_space<vmem>>, vector<16xf32>,
      %add3A_549 = arith.addf %add3A_546, %get3A_548 : vector<16xf32>
      %get3A_550 = arith.constant 704 : index
      %get3A_551 = tpu.vector_load %arg34[%get3A_550] {strides = array<i32>} : memref<2048xf32, #tpu.memory_space<vmem>>, vector<16xf32>,
      %add3A_552 = arith.addf %add3A_549, %get3A_551 : vector<16xf32>
      %get3A_553 = arith.constant 832 : index
      %get3A_554 = tpu.vector_load %arg34[%get3A_553] {strides = array<i32>} : memref<2048xf32, #tpu.memory_space<vmem>>, vector<16xf32>,
      %add3A_555 = arith.addf %add3A_552, %get3A_554 : vector<16xf32>
      %get3A_556 = arith.constant 960 : index
      %get3A_557 = tpu.vector_load %arg34[%get3A_556] {strides = array<i32>} : memref<2048xf32, #tpu.memory_space<vmem>>, vector<16xf32>,
      %add3A_558 = arith.addf %add3A_555, %get3A_557 : vector<16xf32>
      %get3A_559 = arith.constant 1088 : index
      %get3A_560 = tpu.vector_load %arg34[%get3A_559] {strides = array<i32>} : memref<2048xf32, #tpu.memory_space<vmem>>, vector<16xf32>,
      %add3A_561 = arith.addf %add3A_558, %get3A_560 : vector<16xf32>
      %get3A_562 = arith.constant 1216 : index
      %get3A_563 = tpu.vector_load %arg34[%get3A_562] {strides = array<i32>} : memref<2048xf32, #tpu.memory_space<vmem>>, vector<16xf32>,
      %add3A_564 = arith.addf %add3A_561, %get3A_563 : vector<16xf32>
      %get3A_565 = arith.constant 1344 : index
      %get3A_566 = tpu.vector_load %arg34[%get3A_565] {strides = array<i32>} : memref<2048xf32, #tpu.memory_space<vmem>>, vector<16xf32>,
      %add3A_567 = arith.addf %add3A_564, %get3A_566 : vector<16xf32>
      %get3A_568 = arith.constant 1472 : index
      %get3A_569 = tpu.vector_load %arg34[%get3A_568] {strides = array<i32>} : memref<2048xf32, #tpu.memory_space<vmem>>, vector<16xf32>,
      %add3A_570 = arith.addf %add3A_567, %get3A_569 : vector<16xf32>
      %get3A_571 = arith.constant 1600 : index
      %get3A_572 = tpu.vector_load %arg34[%get3A_571] {strides = array<i32>} : memref<2048xf32, #tpu.memory_space<vmem>>, vector<16xf32>,
      %add3A_573 = arith.addf %add3A_570, %get3A_572 : vector<16xf32>
      %get3A_574 = arith.constant 1728 : index
      %get3A_575 = tpu.vector_load %arg34[%get3A_574] {strides = array<i32>} : memref<2048xf32, #tpu.memory_space<vmem>>, vector<16xf32>,
      %add3A_576 = arith.addf %add3A_573, %get3A_575 : vector<16xf32>
      %get3A_577 = arith.constant 1856 : index
      %get3A_578 = tpu.vector_load %arg34[%get3A_577] {strides = array<i32>} : memref<2048xf32, #tpu.memory_space<vmem>>, vector<16xf32>,
      %add3A_579 = arith.addf %add3A_576, %get3A_578 : vector<16xf32>
      %get3A_580 = arith.constant 1984 : index
      %get3A_581 = tpu.vector_load %arg34[%get3A_580] {strides = array<i32>} : memref<2048xf32, #tpu.memory_space<vmem>>, vector<16xf32>,
      %add3A_582 = arith.addf %add3A_579, %get3A_581 : vector<16xf32>
      %add3A_583 = arith.addf %add3A_582, %div3A_320 : vector<16xf32>
      %get3A_584 = arith.constant 64 : index
      %get3A_585 = tpu.vector_load %arg33[%get3A_584] {strides = array<i32>} : memref<128xf32, #tpu.memory_space<vmem>>, vector<16xf32>,
      %exp3A_586 = math.exp %get3A_585 : vector<16xf32>
      %mul3A_587 = arith.mulf %add3A_583, %exp3A_586 : vector<16xf32>
      %swap3A_588 = arith.constant 64 : index
      %swap3A_589 = tpu.vector_load %arg32[%swap3A_588] {strides = array<i32>} : memref<128xf32, #tpu.memory_space<vmem>>, vector<16xf32>,
      tpu.vector_store %arg32[%swap3A_588], %mul3A_587 {strides = array<i32>} : memref<128xf32, #tpu.memory_space<vmem>>, vector<16xf32>,
      %get3A_590 = arith.constant 80 : index
      %get3A_591 = tpu.vector_load %arg34[%get3A_590] {strides = array<i32>} : memref<2048xf32, #tpu.memory_space<vmem>>, vector<16xf32>,
      %get3A_592 = arith.constant 208 : index
      %get3A_593 = tpu.vector_load %arg34[%get3A_592] {strides = array<i32>} : memref<2048xf32, #tpu.memory_space<vmem>>, vector<16xf32>,
      %add3A_594 = arith.addf %get3A_591, %get3A_593 : vector<16xf32>
      %get3A_595 = arith.constant 336 : index
      %get3A_596 = tpu.vector_load %arg34[%get3A_595] {strides = array<i32>} : memref<2048xf32, #tpu.memory_space<vmem>>, vector<16xf32>,
      %add3A_597 = arith.addf %add3A_594, %get3A_596 : vector<16xf32>
      %get3A_598 = arith.constant 464 : index
      %get3A_599 = tpu.vector_load %arg34[%get3A_598] {strides = array<i32>} : memref<2048xf32, #tpu.memory_space<vmem>>, vector<16xf32>,
      %add3A_600 = arith.addf %add3A_597, %get3A_599 : vector<16xf32>
      %get3A_601 = arith.constant 592 : index
      %get3A_602 = tpu.vector_load %arg34[%get3A_601] {strides = array<i32>} : memref<2048xf32, #tpu.memory_space<vmem>>, vector<16xf32>,
      %add3A_603 = arith.addf %add3A_600, %get3A_602 : vector<16xf32>
      %get3A_604 = arith.constant 720 : index
      %get3A_605 = tpu.vector_load %arg34[%get3A_604] {strides = array<i32>} : memref<2048xf32, #tpu.memory_space<vmem>>, vector<16xf32>,
      %add3A_606 = arith.addf %add3A_603, %get3A_605 : vector<16xf32>
      %get3A_607 = arith.constant 848 : index
      %get3A_608 = tpu.vector_load %arg34[%get3A_607] {strides = array<i32>} : memref<2048xf32, #tpu.memory_space<vmem>>, vector<16xf32>,
      %add3A_609 = arith.addf %add3A_606, %get3A_608 : vector<16xf32>
      %get3A_610 = arith.constant 976 : index
      %get3A_611 = tpu.vector_load %arg34[%get3A_610] {strides = array<i32>} : memref<2048xf32, #tpu.memory_space<vmem>>, vector<16xf32>,
      %add3A_612 = arith.addf %add3A_609, %get3A_611 : vector<16xf32>
      %get3A_613 = arith.constant 1104 : index
      %get3A_614 = tpu.vector_load %arg34[%get3A_613] {strides = array<i32>} : memref<2048xf32, #tpu.memory_space<vmem>>, vector<16xf32>,
      %add3A_615 = arith.addf %add3A_612, %get3A_614 : vector<16xf32>
      %get3A_616 = arith.constant 1232 : index
      %get3A_617 = tpu.vector_load %arg34[%get3A_616] {strides = array<i32>} : memref<2048xf32, #tpu.memory_space<vmem>>, vector<16xf32>,
      %add3A_618 = arith.addf %add3A_615, %get3A_617 : vector<16xf32>
      %get3A_619 = arith.constant 1360 : index
      %get3A_620 = tpu.vector_load %arg34[%get3A_619] {strides = array<i32>} : memref<2048xf32, #tpu.memory_space<vmem>>, vector<16xf32>,
      %add3A_621 = arith.addf %add3A_618, %get3A_620 : vector<16xf32>
      %get3A_622 = arith.constant 1488 : index
      %get3A_623 = tpu.vector_load %arg34[%get3A_622] {strides = array<i32>} : memref<2048xf32, #tpu.memory_space<vmem>>, vector<16xf32>,
      %add3A_624 = arith.addf %add3A_621, %get3A_623 : vector<16xf32>
      %get3A_625 = arith.constant 1616 : index
      %get3A_626 = tpu.vector_load %arg34[%get3A_625] {strides = array<i32>} : memref<2048xf32, #tpu.memory_space<vmem>>, vector<16xf32>,
      %add3A_627 = arith.addf %add3A_624, %get3A_626 : vector<16xf32>
      %get3A_628 = arith.constant 1744 : index
      %get3A_629 = tpu.vector_load %arg34[%get3A_628] {strides = array<i32>} : memref<2048xf32, #tpu.memory_space<vmem>>, vector<16xf32>,
      %add3A_630 = arith.addf %add3A_627, %get3A_629 : vector<16xf32>
      %get3A_631 = arith.constant 1872 : index
      %get3A_632 = tpu.vector_load %arg34[%get3A_631] {strides = array<i32>} : memref<2048xf32, #tpu.memory_space<vmem>>, vector<16xf32>,
      %add3A_633 = arith.addf %add3A_630, %get3A_632 : vector<16xf32>
      %get3A_634 = arith.constant 2000 : index
      %get3A_635 = tpu.vector_load %arg34[%get3A_634] {strides = array<i32>} : memref<2048xf32, #tpu.memory_space<vmem>>, vector<16xf32>,
      %add3A_636 = arith.addf %add3A_633, %get3A_635 : vector<16xf32>
      %add3A_637 = arith.addf %add3A_636, %div3A_320 : vector<16xf32>
      %get3A_638 = arith.constant 80 : index
      %get3A_639 = tpu.vector_load %arg33[%get3A_638] {strides = array<i32>} : memref<128xf32, #tpu.memory_space<vmem>>, vector<16xf32>,
      %exp3A_640 = math.exp %get3A_639 : vector<16xf32>
      %mul3A_641 = arith.mulf %add3A_637, %exp3A_640 : vector<16xf32>
      %swap3A_642 = arith.constant 80 : index
      %swap3A_643 = tpu.vector_load %arg32[%swap3A_642] {strides = array<i32>} : memref<128xf32, #tpu.memory_space<vmem>>, vector<16xf32>,
      tpu.vector_store %arg32[%swap3A_642], %mul3A_641 {strides = array<i32>} : memref<128xf32, #tpu.memory_space<vmem>>, vector<16xf32>,
      %get3A_644 = arith.constant 96 : index
      %get3A_645 = tpu.vector_load %arg34[%get3A_644] {strides = array<i32>} : memref<2048xf32, #tpu.memory_space<vmem>>, vector<16xf32>,
      %get3A_646 = arith.constant 224 : index
      %get3A_647 = tpu.vector_load %arg34[%get3A_646] {strides = array<i32>} : memref<2048xf32, #tpu.memory_space<vmem>>, vector<16xf32>,
      %add3A_648 = arith.addf %get3A_645, %get3A_647 : vector<16xf32>
      %get3A_649 = arith.constant 352 : index
      %get3A_650 = tpu.vector_load %arg34[%get3A_649] {strides = array<i32>} : memref<2048xf32, #tpu.memory_space<vmem>>, vector<16xf32>,
      %add3A_651 = arith.addf %add3A_648, %get3A_650 : vector<16xf32>
      %get3A_652 = arith.constant 480 : index
      %get3A_653 = tpu.vector_load %arg34[%get3A_652] {strides = array<i32>} : memref<2048xf32, #tpu.memory_space<vmem>>, vector<16xf32>,
      %add3A_654 = arith.addf %add3A_651, %get3A_653 : vector<16xf32>
      %get3A_655 = arith.constant 608 : index
      %get3A_656 = tpu.vector_load %arg34[%get3A_655] {strides = array<i32>} : memref<2048xf32, #tpu.memory_space<vmem>>, vector<16xf32>,
      %add3A_657 = arith.addf %add3A_654, %get3A_656 : vector<16xf32>
      %get3A_658 = arith.constant 736 : index
      %get3A_659 = tpu.vector_load %arg34[%get3A_658] {strides = array<i32>} : memref<2048xf32, #tpu.memory_space<vmem>>, vector<16xf32>,
      %add3A_660 = arith.addf %add3A_657, %get3A_659 : vector<16xf32>
      %get3A_661 = arith.constant 864 : index
      %get3A_662 = tpu.vector_load %arg34[%get3A_661] {strides = array<i32>} : memref<2048xf32, #tpu.memory_space<vmem>>, vector<16xf32>,
      %add3A_663 = arith.addf %add3A_660, %get3A_662 : vector<16xf32>
      %get3A_664 = arith.constant 992 : index
      %get3A_665 = tpu.vector_load %arg34[%get3A_664] {strides = array<i32>} : memref<2048xf32, #tpu.memory_space<vmem>>, vector<16xf32>,
      %add3A_666 = arith.addf %add3A_663, %get3A_665 : vector<16xf32>
      %get3A_667 = arith.constant 1120 : index
      %get3A_668 = tpu.vector_load %arg34[%get3A_667] {strides = array<i32>} : memref<2048xf32, #tpu.memory_space<vmem>>, vector<16xf32>,
      %add3A_669 = arith.addf %add3A_666, %get3A_668 : vector<16xf32>
      %get3A_670 = arith.constant 1248 : index
      %get3A_671 = tpu.vector_load %arg34[%get3A_670] {strides = array<i32>} : memref<2048xf32, #tpu.memory_space<vmem>>, vector<16xf32>,
      %add3A_672 = arith.addf %add3A_669, %get3A_671 : vector<16xf32>
      %get3A_673 = arith.constant 1376 : index
      %get3A_674 = tpu.vector_load %arg34[%get3A_673] {strides = array<i32>} : memref<2048xf32, #tpu.memory_space<vmem>>, vector<16xf32>,
      %add3A_675 = arith.addf %add3A_672, %get3A_674 : vector<16xf32>
      %get3A_676 = arith.constant 1504 : index
      %get3A_677 = tpu.vector_load %arg34[%get3A_676] {strides = array<i32>} : memref<2048xf32, #tpu.memory_space<vmem>>, vector<16xf32>,
      %add3A_678 = arith.addf %add3A_675, %get3A_677 : vector<16xf32>
      %get3A_679 = arith.constant 1632 : index
      %get3A_680 = tpu.vector_load %arg34[%get3A_679] {strides = array<i32>} : memref<2048xf32, #tpu.memory_space<vmem>>, vector<16xf32>,
      %add3A_681 = arith.addf %add3A_678, %get3A_680 : vector<16xf32>
      %get3A_682 = arith.constant 1760 : index
      %get3A_683 = tpu.vector_load %arg34[%get3A_682] {strides = array<i32>} : memref<2048xf32, #tpu.memory_space<vmem>>, vector<16xf32>,
      %add3A_684 = arith.addf %add3A_681, %get3A_683 : vector<16xf32>
      %get3A_685 = arith.constant 1888 : index
      %get3A_686 = tpu.vector_load %arg34[%get3A_685] {strides = array<i32>} : memref<2048xf32, #tpu.memory_space<vmem>>, vector<16xf32>,
      %add3A_687 = arith.addf %add3A_684, %get3A_686 : vector<16xf32>
      %get3A_688 = arith.constant 2016 : index
      %get3A_689 = tpu.vector_load %arg34[%get3A_688] {strides = array<i32>} : memref<2048xf32, #tpu.memory_space<vmem>>, vector<16xf32>,
      %add3A_690 = arith.addf %add3A_687, %get3A_689 : vector<16xf32>
      %add3A_691 = arith.addf %add3A_690, %div3A_320 : vector<16xf32>
      %get3A_692 = arith.constant 96 : index
      %get3A_693 = tpu.vector_load %arg33[%get3A_692] {strides = array<i32>} : memref<128xf32, #tpu.memory_space<vmem>>, vector<16xf32>,
      %exp3A_694 = math.exp %get3A_693 : vector<16xf32>
      %mul3A_695 = arith.mulf %add3A_691, %exp3A_694 : vector<16xf32>
      %swap3A_696 = arith.constant 96 : index
      %swap3A_697 = tpu.vector_load %arg32[%swap3A_696] {strides = array<i32>} : memref<128xf32, #tpu.memory_space<vmem>>, vector<16xf32>,
      tpu.vector_store %arg32[%swap3A_696], %mul3A_695 {strides = array<i32>} : memref<128xf32, #tpu.memory_space<vmem>>, vector<16xf32>,
      %get3A_698 = arith.constant 112 : index
      %get3A_699 = tpu.vector_load %arg34[%get3A_698] {strides = array<i32>} : memref<2048xf32, #tpu.memory_space<vmem>>, vector<16xf32>,
      %get3A_700 = arith.constant 240 : index
      %get3A_701 = tpu.vector_load %arg34[%get3A_700] {strides = array<i32>} : memref<2048xf32, #tpu.memory_space<vmem>>, vector<16xf32>,
      %add3A_702 = arith.addf %get3A_699, %get3A_701 : vector<16xf32>
      %get3A_703 = arith.constant 368 : index
      %get3A_704 = tpu.vector_load %arg34[%get3A_703] {strides = array<i32>} : memref<2048xf32, #tpu.memory_space<vmem>>, vector<16xf32>,
      %add3A_705 = arith.addf %add3A_702, %get3A_704 : vector<16xf32>
      %get3A_706 = arith.constant 496 : index
      %get3A_707 = tpu.vector_load %arg34[%get3A_706] {strides = array<i32>} : memref<2048xf32, #tpu.memory_space<vmem>>, vector<16xf32>,
      %add3A_708 = arith.addf %add3A_705, %get3A_707 : vector<16xf32>
      %get3A_709 = arith.constant 624 : index
      %get3A_710 = tpu.vector_load %arg34[%get3A_709] {strides = array<i32>} : memref<2048xf32, #tpu.memory_space<vmem>>, vector<16xf32>,
      %add3A_711 = arith.addf %add3A_708, %get3A_710 : vector<16xf32>
      %get3A_712 = arith.constant 752 : index
      %get3A_713 = tpu.vector_load %arg34[%get3A_712] {strides = array<i32>} : memref<2048xf32, #tpu.memory_space<vmem>>, vector<16xf32>,
      %add3A_714 = arith.addf %add3A_711, %get3A_713 : vector<16xf32>
      %get3A_715 = arith.constant 880 : index
      %get3A_716 = tpu.vector_load %arg34[%get3A_715] {strides = array<i32>} : memref<2048xf32, #tpu.memory_space<vmem>>, vector<16xf32>,
      %add3A_717 = arith.addf %add3A_714, %get3A_716 : vector<16xf32>
      %get3A_718 = arith.constant 1008 : index
      %get3A_719 = tpu.vector_load %arg34[%get3A_718] {strides = array<i32>} : memref<2048xf32, #tpu.memory_space<vmem>>, vector<16xf32>,
      %add3A_720 = arith.addf %add3A_717, %get3A_719 : vector<16xf32>
      %get3A_721 = arith.constant 1136 : index
      %get3A_722 = tpu.vector_load %arg34[%get3A_721] {strides = array<i32>} : memref<2048xf32, #tpu.memory_space<vmem>>, vector<16xf32>,
      %add3A_723 = arith.addf %add3A_720, %get3A_722 : vector<16xf32>
      %get3A_724 = arith.constant 1264 : index
      %get3A_725 = tpu.vector_load %arg34[%get3A_724] {strides = array<i32>} : memref<2048xf32, #tpu.memory_space<vmem>>, vector<16xf32>,
      %add3A_726 = arith.addf %add3A_723, %get3A_725 : vector<16xf32>
      %get3A_727 = arith.constant 1392 : index
      %get3A_728 = tpu.vector_load %arg34[%get3A_727] {strides = array<i32>} : memref<2048xf32, #tpu.memory_space<vmem>>, vector<16xf32>,
      %add3A_729 = arith.addf %add3A_726, %get3A_728 : vector<16xf32>
      %get3A_730 = arith.constant 1520 : index
      %get3A_731 = tpu.vector_load %arg34[%get3A_730] {strides = array<i32>} : memref<2048xf32, #tpu.memory_space<vmem>>, vector<16xf32>,
      %add3A_732 = arith.addf %add3A_729, %get3A_731 : vector<16xf32>
      %get3A_733 = arith.constant 1648 : index
      %get3A_734 = tpu.vector_load %arg34[%get3A_733] {strides = array<i32>} : memref<2048xf32, #tpu.memory_space<vmem>>, vector<16xf32>,
      %add3A_735 = arith.addf %add3A_732, %get3A_734 : vector<16xf32>
      %get3A_736 = arith.constant 1776 : index
      %get3A_737 = tpu.vector_load %arg34[%get3A_736] {strides = array<i32>} : memref<2048xf32, #tpu.memory_space<vmem>>, vector<16xf32>,
      %add3A_738 = arith.addf %add3A_735, %get3A_737 : vector<16xf32>
      %get3A_739 = arith.constant 1904 : index
      %get3A_740 = tpu.vector_load %arg34[%get3A_739] {strides = array<i32>} : memref<2048xf32, #tpu.memory_space<vmem>>, vector<16xf32>,
      %add3A_741 = arith.addf %add3A_738, %get3A_740 : vector<16xf32>
      %get3A_742 = arith.constant 2032 : index
      %get3A_743 = tpu.vector_load %arg34[%get3A_742] {strides = array<i32>} : memref<2048xf32, #tpu.memory_space<vmem>>, vector<16xf32>,
      %add3A_744 = arith.addf %add3A_741, %get3A_743 : vector<16xf32>
      %add3A_745 = arith.addf %add3A_744, %div3A_320 : vector<16xf32>
      %get3A_746 = arith.constant 112 : index
      %get3A_747 = tpu.vector_load %arg33[%get3A_746] {strides = array<i32>} : memref<128xf32, #tpu.memory_space<vmem>>, vector<16xf32>,
      %exp3A_748 = math.exp %get3A_747 : vector<16xf32>
      %mul3A_749 = arith.mulf %add3A_745, %exp3A_748 : vector<16xf32>
      %swap3A_750 = arith.constant 112 : index
      %swap3A_751 = tpu.vector_load %arg32[%swap3A_750] {strides = array<i32>} : memref<128xf32, #tpu.memory_space<vmem>>, vector<16xf32>,
      tpu.vector_store %arg32[%swap3A_750], %mul3A_749 {strides = array<i32>} : memref<128xf32, #tpu.memory_space<vmem>>, vector<16xf32>,
      "tpu.region"() ({
        %run_scoped3A = tpu.sem_alloc : memref<!tpu.dma_semaphore, #tpu.memory_space<semaphore_mem>>
        tpu.enqueue_dma source(%arg32 : memref<128xf32, #tpu.memory_space<vmem>>) target(%arg16 : memref<128xf32, #tpu.memory_space<hbm>>) target_semaphore(%run_scoped3A : memref<!tpu.dma_semaphore, #tpu.memory_space<semaphore_mem>>)
        tpu.wait_dma2 semaphore(%run_scoped3A : memref<!tpu.dma_semaphore, #tpu.memory_space<semaphore_mem>>) src(%arg32 : memref<128xf32, #tpu.memory_space<vmem>>) dst(%arg16 : memref<128xf32, #tpu.memory_space<hbm>>)
        tpu.yield
      }) : () -> ()
    } else {
    }
    return
  }
}

</mosaic_0001>

<sc_bundles>
// kernel: kernel.3.cloned.1.call-start
scs
__scs_entry_jumppad:
0x0: {  	(pc) =	sbr.rel $0x88, $3  }
0x1: {  	(tag) =	ssettag $0x0;
	lr =	simm.s32 $0x1  }
0x2: {  	[smem:$0x3F96] =	sst lr;
	_ =	strace $0xD0000000  }
0x3: {  	_ = 	snop  }
0x4: {  	_ = 	snop  }
0x5: {  	_ = 	snop  }
0x6: {  	_ = 	snop  }
0x7: {  	_ = 	snop  }
__scs_overlays_trampoline_lowered:
0x8: {  	[smem:$0x3FA5] =	sst s0  }
0x9: {  	[smem:$0x3FA6] =	sst s1  }
0xa: {  	[smem:$0x3FA7] =	sst s2  }
0xb: {  	[smem:$0x3FA8] =	sst s3  }
0xc: {  	[smem:$0x3FA9] =	sst s4  }
0xd: {  	[smem:$0x3FAA] =	sst s5  }
0xe: {  	[smem:$0x3FAB] =	sst s6  }
0xf: {  	[smem:$0x3FAC] =	sst s7  }
0x10: {  	[smem:$0x3FAD] =	sst s8  }
0x11: {  	[smem:$0x3FAE] =	sst s9;
	s0 =	simm.s32 @!p0 $0x0  }
0x12: {  	s1 =	sld [smem:$0x3F94];
	s0 =	simm.s32 @p0 $0x1  }
0x13: {  	[smem:$0x3FAF] =	sst s0;
	s0 =	simm.s32 @!p1 $0x0  }
0x14: {  	s2 =	sld [smem:$0x3F93];
	s0 =	simm.s32 @p1 $0x1  }
0x15: {  	[smem:$0x3FB0] =	sst s0;
	s0 =	simm.s32 @!p2 $0x0  }
0x16: {  	s3 =	sld [smem:$0x3FDB];
	s0 =	simm.s32 @p2 $0x1  }
0x17: {  	s4 =	simm.s32 $0x1BF5;
	[smem:$0x3FB2] =	sst s0  }
0x18: {  	s0 =	sld [smem:$0x3F95];
	_ =	swait.ge [sflag:s4], $0x0  }
0x19: {  	s7 =	sld [smem:$0x3F96]  }
0x1a: {  	s8 =	sadd.s32 $0xFFFFE003, lr  }
0x1b: {  	s9 =	sadd.s32 $0xFFFFFEF7, lr;
	s5 =	simm.s32 $0xFFFFFFFF;
	p2 =	slt.u32 s8, $0xFFFFF086  }
0x1c: {  	p1 =	slt.u32 s9, $0xF7A;
	s5 =	simm.s32 @!p2 $0x0  }
0x1d: {  	s5 =	simm.s32 @p1 $0x1;
	p0 =	seq.s32 s7, s2  }
0x1e: {  	s7 =	smul.u32 @!p0 $0xF7A, s2;
	p2 =	seq.s32 @!p0 s5, $0x0  }
0x1f: {  	s9 =	smul.u32 $0xF7A, s1;
	s8 =	simm.s32 @!p0 $0x1BF5;
	p2 =	por !p2, p0  }
0x20: {  	[sflag:s8] =	ssyncset.s32 @!p0 $0xFFFFF086;
	s6 =	sadd.s32 @!p0 s3, s7;
	s7 =	simm.s32 @!p0 $0x108  }
0x21: {  	s3 =	sadd.s32 s3, s9;
	s6 =	sadd.s32 @!p0 $0x88, s6;
	s7 =	simm.s32 @p2 $0x1082  }
0x22: {  	[simem:s7], [sflag:s8] =	dma.local @!p0 [hbm:s6], $0xF7A  }
0x23: {  	s9 =	sor.u32 $0xD0000000, s2;
	s6 =	simm.s32 $0x108;
	_ =	swait.ge @!p0 [sflag:s8], $0x0  }
0x24: {  	s3 =	sadd.s32 $0x88, s3;
	s6 =	simm.s32 @!p1 $0x1082;
	[sflag:s4] =	ssyncset.s32 $0xFFFFF086  }
0x25: {  	[simem:s6], [sflag:s4] =	dma.local [hbm:s3], $0xF7A  }
0x26: {  	[smem:$0x3F96] =	sst s1;
	(tag) =	ssettag s2;
	_ =	strace s9  }
0x27: {  	s1 =	sld [smem:$0x3FA6]  }
0x28: {  	s2 =	sld [smem:$0x3FA7]  }
0x29: {  	s4 =	sld [smem:$0x3FA9]  }
0x2a: {  	p0 =	seq.s32 s5, $0x0;
	s5 =	sld [smem:$0x3FAA]  }
0x2b: {  	s6 =	sld [smem:$0x3FAB]  }
0x2c: {  	s7 =	sld [smem:$0x3FAC]  }
0x2d: {  	s3 =	simm.s32 $0x108;
	s8 =	sld [smem:$0x3FAD]  }
0x2e: {  	s3 =	simm.s32 @!p0 $0x1082;
	s9 =	sld [smem:$0x3FAE]  }
0x2f: {  	lr =	sadd.s32 s0, s3;
	s0 =	sld [smem:$0x3FA5]  }
0x30: {  	s3 =	sld [smem:$0x3FA8]  }
0x31: {  	[smem:$0x3FB1] =	sst s10  }
0x32: {  	s10 =	sld [smem:$0x3FAF];
	_ =	sdelay $0x3  }
0x33: {  	p0 =	seq.s32 s10, $0x1;
	s10 =	sld [smem:$0x3FB1];
	_ =	sdelay $0x3  }
0x34: {  	[smem:$0x3FB1] =	sst s10  }
0x35: {  	s10 =	sld [smem:$0x3FB0];
	_ =	sdelay $0x3  }
0x36: {  	p1 =	seq.s32 s10, $0x1;
	s10 =	sld [smem:$0x3FB1];
	_ =	sdelay $0x3  }
0x37: {  	[smem:$0x3FB1] =	sst s10  }
0x38: {  	s10 =	sld [smem:$0x3FB2]  }
0x39: {  	_ = 	snop;
	(pc) =	sbr.ind lr, $3  }
0x3a: {  	_ = 	snop  }
0x3b: {  	_ = 	snop  }
0x3c: {  	p2 =	seq.s32 s10, $0x1;
	s10 =	sld [smem:$0x3FB1]  }
0x3d: {  	_ =	shalt  }
0x3e: {  	_ =	shalt  }
0x3f: {  	_ =	shalt  }
0x40: {  	_ =	shalt  }
0x41: {  	_ =	shalt  }
0x42: {  	_ =	shalt  }
0x43: {  	_ =	shalt  }
0x44: {  	_ =	shalt  }
0x45: {  	_ =	shalt  }
0x46: {  	_ =	shalt  }
0x47: {  	_ =	shalt  }
0x48: {  	_ =	shalt  }
0x49: {  	_ =	shalt  }
0x4a: {  	_ =	shalt  }
0x4b: {  	_ =	shalt  }
0x4c: {  	_ =	shalt  }
0x4d: {  	_ =	shalt  }
0x4e: {  	_ =	shalt  }
0x4f: {  	_ =	shalt  }
0x50: {  	_ =	shalt  }
0x51: {  	_ =	shalt  }
0x52: {  	_ =	shalt  }
0x53: {  	_ =	shalt  }
0x54: {  	_ =	shalt  }
0x55: {  	_ =	shalt  }
0x56: {  	_ =	shalt  }
0x57: {  	_ =	shalt  }
0x58: {  	_ =	shalt  }
0x59: {  	_ =	shalt  }
0x5a: {  	_ =	shalt  }
0x5b: {  	_ =	shalt  }
0x5c: {  	_ =	shalt  }
0x5d: {  	_ =	shalt  }
0x5e: {  	_ =	shalt  }
0x5f: {  	_ =	shalt  }
0x60: {  	_ =	shalt  }
0x61: {  	_ =	shalt  }
0x62: {  	_ =	shalt  }
0x63: {  	_ =	shalt  }
0x64: {  	_ =	shalt  }
0x65: {  	_ =	shalt  }
0x66: {  	_ =	shalt  }
0x67: {  	_ =	shalt  }
0x68: {  	_ =	shalt  }
0x69: {  	_ =	shalt  }
0x6a: {  	_ =	shalt  }
0x6b: {  	_ =	shalt  }
0x6c: {  	_ =	shalt  }
0x6d: {  	_ =	shalt  }
0x6e: {  	_ =	shalt  }
0x6f: {  	_ =	shalt  }
0x70: {  	_ =	shalt  }
0x71: {  	_ =	shalt  }
0x72: {  	_ =	shalt  }
0x73: {  	_ =	shalt  }
0x74: {  	_ =	shalt  }
0x75: {  	_ =	shalt  }
0x76: {  	_ =	shalt  }
0x77: {  	_ =	shalt  }
0x78: {  	_ =	shalt  }
0x79: {  	_ =	shalt  }
0x7a: {  	_ =	shalt  }
0x7b: {  	_ =	shalt  }
0x7c: {  	_ =	shalt  }
0x7d: {  	_ =	shalt  }
0x7e: {  	_ =	shalt  }
0x7f: {  	_ =	shalt  }
0x80: {  	_ =	shalt  }
0x81: {  	_ =	shalt  }
0x82: {  	_ =	shalt  }
0x83: {  	_ =	shalt  }
0x84: {  	_ =	shalt  }
0x85: {  	_ =	shalt  }
0x86: {  	_ =	shalt  }
0x87: {  	_ =	shalt  }
.Lfunc_end0:
.L_simem_size_0:
called_computation_lowered:
.L_overlay_start_0:
0x88: {  	s2 =	sld [smem:$0x3FD9]  }
0x89: {  	s3 =	sld [smem:$0x3FFE];
	_ =	sdelay $0x1  }
0x8a: {  	s1 =	srdreg.scid  }
0x8b: {  	s0 =	sand.u32 $0x1, s1  }
0x8c: {  	s17 =	sshll.u32 s0, $0xA;
	s2 =	sadd.s32 s3, s2  }
0x8d: {  	s2 =	sadd.s32 s2, s17  }
0x8e: {  	[smem:$0x3FBD] =	sst s2  }
0x8f: {  	_ = 	snop  }
0x90: {  	s2 =	sld [smem:$0x3FC7]  }
0x91: {  	s18 =	sld [smem:$0x3FC6]  }
0x92: {  	s4 =	sld [smem:$0x3FC4]  }
0x93: {  	s5 =	sld [smem:$0x3FC2]  }
0x94: {  	s6 =	sld [smem:$0x3FC1]  }
0x95: {  	s7 =	sld [smem:$0x3FC0]  }
0x96: {  	s8 =	sld [smem:$0x3FBF]  }
0x97: {  	s9 =	sld [smem:$0x3FD0];
	(tm) =	ssettm $0x1  }
0x98: {  	s10 =	sld [smem:$0x3FFB];
	_ =	sdelay $0x3  }
0x99: {  	_ =	strace s10  }
0x9a: {  	s10 =	sld [smem:$0x3FFC];
	_ =	sdelay $0x3  }
0x9b: {  	_ =	strace s10  }
0x9c: {  	s10 =	sld [smem:$0x3FFD];
	_ =	sdelay $0x3  }
0x9d: {  	_ =	strace s10  }
0x9e: {  	_ =	strace $0x8FFFFFFF  }
0x9f: {  	s19 =	sld [smem:$0x3FDB];
	_ =	sdelay $0x1  }
0xa0: {  	s11 =	simm.s32 $_scs_section_size  }
0xa1: {  	s12 =	simm.s32 $_size__tile_overlayer_lowered;
	s13 =	simm.s32 $_tile_overlayer_lowered  }
0xa2: {  	s22 =	simm.s32 $0x1BFF;
	s21 =	sshll.u32 s13, $0x1;
	s10 =	sadd.s32 s11, s19  }
0xa3: {  	s14 =	simm.s32 $0x0;
	s20 =	sshll.u32 s12, $0x1;
	s12 =	sadd.s32 s21, s10  }
0xa4: {  	[timem:s14], [sflag:s22] =	dma.local [hbm:s12], s20  }
0xa5: {  	_ =	swait.ge [sflag:s22], s20  }
0xa6: {  	s11 =	ssub.s32 $0x0, s20;
	[sflag:s22] =	ssyncset.done $0x0  }
0xa7: {  	[sflag:s22] =	ssyncadd.s32 s11;
	_ =	sdelay $0x1  }
0xa8: {  	s23 =	simm.s32 $0x1B8B  }
0xa9: {  	_ =	swait.ge [sflag:s23], $0x1  }
0xaa: {  	[sflag:s23] =	ssyncset.done $0x0  }
0xab: {  	s25 =	simm.s32 $0x1B8E;
	s24 =	sld [smem:$0x3FFE];
	[sflag:s23] =	ssyncadd.s32 $0xFFFFFFFF  }
0xac: {  	s26 =	simm.s32 $execute0_lowered;
	[smem:$0x3FD2] =	sst s25  }
0xad: {  	s12 =	sshll.u32 s26, $0x1;
	_ =	strace $0x80000046;
	[dreg:$0x1] =	wrdreg $0xFFFFFFFF  }
0xae: {  	s28 =	simm.s32 $_size_execute0_lowered;
	s10 =	sadd.s32 s10, s12;
	[dreg:$0x0] =	wrdreg $0x0  }
0xaf: {  	s12 =	sshll.u32 s28, $0x1;
	[dreg:$0x2] =	wrdreg s10  }
0xb0: {  	[dreg:$0x3] =	wrdreg s12  }
0xb1: {  	[dreg:$0x4] =	wrdreg $0xC0  }
0xb2: {  	_ =	task [dreg:s14], $0x5FFFF  }
0xb3: {  	[dreg:$0x1] =	wrdreg $0xFFFFFFFF  }
0xb4: {  	[dreg:$0x0] =	wrdreg $0x60  }
0xb5: {  	[dreg:$0x2] =	wrdreg s7  }
0xb6: {  	[dreg:$0x3] =	wrdreg s8  }
0xb7: {  	[dreg:$0x4] =	wrdreg s24  }
0xb8: {  	[dreg:$0x5] =	wrdreg s5  }
0xb9: {  	[dreg:$0x6] =	wrdreg s2  }
0xba: {  	[dreg:$0x7] =	wrdreg s18  }
0xbb: {  	[dreg:$0x8] =	wrdreg s4  }
0xbc: {  	[dreg:$0x9] =	wrdreg s6  }
0xbd: {  	[dreg:$0xa] =	wrdreg s9  }
0xbe: {  	[dreg:$0xb] =	wrdreg $0x1F1800  }
0xbf: {  	[dreg:$0xc] =	wrdreg $0x1F4000  }
0xc0: {  	[dreg:$0xd] =	wrdreg $0x9  }
0xc1: {  	_ =	task.clear_ibuf [dreg:s14], $0xEFFFF;
	_ =	strace $0x90000046  }
0xc2: {  	s29 =	simm.s32 $0x9;
	_ =	strace $0x80000048  }
0xc3: {  	_ =	swait.ge [sflag:s29], $0x1  }
0xc4: {  	[sflag:s29] =	ssyncadd.s32 $0xFFFFFFFF  }
0xc5: {  	_ =	strace $0x90000048  }
0xc6: {  	_ =	sfence  }
0xc7: {  	s30 =	sld [smem:$0x0];
	_ =	sdelay $0x2  }
0xc8: {  	s31 =	sshll.u32 s1, $0xD;
	s1 =	sshrl.u32 s1, $0x2  }
0xc9: {  	s3 =	sand.u32 $0x4000, s31;
	s1 =	sadd.s32 s1, s30  }
0xca: {  	s0 =	sor.u32 s3, s0;
	s1 =	sshll.u32 s1, $0x11  }
0xcb: {  	s0 =	sor.u32 s1, s0  }
0xcc: {  	s0 =	sadd.s32 $0x8F2B, s0  }
0xcd: {  	[sflag:s0] =	ssyncadd.remote.s32 $0x1  }
0xce: {  	_ =	sfence.sel $0xFFFF  }
0xcf: {  	[dreg:$0x0] =	wrdreg $0xFFFFFFFF;
	(pc) =	sbr.abs _section_cstart, $3  }
0xd0: {  	[dreg:$0x1] =	wrdreg $0xFFFFFFFF  }
0xd1: {  	_ =	task.clear_ibuf [dreg:s14], $0x2FFFF;
	_ =	strace $0x9FFFFFFF  }
0xd2: {  	(tm) =	ssettm $0x7FFFFFFF  }
0xd3: {  	_ =	shalt  }
tec
execute0_lowered:
.L_overlay_start_1:
0x0: {  	(tag) =	ssettag $0x1  }
0x1: {  	s0 =	rddreg [dreg:$0x0]  }
0x2: {  	s1 =	rddreg [dreg:$0x1]  }
0x3: {  	s17 =	rddreg [dreg:$0x2]  }
0x4: {  	s2 =	rddreg [dreg:$0x3]  }
0x5: {  	s3 =	rddreg [dreg:$0x6]  }
0x6: {  	s7 =	rddreg [dreg:$0x9]  }
0x7: {  	s19 =	rddreg [dreg:$0xa];
	s18 =	stileid.u32;
	s9 =	simm.s32 $0x0  }
0x8: {  	s4 =	srdreg.scid;
	s29 =	simm.s32 $0x1;
	s30 =	simm.s32 $0x4E80  }
0x9: {  	s31 =	simm.s32 $0x4E20;
	s10 =	smul.u32 $0x280, s18;
	[smem:$0x7FF] =	sst s9  }
0xa: {  	s5 =	smul.u32 $0x9C4, s18;
	s4 =	sand.u32 $0x1, s4;
	s14 =	sadd.s32 $0x200, s17  }
0xb: {  	s22 =	sadd.s32 $0x14B0, s17;
	_ =	strace $0x80000047;
	[dreg:$0xc] =	wrdreg s14  }
0xc: {  	s23 =	sshll.u32 s18, $0x7;
	s24 =	sadd.s32 $0xEB0, s17;
	[dreg:$0x13] =	wrdreg s22  }
0xd: {  	s25 =	sadd.s32 $0x4B0, s3;
	p1 =	seq.s32 s18, $0xF;
	[dreg:$0x14] =	wrdreg s24  }
0xe: {  	s26 =	sadd.s32 $0x8B0, s17;
	s8 =	ssub.s32 $0x2, s4;
	[dreg:$0x15] =	wrdreg s25  }
0xf: {  	s21 =	sor.u32 s18, s4;
	s24 =	sadd.s32 s23, s19;
	[dreg:$0x16] =	wrdreg s26  }
0x10: {  	s4 =	simm.s32 $0x1E880;
	s6 =	sshrl.u32 s10, $0x3;
	s11 =	sadd.s32 s5, s17  }
0x11: {  	s13 =	sshrl.u32 s8, $0x1;
	s0 =	sadd.s32 s0, s5;
	s1 =	sadd.s32 s1, s5  }
0x12: {  	s14 =	sadd.s32 s2, s5;
	p0 =	sne.s32 s21, $0x0;
	s28 =	sadd.s32 s10, s7  }
0x13: {  	s2 =	simm.s32 $0x18880;
	s12 =	sadd.s32 s6, s17;
	[dreg:$0xd] =	wrdreg s0  }
0x14: {  	s8 =	ssub.s32 s8, s13;
	[dreg:$0xe] =	wrdreg s1;
	s15 =	sadd.s32 $0xB400, s11  }
.Ltmp0:
0x15: {  	s16 =	sadd.s32 $0x1600, s11;
	s20 =	sadd.s32 s3, s6;
	(pc) =	sbr.rel .LBB2_1-.Ltmp0, $4  }
0x16: {  	s1 =	simm.s32 $0x13A00;
	s5 =	sadd.s32 $0x1000, s12;
	[dreg:$0x12] =	wrdreg s20  }
0x17: {  	s3 =	simm.s32 $0x1DB00;
	s11 =	sadd.s32 $0xA00, s12;
	[dreg:$0xf] =	wrdreg s5  }
0x18: {  	s6 =	simm.s32 $0x0;
	s13 =	sadd.s32 $0x400, s12;
	[dreg:$0x10] =	wrdreg s11  }
0x19: {  	v0 =	vimm.f32 $0.0e+00;
	s25 =	smax.u32 s8, $0x1;
	[dreg:$0x11] =	wrdreg s13;
	s5 =	simm.s32 $0x1B080  }
.LBB2_70:
0x1a: {  	s6 =	sadd.s32 $0x1, s6  }
0x1b: {  	p2 =	sne.s32 s6, s25  }
.Ltmp1:
0x1c: {  	_ = 	snop;
	(pc) =	sbr.rel @!p2 .LBB2_71-.Ltmp1, $1  }
0x1d: {  	_ =	sdelay $0x3  }
.LBB2_1:
0x1e: {  	s0 =	rddreg [dreg:$0xd]  }
0x1f: {  	[tilespmem:s9], [sflag:$0x1] =	stream.linear.gather [hbm4b:s0+s9], $0x4E20, $0x38;
	[tilespmem:$0x1F480] =	vst v63  }
0x20: {  	_ =	swait.ge [sflag:s29], $0x4E20  }
0x21: {  	[sflag:s29] =	ssyncset.done $0x0  }
0x22: {  	s13 =	rddreg [dreg:$0xe];
	[sflag:s29] =	ssyncadd.s32 $0xFFFFB1E0  }
0x23: {  	[tilespmem:s30], [sflag:$0x1] =	stream.linear.gather [hbm4b:s13+s9], $0x4E20, $0x38;
	[tilespmem:$0x1F480] =	vst v63  }
0x24: {  	_ =	swait.ge [sflag:s29], $0x4E20  }
0x25: {  	[sflag:s29] =	ssyncset.done $0x0  }
0x26: {  	s17 =	simm.s32 $0xEB80;
	[sflag:s29] =	ssyncadd.s32 $0xFFFFB1E0  }
0x27: {  	[tilespmem:s17], [sflag:$0x1] =	stream.linear.gather [hbm4b:s14+s9], $0x4E20, $0x38;
	[tilespmem:$0x1F480] =	vst v63  }
0x28: {  	_ =	swait.ge [sflag:s29], $0x4E20  }
0x29: {  	[sflag:s29] =	ssyncset.done $0x0  }
0x2a: {  	[sflag:s29] =	ssyncadd.s32 $0xFFFFB1E0  }
0x2b: {  	s18 =	rddreg [dreg:$0x4]  }
0x2c: {  	[tilespmem:s2], [sflag:$0x1] =	stream.linear.gather [hbm4b:s18+s9], $0x2710, $0x38;
	[tilespmem:$0x1F480] =	vst v63  }
0x2d: {  	_ =	swait.ge [sflag:s29], $0x2710  }
0x2e: {  	[sflag:s29] =	ssyncset.done $0x0  }
0x2f: {  	[sflag:s29] =	ssyncadd.s32 $0xFFFFD8F0  }
0x30: {  	s19 =	rddreg [dreg:$0x5]  }
0x31: {  	[tilespmem:s5], [sflag:$0x1] =	stream.linear.gather [hbm4b:s19+s9], $0x2710, $0x38;
	[tilespmem:$0x1F480] =	vst v63  }
0x32: {  	_ =	swait.ge [sflag:s29], $0x2710  }
0x33: {  	[sflag:s29] =	ssyncset.done $0x0  }
0x34: {  	s8 =	simm.s32 $0x1DD80;
	s20 =	rddreg [dreg:$0xc];
	[sflag:s29] =	ssyncadd.s32 $0xFFFFD8F0  }
0x35: {  	[tilespmem:s8], [sflag:$0x1] =	stream.linear.gather [hbm4b:s20+s9], $0x80, $0x38;
	[tilespmem:$0x1F480] =	vst v63  }
0x36: {  	_ =	swait.ge [sflag:s29], $0x80  }
0x37: {  	[sflag:s29] =	ssyncset.done $0x0  }
0x38: {  	[sflag:s29] =	ssyncadd.s32 $0xFFFFFF80  }
0x39: {  	s22 =	simm.s32 $0x1DE00;
	s21 =	rddreg [dreg:$0x2]  }
0x3a: {  	[tilespmem:s22], [sflag:$0x1] =	stream.linear.gather [hbm4b:s21+s9], $0x80, $0x38;
	[tilespmem:$0x1F480] =	vst v63  }
0x3b: {  	_ =	swait.ge [sflag:s29], $0x80  }
0x3c: {  	[sflag:s29] =	ssyncset.done $0x0  }
0x3d: {  	s23 =	simm.s32 $0x9D00;
	[sflag:s29] =	ssyncadd.s32 $0xFFFFFF80  }
0x3e: {  	[tilespmem:s23], [sflag:$0x1] =	stream.linear.gather [hbm4b:s15+s9], $0x4E20, $0x38;
	[tilespmem:$0x1F480] =	vst v63  }
0x3f: {  	_ =	swait.ge [sflag:s29], $0x4E20  }
0x40: {  	[sflag:s29] =	ssyncset.done $0x0  }
0x41: {  	[sflag:s29] =	ssyncadd.s32 $0xFFFFB1E0  }
0x42: {  	[tilespmem:s1], [sflag:$0x1] =	stream.linear.gather [hbm4b:s16+s9], $0x4E20, $0x38;
	[tilespmem:$0x1F480] =	vst v63  }
0x43: {  	_ =	swait.ge [sflag:s29], $0x4E20  }
0x44: {  	[sflag:s29] =	ssyncset.done $0x0  }
0x45: {  	s26 =	simm.s32 $0x4EA0;
	[sflag:s29] =	ssyncadd.s32 $0xFFFFB1E0  }
0x46: {  	v2 =	vld [tilespmem:s26+$0x10];
	_ =	sdelay $0x3  }
0x47: {  	v6 =	vld [tilespmem:s26+$0xFFFFFFF0]  }
0x48: {  	v4 =	vld [tilespmem:s26+$0xFFFFFFE0]  }
0x49: {  	s17 =	simm.s32 $0x9D20;
	v1 =	vld [tilespmem:s26+$0x0]  }
0x4a: {  	v5 =	vld [tilespmem:s17+$0x10]  }
0x4b: {  	s19 =	simm.s32 $0x13A20;
	v3 =	vld.idx.msk [tilespmem:v2+s5+$0x0], $0xffff  }
0x4c: {  	v7 =	vld [tilespmem:s19+$0x10]  }
0x4d: {  	v11 =	vld [tilespmem:s17+$0xFFFFFFE0]  }
0x4e: {  	v13 =	vld [tilespmem:s19+$0xFFFFFFE0]  }
0x4f: {  	v8 =	vld.idx.msk [tilespmem:v2+s2+$0x0], $0xffff  }
0x50: {  	s0 =	simm.s32 $0xEBA0;
	v9 =	vld.idx.msk [tilespmem:v4+s5+$0x0], $0xffff;
	v10 =	vsub.f32 $1.000000000e+00, v3  }
0x51: {  	v14 =	vld [tilespmem:s0+$0x10]  }
0x52: {  	v15 =	vld [tilespmem:s17+$0xFFFFFFF0];
	v3 =	vmul.f32 v5, v3;
	v5 =	vmul.f32 v7, v10  }
0x53: {  	v12 =	vld.idx.msk [tilespmem:v6+s5+$0x0], $0xffff  }
0x54: {  	v2 =	vld.idx.msk [tilespmem:v1+s5+$0x0], $0xffff;
	v7 =	vsub.f32 $1.000000000e+00, v8;
	v3 =	vadd.f32 v5, v3  }
0x55: {  	v8 =	vld [tilespmem:s19+$0xFFFFFFF0];
	v5 =	vsub.f32 $1.000000000e+00, v9  }
0x56: {  	v16 =	vmul.f32 v11, v9;
	v9 =	vld [tilespmem:s17+$0x0];
	v11 =	vmul.f32 v3, v7  }
0x57: {  	v10 =	vld [tilespmem:s19+$0x0];
	v13 =	vmul.f32 v13, v5  }
0x58: {  	v6 =	vld.idx.msk [tilespmem:v6+s2+$0x0], $0xffff;
	v3 =	vsub.f32 $1.000000000e+00, v12;
	v11 =	vmul.f32 v11, v14  }
0x59: {  	s20 =	simm.s32 $0xEBA0;
	s21 =	simm.s32 $0x0;
	s22 =	simm.s32 $0x4EE0;
	v7 =	vsub.f32 $1.000000000e+00, v2;
	v5 =	vld.idx.msk [tilespmem:v4+s2+$0x0], $0xffff;
	v12 =	vmul.f32 v15, v12;
	v4 =	vadd.f32 v13, v16  }
.LBB2_2:
0x5a: {  	v13 =	vld [tilespmem:s22+$0x10];
	s21 =	sadd.s32 $0x40, s21;
	v3 =	vmul.f32 v8, v3;
	v8 =	vmul.f32 $1.006768700e+00, v11  }
0x5b: {  	s8 =	simm.s32 $0xEB00;
	s11 =	simm.s32 $0x9C80;
	v14 =	vld [tilespmem:s22+$0xFFFFFFF0];
	p2 =	slt.u32 s21, $0x4DC0;
	v2 =	vmul.f32 v9, v2  }
0x5c: {  	s12 =	simm.s32 $0x4DF0;
	s13 =	simm.s32 $0x13980;
	s18 =	simm.s32 $0x18800;
	v9 =	vld [tilespmem:s22+$0x0];
	v3 =	vadd.f32 v3, v12;
	v7 =	vmul.f32 v10, v7;
	[tilespmem:s0+$0x10] =	vst v8  }
0x5d: {  	v11 =	vld [tilespmem:s22+$0xFFFFFFE0]  }
0x5e: {  	v5 =	vsub.f32 $1.000000000e+00, v5;
	v8 =	vld.idx.msk [tilespmem:v1+s2+$0x0], $0xffff;
	v2 =	vadd.f32 v7, v2  }
0x5f: {  	v10 =	vsub.f32 $1.000000000e+00, v6;
	v7 =	vld [tilespmem:s0+$0xFFFFFFE0]  }
0x60: {  	v4 =	vmul.f32 v4, v5;
	v5 =	vld [tilespmem:s0+$0xFFFFFFF0]  }
0x61: {  	v3 =	vmul.f32 v3, v10;
	v6 =	vld [tilespmem:s0+$0x0];
	v1 =	vmov v9  }
0x62: {  	v9 =	vld.idx.msk [tilespmem:v13+s5+$0x0], $0xffff  }
0x63: {  	s17 =	sadd.s32 $0x40, s17;
	v12 =	vld.idx.msk [tilespmem:v14+s5+$0x0], $0xffff  }
0x64: {  	s19 =	sadd.s32 $0x40, s19;
	v10 =	vld [tilespmem:s17+$0x10];
	v4 =	vmul.f32 v4, v7;
	v7 =	vsub.f32 $1.000000000e+00, v8  }
0x65: {  	v8 =	vld [tilespmem:s19+$0x10];
	v3 =	vmul.f32 v3, v5  }
0x66: {  	v5 =	vld.idx.msk [tilespmem:v13+s2+$0x0], $0xffff;
	v4 =	vmul.f32 $1.006768700e+00, v4;
	v7 =	vmul.f32 v2, v7  }
0x67: {  	v13 =	vld.idx.msk [tilespmem:v11+s5+$0x0], $0xffff;
	v15 =	vmul.f32 $1.006768700e+00, v3  }
0x68: {  	v16 =	vsub.f32 $1.000000000e+00, v9;
	v2 =	vld.idx.msk [tilespmem:v1+s5+$0x0], $0xffff;
	[tilespmem:s0+$0xFFFFFFE0] =	vst v4;
	v4 =	vmul.f32 v7, v6  }
0x69: {  	v3 =	vsub.f32 $1.000000000e+00, v12;
	v6 =	vld [tilespmem:s17+$0xFFFFFFE0];
	[tilespmem:s0+$0xFFFFFFF0] =	vst v15  }
0x6a: {  	v7 =	vmul.f32 v10, v9;
	s0 =	sadd.s32 $0x40, s0;
	v15 =	vld [tilespmem:s19+$0xFFFFFFE0];
	v8 =	vmul.f32 v8, v16  }
0x6b: {  	v4 =	vmul.f32 $1.006768700e+00, v4;
	v16 =	vld [tilespmem:s0+$0x10]  }
0x6c: {  	v5 =	vsub.f32 $1.000000000e+00, v5;
	v17 =	vld [tilespmem:s17+$0xFFFFFFF0];
	v10 =	vadd.f32 v8, v7  }
.Ltmp2:
0x6d: {  	v18 =	vsub.f32 $1.000000000e+00, v13;
	v8 =	vld [tilespmem:s19+$0xFFFFFFF0];
	[tilespmem:s20+$0x0] =	vst v4;
	s20 =	smov.u32 s0;
	(pc) =	sbr.rel @p2 .LBB2_2-.Ltmp2, $4  }
0x6e: {  	v7 =	vsub.f32 $1.000000000e+00, v2;
	v4 =	vmul.f32 v6, v13;
	v9 =	vld [tilespmem:s17+$0x0];
	v6 =	vmul.f32 v10, v5  }
0x6f: {  	v13 =	vmul.f32 v15, v18;
	v10 =	vld [tilespmem:s19+$0x0]  }
0x70: {  	v5 =	vld.idx.msk [tilespmem:v11+s2+$0x0], $0xffff;
	v11 =	vmul.f32 v6, v16  }
0x71: {  	s22 =	sadd.s32 $0x40, s22;
	v4 =	vadd.f32 v13, v4;
	v6 =	vld.idx.msk [tilespmem:v14+s2+$0x0], $0xffff;
	v12 =	vmul.f32 v17, v12  }
0x72: {  	_ =	sdelay $0x3  }
0x73: {  	v1 =	vld.idx.msk [tilespmem:v1+s2+$0x0], $0xffff;
	_ =	sdelay $0x1  }
0x74: {  	v3 =	vmul.f32 v8, v3;
	v61 =	vld [tilespmem:s0+$0xFFFFFFE0]  }
0x75: {  	v62 =	vld [tilespmem:s0+$0xFFFFFFF0];
	v2 =	vmul.f32 v9, v2;
	v7 =	vmul.f32 v10, v7;
	v5 =	vsub.f32 $1.000000000e+00, v5  }
0x76: {  	v63 =	vld [tilespmem:s0+$0x0];
	v3 =	vadd.f32 v3, v12;
	v6 =	vsub.f32 $1.000000000e+00, v6  }
0x77: {  	v2 =	vadd.f32 v7, v2;
	v4 =	vmul.f32 v4, v5;
	v1 =	vsub.f32 $1.000000000e+00, v1  }
0x78: {  	v3 =	vmul.f32 v3, v6  }
0x79: {  	v4 =	vmul.f32 v4, v61;
	v1 =	vmul.f32 v2, v1  }
0x7a: {  	v2 =	vmul.f32 $1.006768700e+00, v11;
	v3 =	vmul.f32 v3, v62  }
0x7b: {  	v4 =	vmul.f32 $1.006768700e+00, v4;
	v1 =	vmul.f32 v1, v63  }
0x7c: {  	[tilespmem:s0+$0x10] =	vst v2;
	v2 =	vmul.f32 $1.006768700e+00, v3  }
0x7d: {  	[tilespmem:s0+$0xFFFFFFE0] =	vst v4;
	v1 =	vmul.f32 $1.006768700e+00, v1  }
0x7e: {  	[tilespmem:s0+$0xFFFFFFF0] =	vst v2  }
0x7f: {  	[tilespmem:s20+$0x0] =	vst v1  }
.LBB2_4:
0x80: {  	v1 =	vld [tilespmem:s11+$0x0];
	_ =	sdelay $0x7  }
0x81: {  	v2 =	vld.idx.msk [tilespmem:v1+s5+$0x0], $0xffff  }
0x82: {  	v3 =	vld [tilespmem:s8+$0x0]  }
0x83: {  	v4 =	vld [tilespmem:s18+$0x0];
	_ =	sdelay $0x1  }
0x84: {  	v1 =	vld.idx.msk [tilespmem:v1+s2+$0x0], $0xffff  }
0x85: {  	v5 =	vsub.f32 $1.000000000e+00, v2;
	_ =	sdelay $0x1  }
0x86: {  	v2 =	vmul.f32 v3, v2;
	v3 =	vmul.f32 v4, v5  }
0x87: {  	v63 =	vld [tilespmem:s13+$0x0]  }
0x88: {  	v1 =	vsub.f32 $1.000000000e+00, v1;
	v2 =	vadd.f32 v3, v2;
	_ =	sdelay $0x1  }
0x89: {  	s12 =	sadd.s32 $0x10, s12;
	v1 =	vmul.f32 v2, v1  }
0x8a: {  	p2 =	slt.u32 s12, $0x4E10  }
.Ltmp3:
0x8b: {  	v1 =	vmul.f32 v1, v63;
	(pc) =	sbr.rel @p2 .LBB2_4-.Ltmp3, $4  }
0x8c: {  	_ = 	snop  }
0x8d: {  	v1 =	vmul.f32 $1.006768700e+00, v1  }
0x8e: {  	s18 =	sadd.s32 $0x10, s18;
	s8 =	sadd.s32 $0x10, s8;
	s11 =	sadd.s32 $0x10, s11  }
0x8f: {  	s17 =	simm.s32 $0xFFFFFFF0;
	s0 =	simm.s32 $0x1DB00;
	[tilespmem:s13+$0x0] =	vst v1;
	s13 =	sadd.s32 $0x10, s13  }
0x90: {  	s8 =	sadd.s32 $0x10, s17;
	[tilespmem:s0+$0x0] =	vst v0  }
.LBB2_6:
0x91: {  	s8 =	sadd.s32 $0x10, s8  }
0x92: {  	p2 =	slt.u32 s8, $0x270  }
.Ltmp4:
0x93: {  	_ = 	snop;
	(pc) =	sbr.rel @p2 .LBB2_6-.Ltmp4, $3  }
0x94: {  	_ =	sdelay $0x1  }
0x95: {  	s0 =	sadd.s32 $0x10, s0  }
0x96: {  	[tilespmem:s0+$0x0] =	vst v0  }
.Ltmp5:
0x97: {  	(pc) =	sbr.rel @!p1 .LBB2_8-.Ltmp5, $1  }
0x98: {  	_ =	sdelay $0x3  }
0x99: {  	s0 =	rddreg [dreg:$0x13];
	s8 =	simm.s32 $0x1DE80  }
0x9a: {  	[tilespmem:s8], [sflag:$0x1] =	stream.linear.gather [hbm4b:s0+s9], $0x190, $0x38;
	[tilespmem:$0x1F480] =	vst v63  }
0x9b: {  	_ =	swait.ge [sflag:s29], $0x190  }
0x9c: {  	[sflag:s29] =	ssyncset.done $0x0  }
0x9d: {  	s19 =	simm.s32 $0x1E100;
	s18 =	rddreg [dreg:$0x14];
	[sflag:s29] =	ssyncadd.s32 $0xFFFFFE70  }
0x9e: {  	[tilespmem:s19], [sflag:$0x1] =	stream.linear.gather [hbm4b:s18+s9], $0x190, $0x38;
	[tilespmem:$0x1F480] =	vst v63  }
0x9f: {  	_ =	swait.ge [sflag:s29], $0x190  }
0xa0: {  	[sflag:s29] =	ssyncset.done $0x0  }
0xa1: {  	s21 =	simm.s32 $0x1E380;
	s20 =	rddreg [dreg:$0x16];
	[sflag:s29] =	ssyncadd.s32 $0xFFFFFE70  }
0xa2: {  	[tilespmem:s21], [sflag:$0x1] =	stream.linear.gather [hbm4b:s20+s9], $0x190, $0x38;
	[tilespmem:$0x1F480] =	vst v63  }
0xa3: {  	_ =	swait.ge [sflag:s29], $0x190  }
0xa4: {  	[sflag:s29] =	ssyncset.done $0x0  }
0xa5: {  	s23 =	simm.s32 $0x1E600;
	s22 =	rddreg [dreg:$0x15];
	[sflag:s29] =	ssyncadd.s32 $0xFFFFFE70  }
0xa6: {  	[tilespmem:s23], [sflag:$0x1] =	stream.linear.gather [hbm4b:s22+s9], $0x190, $0x38;
	[tilespmem:$0x1F480] =	vst v63  }
0xa7: {  	_ =	swait.ge [sflag:s29], $0x190  }
0xa8: {  	[sflag:s29] =	ssyncset.done $0x0  }
0xa9: {  	s26 =	simm.s32 $0x1E010;
	[sflag:s29] =	ssyncadd.s32 $0xFFFFFE70  }
0xaa: {  	s11 =	simm.s32 $0x1E290;
	[tilespmem:s26+$0x0] =	vst v0  }
0xab: {  	s12 =	simm.s32 $0x1E2A0;
	s8 =	simm.s32 $0x1E510;
	[tilespmem:s11+$0x0] =	vst v0  }
0xac: {  	s13 =	simm.s32 $0x1E020;
	s0 =	simm.s32 $0x1E790;
	s11 =	simm.s32 $0x190;
	[tilespmem:s8+$0x0] =	vst v0  }
.LBB2_10:
0xad: {  	s11 =	sadd.s32 $0x10, s11  }
0xae: {  	[tilespmem:s0+$0x0] =	vst v0;
	s0 =	sadd.s32 $0x10, s0;
	s8 =	sadd.s32 $0x10, s8;
	p2 =	slt.u32 s11, $0x270  }
.Ltmp6:
0xaf: {  	(pc) =	sbr.rel @p2 .LBB2_10-.Ltmp6, $4  }
0xb0: {  	_ = 	snop  }
0xb1: {  	[tilespmem:s13+$0x0] =	vst v0  }
0xb2: {  	[tilespmem:s12+$0x0] =	vst v0  }
0xb3: {  	s13 =	sadd.s32 $0x10, s13;
	s12 =	sadd.s32 $0x10, s12;
	[tilespmem:s8+$0x0] =	vst v0  }
.Ltmp7:
0xb4: {  	(pc) =	sbr.rel .LBB2_12-.Ltmp7, $2  }
0xb5: {  	_ =	sdelay $0x2  }
0xb6: {  	[tilespmem:s0+$0x0] =	vst v0  }
.LBB2_8:
0xb7: {  	s0 =	rddreg [dreg:$0xf];
	s8 =	simm.s32 $0x1DE80  }
0xb8: {  	[tilespmem:s8], [sflag:$0x1] =	stream.linear.gather [hbm4b:s0+s9], $0x280, $0x38;
	[tilespmem:$0x1F480] =	vst v63  }
0xb9: {  	_ =	swait.ge [sflag:s29], $0x280  }
0xba: {  	[sflag:s29] =	ssyncset.done $0x0  }
0xbb: {  	s20 =	simm.s32 $0x1E100;
	s19 =	rddreg [dreg:$0x10];
	[sflag:s29] =	ssyncadd.s32 $0xFFFFFD80  }
0xbc: {  	[tilespmem:s20], [sflag:$0x1] =	stream.linear.gather [hbm4b:s19+s9], $0x280, $0x38;
	[tilespmem:$0x1F480] =	vst v63  }
0xbd: {  	_ =	swait.ge [sflag:s29], $0x280  }
0xbe: {  	[sflag:s29] =	ssyncset.done $0x0  }
0xbf: {  	s22 =	simm.s32 $0x1E380;
	s21 =	rddreg [dreg:$0x11];
	[sflag:s29] =	ssyncadd.s32 $0xFFFFFD80  }
0xc0: {  	[tilespmem:s22], [sflag:$0x1] =	stream.linear.gather [hbm4b:s21+s9], $0x280, $0x38;
	[tilespmem:$0x1F480] =	vst v63  }
0xc1: {  	_ =	swait.ge [sflag:s29], $0x280  }
0xc2: {  	[sflag:s29] =	ssyncset.done $0x0  }
0xc3: {  	s26 =	simm.s32 $0x1E600;
	s23 =	rddreg [dreg:$0x12];
	[sflag:s29] =	ssyncadd.s32 $0xFFFFFD80  }
0xc4: {  	[tilespmem:s26], [sflag:$0x1] =	stream.linear.gather [hbm4b:s23+s9], $0x280, $0x38;
	[tilespmem:$0x1F480] =	vst v63  }
0xc5: {  	_ =	swait.ge [sflag:s29], $0x280  }
0xc6: {  	[sflag:s29] =	ssyncset.done $0x0  }
0xc7: {  	[sflag:s29] =	ssyncadd.s32 $0xFFFFFD80  }
.LBB2_12:
0xc8: {  	v1 =	vld [tilespmem:$0x1DD80]  }
0xc9: {  	s0 =	simm.s32 $0x1DE90;
	v3 =	vld [tilespmem:$0x1DD90]  }
0xca: {  	s8 =	simm.s32 $0x1E110;
	v2 =	vld [tilespmem:s0+$0x0]  }
0xcb: {  	v4 =	vld [tilespmem:s8+$0x0]  }
0xcc: {  	s11 =	simm.s32 $0x1E390;
	v5 =	vld [tilespmem:$0x1DDA0]  }
0xcd: {  	v6 =	vld [tilespmem:s11+$0x0];
	_ =	sdelay $0x2  }
0xce: {  	v2 =	vsub.f32 v2, v1;
	v4 =	vsub.f32 v4, v3;
	_ =	sdelay $0x1  }
0xcf: {  	v6 =	vsub.f32 v6, v5;
	v2 =	vmul.f32 v2, v2;
	v4 =	vmul.f32 v4, v4  }
0xd0: {  	v8 =	vld [tilespmem:s0+$0xFFFFFFF0]  }
0xd1: {  	v7 =	vld [tilespmem:s8+$0xFFFFFFF0];
	v2 =	vadd.f32 v4, v2;
	v4 =	vmul.f32 v6, v6;
	_ =	sdelay $0x1  }
0xd2: {  	v6 =	vadd.f32 v4, v2;
	v2 =	vld [tilespmem:s11+$0xFFFFFFF0];
	_ =	sdelay $0x1  }
0xd3: {  	v1 =	vsub.f32 v8, v1  }
0xd4: {  	v3 =	vsub.f32 v7, v3;
	v4 =	vshrl.u32 v6, $0x1  }
0xd5: {  	v1 =	vmul.f32 v1, v1;
	v4 =	vadd.s32 $0x1FBD1DF5, v4  }
0xd6: {  	v3 =	vmul.f32 v3, v3;
	(erf) = vrcp.f32 v4;
	v2 =	vsub.f32 v2, v5;
	_ =	sdelay $0x1  }
0xd7: {  	v1 =	vadd.f32 v3, v1;
	v2 =	vmul.f32 v2, v2  }
0xd8: {  	v9 =	vld [tilespmem:$0x1DD90]  }
0xd9: {  	s13 =	simm.s32 $0x1E130;
	v7 =	vld [tilespmem:$0x1DD80];
	v2 =	vadd.f32 v2, v1  }
0xda: {  	s12 =	simm.s32 $0x1DEB0;
	v3 =	vld [tilespmem:s13+$0x0]  }
0xdb: {  	v5 =	vld [tilespmem:s12+$0x0];
	v8 =	vshrl.u32 v2, $0x1  }
0xdc: {  	v10 =	vld [tilespmem:$0x1DDA0];
	s17 =	simm.s32 $0x1E3B0  }
0xdd: {  	v1 =	vld [tilespmem:s17+$0x0]  }
0xde: {  	v11 =	vadd.s32 $0x1FBD1DF5, v8;
	v8 =	vpop (erf)  }
0xdf: {  	v3 =	vsub.f32 v3, v9;
	v8 =	vmul.f32 v8, v6  }
0xe0: {  	v5 =	vsub.f32 v5, v7  }
0xe1: {  	v3 =	vmul.f32 v3, v3;
	v4 =	vadd.f32 v4, v8  }
0xe2: {  	v12 =	vld [tilespmem:s13+$0xFFFFFFF0];
	v5 =	vmul.f32 v5, v5;
	v1 =	vsub.f32 v1, v10;
	v8 =	vadd.f32 $1.000000000e+00, v2  }
0xe3: {  	v13 =	vld [tilespmem:s12+$0xFFFFFFF0];
	(erf) = vrcp.f32 v11;
	v4 =	vmul.f32 $5.000000000e-01, v4  }
0xe4: {  	v3 =	vadd.f32 v3, v5;
	v5 =	vld [tilespmem:s17+$0xFFFFFFF0];
	v1 =	vmul.f32 v1, v1;
	(erf) = vrcp.f32 v8  }
0xe5: {  	(erf) = vrcp.f32 v4  }
0xe6: {  	v8 =	vadd.f32 v1, v3;
	_ =	sdelay $0x1  }
0xe7: {  	v3 =	vsub.f32 v13, v7;
	v1 =	vshrl.u32 v8, $0x1  }
0xe8: {  	v7 =	vsub.f32 v12, v9;
	v5 =	vsub.f32 v5, v10;
	v1 =	vadd.s32 $0x1FBD1DF5, v1  }
0xe9: {  	(erf) = vrcp.f32 v1  }
0xea: {  	v3 =	vmul.f32 v3, v3;
	v7 =	vmul.f32 v7, v7  }
0xeb: {  	s18 =	simm.s32 $0x1DED0;
	v10 =	vld [tilespmem:$0x1DD80];
	v9 =	vpop (erf)  }
0xec: {  	v12 =	vld [tilespmem:s18+$0x0];
	v9 =	vmul.f32 v9, v2;
	v3 =	vadd.f32 v7, v3;
	v7 =	vmul.f32 v5, v5;
	v5 =	vpop (erf)  }
0xed: {  	s19 =	simm.s32 $0x1E150;
	v13 =	vld [tilespmem:$0x1DD90];
	v14 =	vpop (erf)  }
0xee: {  	v11 =	vadd.f32 v11, v9;
	v9 =	vadd.f32 v7, v3;
	v3 =	vld [tilespmem:s19+$0x0];
	v14 =	vmul.f32 v14, v6  }
0xef: {  	s20 =	simm.s32 $0x1E3D0  }
0xf0: {  	v16 =	vld [tilespmem:s20+$0x0];
	v7 =	vmul.f32 $5.000000000e-01, v11  }
0xf1: {  	v12 =	vsub.f32 v12, v10;
	v11 =	vld [tilespmem:$0x1DDA0];
	v15 =	vshrl.u32 v9, $0x1;
	v17 =	vadd.f32 $1.000000000e+00, v9  }
0xf2: {  	v15 =	vadd.s32 $0x1FBD1DF5, v15;
	(erf) = vrcp.f32 v7;
	v4 =	vadd.f32 v14, v4;
	v14 =	vpop (erf)  }
0xf3: {  	v18 =	vld [tilespmem:s19+$0xFFFFFFF0];
	(erf) = vrcp.f32 v15;
	v3 =	vsub.f32 v3, v13;
	v14 =	vmul.f32 v14, v8  }
0xf4: {  	(erf) = vrcp.f32 v17;
	v17 =	vld [tilespmem:s18+$0xFFFFFFF0]  }
0xf5: {  	v12 =	vmul.f32 v12, v12;
	v3 =	vmul.f32 v3, v3;
	v1 =	vadd.f32 v1, v14  }
0xf6: {  	v19 =	vmul.f32 $5.000000000e-01, v4;
	v4 =	vsub.f32 v16, v11  }
0xf7: {  	v3 =	vadd.f32 v3, v12;
	v12 =	vmul.f32 $5.000000000e-01, v1  }
0xf8: {  	v20 =	vld [tilespmem:s20+$0xFFFFFFF0];
	(erf) = vrcp.f32 v19;
	v4 =	vmul.f32 v4, v4  }
0xf9: {  	v1 =	vsub.f32 v17, v10;
	v10 =	vsub.f32 v18, v13;
	(erf) = vrcp.f32 v12  }
0xfa: {  	v4 =	vadd.f32 v4, v3  }
0xfb: {  	v1 =	vmul.f32 v1, v1;
	v10 =	vmul.f32 v10, v10  }
0xfc: {  	v3 =	vpop (erf);
	v14 =	vshrl.u32 v4, $0x1  }
0xfd: {  	v11 =	vsub.f32 v20, v11;
	v13 =	vpop (erf);
	v14 =	vadd.s32 $0x1FBD1DF5, v14;
	v10 =	vadd.f32 v10, v1  }
0xfe: {  	v13 =	vmul.f32 v13, v9;
	(erf) = vrcp.f32 v14  }
0xff: {  	v11 =	vmul.f32 v11, v11  }
0x100: {  	v16 =	vmul.f32 v3, v2;
	v13 =	vadd.f32 v15, v13;
	v1 =	vpop (erf)  }
0x101: {  	s21 =	simm.s32 $0x1DEF0;
	v15 =	vld [tilespmem:$0x1DD80];
	v3 =	vadd.f32 v11, v10;
	v10 =	vpop (erf)  }
0x102: {  	s22 =	simm.s32 $0x1E170;
	v7 =	vadd.f32 v16, v7;
	v13 =	vmul.f32 $5.000000000e-01, v13;
	v11 =	vld [tilespmem:s21+$0x0];
	v21 =	vpop (erf)  }
0x103: {  	v20 =	vld [tilespmem:s22+$0x0];
	v17 =	vshrl.u32 v3, $0x1;
	v10 =	vmul.f32 v10, v6;
	v21 =	vmul.f32 v21, v8  }
0x104: {  	v18 =	vmul.f32 $5.000000000e-01, v7;
	v7 =	vld [tilespmem:$0x1DD90];
	(erf) = vrcp.f32 v13;
	v17 =	vadd.s32 $0x1FBD1DF5, v17  }
0x105: {  	s23 =	simm.s32 $0x1E3F0;
	(erf) = vrcp.f32 v17;
	v10 =	vadd.f32 v10, v19  }
0x106: {  	v22 =	vld [tilespmem:s23+$0x0];
	v19 =	vadd.f32 $1.000000000e+00, v3;
	(erf) = vrcp.f32 v18  }
0x107: {  	v16 =	vld [tilespmem:$0x1DDA0];
	v11 =	vsub.f32 v11, v15;
	v10 =	vmul.f32 $5.000000000e-01, v10;
	v12 =	vadd.f32 v21, v12;
	v21 =	vpop (erf)  }
0x108: {  	v23 =	vld [tilespmem:s22+$0xFFFFFFF0];
	v6 =	vadd.f32 $1.000000000e+00, v6;
	(erf) = vrcp.f32 v19;
	v21 =	vmul.f32 v21, v4  }
0x109: {  	v20 =	vsub.f32 v20, v7;
	v19 =	vld [tilespmem:s21+$0xFFFFFFF0];
	v11 =	vmul.f32 v11, v11;
	v10 =	vmul.f32 $-1.000000050e-03, v10  }
0x10a: {  	v24 =	vld [tilespmem:s23+$0xFFFFFFF0];
	(erf) = vrcp.f32 v6;
	v12 =	vmul.f32 $5.000000000e-01, v12;
	v14 =	vadd.f32 v14, v21  }
0x10b: {  	v6 =	vmul.f32 v20, v20;
	v10 =	vmul.f32 $1.442695020e+00, v10  }
0x10c: {  	v22 =	vsub.f32 v22, v16;
	(erf) = vrcp.f32 v12  }
0x10d: {  	v7 =	vsub.f32 v23, v7;
	v6 =	vadd.f32 v6, v11;
	(erf) = vpow2.f32 v10  }
0x10e: {  	v15 =	vsub.f32 v19, v15;
	v10 =	vmul.f32 v22, v22;
	v11 =	vmul.f32 $5.000000000e-01, v14;
	v14 =	vpop (erf)  }
0x10f: {  	v16 =	vsub.f32 v24, v16;
	v19 =	vmul.f32 v7, v7;
	v20 =	vpop (erf)  }
0x110: {  	v15 =	vmul.f32 v15, v15;
	v7 =	vadd.f32 v10, v6;
	v10 =	vmul.f32 v20, v3  }
0x111: {  	s26 =	simm.s32 $0x1E610;
	v16 =	vmul.f32 v16, v16;
	v14 =	vmul.f32 v14, v9;
	v6 =	vpop (erf)  }
0x112: {  	v15 =	vadd.f32 v19, v15;
	v20 =	vld [tilespmem:s26+$0x0];
	v21 =	vmul.f32 v6, v2;
	v10 =	vadd.f32 v17, v10  }
0x113: {  	(erf) = vrcp.f32 v11;
	v19 =	vshrl.u32 v7, $0x1;
	v13 =	vadd.f32 v14, v13  }
0x114: {  	v14 =	vld [tilespmem:s26+$0xFFFFFFF0];
	v6 =	vadd.f32 v16, v15;
	v17 =	vadd.s32 $0x1FBD1DF5, v19;
	v15 =	vadd.f32 v21, v18  }
0x115: {  	v2 =	vpop (erf);
	(erf) = vrcp.f32 v17  }
0x116: {  	v18 =	vmul.f32 $5.000000000e-01, v10;
	v15 =	vmul.f32 $5.000000000e-01, v15;
	v10 =	vpop (erf)  }
0x117: {  	v25 =	vld [tilespmem:$0x1DD90];
	v21 =	vmul.f32 $5.000000000e-01, v13;
	v19 =	vpop (erf);
	v10 =	vmul.f32 v10, v20  }
0x118: {  	s0 =	simm.s32 $0x1DF10;
	v16 =	vld [tilespmem:$0x1DD80];
	v13 =	vshrl.u32 v6, $0x1;
	v15 =	vmul.f32 $-1.000000050e-03, v15;
	v19 =	vmul.f32 v19, v8  }
0x119: {  	s11 =	simm.s32 $0x1E190;
	v13 =	vadd.s32 $0x1FBD1DF5, v13;
	(erf) = vrcp.f32 v18;
	v5 =	vmul.f32 v5, v14;
	v14 =	vld [tilespmem:s0+$0xFFFFFFF0];
	v23 =	vpop (erf)  }
0x11a: {  	v23 =	vmul.f32 v23, v10;
	v10 =	vld [tilespmem:s11+$0x0];
	v15 =	vmul.f32 $1.442695020e+00, v15;
	v12 =	vadd.f32 v19, v12  }
0x11b: {  	v60 =	vadd.f32 $1.000000000e+00, v6;
	v20 =	vld [tilespmem:s0+$0x0];
	(erf) = vrcp.f32 v13  }
0x11c: {  	s12 =	simm.s32 $0x1E410;
	v22 =	vld [tilespmem:$0x1DDA0];
	(erf) = vrcp.f32 v21;
	v26 =	vpop (erf);
	v12 =	vmul.f32 $5.000000000e-01, v12  }
0x11d: {  	v8 =	vadd.f32 $1.000000000e+00, v8;
	(erf) = vrcp.f32 v60;
	v19 =	vld [tilespmem:s12+$0x0];
	v26 =	vmul.f32 v26, v4  }
0x11e: {  	v61 =	vld [tilespmem:s11+$0xFFFFFFF0];
	(erf) = vpow2.f32 v15;
	v14 =	vsub.f32 v14, v16;
	v15 =	vpop (erf);
	v12 =	vmul.f32 $-1.000000050e-03, v12  }
0x11f: {  	v11 =	vadd.f32 v26, v11;
	v10 =	vsub.f32 v10, v25;
	v27 =	vmul.f32 v15, v7  }
0x120: {  	v20 =	vsub.f32 v20, v16;
	(erf) = vrcp.f32 v8;
	v12 =	vmul.f32 $1.442695020e+00, v12  }
0x121: {  	v62 =	vld [tilespmem:s12+$0xFFFFFFF0];
	v15 =	vmul.f32 $5.000000000e-01, v11;
	v8 =	vmul.f32 v10, v10;
	v10 =	vadd.f32 v17, v27  }
0x122: {  	v20 =	vmul.f32 v20, v20;
	v11 =	vsub.f32 v19, v22  }
0x123: {  	v14 =	vmul.f32 v14, v14;
	(erf) = vrcp.f32 v15;
	v17 =	vsub.f32 v61, v25  }
0x124: {  	v11 =	vmul.f32 v11, v11;
	(erf) = vpow2.f32 v12;
	v8 =	vadd.f32 v8, v20;
	v12 =	vpop (erf)  }
0x125: {  	v16 =	vmul.f32 $5.000000000e-01, v10;
	v17 =	vmul.f32 v17, v17;
	v10 =	vpop (erf)  }
0x126: {  	s18 =	simm.s32 $0x1E630;
	v19 =	vsub.f32 v62, v22;
	v8 =	vadd.f32 v11, v8;
	v11 =	vmul.f32 v10, v6  }
0x127: {  	(erf) = vrcp.f32 v16;
	v17 =	vadd.f32 v17, v14;
	v14 =	vld [tilespmem:s18+$0x0]  }
0x128: {  	v19 =	vmul.f32 v19, v19;
	v12 =	vmul.f32 v12, v3;
	v20 =	vpop (erf)  }
0x129: {  	v22 =	vshrl.u32 v8, $0x1;
	v10 =	vpop (erf);
	v20 =	vmul.f32 v20, v9;
	v63 =	vadd.f32 v13, v11  }
0x12a: {  	s8 =	simm.s32 $0x1D890;
	v9 =	vadd.f32 v19, v17;
	v17 =	vadd.s32 $0x1FBD1DF5, v22;
	v19 =	vadd.f32 v12, v18;
	v11 =	vpop (erf)  }
0x12b: {  	s13 =	simm.s32 $0x80;
	s17 =	simm.s32 $0x1D890;
	[tilespmem:s8+$0x0] =	vst v23;
	v13 =	vld [tilespmem:s18+$0xFFFFFFF0];
	(erf) = vrcp.f32 v17;
	v20 =	vadd.f32 v20, v21;
	v12 =	vmul.f32 $5.000000000e-01, v63;
	v18 =	vpop (erf)  }
.LBB2_13:
0x12c: {  	v21 =	vld [tilespmem:$0x1DD80];
	v22 =	vshrl.u32 v9, $0x1;
	s0 =	sadd.s32 $0x20, s0;
	v23 =	vmul.f32 $5.000000000e-01, v19;
	v19 =	vpop (erf);
	v14 =	vmul.f32 v18, v14  }
0x12d: {  	v18 =	vld [tilespmem:s0+$0x0];
	v22 =	vadd.s32 $0x1FBD1DF5, v22;
	(erf) = vrcp.f32 v12;
	v20 =	vmul.f32 $5.000000000e-01, v20;
	v24 =	vpop (erf)  }
0x12e: {  	v26 =	vadd.f32 $1.000000000e+00, v9;
	v19 =	vmul.f32 v19, v4;
	v25 =	vld [tilespmem:$0x1DDA0];
	v14 =	vmul.f32 v24, v14  }
0x12f: {  	s11 =	sadd.s32 $0x20, s11;
	s8 =	sadd.s32 $0x20, s8;
	v24 =	vld [tilespmem:$0x1DD90];
	(erf) = vrcp.f32 v22;
	v20 =	vmul.f32 $-1.000000050e-03, v20  }
0x130: {  	s12 =	sadd.s32 $0x20, s12;
	v13 =	vmul.f32 v1, v13;
	v15 =	vadd.f32 v19, v15;
	v27 =	vld [tilespmem:s11+$0x0];
	v28 =	vpop (erf);
	(erf) = vrcp.f32 v23;
	[tilespmem:s8+$0x0] =	vst v14  }
0x131: {  	s13 =	sadd.s32 $0x20, s13;
	v1 =	vmovc v2;
	v2 =	vmov v10;
	v14 =	vld [tilespmem:s12+$0x0];
	v28 =	vmul.f32 v28, v7;
	v20 =	vmul.f32 $1.442695020e+00, v20  }
0x132: {  	p2 =	slt.u32 s13, $0x260;
	v15 =	vmul.f32 $5.000000000e-01, v15;
	v10 =	vld [tilespmem:s11+$0xFFFFFFF0];
	v18 =	vsub.f32 v18, v21;
	(erf) = vrcp.f32 v26  }
0x133: {  	v11 =	vmul.f32 v11, v5;
	v5 =	vmovc v13;
	v26 =	vld [tilespmem:s0+$0xFFFFFFF0];
	v16 =	vadd.f32 v28, v16;
	(erf) = vpow2.f32 v20  }
0x134: {  	v20 =	vadd.f32 $1.000000000e+00, v4;
	v28 =	vmul.f32 $-1.000000050e-03, v15;
	v13 =	vld [tilespmem:s12+$0xFFFFFFF0];
	v18 =	vmul.f32 v18, v18;
	v19 =	vpop (erf)  }
0x135: {  	v4 =	vmovc v7;
	v27 =	vsub.f32 v27, v24;
	v30 =	vmul.f32 v19, v8;
	v15 =	vmul.f32 $5.000000000e-01, v16;
	[tilespmem:s17+$0xFFFFFFF0] =	vst v11;
	s17 =	smov.u32 s8  }
0x136: {  	v11 =	vsub.f32 v14, v25;
	v29 =	vpop (erf);
	v14 =	vmul.f32 $1.442695020e+00, v28;
	(erf) = vrcp.f32 v20  }
0x137: {  	v7 =	vmovc v8;
	v16 =	vmul.f32 v27, v27;
	v20 =	vadd.f32 v17, v30;
	(erf) = vrcp.f32 v15  }
0x138: {  	v8 =	vsub.f32 v26, v21;
	v21 =	vsub.f32 v10, v24;
	v19 =	vpop (erf);
	(erf) = vpow2.f32 v14  }
0x139: {  	v24 =	vmul.f32 v11, v11;
	v14 =	vadd.f32 v16, v18;
	v16 =	vmul.f32 $5.000000000e-01, v20;
	v17 =	vpop (erf)  }
0x13a: {  	s18 =	sadd.s32 $0x20, s18;
	v13 =	vsub.f32 v13, v25;
	v18 =	vmul.f32 v8, v8;
	v20 =	vmul.f32 v21, v21  }
.Ltmp8:
0x13b: {  	v19 =	vmul.f32 v19, v9;
	v8 =	vadd.f32 v24, v14;
	v10 =	vpop (erf);
	(erf) = vrcp.f32 v16;
	v14 =	vld [tilespmem:s18+$0x0];
	(pc) =	sbr.rel @p2 .LBB2_13-.Ltmp8, $4  }
0x13c: {  	v21 =	vmul.f32 v29, v6;
	v26 =	vadd.f32 v20, v18;
	v20 =	vmul.f32 v13, v13;
	v13 =	vld [tilespmem:s18+$0xFFFFFFF0];
	v11 =	vpop (erf)  }
0x13d: {  	v25 =	vmul.f32 v17, v3;
	v3 =	vmovc v6;
	v6 =	vmovc v9;
	v22 =	vadd.f32 v22, v19;
	v24 =	vshrl.u32 v8, $0x1  }
0x13e: {  	v19 =	vadd.f32 v21, v12;
	v9 =	vadd.f32 v20, v26;
	v17 =	vadd.s32 $0x1FBD1DF5, v24  }
0x13f: {  	v12 =	vmul.f32 $5.000000000e-01, v22;
	v20 =	vadd.f32 v25, v23;
	(erf) = vrcp.f32 v17;
	v18 =	vpop (erf)  }
0x140: {  	v21 =	vshrl.u32 v9, $0x1  }
0x141: {  	v21 =	vadd.s32 $0x1FBD1DF5, v21;
	(erf) = vrcp.f32 v12  }
0x142: {  	v22 =	vpop (erf);
	(erf) = vrcp.f32 v21  }
0x143: {  	v22 =	vmul.f32 v22, v4  }
0x144: {  	v19 =	vmul.f32 $5.000000000e-01, v19;
	v20 =	vmul.f32 $5.000000000e-01, v20  }
0x145: {  	v23 =	vpop (erf);
	v15 =	vadd.f32 v22, v15  }
0x146: {  	v49 =	vadd.f32 $1.000000000e+00, v9;
	v20 =	vmul.f32 $-1.000000050e-03, v20;
	(erf) = vrcp.f32 v19;
	v24 =	vpop (erf)  }
0x147: {  	v24 =	vmul.f32 v24, v7;
	v15 =	vmul.f32 $5.000000000e-01, v15  }
0x148: {  	(erf) = vrcp.f32 v49;
	v20 =	vmul.f32 $1.442695020e+00, v20;
	v50 =	vpop (erf)  }
0x149: {  	v16 =	vadd.f32 v24, v16;
	v15 =	vmul.f32 $-1.000000050e-03, v15;
	v22 =	vmul.f32 v50, v8  }
0x14a: {  	v4 =	vadd.f32 $1.000000000e+00, v4;
	(erf) = vpow2.f32 v20;
	v51 =	vpop (erf)  }
0x14b: {  	v16 =	vmul.f32 $5.000000000e-01, v16;
	v15 =	vmul.f32 $1.442695020e+00, v15;
	v17 =	vadd.f32 v17, v22;
	v52 =	vpop (erf)  }
0x14c: {  	(erf) = vrcp.f32 v4;
	v4 =	vmul.f32 v52, v9  }
0x14d: {  	(erf) = vrcp.f32 v16;
	v17 =	vmul.f32 $5.000000000e-01, v17  }
0x14e: {  	(erf) = vpow2.f32 v15;
	v4 =	vadd.f32 v21, v4  }
0x14f: {  	(erf) = vrcp.f32 v17  }
0x150: {  	v4 =	vmul.f32 $5.000000000e-01, v4  }
0x151: {  	v15 =	vpop (erf)  }
0x152: {  	v3 =	vmul.f32 v15, v3;
	(erf) = vrcp.f32 v4  }
0x153: {  	v15 =	vpop (erf)  }
0x154: {  	v3 =	vadd.f32 v3, v19;
	v53 =	vpop (erf)  }
0x155: {  	v54 =	vmul.f32 v51, v6;
	v55 =	vpop (erf)  }
0x156: {  	v3 =	vmul.f32 $5.000000000e-01, v3;
	v56 =	vpop (erf)  }
0x157: {  	v12 =	vadd.f32 v54, v12;
	v57 =	vpop (erf);
	v22 =	vmul.f32 v56, v7  }
0x158: {  	v3 =	vmul.f32 $-1.000000050e-03, v3;
	v58 =	vpop (erf)  }
0x159: {  	v12 =	vmul.f32 $5.000000000e-01, v12;
	v16 =	vadd.f32 v22, v16;
	v59 =	vmul.f32 v58, v8  }
0x15a: {  	v3 =	vmul.f32 $1.442695020e+00, v3  }
0x15b: {  	(erf) = vrcp.f32 v12;
	v16 =	vmul.f32 $5.000000000e-01, v16;
	v17 =	vadd.f32 v59, v17;
	v60 =	vpop (erf)  }
0x15c: {  	(erf) = vpow2.f32 v3;
	v3 =	vadd.f32 $1.000000000e+00, v7;
	v7 =	vmul.f32 v60, v9  }
0x15d: {  	v16 =	vmul.f32 $-1.000000050e-03, v16  }
0x15e: {  	v17 =	vmul.f32 $5.000000000e-01, v17;
	(erf) = vrcp.f32 v3;
	v3 =	vadd.f32 v7, v4  }
0x15f: {  	v4 =	vmul.f32 $1.442695020e+00, v16  }
0x160: {  	(erf) = vrcp.f32 v17;
	v3 =	vmul.f32 $5.000000000e-01, v3  }
0x161: {  	(erf) = vpow2.f32 v4  }
0x162: {  	(erf) = vrcp.f32 v3;
	_ =	sdelay $0x3  }
0x163: {  	v4 =	vpop (erf)  }
0x164: {  	v7 =	vpop (erf)  }
0x165: {  	v4 =	vmul.f32 v4, v6;
	v6 =	vpop (erf)  }
0x166: {  	v61 =	vpop (erf)  }
0x167: {  	v4 =	vadd.f32 v4, v12;
	v62 =	vpop (erf)  }
0x168: {  	v12 =	vmul.f32 v61, v8;
	v63 =	vpop (erf)  }
0x169: {  	v4 =	vmul.f32 $5.000000000e-01, v4;
	v9 =	vmul.f32 v63, v9  }
0x16a: {  	v12 =	vadd.f32 v12, v17  }
0x16b: {  	v4 =	vmul.f32 $-1.000000050e-03, v4;
	v3 =	vadd.f32 v9, v3  }
0x16c: {  	v12 =	vmul.f32 $5.000000000e-01, v12  }
0x16d: {  	v4 =	vmul.f32 $1.442695020e+00, v4;
	v3 =	vmul.f32 $5.000000000e-01, v3  }
0x16e: {  	v8 =	vadd.f32 $1.000000000e+00, v8;
	v9 =	vmul.f32 $-1.000000050e-03, v12  }
0x16f: {  	s0 =	sadd.s32 $0x20, s18;
	(erf) = vpow2.f32 v4;
	v3 =	vmul.f32 $-1.000000050e-03, v3  }
0x170: {  	(erf) = vrcp.f32 v8;
	v8 =	vld [tilespmem:s0+$0x0];
	v4 =	vmul.f32 $1.442695020e+00, v9  }
0x171: {  	s11 =	sadd.s32 $0x20, s0;
	v12 =	vld [tilespmem:s0+$0xFFFFFFF0];
	v3 =	vmul.f32 $1.442695020e+00, v3  }
0x172: {  	(erf) = vpow2.f32 v4;
	v4 =	vld [tilespmem:s11+$0x0]  }
0x173: {  	v1 =	vmul.f32 v1, v13;
	(erf) = vpow2.f32 v3  }
0x174: {  	s19 =	sadd.s32 $0x20, s11;
	v9 =	vmul.f32 v18, v14;
	v14 =	vld [tilespmem:s11+$0xFFFFFFF0]  }
0x175: {  	v5 =	vmul.f32 v11, v5;
	v1 =	vmul.f32 v53, v1;
	v3 =	vld [tilespmem:s19+$0x0]  }
0x176: {  	v11 =	vld [tilespmem:s19+$0xFFFFFFF0];
	v8 =	vmul.f32 v55, v8;
	v2 =	vmul.f32 v2, v12  }
0x177: {  	s8 =	sadd.s32 $0x20, s8;
	[tilespmem:s17+$0xFFFFFFF0] =	vst v5;
	v9 =	vmul.f32 v23, v9;
	v4 =	vmul.f32 v6, v4  }
0x178: {  	[tilespmem:s8+$0xFFFFFFF0] =	vst v1;
	v8 =	vmul.f32 v57, v8;
	v2 =	vmul.f32 v7, v2;
	v6 =	vpop (erf)  }
0x179: {  	s20 =	sadd.s32 $0x20, s8;
	[tilespmem:s8+$0x0] =	vst v9;
	v1 =	vmul.f32 v10, v14;
	v5 =	vpop (erf);
	v4 =	vmul.f32 v62, v4  }
0x17a: {  	s21 =	sadd.s32 $0x20, s20;
	[tilespmem:s20+$0x0] =	vst v8;
	v3 =	vmul.f32 v5, v3  }
0x17b: {  	v1 =	vmul.f32 v6, v1;
	v5 =	vpop (erf);
	[tilespmem:s21+$0x0] =	vst v4;
	v4 =	vmul.f32 v15, v11  }
0x17c: {  	[tilespmem:s20+$0xFFFFFFF0] =	vst v2;
	v3 =	vmul.f32 v5, v3;
	v2 =	vpop (erf)  }
0x17d: {  	s22 =	sadd.s32 $0x20, s21;
	[tilespmem:s21+$0xFFFFFFF0] =	vst v1;
	v2 =	vmul.f32 v2, v4  }
0x17e: {  	[tilespmem:s22+$0x0] =	vst v3  }
0x17f: {  	s23 =	simm.s32 $0x1D880;
	[tilespmem:s22+$0xFFFFFFF0] =	vst v2  }
0x180: {  	[spmem:s28] =	stream.linear.scatter [tilespmem:s23], [sflag:$0x1], $0x280, $0x38;
	[tilespmem:$0x1F480] =	vst v63  }
0x181: {  	_ =	swait.ge [sflag:s29], $0x280  }
0x182: {  	[sflag:s29] =	ssyncset.done $0x0  }
0x183: {  	[sflag:s29] =	ssyncadd.s32 $0xFFFFFD80  }
0x184: {  	[bflag:$0x0] =	sbarrier.arrive $0xFFFF  }
0x185: {  	[tilespmem:s2], [sflag:$0x1] =	stream.linear.gather [spmem:s7], $0x2800, $0x38;
	[tilespmem:$0x1F480] =	vst v63  }
0x186: {  	_ =	swait.ge [sflag:s29], $0x2800  }
0x187: {  	[sflag:s29] =	ssyncset.done $0x0  }
0x188: {  	[sflag:s29] =	ssyncadd.s32 $0xFFFFD800  }
0x189: {  	[bflag:$0x0] =	sbarrier.arrive $0xFFFF  }
0x18a: {  	[spmem:s28] =	stream.linear.scatter [tilespmem:s3], [sflag:$0x1], $0x280, $0x38;
	[tilespmem:$0x1F480] =	vst v63  }
0x18b: {  	_ =	swait.ge [sflag:s29], $0x280  }
0x18c: {  	[sflag:s29] =	ssyncset.done $0x0  }
0x18d: {  	[sflag:s29] =	ssyncadd.s32 $0xFFFFFD80  }
0x18e: {  	s26 =	simm.s32 $0x40;
	[bflag:$0x0] =	sbarrier.arrive $0xFFFF  }
0x18f: {  	v1 =	vld [tilespmem:s26+$0x30]  }
0x190: {  	v2 =	vld [tilespmem:s26+$0xFFFFFFD0]  }
0x191: {  	v3 =	vld [tilespmem:s26+$0xFFFFFFE0]  }
0x192: {  	v4 =	vld [tilespmem:s26+$0xFFFFFFF0]  }
0x193: {  	v6 =	vld [tilespmem:s26+$0x0]  }
0x194: {  	v7 =	vld [tilespmem:s26+$0x10]  }
0x195: {  	v8 =	vld [tilespmem:s26+$0x20]  }
0x196: {  	s8 =	simm.s32 $0xEBC0;
	v9 =	vld [tilespmem:s26+$0xFFFFFFC0]  }
0x197: {  	v12 =	vld [tilespmem:s8+$0x30]  }
0x198: {  	v14 =	vld [tilespmem:s8+$0xFFFFFFC0]  }
0x199: {  	v15 =	vld [tilespmem:s8+$0xFFFFFFD0]  }
0x19a: {  	v10 =	vld [tilespmem:s8+$0xFFFFFFE0]  }
0x19b: {  	v11 =	vld.idx.msk [tilespmem:v1+s2+$0x0], $0xffff  }
0x19c: {  	v13 =	vld.idx.msk [tilespmem:v2+s2+$0x0], $0xffff  }
0x19d: {  	v5 =	vld.idx.msk [tilespmem:v3+s2+$0x0], $0xffff  }
0x19e: {  	v4 =	vld.idx.msk [tilespmem:v4+s2+$0x0], $0xffff  }
0x19f: {  	v3 =	vld.idx.msk [tilespmem:v6+s2+$0x0], $0xffff  }
0x1a0: {  	v9 =	vld.idx.msk [tilespmem:v9+s2+$0x0], $0xffff  }
0x1a1: {  	v1 =	vld.idx.msk [tilespmem:v7+s2+$0x0], $0xffff  }
0x1a2: {  	v2 =	vld.idx.msk [tilespmem:v8+s2+$0x0], $0xffff  }
0x1a3: {  	v8 =	vld [tilespmem:s8+$0xFFFFFFF0]  }
0x1a4: {  	v7 =	vld [tilespmem:s8+$0x0];
	v11 =	vmul.f32 v12, v11  }
0x1a5: {  	s11 =	simm.s32 $0x13A40;
	v6 =	vld [tilespmem:s8+$0x10];
	v12 =	vmul.f32 v14, v9  }
0x1a6: {  	s12 =	simm.s32 $0x0;
	s13 =	simm.s32 $0xC0;
	s0 =	simm.s32 $0x4E00;
	v9 =	vld [tilespmem:s8+$0x20];
	[tilespmem:s11+$0x30] =	vst v11;
	v11 =	vmul.f32 v15, v13  }
.LBB2_15:
0x1a7: {  	v13 =	vld [tilespmem:s13+$0x30];
	s12 =	sadd.s32 $0x80, s12;
	[tilespmem:s11+$0xFFFFFFC0] =	vst v12;
	v5 =	vmul.f32 v10, v5  }
0x1a8: {  	v10 =	vld [tilespmem:s13+$0xFFFFFFD0];
	p2 =	slt.u32 s12, $0x4D80;
	[tilespmem:s11+$0xFFFFFFD0] =	vst v11;
	v4 =	vmul.f32 v8, v4  }
0x1a9: {  	v8 =	vld [tilespmem:s13+$0xFFFFFFE0];
	[tilespmem:s11+$0xFFFFFFE0] =	vst v5;
	v3 =	vmul.f32 v7, v3  }
0x1aa: {  	v7 =	vld [tilespmem:s13+$0xFFFFFFF0];
	[tilespmem:s11+$0xFFFFFFF0] =	vst v4;
	v1 =	vmul.f32 v6, v1  }
0x1ab: {  	v6 =	vld [tilespmem:s13+$0x0];
	[tilespmem:s11+$0x0] =	vst v3;
	v2 =	vmul.f32 v9, v2  }
0x1ac: {  	v9 =	vld [tilespmem:s13+$0x10];
	[tilespmem:s11+$0x10] =	vst v1  }
0x1ad: {  	v11 =	vld [tilespmem:s13+$0x20];
	[tilespmem:s11+$0x20] =	vst v2  }
0x1ae: {  	v2 =	vld [tilespmem:s13+$0xFFFFFFC0]  }
0x1af: {  	s8 =	sadd.s32 $0x80, s8;
	v12 =	vld.idx.msk [tilespmem:v13+s2+$0x0], $0xffff  }
0x1b0: {  	v13 =	vld [tilespmem:s8+$0x30]  }
0x1b1: {  	v14 =	vld.idx.msk [tilespmem:v10+s2+$0x0], $0xffff  }
0x1b2: {  	v5 =	vld.idx.msk [tilespmem:v8+s2+$0x0], $0xffff  }
0x1b3: {  	v4 =	vld.idx.msk [tilespmem:v7+s2+$0x0], $0xffff  }
0x1b4: {  	v3 =	vld.idx.msk [tilespmem:v6+s2+$0x0], $0xffff  }
0x1b5: {  	v1 =	vld.idx.msk [tilespmem:v9+s2+$0x0], $0xffff;
	v6 =	vmul.f32 v13, v12  }
0x1b6: {  	s11 =	sadd.s32 $0x80, s11;
	v9 =	vld.idx.msk [tilespmem:v2+s2+$0x0], $0xffff  }
0x1b7: {  	s17 =	simm.s32 $0x4DF0;
	s18 =	simm.s32 $0x18800;
	s19 =	simm.s32 $0x13980;
	v2 =	vld.idx.msk [tilespmem:v11+s2+$0x0], $0xffff;
	[tilespmem:s11+$0x30] =	vst v6  }
0x1b8: {  	v6 =	vld [tilespmem:s8+$0xFFFFFFC0]  }
0x1b9: {  	v11 =	vld [tilespmem:s8+$0xFFFFFFD0]  }
.Ltmp9:
0x1ba: {  	v10 =	vld [tilespmem:s8+$0xFFFFFFE0];
	(pc) =	sbr.rel @p2 .LBB2_15-.Ltmp9, $4  }
0x1bb: {  	v8 =	vld [tilespmem:s8+$0xFFFFFFF0]  }
0x1bc: {  	v7 =	vld [tilespmem:s8+$0x0]  }
0x1bd: {  	v12 =	vmul.f32 v6, v9;
	v6 =	vld [tilespmem:s8+$0x10]  }
0x1be: {  	s13 =	sadd.s32 $0x80, s13;
	v11 =	vmul.f32 v11, v14;
	v9 =	vld [tilespmem:s8+$0x20]  }
0x1bf: {  	[tilespmem:s11+$0xFFFFFFC0] =	vst v12;
	v5 =	vmul.f32 v10, v5  }
0x1c0: {  	[tilespmem:s11+$0xFFFFFFD0] =	vst v11;
	v4 =	vmul.f32 v8, v4  }
0x1c1: {  	[tilespmem:s11+$0xFFFFFFE0] =	vst v5;
	v3 =	vmul.f32 v7, v3  }
0x1c2: {  	[tilespmem:s11+$0xFFFFFFF0] =	vst v4;
	v1 =	vmul.f32 v6, v1  }
0x1c3: {  	[tilespmem:s11+$0x0] =	vst v3;
	v2 =	vmul.f32 v9, v2  }
0x1c4: {  	[tilespmem:s11+$0x10] =	vst v1  }
0x1c5: {  	[tilespmem:s11+$0x20] =	vst v2  }
.LBB2_17:
0x1c6: {  	v1 =	vld [tilespmem:s0+$0x0];
	_ =	sdelay $0x6  }
0x1c7: {  	v2 =	vld [tilespmem:s19+$0x0]  }
0x1c8: {  	v1 =	vld.idx.msk [tilespmem:v1+s2+$0x0], $0xffff  }
0x1c9: {  	s17 =	sadd.s32 $0x10, s17  }
0x1ca: {  	p2 =	slt.u32 s17, $0x4E10  }
.Ltmp10:
0x1cb: {  	_ = 	snop;
	(pc) =	sbr.rel @p2 .LBB2_17-.Ltmp10, $3  }
0x1cc: {  	_ = 	snop  }
0x1cd: {  	v1 =	vmul.f32 v2, v1;
	_ =	sdelay $0x1  }
0x1ce: {  	s19 =	sadd.s32 $0x10, s19;
	s0 =	sadd.s32 $0x10, s0;
	[tilespmem:s18+$0x0] =	vst v1;
	s18 =	sadd.s32 $0x10, s18  }
0x1cf: {  	[spmem:s7] =	stream.indirect.scatter.add.f32 [tilespmem:s1], [sflag:$0x1], $0x1, s30, s31, $0xb8;
	[tilespmem:$0x1F480] =	vst v63  }
0x1d0: {  	_ =	swait.ge [sflag:s29], $0x4E20  }
0x1d1: {  	[sflag:s29] =	ssyncset.done $0x0  }
0x1d2: {  	[sflag:s29] =	ssyncadd.s32 $0xFFFFB1E0  }
0x1d3: {  	s0 =	sadd.s32 $0x0, s10;
	[bflag:$0x0] =	sbarrier.arrive $0xFFFF  }
0x1d4: {  	[tilespmem:s2], [sflag:$0x1] =	stream.linear.gather [spmem:s7], $0x2800, $0x38;
	[tilespmem:$0x1F480] =	vst v63  }
0x1d5: {  	s8 =	simm.s32 $0x0;
	s12 =	simm.s32 $0x10;
	_ =	swait.ge [sflag:s29], $0x2800  }
0x1d6: {  	s11 =	sand.u32 $0x7F80, s0;
	s0 =	simm.s32 $0x1D890;
	[sflag:s29] =	ssyncset.done $0x0  }
0x1d7: {  	s12 =	sand.u32 $0x70, s12;
	s11 =	sadd.s32 $0x18880, s11;
	[sflag:s29] =	ssyncadd.s32 $0xFFFFD800  }
0x1d8: {  	s8 =	sand.u32 $0x60, s8;
	s12 =	sor.u32 s12, s11;
	v2 =	vld [tilespmem:s0+$0x0]  }
0x1d9: {  	s8 =	sor.u32 s8, s11;
	v3 =	vld [tilespmem:s12+$0x0]  }
0x1da: {  	v4 =	vld [tilespmem:s8+$0x0]  }
0x1db: {  	s22 =	sadd.s32 $0x20, s10;
	v5 =	vld [tilespmem:s0+$0xFFFFFFF0]  }
0x1dc: {  	s23 =	simm.s32 $0x20;
	s26 =	simm.s32 $0x30;
	s8 =	sand.u32 $0x7F80, s22  }
0x1dd: {  	s12 =	sand.u32 $0x70, s26;
	s13 =	sadd.s32 $0x18880, s8;
	s8 =	simm.s32 $0x1D8B0  }
0x1de: {  	s11 =	sand.u32 $0x60, s23;
	v1 =	vld [tilespmem:s8+$0x0];
	s12 =	sor.u32 s12, s13;
	v6 =	vadd.f32 v3, v2  }
0x1df: {  	s11 =	sor.u32 s11, s13;
	v3 =	vld [tilespmem:s12+$0x0]  }
0x1e0: {  	v2 =	vld [tilespmem:s11+$0x0];
	s12 =	simm.s32 $0x40;
	v4 =	vadd.f32 v4, v5;
	s11 =	simm.s32 $0x1D8B0;
	[tilespmem:s0+$0x0] =	vst v6  }
.LBB2_19:
0x1e1: {  	s13 =	sadd.s32 s12, s10;
	p2 =	slt.u32 s12, $0x260;
	v5 =	vld [tilespmem:s8+$0xFFFFFFF0];
	s17 =	sand.u32 $0x60, s12  }
.Ltmp11:
0x1e2: {  	s18 =	sadd.s32 $0x10, s12;
	s13 =	sand.u32 $0x7F80, s13;
	[tilespmem:s0+$0xFFFFFFF0] =	vst v4;
	(pc) =	sbr.rel @p2 .LBB2_19-.Ltmp11, $4  }
0x1e3: {  	s8 =	sadd.s32 $0x20, s8;
	s0 =	sadd.s32 $0x18880, s13;
	s13 =	sand.u32 $0x70, s18  }
0x1e4: {  	s17 =	sor.u32 s17, s0;
	s13 =	sor.u32 s13, s0;
	v6 =	vadd.f32 v3, v1;
	v1 =	vld [tilespmem:s8+$0x0];
	s0 =	smov.u32 s11  }
0x1e5: {  	s11 =	smov.u32 s8;
	v3 =	vld [tilespmem:s13+$0x0]  }
0x1e6: {  	s12 =	sadd.s32 $0x20, s12;
	v4 =	vadd.f32 v2, v5;
	v2 =	vld [tilespmem:s17+$0x0];
	[tilespmem:s0+$0x0] =	vst v6  }
0x1e7: {  	v5 =	vld [tilespmem:s8+$0xFFFFFFF0];
	_ =	sdelay $0x3  }
0x1e8: {  	v1 =	vadd.f32 v3, v1  }
0x1e9: {  	[tilespmem:s0+$0xFFFFFFF0] =	vst v4;
	v2 =	vadd.f32 v2, v5  }
0x1ea: {  	[tilespmem:s11+$0x0] =	vst v1  }
0x1eb: {  	[tilespmem:s11+$0xFFFFFFF0] =	vst v2  }
0x1ec: {  	[bflag:$0x0] =	sbarrier.arrive $0xFFFF  }
0x1ed: {  	[spmem:s28] =	stream.linear.scatter [tilespmem:s3], [sflag:$0x1], $0x280, $0x38;
	[tilespmem:$0x1F480] =	vst v63  }
0x1ee: {  	_ =	swait.ge [sflag:s29], $0x280  }
0x1ef: {  	[sflag:s29] =	ssyncset.done $0x0  }
0x1f0: {  	[sflag:s29] =	ssyncadd.s32 $0xFFFFFD80  }
0x1f1: {  	s26 =	simm.s32 $0x40;
	[bflag:$0x0] =	sbarrier.arrive $0xFFFF  }
0x1f2: {  	v1 =	vld [tilespmem:s26+$0x30]  }
0x1f3: {  	v2 =	vld [tilespmem:s26+$0xFFFFFFD0]  }
0x1f4: {  	v3 =	vld [tilespmem:s26+$0xFFFFFFE0]  }
0x1f5: {  	v4 =	vld [tilespmem:s26+$0xFFFFFFF0]  }
0x1f6: {  	v6 =	vld [tilespmem:s26+$0x0]  }
0x1f7: {  	v7 =	vld [tilespmem:s26+$0x10]  }
0x1f8: {  	v8 =	vld [tilespmem:s26+$0x20]  }
0x1f9: {  	s0 =	simm.s32 $0xEBC0;
	v9 =	vld [tilespmem:s26+$0xFFFFFFC0]  }
0x1fa: {  	v12 =	vld [tilespmem:s0+$0x30]  }
0x1fb: {  	v15 =	vld [tilespmem:s0+$0xFFFFFFD0]  }
0x1fc: {  	v10 =	vld [tilespmem:s0+$0xFFFFFFE0]  }
0x1fd: {  	v11 =	vld.idx.msk [tilespmem:v1+s2+$0x0], $0xffff  }
0x1fe: {  	v13 =	vld.idx.msk [tilespmem:v2+s2+$0x0], $0xffff  }
0x1ff: {  	v5 =	vld.idx.msk [tilespmem:v3+s2+$0x0], $0xffff  }
0x200: {  	v4 =	vld.idx.msk [tilespmem:v4+s2+$0x0], $0xffff  }
0x201: {  	v14 =	vld.idx.msk [tilespmem:v9+s2+$0x0], $0xffff  }
0x202: {  	v3 =	vld.idx.msk [tilespmem:v8+s2+$0x0], $0xffff  }
0x203: {  	v8 =	vld [tilespmem:s0+$0xFFFFFFC0]  }
0x204: {  	v2 =	vld.idx.msk [tilespmem:v6+s2+$0x0], $0xffff  }
0x205: {  	v1 =	vld.idx.msk [tilespmem:v7+s2+$0x0], $0xffff  }
0x206: {  	v9 =	vld [tilespmem:s0+$0xFFFFFFF0]  }
0x207: {  	v7 =	vld [tilespmem:s0+$0x0];
	v11 =	vmul.f32 v12, v11  }
0x208: {  	s8 =	simm.s32 $0x13A40;
	v6 =	vld [tilespmem:s0+$0x10];
	v12 =	vmul.f32 v8, v14  }
0x209: {  	s12 =	simm.s32 $0xC0;
	s11 =	simm.s32 $0x0;
	v8 =	vld [tilespmem:s0+$0x20];
	[tilespmem:s8+$0x30] =	vst v11;
	v11 =	vmul.f32 v15, v13  }
.LBB2_21:
0x20a: {  	v13 =	vld [tilespmem:s12+$0x30];
	s11 =	sadd.s32 $0x80, s11;
	[tilespmem:s8+$0xFFFFFFC0] =	vst v12;
	v5 =	vmul.f32 v10, v5  }
0x20b: {  	v10 =	vld [tilespmem:s12+$0xFFFFFFD0];
	p2 =	slt.u32 s11, $0x4D80;
	[tilespmem:s8+$0xFFFFFFD0] =	vst v11;
	v4 =	vmul.f32 v9, v4  }
0x20c: {  	v9 =	vld [tilespmem:s12+$0xFFFFFFE0];
	[tilespmem:s8+$0xFFFFFFE0] =	vst v5;
	v2 =	vmul.f32 v7, v2  }
0x20d: {  	v7 =	vld [tilespmem:s12+$0xFFFFFFF0];
	[tilespmem:s8+$0xFFFFFFF0] =	vst v4;
	v1 =	vmul.f32 v6, v1  }
0x20e: {  	v6 =	vld [tilespmem:s12+$0x0];
	[tilespmem:s8+$0x0] =	vst v2;
	v2 =	vmul.f32 v8, v3  }
0x20f: {  	v3 =	vld [tilespmem:s12+$0x10];
	[tilespmem:s8+$0x10] =	vst v1  }
0x210: {  	v8 =	vld [tilespmem:s12+$0x20];
	[tilespmem:s8+$0x20] =	vst v2  }
0x211: {  	v11 =	vld [tilespmem:s12+$0xFFFFFFC0]  }
0x212: {  	s0 =	sadd.s32 $0x80, s0;
	v12 =	vld.idx.msk [tilespmem:v13+s2+$0x0], $0xffff  }
0x213: {  	v13 =	vld [tilespmem:s0+$0x30]  }
0x214: {  	v14 =	vld.idx.msk [tilespmem:v10+s2+$0x0], $0xffff  }
0x215: {  	v5 =	vld.idx.msk [tilespmem:v9+s2+$0x0], $0xffff  }
0x216: {  	v4 =	vld.idx.msk [tilespmem:v7+s2+$0x0], $0xffff  }
0x217: {  	v2 =	vld.idx.msk [tilespmem:v6+s2+$0x0], $0xffff  }
0x218: {  	v1 =	vld.idx.msk [tilespmem:v3+s2+$0x0], $0xffff;
	v6 =	vmul.f32 v13, v12  }
0x219: {  	s13 =	simm.s32 $0x4E00;
	s8 =	sadd.s32 $0x80, s8;
	v11 =	vld.idx.msk [tilespmem:v11+s2+$0x0], $0xffff  }
0x21a: {  	s17 =	simm.s32 $0x4DF0;
	s18 =	simm.s32 $0x18800;
	s19 =	simm.s32 $0x13980;
	v3 =	vld.idx.msk [tilespmem:v8+s2+$0x0], $0xffff;
	[tilespmem:s8+$0x30] =	vst v6  }
0x21b: {  	v6 =	vld [tilespmem:s0+$0xFFFFFFC0]  }
0x21c: {  	v8 =	vld [tilespmem:s0+$0xFFFFFFD0]  }
.Ltmp12:
0x21d: {  	v10 =	vld [tilespmem:s0+$0xFFFFFFE0];
	(pc) =	sbr.rel @p2 .LBB2_21-.Ltmp12, $4  }
0x21e: {  	v9 =	vld [tilespmem:s0+$0xFFFFFFF0]  }
0x21f: {  	v7 =	vld [tilespmem:s0+$0x0]  }
0x220: {  	v12 =	vmul.f32 v6, v11;
	v6 =	vld [tilespmem:s0+$0x10]  }
0x221: {  	s12 =	sadd.s32 $0x80, s12;
	v11 =	vmul.f32 v8, v14;
	v8 =	vld [tilespmem:s0+$0x20]  }
0x222: {  	[tilespmem:s8+$0xFFFFFFC0] =	vst v12;
	v5 =	vmul.f32 v10, v5  }
0x223: {  	[tilespmem:s8+$0xFFFFFFD0] =	vst v11;
	v4 =	vmul.f32 v9, v4  }
0x224: {  	[tilespmem:s8+$0xFFFFFFE0] =	vst v5;
	v2 =	vmul.f32 v7, v2  }
0x225: {  	[tilespmem:s8+$0xFFFFFFF0] =	vst v4;
	v1 =	vmul.f32 v6, v1  }
0x226: {  	[tilespmem:s8+$0x0] =	vst v2;
	v2 =	vmul.f32 v8, v3  }
0x227: {  	[tilespmem:s8+$0x10] =	vst v1  }
0x228: {  	[tilespmem:s8+$0x20] =	vst v2  }
.LBB2_23:
0x229: {  	v1 =	vld [tilespmem:s13+$0x0];
	_ =	sdelay $0x6  }
0x22a: {  	v2 =	vld [tilespmem:s19+$0x0]  }
0x22b: {  	v1 =	vld.idx.msk [tilespmem:v1+s2+$0x0], $0xffff  }
0x22c: {  	s17 =	sadd.s32 $0x10, s17  }
0x22d: {  	p2 =	slt.u32 s17, $0x4E10  }
.Ltmp13:
0x22e: {  	_ = 	snop;
	(pc) =	sbr.rel @p2 .LBB2_23-.Ltmp13, $3  }
0x22f: {  	_ = 	snop  }
0x230: {  	v1 =	vmul.f32 v2, v1;
	_ =	sdelay $0x1  }
0x231: {  	s19 =	sadd.s32 $0x10, s19;
	s13 =	sadd.s32 $0x10, s13;
	[tilespmem:s18+$0x0] =	vst v1;
	s18 =	sadd.s32 $0x10, s18  }
0x232: {  	[spmem:s7] =	stream.indirect.scatter.add.f32 [tilespmem:s1], [sflag:$0x1], $0x1, s30, s31, $0xb8;
	[tilespmem:$0x1F480] =	vst v63  }
0x233: {  	_ =	swait.ge [sflag:s29], $0x4E20  }
0x234: {  	[sflag:s29] =	ssyncset.done $0x0  }
0x235: {  	[sflag:s29] =	ssyncadd.s32 $0xFFFFB1E0  }
0x236: {  	s0 =	sadd.s32 $0x0, s10;
	[bflag:$0x0] =	sbarrier.arrive $0xFFFF  }
0x237: {  	[tilespmem:s2], [sflag:$0x1] =	stream.linear.gather [spmem:s7], $0x2800, $0x38;
	[tilespmem:$0x1F480] =	vst v63  }
0x238: {  	s8 =	simm.s32 $0x0;
	s12 =	simm.s32 $0x10;
	_ =	swait.ge [sflag:s29], $0x2800  }
0x239: {  	s11 =	sand.u32 $0x7F80, s0;
	s0 =	simm.s32 $0x1D890;
	[sflag:s29] =	ssyncset.done $0x0  }
0x23a: {  	s12 =	sand.u32 $0x70, s12;
	s11 =	sadd.s32 $0x18880, s11;
	[sflag:s29] =	ssyncadd.s32 $0xFFFFD800  }
0x23b: {  	s8 =	sand.u32 $0x60, s8;
	s12 =	sor.u32 s12, s11;
	v2 =	vld [tilespmem:s0+$0x0]  }
0x23c: {  	s8 =	sor.u32 s8, s11;
	v3 =	vld [tilespmem:s12+$0x0]  }
0x23d: {  	v4 =	vld [tilespmem:s8+$0x0]  }
0x23e: {  	s22 =	sadd.s32 $0x20, s10;
	v5 =	vld [tilespmem:s0+$0xFFFFFFF0]  }
0x23f: {  	s23 =	simm.s32 $0x20;
	s26 =	simm.s32 $0x30;
	s8 =	sand.u32 $0x7F80, s22  }
0x240: {  	s12 =	sand.u32 $0x70, s26;
	s13 =	sadd.s32 $0x18880, s8;
	s8 =	simm.s32 $0x1D8B0  }
0x241: {  	s11 =	sand.u32 $0x60, s23;
	v1 =	vld [tilespmem:s8+$0x0];
	s12 =	sor.u32 s12, s13;
	v6 =	vadd.f32 v3, v2  }
0x242: {  	s11 =	sor.u32 s11, s13;
	v3 =	vld [tilespmem:s12+$0x0]  }
0x243: {  	v2 =	vld [tilespmem:s11+$0x0];
	s12 =	simm.s32 $0x40;
	v4 =	vadd.f32 v4, v5;
	s11 =	simm.s32 $0x1D8B0;
	[tilespmem:s0+$0x0] =	vst v6  }
.LBB2_25:
0x244: {  	s13 =	sadd.s32 s12, s10;
	p2 =	slt.u32 s12, $0x260;
	v5 =	vld [tilespmem:s8+$0xFFFFFFF0];
	s17 =	sand.u32 $0x60, s12  }
.Ltmp14:
0x245: {  	s18 =	sadd.s32 $0x10, s12;
	s13 =	sand.u32 $0x7F80, s13;
	[tilespmem:s0+$0xFFFFFFF0] =	vst v4;
	(pc) =	sbr.rel @p2 .LBB2_25-.Ltmp14, $4  }
0x246: {  	s8 =	sadd.s32 $0x20, s8;
	s0 =	sadd.s32 $0x18880, s13;
	s13 =	sand.u32 $0x70, s18  }
0x247: {  	s17 =	sor.u32 s17, s0;
	s13 =	sor.u32 s13, s0;
	v6 =	vadd.f32 v3, v1;
	v1 =	vld [tilespmem:s8+$0x0];
	s0 =	smov.u32 s11  }
0x248: {  	s11 =	smov.u32 s8;
	v3 =	vld [tilespmem:s13+$0x0]  }
0x249: {  	s12 =	sadd.s32 $0x20, s12;
	v4 =	vadd.f32 v2, v5;
	v2 =	vld [tilespmem:s17+$0x0];
	[tilespmem:s0+$0x0] =	vst v6  }
0x24a: {  	v5 =	vld [tilespmem:s8+$0xFFFFFFF0];
	_ =	sdelay $0x3  }
0x24b: {  	v1 =	vadd.f32 v3, v1  }
0x24c: {  	[tilespmem:s0+$0xFFFFFFF0] =	vst v4;
	v2 =	vadd.f32 v2, v5  }
0x24d: {  	[tilespmem:s11+$0x0] =	vst v1  }
0x24e: {  	[tilespmem:s11+$0xFFFFFFF0] =	vst v2  }
0x24f: {  	[bflag:$0x0] =	sbarrier.arrive $0xFFFF  }
0x250: {  	[spmem:s28] =	stream.linear.scatter [tilespmem:s3], [sflag:$0x1], $0x280, $0x38;
	[tilespmem:$0x1F480] =	vst v63  }
0x251: {  	_ =	swait.ge [sflag:s29], $0x280  }
0x252: {  	[sflag:s29] =	ssyncset.done $0x0  }
0x253: {  	[sflag:s29] =	ssyncadd.s32 $0xFFFFFD80  }
0x254: {  	s26 =	simm.s32 $0x40;
	[bflag:$0x0] =	sbarrier.arrive $0xFFFF  }
0x255: {  	v1 =	vld [tilespmem:s26+$0x30]  }
0x256: {  	v2 =	vld [tilespmem:s26+$0xFFFFFFD0]  }
0x257: {  	v3 =	vld [tilespmem:s26+$0xFFFFFFE0]  }
0x258: {  	v4 =	vld [tilespmem:s26+$0xFFFFFFF0]  }
0x259: {  	v6 =	vld [tilespmem:s26+$0x0]  }
0x25a: {  	v7 =	vld [tilespmem:s26+$0x10]  }
0x25b: {  	v8 =	vld [tilespmem:s26+$0x20]  }
0x25c: {  	s0 =	simm.s32 $0xEBC0;
	v9 =	vld [tilespmem:s26+$0xFFFFFFC0]  }
0x25d: {  	v12 =	vld [tilespmem:s0+$0x30]  }
0x25e: {  	v15 =	vld [tilespmem:s0+$0xFFFFFFD0]  }
0x25f: {  	v10 =	vld [tilespmem:s0+$0xFFFFFFE0]  }
0x260: {  	v11 =	vld.idx.msk [tilespmem:v1+s2+$0x0], $0xffff  }
0x261: {  	v13 =	vld.idx.msk [tilespmem:v2+s2+$0x0], $0xffff  }
0x262: {  	v5 =	vld.idx.msk [tilespmem:v3+s2+$0x0], $0xffff  }
0x263: {  	v4 =	vld.idx.msk [tilespmem:v4+s2+$0x0], $0xffff  }
0x264: {  	v14 =	vld.idx.msk [tilespmem:v9+s2+$0x0], $0xffff  }
0x265: {  	v3 =	vld.idx.msk [tilespmem:v8+s2+$0x0], $0xffff  }
0x266: {  	v8 =	vld [tilespmem:s0+$0xFFFFFFC0]  }
0x267: {  	v2 =	vld.idx.msk [tilespmem:v6+s2+$0x0], $0xffff  }
0x268: {  	v1 =	vld.idx.msk [tilespmem:v7+s2+$0x0], $0xffff  }
0x269: {  	v9 =	vld [tilespmem:s0+$0xFFFFFFF0]  }
0x26a: {  	v7 =	vld [tilespmem:s0+$0x0];
	v11 =	vmul.f32 v12, v11  }
0x26b: {  	s8 =	simm.s32 $0x13A40;
	v6 =	vld [tilespmem:s0+$0x10];
	v12 =	vmul.f32 v8, v14  }
0x26c: {  	s12 =	simm.s32 $0xC0;
	s11 =	simm.s32 $0x0;
	v8 =	vld [tilespmem:s0+$0x20];
	[tilespmem:s8+$0x30] =	vst v11;
	v11 =	vmul.f32 v15, v13  }
.LBB2_27:
0x26d: {  	v13 =	vld [tilespmem:s12+$0x30];
	s11 =	sadd.s32 $0x80, s11;
	[tilespmem:s8+$0xFFFFFFC0] =	vst v12;
	v5 =	vmul.f32 v10, v5  }
0x26e: {  	v10 =	vld [tilespmem:s12+$0xFFFFFFD0];
	p2 =	slt.u32 s11, $0x4D80;
	[tilespmem:s8+$0xFFFFFFD0] =	vst v11;
	v4 =	vmul.f32 v9, v4  }
0x26f: {  	v9 =	vld [tilespmem:s12+$0xFFFFFFE0];
	[tilespmem:s8+$0xFFFFFFE0] =	vst v5;
	v2 =	vmul.f32 v7, v2  }
0x270: {  	v7 =	vld [tilespmem:s12+$0xFFFFFFF0];
	[tilespmem:s8+$0xFFFFFFF0] =	vst v4;
	v1 =	vmul.f32 v6, v1  }
0x271: {  	v6 =	vld [tilespmem:s12+$0x0];
	[tilespmem:s8+$0x0] =	vst v2;
	v2 =	vmul.f32 v8, v3  }
0x272: {  	v3 =	vld [tilespmem:s12+$0x10];
	[tilespmem:s8+$0x10] =	vst v1  }
0x273: {  	v8 =	vld [tilespmem:s12+$0x20];
	[tilespmem:s8+$0x20] =	vst v2  }
0x274: {  	v11 =	vld [tilespmem:s12+$0xFFFFFFC0]  }
0x275: {  	s0 =	sadd.s32 $0x80, s0;
	v12 =	vld.idx.msk [tilespmem:v13+s2+$0x0], $0xffff  }
0x276: {  	v13 =	vld [tilespmem:s0+$0x30]  }
0x277: {  	v14 =	vld.idx.msk [tilespmem:v10+s2+$0x0], $0xffff  }
0x278: {  	v5 =	vld.idx.msk [tilespmem:v9+s2+$0x0], $0xffff  }
0x279: {  	v4 =	vld.idx.msk [tilespmem:v7+s2+$0x0], $0xffff  }
0x27a: {  	v2 =	vld.idx.msk [tilespmem:v6+s2+$0x0], $0xffff  }
0x27b: {  	v1 =	vld.idx.msk [tilespmem:v3+s2+$0x0], $0xffff;
	v6 =	vmul.f32 v13, v12  }
0x27c: {  	s13 =	simm.s32 $0x4E00;
	s8 =	sadd.s32 $0x80, s8;
	v11 =	vld.idx.msk [tilespmem:v11+s2+$0x0], $0xffff  }
0x27d: {  	s17 =	simm.s32 $0x4DF0;
	s18 =	simm.s32 $0x18800;
	s19 =	simm.s32 $0x13980;
	v3 =	vld.idx.msk [tilespmem:v8+s2+$0x0], $0xffff;
	[tilespmem:s8+$0x30] =	vst v6  }
0x27e: {  	v6 =	vld [tilespmem:s0+$0xFFFFFFC0]  }
0x27f: {  	v8 =	vld [tilespmem:s0+$0xFFFFFFD0]  }
.Ltmp15:
0x280: {  	v10 =	vld [tilespmem:s0+$0xFFFFFFE0];
	(pc) =	sbr.rel @p2 .LBB2_27-.Ltmp15, $4  }
0x281: {  	v9 =	vld [tilespmem:s0+$0xFFFFFFF0]  }
0x282: {  	v7 =	vld [tilespmem:s0+$0x0]  }
0x283: {  	v12 =	vmul.f32 v6, v11;
	v6 =	vld [tilespmem:s0+$0x10]  }
0x284: {  	s12 =	sadd.s32 $0x80, s12;
	v11 =	vmul.f32 v8, v14;
	v8 =	vld [tilespmem:s0+$0x20]  }
0x285: {  	[tilespmem:s8+$0xFFFFFFC0] =	vst v12;
	v5 =	vmul.f32 v10, v5  }
0x286: {  	[tilespmem:s8+$0xFFFFFFD0] =	vst v11;
	v4 =	vmul.f32 v9, v4  }
0x287: {  	[tilespmem:s8+$0xFFFFFFE0] =	vst v5;
	v2 =	vmul.f32 v7, v2  }
0x288: {  	[tilespmem:s8+$0xFFFFFFF0] =	vst v4;
	v1 =	vmul.f32 v6, v1  }
0x289: {  	[tilespmem:s8+$0x0] =	vst v2;
	v2 =	vmul.f32 v8, v3  }
0x28a: {  	[tilespmem:s8+$0x10] =	vst v1  }
0x28b: {  	[tilespmem:s8+$0x20] =	vst v2  }
.LBB2_29:
0x28c: {  	v1 =	vld [tilespmem:s13+$0x0];
	_ =	sdelay $0x6  }
0x28d: {  	v2 =	vld [tilespmem:s19+$0x0]  }
0x28e: {  	v1 =	vld.idx.msk [tilespmem:v1+s2+$0x0], $0xffff  }
0x28f: {  	s17 =	sadd.s32 $0x10, s17  }
0x290: {  	p2 =	slt.u32 s17, $0x4E10  }
.Ltmp16:
0x291: {  	_ = 	snop;
	(pc) =	sbr.rel @p2 .LBB2_29-.Ltmp16, $3  }
0x292: {  	_ = 	snop  }
0x293: {  	v1 =	vmul.f32 v2, v1;
	_ =	sdelay $0x1  }
0x294: {  	s19 =	sadd.s32 $0x10, s19;
	s13 =	sadd.s32 $0x10, s13;
	[tilespmem:s18+$0x0] =	vst v1;
	s18 =	sadd.s32 $0x10, s18  }
0x295: {  	[spmem:s7] =	stream.indirect.scatter.add.f32 [tilespmem:s1], [sflag:$0x1], $0x1, s30, s31, $0xb8;
	[tilespmem:$0x1F480] =	vst v63  }
0x296: {  	_ =	swait.ge [sflag:s29], $0x4E20  }
0x297: {  	[sflag:s29] =	ssyncset.done $0x0  }
0x298: {  	[sflag:s29] =	ssyncadd.s32 $0xFFFFB1E0  }
0x299: {  	s0 =	sadd.s32 $0x0, s10;
	[bflag:$0x0] =	sbarrier.arrive $0xFFFF  }
0x29a: {  	[tilespmem:s2], [sflag:$0x1] =	stream.linear.gather [spmem:s7], $0x2800, $0x38;
	[tilespmem:$0x1F480] =	vst v63  }
0x29b: {  	s8 =	simm.s32 $0x0;
	s12 =	simm.s32 $0x10;
	_ =	swait.ge [sflag:s29], $0x2800  }
0x29c: {  	s11 =	sand.u32 $0x7F80, s0;
	s0 =	simm.s32 $0x1D890;
	[sflag:s29] =	ssyncset.done $0x0  }
0x29d: {  	s12 =	sand.u32 $0x70, s12;
	s11 =	sadd.s32 $0x18880, s11;
	[sflag:s29] =	ssyncadd.s32 $0xFFFFD800  }
0x29e: {  	s8 =	sand.u32 $0x60, s8;
	s12 =	sor.u32 s12, s11;
	v2 =	vld [tilespmem:s0+$0x0]  }
0x29f: {  	s8 =	sor.u32 s8, s11;
	v3 =	vld [tilespmem:s12+$0x0]  }
0x2a0: {  	v4 =	vld [tilespmem:s8+$0x0]  }
0x2a1: {  	s22 =	sadd.s32 $0x20, s10;
	v5 =	vld [tilespmem:s0+$0xFFFFFFF0]  }
0x2a2: {  	s23 =	simm.s32 $0x20;
	s26 =	simm.s32 $0x30;
	s8 =	sand.u32 $0x7F80, s22  }
0x2a3: {  	s12 =	sand.u32 $0x70, s26;
	s13 =	sadd.s32 $0x18880, s8;
	s8 =	simm.s32 $0x1D8B0  }
0x2a4: {  	s11 =	sand.u32 $0x60, s23;
	v1 =	vld [tilespmem:s8+$0x0];
	s12 =	sor.u32 s12, s13;
	v6 =	vadd.f32 v3, v2  }
0x2a5: {  	s11 =	sor.u32 s11, s13;
	v3 =	vld [tilespmem:s12+$0x0]  }
0x2a6: {  	v2 =	vld [tilespmem:s11+$0x0];
	s12 =	simm.s32 $0x40;
	v4 =	vadd.f32 v4, v5;
	s11 =	simm.s32 $0x1D8B0;
	[tilespmem:s0+$0x0] =	vst v6  }
.LBB2_31:
0x2a7: {  	s13 =	sadd.s32 s12, s10;
	p2 =	slt.u32 s12, $0x260;
	v5 =	vld [tilespmem:s8+$0xFFFFFFF0];
	s17 =	sand.u32 $0x60, s12  }
.Ltmp17:
0x2a8: {  	s18 =	sadd.s32 $0x10, s12;
	s13 =	sand.u32 $0x7F80, s13;
	[tilespmem:s0+$0xFFFFFFF0] =	vst v4;
	(pc) =	sbr.rel @p2 .LBB2_31-.Ltmp17, $4  }
0x2a9: {  	s8 =	sadd.s32 $0x20, s8;
	s0 =	sadd.s32 $0x18880, s13;
	s13 =	sand.u32 $0x70, s18  }
0x2aa: {  	s17 =	sor.u32 s17, s0;
	s13 =	sor.u32 s13, s0;
	v6 =	vadd.f32 v3, v1;
	v1 =	vld [tilespmem:s8+$0x0];
	s0 =	smov.u32 s11  }
0x2ab: {  	s11 =	smov.u32 s8;
	v3 =	vld [tilespmem:s13+$0x0]  }
0x2ac: {  	s12 =	sadd.s32 $0x20, s12;
	v4 =	vadd.f32 v2, v5;
	v2 =	vld [tilespmem:s17+$0x0];
	[tilespmem:s0+$0x0] =	vst v6  }
0x2ad: {  	v5 =	vld [tilespmem:s8+$0xFFFFFFF0];
	_ =	sdelay $0x3  }
0x2ae: {  	v1 =	vadd.f32 v3, v1  }
0x2af: {  	[tilespmem:s0+$0xFFFFFFF0] =	vst v4;
	v2 =	vadd.f32 v2, v5  }
0x2b0: {  	[tilespmem:s11+$0x0] =	vst v1  }
0x2b1: {  	[tilespmem:s11+$0xFFFFFFF0] =	vst v2  }
0x2b2: {  	[bflag:$0x0] =	sbarrier.arrive $0xFFFF  }
0x2b3: {  	[spmem:s28] =	stream.linear.scatter [tilespmem:s3], [sflag:$0x1], $0x280, $0x38;
	[tilespmem:$0x1F480] =	vst v63  }
0x2b4: {  	_ =	swait.ge [sflag:s29], $0x280  }
0x2b5: {  	[sflag:s29] =	ssyncset.done $0x0  }
0x2b6: {  	[sflag:s29] =	ssyncadd.s32 $0xFFFFFD80  }
0x2b7: {  	s26 =	simm.s32 $0x40;
	[bflag:$0x0] =	sbarrier.arrive $0xFFFF  }
0x2b8: {  	v1 =	vld [tilespmem:s26+$0x30]  }
0x2b9: {  	v2 =	vld [tilespmem:s26+$0xFFFFFFD0]  }
0x2ba: {  	v3 =	vld [tilespmem:s26+$0xFFFFFFE0]  }
0x2bb: {  	v4 =	vld [tilespmem:s26+$0xFFFFFFF0]  }
0x2bc: {  	v6 =	vld [tilespmem:s26+$0x0]  }
0x2bd: {  	v7 =	vld [tilespmem:s26+$0x10]  }
0x2be: {  	v8 =	vld [tilespmem:s26+$0x20]  }
0x2bf: {  	s0 =	simm.s32 $0xEBC0;
	v9 =	vld [tilespmem:s26+$0xFFFFFFC0]  }
0x2c0: {  	v12 =	vld [tilespmem:s0+$0x30]  }
0x2c1: {  	v15 =	vld [tilespmem:s0+$0xFFFFFFD0]  }
0x2c2: {  	v10 =	vld [tilespmem:s0+$0xFFFFFFE0]  }
0x2c3: {  	v11 =	vld.idx.msk [tilespmem:v1+s2+$0x0], $0xffff  }
0x2c4: {  	v13 =	vld.idx.msk [tilespmem:v2+s2+$0x0], $0xffff  }
0x2c5: {  	v5 =	vld.idx.msk [tilespmem:v3+s2+$0x0], $0xffff  }
0x2c6: {  	v4 =	vld.idx.msk [tilespmem:v4+s2+$0x0], $0xffff  }
0x2c7: {  	v14 =	vld.idx.msk [tilespmem:v9+s2+$0x0], $0xffff  }
0x2c8: {  	v3 =	vld.idx.msk [tilespmem:v8+s2+$0x0], $0xffff  }
0x2c9: {  	v8 =	vld [tilespmem:s0+$0xFFFFFFC0]  }
0x2ca: {  	v2 =	vld.idx.msk [tilespmem:v6+s2+$0x0], $0xffff  }
0x2cb: {  	v1 =	vld.idx.msk [tilespmem:v7+s2+$0x0], $0xffff  }
0x2cc: {  	v9 =	vld [tilespmem:s0+$0xFFFFFFF0]  }
0x2cd: {  	v7 =	vld [tilespmem:s0+$0x0];
	v11 =	vmul.f32 v12, v11  }
0x2ce: {  	s8 =	simm.s32 $0x13A40;
	v6 =	vld [tilespmem:s0+$0x10];
	v12 =	vmul.f32 v8, v14  }
0x2cf: {  	s12 =	simm.s32 $0xC0;
	s11 =	simm.s32 $0x0;
	v8 =	vld [tilespmem:s0+$0x20];
	[tilespmem:s8+$0x30] =	vst v11;
	v11 =	vmul.f32 v15, v13  }
.LBB2_33:
0x2d0: {  	v13 =	vld [tilespmem:s12+$0x30];
	s11 =	sadd.s32 $0x80, s11;
	[tilespmem:s8+$0xFFFFFFC0] =	vst v12;
	v5 =	vmul.f32 v10, v5  }
0x2d1: {  	v10 =	vld [tilespmem:s12+$0xFFFFFFD0];
	p2 =	slt.u32 s11, $0x4D80;
	[tilespmem:s8+$0xFFFFFFD0] =	vst v11;
	v4 =	vmul.f32 v9, v4  }
0x2d2: {  	v9 =	vld [tilespmem:s12+$0xFFFFFFE0];
	[tilespmem:s8+$0xFFFFFFE0] =	vst v5;
	v2 =	vmul.f32 v7, v2  }
0x2d3: {  	v7 =	vld [tilespmem:s12+$0xFFFFFFF0];
	[tilespmem:s8+$0xFFFFFFF0] =	vst v4;
	v1 =	vmul.f32 v6, v1  }
0x2d4: {  	v6 =	vld [tilespmem:s12+$0x0];
	[tilespmem:s8+$0x0] =	vst v2;
	v2 =	vmul.f32 v8, v3  }
0x2d5: {  	v3 =	vld [tilespmem:s12+$0x10];
	[tilespmem:s8+$0x10] =	vst v1  }
0x2d6: {  	v8 =	vld [tilespmem:s12+$0x20];
	[tilespmem:s8+$0x20] =	vst v2  }
0x2d7: {  	v11 =	vld [tilespmem:s12+$0xFFFFFFC0]  }
0x2d8: {  	s0 =	sadd.s32 $0x80, s0;
	v12 =	vld.idx.msk [tilespmem:v13+s2+$0x0], $0xffff  }
0x2d9: {  	v13 =	vld [tilespmem:s0+$0x30]  }
0x2da: {  	v14 =	vld.idx.msk [tilespmem:v10+s2+$0x0], $0xffff  }
0x2db: {  	v5 =	vld.idx.msk [tilespmem:v9+s2+$0x0], $0xffff  }
0x2dc: {  	v4 =	vld.idx.msk [tilespmem:v7+s2+$0x0], $0xffff  }
0x2dd: {  	v2 =	vld.idx.msk [tilespmem:v6+s2+$0x0], $0xffff  }
0x2de: {  	v1 =	vld.idx.msk [tilespmem:v3+s2+$0x0], $0xffff;
	v6 =	vmul.f32 v13, v12  }
0x2df: {  	s13 =	simm.s32 $0x4E00;
	s8 =	sadd.s32 $0x80, s8;
	v11 =	vld.idx.msk [tilespmem:v11+s2+$0x0], $0xffff  }
0x2e0: {  	s17 =	simm.s32 $0x4DF0;
	s18 =	simm.s32 $0x18800;
	s19 =	simm.s32 $0x13980;
	v3 =	vld.idx.msk [tilespmem:v8+s2+$0x0], $0xffff;
	[tilespmem:s8+$0x30] =	vst v6  }
0x2e1: {  	v6 =	vld [tilespmem:s0+$0xFFFFFFC0]  }
0x2e2: {  	v8 =	vld [tilespmem:s0+$0xFFFFFFD0]  }
.Ltmp18:
0x2e3: {  	v10 =	vld [tilespmem:s0+$0xFFFFFFE0];
	(pc) =	sbr.rel @p2 .LBB2_33-.Ltmp18, $4  }
0x2e4: {  	v9 =	vld [tilespmem:s0+$0xFFFFFFF0]  }
0x2e5: {  	v7 =	vld [tilespmem:s0+$0x0]  }
0x2e6: {  	v12 =	vmul.f32 v6, v11;
	v6 =	vld [tilespmem:s0+$0x10]  }
0x2e7: {  	s12 =	sadd.s32 $0x80, s12;
	v11 =	vmul.f32 v8, v14;
	v8 =	vld [tilespmem:s0+$0x20]  }
0x2e8: {  	[tilespmem:s8+$0xFFFFFFC0] =	vst v12;
	v5 =	vmul.f32 v10, v5  }
0x2e9: {  	[tilespmem:s8+$0xFFFFFFD0] =	vst v11;
	v4 =	vmul.f32 v9, v4  }
0x2ea: {  	[tilespmem:s8+$0xFFFFFFE0] =	vst v5;
	v2 =	vmul.f32 v7, v2  }
0x2eb: {  	[tilespmem:s8+$0xFFFFFFF0] =	vst v4;
	v1 =	vmul.f32 v6, v1  }
0x2ec: {  	[tilespmem:s8+$0x0] =	vst v2;
	v2 =	vmul.f32 v8, v3  }
0x2ed: {  	[tilespmem:s8+$0x10] =	vst v1  }
0x2ee: {  	[tilespmem:s8+$0x20] =	vst v2  }
.LBB2_35:
0x2ef: {  	v1 =	vld [tilespmem:s13+$0x0];
	_ =	sdelay $0x6  }
0x2f0: {  	v2 =	vld [tilespmem:s19+$0x0]  }
0x2f1: {  	v1 =	vld.idx.msk [tilespmem:v1+s2+$0x0], $0xffff  }
0x2f2: {  	s17 =	sadd.s32 $0x10, s17  }
0x2f3: {  	p2 =	slt.u32 s17, $0x4E10  }
.Ltmp19:
0x2f4: {  	_ = 	snop;
	(pc) =	sbr.rel @p2 .LBB2_35-.Ltmp19, $3  }
0x2f5: {  	_ = 	snop  }
0x2f6: {  	v1 =	vmul.f32 v2, v1;
	_ =	sdelay $0x1  }
0x2f7: {  	s19 =	sadd.s32 $0x10, s19;
	s13 =	sadd.s32 $0x10, s13;
	[tilespmem:s18+$0x0] =	vst v1;
	s18 =	sadd.s32 $0x10, s18  }
0x2f8: {  	[spmem:s7] =	stream.indirect.scatter.add.f32 [tilespmem:s1], [sflag:$0x1], $0x1, s30, s31, $0xb8;
	[tilespmem:$0x1F480] =	vst v63  }
0x2f9: {  	_ =	swait.ge [sflag:s29], $0x4E20  }
0x2fa: {  	[sflag:s29] =	ssyncset.done $0x0  }
0x2fb: {  	[sflag:s29] =	ssyncadd.s32 $0xFFFFB1E0  }
0x2fc: {  	s0 =	sadd.s32 $0x0, s10;
	[bflag:$0x0] =	sbarrier.arrive $0xFFFF  }
0x2fd: {  	[tilespmem:s2], [sflag:$0x1] =	stream.linear.gather [spmem:s7], $0x2800, $0x38;
	[tilespmem:$0x1F480] =	vst v63  }
0x2fe: {  	s8 =	simm.s32 $0x0;
	s12 =	simm.s32 $0x10;
	_ =	swait.ge [sflag:s29], $0x2800  }
0x2ff: {  	s11 =	sand.u32 $0x7F80, s0;
	s0 =	simm.s32 $0x1D890;
	[sflag:s29] =	ssyncset.done $0x0  }
0x300: {  	s12 =	sand.u32 $0x70, s12;
	s11 =	sadd.s32 $0x18880, s11;
	[sflag:s29] =	ssyncadd.s32 $0xFFFFD800  }
0x301: {  	s8 =	sand.u32 $0x60, s8;
	s12 =	sor.u32 s12, s11;
	v2 =	vld [tilespmem:s0+$0x0]  }
0x302: {  	s8 =	sor.u32 s8, s11;
	v3 =	vld [tilespmem:s12+$0x0]  }
0x303: {  	v4 =	vld [tilespmem:s8+$0x0]  }
0x304: {  	s22 =	sadd.s32 $0x20, s10;
	v5 =	vld [tilespmem:s0+$0xFFFFFFF0]  }
0x305: {  	s23 =	simm.s32 $0x20;
	s26 =	simm.s32 $0x30;
	s8 =	sand.u32 $0x7F80, s22  }
0x306: {  	s12 =	sand.u32 $0x70, s26;
	s13 =	sadd.s32 $0x18880, s8;
	s8 =	simm.s32 $0x1D8B0  }
0x307: {  	s11 =	sand.u32 $0x60, s23;
	v1 =	vld [tilespmem:s8+$0x0];
	s12 =	sor.u32 s12, s13;
	v6 =	vadd.f32 v3, v2  }
0x308: {  	s11 =	sor.u32 s11, s13;
	v3 =	vld [tilespmem:s12+$0x0]  }
0x309: {  	v2 =	vld [tilespmem:s11+$0x0];
	s12 =	simm.s32 $0x40;
	v4 =	vadd.f32 v4, v5;
	s11 =	simm.s32 $0x1D8B0;
	[tilespmem:s0+$0x0] =	vst v6  }
.LBB2_37:
0x30a: {  	s13 =	sadd.s32 s12, s10;
	p2 =	slt.u32 s12, $0x260;
	v5 =	vld [tilespmem:s8+$0xFFFFFFF0];
	s17 =	sand.u32 $0x60, s12  }
.Ltmp20:
0x30b: {  	s18 =	sadd.s32 $0x10, s12;
	s13 =	sand.u32 $0x7F80, s13;
	[tilespmem:s0+$0xFFFFFFF0] =	vst v4;
	(pc) =	sbr.rel @p2 .LBB2_37-.Ltmp20, $4  }
0x30c: {  	s8 =	sadd.s32 $0x20, s8;
	s0 =	sadd.s32 $0x18880, s13;
	s13 =	sand.u32 $0x70, s18  }
0x30d: {  	s17 =	sor.u32 s17, s0;
	s13 =	sor.u32 s13, s0;
	v6 =	vadd.f32 v3, v1;
	v1 =	vld [tilespmem:s8+$0x0];
	s0 =	smov.u32 s11  }
0x30e: {  	s11 =	smov.u32 s8;
	v3 =	vld [tilespmem:s13+$0x0]  }
0x30f: {  	s12 =	sadd.s32 $0x20, s12;
	v4 =	vadd.f32 v2, v5;
	v2 =	vld [tilespmem:s17+$0x0];
	[tilespmem:s0+$0x0] =	vst v6  }
0x310: {  	v5 =	vld [tilespmem:s8+$0xFFFFFFF0];
	_ =	sdelay $0x3  }
0x311: {  	v1 =	vadd.f32 v3, v1  }
0x312: {  	[tilespmem:s0+$0xFFFFFFF0] =	vst v4;
	v2 =	vadd.f32 v2, v5  }
0x313: {  	[tilespmem:s11+$0x0] =	vst v1  }
0x314: {  	[tilespmem:s11+$0xFFFFFFF0] =	vst v2  }
0x315: {  	[bflag:$0x0] =	sbarrier.arrive $0xFFFF  }
0x316: {  	[spmem:s28] =	stream.linear.scatter [tilespmem:s3], [sflag:$0x1], $0x280, $0x38;
	[tilespmem:$0x1F480] =	vst v63  }
0x317: {  	_ =	swait.ge [sflag:s29], $0x280  }
0x318: {  	[sflag:s29] =	ssyncset.done $0x0  }
0x319: {  	[sflag:s29] =	ssyncadd.s32 $0xFFFFFD80  }
0x31a: {  	s26 =	simm.s32 $0x40;
	[bflag:$0x0] =	sbarrier.arrive $0xFFFF  }
0x31b: {  	v1 =	vld [tilespmem:s26+$0x30]  }
0x31c: {  	v2 =	vld [tilespmem:s26+$0xFFFFFFD0]  }
0x31d: {  	v3 =	vld [tilespmem:s26+$0xFFFFFFE0]  }
0x31e: {  	v4 =	vld [tilespmem:s26+$0xFFFFFFF0]  }
0x31f: {  	v6 =	vld [tilespmem:s26+$0x0]  }
0x320: {  	v7 =	vld [tilespmem:s26+$0x10]  }
0x321: {  	v8 =	vld [tilespmem:s26+$0x20]  }
0x322: {  	s0 =	simm.s32 $0xEBC0;
	v9 =	vld [tilespmem:s26+$0xFFFFFFC0]  }
0x323: {  	v12 =	vld [tilespmem:s0+$0x30]  }
0x324: {  	v15 =	vld [tilespmem:s0+$0xFFFFFFD0]  }
0x325: {  	v10 =	vld [tilespmem:s0+$0xFFFFFFE0]  }
0x326: {  	v11 =	vld.idx.msk [tilespmem:v1+s2+$0x0], $0xffff  }
0x327: {  	v13 =	vld.idx.msk [tilespmem:v2+s2+$0x0], $0xffff  }
0x328: {  	v5 =	vld.idx.msk [tilespmem:v3+s2+$0x0], $0xffff  }
0x329: {  	v4 =	vld.idx.msk [tilespmem:v4+s2+$0x0], $0xffff  }
0x32a: {  	v14 =	vld.idx.msk [tilespmem:v9+s2+$0x0], $0xffff  }
0x32b: {  	v3 =	vld.idx.msk [tilespmem:v8+s2+$0x0], $0xffff  }
0x32c: {  	v8 =	vld [tilespmem:s0+$0xFFFFFFC0]  }
0x32d: {  	v2 =	vld.idx.msk [tilespmem:v6+s2+$0x0], $0xffff  }
0x32e: {  	v1 =	vld.idx.msk [tilespmem:v7+s2+$0x0], $0xffff  }
0x32f: {  	v9 =	vld [tilespmem:s0+$0xFFFFFFF0]  }
0x330: {  	v7 =	vld [tilespmem:s0+$0x0];
	v11 =	vmul.f32 v12, v11  }
0x331: {  	s8 =	simm.s32 $0x13A40;
	v6 =	vld [tilespmem:s0+$0x10];
	v12 =	vmul.f32 v8, v14  }
0x332: {  	s12 =	simm.s32 $0xC0;
	s11 =	simm.s32 $0x0;
	v8 =	vld [tilespmem:s0+$0x20];
	[tilespmem:s8+$0x30] =	vst v11;
	v11 =	vmul.f32 v15, v13  }
.LBB2_39:
0x333: {  	v13 =	vld [tilespmem:s12+$0x30];
	s11 =	sadd.s32 $0x80, s11;
	[tilespmem:s8+$0xFFFFFFC0] =	vst v12;
	v5 =	vmul.f32 v10, v5  }
0x334: {  	v10 =	vld [tilespmem:s12+$0xFFFFFFD0];
	p2 =	slt.u32 s11, $0x4D80;
	[tilespmem:s8+$0xFFFFFFD0] =	vst v11;
	v4 =	vmul.f32 v9, v4  }
0x335: {  	v9 =	vld [tilespmem:s12+$0xFFFFFFE0];
	[tilespmem:s8+$0xFFFFFFE0] =	vst v5;
	v2 =	vmul.f32 v7, v2  }
0x336: {  	v7 =	vld [tilespmem:s12+$0xFFFFFFF0];
	[tilespmem:s8+$0xFFFFFFF0] =	vst v4;
	v1 =	vmul.f32 v6, v1  }
0x337: {  	v6 =	vld [tilespmem:s12+$0x0];
	[tilespmem:s8+$0x0] =	vst v2;
	v2 =	vmul.f32 v8, v3  }
0x338: {  	v3 =	vld [tilespmem:s12+$0x10];
	[tilespmem:s8+$0x10] =	vst v1  }
0x339: {  	v8 =	vld [tilespmem:s12+$0x20];
	[tilespmem:s8+$0x20] =	vst v2  }
0x33a: {  	v11 =	vld [tilespmem:s12+$0xFFFFFFC0]  }
0x33b: {  	s0 =	sadd.s32 $0x80, s0;
	v12 =	vld.idx.msk [tilespmem:v13+s2+$0x0], $0xffff  }
0x33c: {  	v13 =	vld [tilespmem:s0+$0x30]  }
0x33d: {  	v14 =	vld.idx.msk [tilespmem:v10+s2+$0x0], $0xffff  }
0x33e: {  	v5 =	vld.idx.msk [tilespmem:v9+s2+$0x0], $0xffff  }
0x33f: {  	v4 =	vld.idx.msk [tilespmem:v7+s2+$0x0], $0xffff  }
0x340: {  	v2 =	vld.idx.msk [tilespmem:v6+s2+$0x0], $0xffff  }
0x341: {  	v1 =	vld.idx.msk [tilespmem:v3+s2+$0x0], $0xffff;
	v6 =	vmul.f32 v13, v12  }
0x342: {  	s13 =	simm.s32 $0x4E00;
	s8 =	sadd.s32 $0x80, s8;
	v11 =	vld.idx.msk [tilespmem:v11+s2+$0x0], $0xffff  }
0x343: {  	s17 =	simm.s32 $0x4DF0;
	s18 =	simm.s32 $0x18800;
	s19 =	simm.s32 $0x13980;
	v3 =	vld.idx.msk [tilespmem:v8+s2+$0x0], $0xffff;
	[tilespmem:s8+$0x30] =	vst v6  }
0x344: {  	v6 =	vld [tilespmem:s0+$0xFFFFFFC0]  }
0x345: {  	v8 =	vld [tilespmem:s0+$0xFFFFFFD0]  }
.Ltmp21:
0x346: {  	v10 =	vld [tilespmem:s0+$0xFFFFFFE0];
	(pc) =	sbr.rel @p2 .LBB2_39-.Ltmp21, $4  }
0x347: {  	v9 =	vld [tilespmem:s0+$0xFFFFFFF0]  }
0x348: {  	v7 =	vld [tilespmem:s0+$0x0]  }
0x349: {  	v12 =	vmul.f32 v6, v11;
	v6 =	vld [tilespmem:s0+$0x10]  }
0x34a: {  	s12 =	sadd.s32 $0x80, s12;
	v11 =	vmul.f32 v8, v14;
	v8 =	vld [tilespmem:s0+$0x20]  }
0x34b: {  	[tilespmem:s8+$0xFFFFFFC0] =	vst v12;
	v5 =	vmul.f32 v10, v5  }
0x34c: {  	[tilespmem:s8+$0xFFFFFFD0] =	vst v11;
	v4 =	vmul.f32 v9, v4  }
0x34d: {  	[tilespmem:s8+$0xFFFFFFE0] =	vst v5;
	v2 =	vmul.f32 v7, v2  }
0x34e: {  	[tilespmem:s8+$0xFFFFFFF0] =	vst v4;
	v1 =	vmul.f32 v6, v1  }
0x34f: {  	[tilespmem:s8+$0x0] =	vst v2;
	v2 =	vmul.f32 v8, v3  }
0x350: {  	[tilespmem:s8+$0x10] =	vst v1  }
0x351: {  	[tilespmem:s8+$0x20] =	vst v2  }
.LBB2_41:
0x352: {  	v1 =	vld [tilespmem:s13+$0x0];
	_ =	sdelay $0x6  }
0x353: {  	v2 =	vld [tilespmem:s19+$0x0]  }
0x354: {  	v1 =	vld.idx.msk [tilespmem:v1+s2+$0x0], $0xffff  }
0x355: {  	s17 =	sadd.s32 $0x10, s17  }
0x356: {  	p2 =	slt.u32 s17, $0x4E10  }
.Ltmp22:
0x357: {  	_ = 	snop;
	(pc) =	sbr.rel @p2 .LBB2_41-.Ltmp22, $3  }
0x358: {  	_ = 	snop  }
0x359: {  	v1 =	vmul.f32 v2, v1;
	_ =	sdelay $0x1  }
0x35a: {  	s19 =	sadd.s32 $0x10, s19;
	s13 =	sadd.s32 $0x10, s13;
	[tilespmem:s18+$0x0] =	vst v1;
	s18 =	sadd.s32 $0x10, s18  }
0x35b: {  	[spmem:s7] =	stream.indirect.scatter.add.f32 [tilespmem:s1], [sflag:$0x1], $0x1, s30, s31, $0xb8;
	[tilespmem:$0x1F480] =	vst v63  }
0x35c: {  	_ =	swait.ge [sflag:s29], $0x4E20  }
0x35d: {  	[sflag:s29] =	ssyncset.done $0x0  }
0x35e: {  	[sflag:s29] =	ssyncadd.s32 $0xFFFFB1E0  }
0x35f: {  	s0 =	sadd.s32 $0x0, s10;
	[bflag:$0x0] =	sbarrier.arrive $0xFFFF  }
0x360: {  	[tilespmem:s2], [sflag:$0x1] =	stream.linear.gather [spmem:s7], $0x2800, $0x38;
	[tilespmem:$0x1F480] =	vst v63  }
0x361: {  	s8 =	simm.s32 $0x0;
	s12 =	simm.s32 $0x10;
	_ =	swait.ge [sflag:s29], $0x2800  }
0x362: {  	s11 =	sand.u32 $0x7F80, s0;
	s0 =	simm.s32 $0x1D890;
	[sflag:s29] =	ssyncset.done $0x0  }
0x363: {  	s12 =	sand.u32 $0x70, s12;
	s11 =	sadd.s32 $0x18880, s11;
	[sflag:s29] =	ssyncadd.s32 $0xFFFFD800  }
0x364: {  	s8 =	sand.u32 $0x60, s8;
	s12 =	sor.u32 s12, s11;
	v2 =	vld [tilespmem:s0+$0x0]  }
0x365: {  	s8 =	sor.u32 s8, s11;
	v3 =	vld [tilespmem:s12+$0x0]  }
0x366: {  	v4 =	vld [tilespmem:s8+$0x0]  }
0x367: {  	s22 =	sadd.s32 $0x20, s10;
	v5 =	vld [tilespmem:s0+$0xFFFFFFF0]  }
0x368: {  	s23 =	simm.s32 $0x20;
	s26 =	simm.s32 $0x30;
	s8 =	sand.u32 $0x7F80, s22  }
0x369: {  	s12 =	sand.u32 $0x70, s26;
	s13 =	sadd.s32 $0x18880, s8;
	s8 =	simm.s32 $0x1D8B0  }
0x36a: {  	s11 =	sand.u32 $0x60, s23;
	v1 =	vld [tilespmem:s8+$0x0];
	s12 =	sor.u32 s12, s13;
	v6 =	vadd.f32 v3, v2  }
0x36b: {  	s11 =	sor.u32 s11, s13;
	v3 =	vld [tilespmem:s12+$0x0]  }
0x36c: {  	v2 =	vld [tilespmem:s11+$0x0];
	s12 =	simm.s32 $0x40;
	v4 =	vadd.f32 v4, v5;
	s11 =	simm.s32 $0x1D8B0;
	[tilespmem:s0+$0x0] =	vst v6  }
.LBB2_43:
0x36d: {  	s13 =	sadd.s32 s12, s10;
	p2 =	slt.u32 s12, $0x260;
	v5 =	vld [tilespmem:s8+$0xFFFFFFF0];
	s17 =	sand.u32 $0x60, s12  }
.Ltmp23:
0x36e: {  	s18 =	sadd.s32 $0x10, s12;
	s13 =	sand.u32 $0x7F80, s13;
	[tilespmem:s0+$0xFFFFFFF0] =	vst v4;
	(pc) =	sbr.rel @p2 .LBB2_43-.Ltmp23, $4  }
0x36f: {  	s8 =	sadd.s32 $0x20, s8;
	s0 =	sadd.s32 $0x18880, s13;
	s13 =	sand.u32 $0x70, s18  }
0x370: {  	s17 =	sor.u32 s17, s0;
	s13 =	sor.u32 s13, s0;
	v6 =	vadd.f32 v3, v1;
	v1 =	vld [tilespmem:s8+$0x0];
	s0 =	smov.u32 s11  }
0x371: {  	s11 =	smov.u32 s8;
	v3 =	vld [tilespmem:s13+$0x0]  }
0x372: {  	s12 =	sadd.s32 $0x20, s12;
	v4 =	vadd.f32 v2, v5;
	v2 =	vld [tilespmem:s17+$0x0];
	[tilespmem:s0+$0x0] =	vst v6  }
0x373: {  	v5 =	vld [tilespmem:s8+$0xFFFFFFF0];
	_ =	sdelay $0x3  }
0x374: {  	v1 =	vadd.f32 v3, v1  }
0x375: {  	[tilespmem:s0+$0xFFFFFFF0] =	vst v4;
	v2 =	vadd.f32 v2, v5  }
0x376: {  	[tilespmem:s11+$0x0] =	vst v1  }
0x377: {  	[tilespmem:s11+$0xFFFFFFF0] =	vst v2  }
0x378: {  	[bflag:$0x0] =	sbarrier.arrive $0xFFFF  }
0x379: {  	[spmem:s28] =	stream.linear.scatter [tilespmem:s3], [sflag:$0x1], $0x280, $0x38;
	[tilespmem:$0x1F480] =	vst v63  }
0x37a: {  	_ =	swait.ge [sflag:s29], $0x280  }
0x37b: {  	[sflag:s29] =	ssyncset.done $0x0  }
0x37c: {  	[sflag:s29] =	ssyncadd.s32 $0xFFFFFD80  }
0x37d: {  	s26 =	simm.s32 $0x40;
	[bflag:$0x0] =	sbarrier.arrive $0xFFFF  }
0x37e: {  	v1 =	vld [tilespmem:s26+$0x30]  }
0x37f: {  	v2 =	vld [tilespmem:s26+$0xFFFFFFD0]  }
0x380: {  	v3 =	vld [tilespmem:s26+$0xFFFFFFE0]  }
0x381: {  	v4 =	vld [tilespmem:s26+$0xFFFFFFF0]  }
0x382: {  	v6 =	vld [tilespmem:s26+$0x0]  }
0x383: {  	v7 =	vld [tilespmem:s26+$0x10]  }
0x384: {  	v8 =	vld [tilespmem:s26+$0x20]  }
0x385: {  	s0 =	simm.s32 $0xEBC0;
	v9 =	vld [tilespmem:s26+$0xFFFFFFC0]  }
0x386: {  	v12 =	vld [tilespmem:s0+$0x30]  }
0x387: {  	v15 =	vld [tilespmem:s0+$0xFFFFFFD0]  }
0x388: {  	v10 =	vld [tilespmem:s0+$0xFFFFFFE0]  }
0x389: {  	v11 =	vld.idx.msk [tilespmem:v1+s2+$0x0], $0xffff  }
0x38a: {  	v13 =	vld.idx.msk [tilespmem:v2+s2+$0x0], $0xffff  }
0x38b: {  	v5 =	vld.idx.msk [tilespmem:v3+s2+$0x0], $0xffff  }
0x38c: {  	v4 =	vld.idx.msk [tilespmem:v4+s2+$0x0], $0xffff  }
0x38d: {  	v14 =	vld.idx.msk [tilespmem:v9+s2+$0x0], $0xffff  }
0x38e: {  	v3 =	vld.idx.msk [tilespmem:v8+s2+$0x0], $0xffff  }
0x38f: {  	v8 =	vld [tilespmem:s0+$0xFFFFFFC0]  }
0x390: {  	v2 =	vld.idx.msk [tilespmem:v6+s2+$0x0], $0xffff  }
0x391: {  	v1 =	vld.idx.msk [tilespmem:v7+s2+$0x0], $0xffff  }
0x392: {  	v9 =	vld [tilespmem:s0+$0xFFFFFFF0]  }
0x393: {  	v7 =	vld [tilespmem:s0+$0x0];
	v11 =	vmul.f32 v12, v11  }
0x394: {  	s8 =	simm.s32 $0x13A40;
	v6 =	vld [tilespmem:s0+$0x10];
	v12 =	vmul.f32 v8, v14  }
0x395: {  	s12 =	simm.s32 $0xC0;
	s11 =	simm.s32 $0x0;
	v8 =	vld [tilespmem:s0+$0x20];
	[tilespmem:s8+$0x30] =	vst v11;
	v11 =	vmul.f32 v15, v13  }
.LBB2_45:
0x396: {  	v13 =	vld [tilespmem:s12+$0x30];
	s11 =	sadd.s32 $0x80, s11;
	[tilespmem:s8+$0xFFFFFFC0] =	vst v12;
	v5 =	vmul.f32 v10, v5  }
0x397: {  	v10 =	vld [tilespmem:s12+$0xFFFFFFD0];
	p2 =	slt.u32 s11, $0x4D80;
	[tilespmem:s8+$0xFFFFFFD0] =	vst v11;
	v4 =	vmul.f32 v9, v4  }
0x398: {  	v9 =	vld [tilespmem:s12+$0xFFFFFFE0];
	[tilespmem:s8+$0xFFFFFFE0] =	vst v5;
	v2 =	vmul.f32 v7, v2  }
0x399: {  	v7 =	vld [tilespmem:s12+$0xFFFFFFF0];
	[tilespmem:s8+$0xFFFFFFF0] =	vst v4;
	v1 =	vmul.f32 v6, v1  }
0x39a: {  	v6 =	vld [tilespmem:s12+$0x0];
	[tilespmem:s8+$0x0] =	vst v2;
	v2 =	vmul.f32 v8, v3  }
0x39b: {  	v3 =	vld [tilespmem:s12+$0x10];
	[tilespmem:s8+$0x10] =	vst v1  }
0x39c: {  	v8 =	vld [tilespmem:s12+$0x20];
	[tilespmem:s8+$0x20] =	vst v2  }
0x39d: {  	v11 =	vld [tilespmem:s12+$0xFFFFFFC0]  }
0x39e: {  	s0 =	sadd.s32 $0x80, s0;
	v12 =	vld.idx.msk [tilespmem:v13+s2+$0x0], $0xffff  }
0x39f: {  	v13 =	vld [tilespmem:s0+$0x30]  }
0x3a0: {  	v14 =	vld.idx.msk [tilespmem:v10+s2+$0x0], $0xffff  }
0x3a1: {  	v5 =	vld.idx.msk [tilespmem:v9+s2+$0x0], $0xffff  }
0x3a2: {  	v4 =	vld.idx.msk [tilespmem:v7+s2+$0x0], $0xffff  }
0x3a3: {  	v2 =	vld.idx.msk [tilespmem:v6+s2+$0x0], $0xffff  }
0x3a4: {  	v1 =	vld.idx.msk [tilespmem:v3+s2+$0x0], $0xffff;
	v6 =	vmul.f32 v13, v12  }
0x3a5: {  	s13 =	simm.s32 $0x4E00;
	s8 =	sadd.s32 $0x80, s8;
	v11 =	vld.idx.msk [tilespmem:v11+s2+$0x0], $0xffff  }
0x3a6: {  	s17 =	simm.s32 $0x4DF0;
	s18 =	simm.s32 $0x18800;
	s19 =	simm.s32 $0x13980;
	v3 =	vld.idx.msk [tilespmem:v8+s2+$0x0], $0xffff;
	[tilespmem:s8+$0x30] =	vst v6  }
0x3a7: {  	v6 =	vld [tilespmem:s0+$0xFFFFFFC0]  }
0x3a8: {  	v8 =	vld [tilespmem:s0+$0xFFFFFFD0]  }
.Ltmp24:
0x3a9: {  	v10 =	vld [tilespmem:s0+$0xFFFFFFE0];
	(pc) =	sbr.rel @p2 .LBB2_45-.Ltmp24, $4  }
0x3aa: {  	v9 =	vld [tilespmem:s0+$0xFFFFFFF0]  }
0x3ab: {  	v7 =	vld [tilespmem:s0+$0x0]  }
0x3ac: {  	v12 =	vmul.f32 v6, v11;
	v6 =	vld [tilespmem:s0+$0x10]  }
0x3ad: {  	s12 =	sadd.s32 $0x80, s12;
	v11 =	vmul.f32 v8, v14;
	v8 =	vld [tilespmem:s0+$0x20]  }
0x3ae: {  	[tilespmem:s8+$0xFFFFFFC0] =	vst v12;
	v5 =	vmul.f32 v10, v5  }
0x3af: {  	[tilespmem:s8+$0xFFFFFFD0] =	vst v11;
	v4 =	vmul.f32 v9, v4  }
0x3b0: {  	[tilespmem:s8+$0xFFFFFFE0] =	vst v5;
	v2 =	vmul.f32 v7, v2  }
0x3b1: {  	[tilespmem:s8+$0xFFFFFFF0] =	vst v4;
	v1 =	vmul.f32 v6, v1  }
0x3b2: {  	[tilespmem:s8+$0x0] =	vst v2;
	v2 =	vmul.f32 v8, v3  }
0x3b3: {  	[tilespmem:s8+$0x10] =	vst v1  }
0x3b4: {  	[tilespmem:s8+$0x20] =	vst v2  }
.LBB2_47:
0x3b5: {  	v1 =	vld [tilespmem:s13+$0x0];
	_ =	sdelay $0x6  }
0x3b6: {  	v2 =	vld [tilespmem:s19+$0x0]  }
0x3b7: {  	v1 =	vld.idx.msk [tilespmem:v1+s2+$0x0], $0xffff  }
0x3b8: {  	s17 =	sadd.s32 $0x10, s17  }
0x3b9: {  	p2 =	slt.u32 s17, $0x4E10  }
.Ltmp25:
0x3ba: {  	_ = 	snop;
	(pc) =	sbr.rel @p2 .LBB2_47-.Ltmp25, $3  }
0x3bb: {  	_ = 	snop  }
0x3bc: {  	v1 =	vmul.f32 v2, v1;
	_ =	sdelay $0x1  }
0x3bd: {  	s19 =	sadd.s32 $0x10, s19;
	s13 =	sadd.s32 $0x10, s13;
	[tilespmem:s18+$0x0] =	vst v1;
	s18 =	sadd.s32 $0x10, s18  }
0x3be: {  	[spmem:s7] =	stream.indirect.scatter.add.f32 [tilespmem:s1], [sflag:$0x1], $0x1, s30, s31, $0xb8;
	[tilespmem:$0x1F480] =	vst v63  }
0x3bf: {  	_ =	swait.ge [sflag:s29], $0x4E20  }
0x3c0: {  	[sflag:s29] =	ssyncset.done $0x0  }
0x3c1: {  	[sflag:s29] =	ssyncadd.s32 $0xFFFFB1E0  }
0x3c2: {  	s0 =	sadd.s32 $0x0, s10;
	[bflag:$0x0] =	sbarrier.arrive $0xFFFF  }
0x3c3: {  	[tilespmem:s2], [sflag:$0x1] =	stream.linear.gather [spmem:s7], $0x2800, $0x38;
	[tilespmem:$0x1F480] =	vst v63  }
0x3c4: {  	s8 =	simm.s32 $0x0;
	s12 =	simm.s32 $0x10;
	_ =	swait.ge [sflag:s29], $0x2800  }
0x3c5: {  	s11 =	sand.u32 $0x7F80, s0;
	s0 =	simm.s32 $0x1D890;
	[sflag:s29] =	ssyncset.done $0x0  }
0x3c6: {  	s12 =	sand.u32 $0x70, s12;
	s11 =	sadd.s32 $0x18880, s11;
	[sflag:s29] =	ssyncadd.s32 $0xFFFFD800  }
0x3c7: {  	s8 =	sand.u32 $0x60, s8;
	s12 =	sor.u32 s12, s11;
	v2 =	vld [tilespmem:s0+$0x0]  }
0x3c8: {  	s8 =	sor.u32 s8, s11;
	v3 =	vld [tilespmem:s12+$0x0]  }
0x3c9: {  	v4 =	vld [tilespmem:s8+$0x0]  }
0x3ca: {  	s22 =	sadd.s32 $0x20, s10;
	v5 =	vld [tilespmem:s0+$0xFFFFFFF0]  }
0x3cb: {  	s23 =	simm.s32 $0x20;
	s26 =	simm.s32 $0x30;
	s8 =	sand.u32 $0x7F80, s22  }
0x3cc: {  	s12 =	sand.u32 $0x70, s26;
	s13 =	sadd.s32 $0x18880, s8;
	s8 =	simm.s32 $0x1D8B0  }
0x3cd: {  	s11 =	sand.u32 $0x60, s23;
	v1 =	vld [tilespmem:s8+$0x0];
	s12 =	sor.u32 s12, s13;
	v6 =	vadd.f32 v3, v2  }
0x3ce: {  	s11 =	sor.u32 s11, s13;
	v3 =	vld [tilespmem:s12+$0x0]  }
0x3cf: {  	v2 =	vld [tilespmem:s11+$0x0];
	s12 =	simm.s32 $0x40;
	v4 =	vadd.f32 v4, v5;
	s11 =	simm.s32 $0x1D8B0;
	[tilespmem:s0+$0x0] =	vst v6  }
.LBB2_49:
0x3d0: {  	s13 =	sadd.s32 s12, s10;
	p2 =	slt.u32 s12, $0x260;
	v5 =	vld [tilespmem:s8+$0xFFFFFFF0];
	s17 =	sand.u32 $0x60, s12  }
.Ltmp26:
0x3d1: {  	s18 =	sadd.s32 $0x10, s12;
	s13 =	sand.u32 $0x7F80, s13;
	[tilespmem:s0+$0xFFFFFFF0] =	vst v4;
	(pc) =	sbr.rel @p2 .LBB2_49-.Ltmp26, $4  }
0x3d2: {  	s8 =	sadd.s32 $0x20, s8;
	s0 =	sadd.s32 $0x18880, s13;
	s13 =	sand.u32 $0x70, s18  }
0x3d3: {  	s17 =	sor.u32 s17, s0;
	s13 =	sor.u32 s13, s0;
	v6 =	vadd.f32 v3, v1;
	v1 =	vld [tilespmem:s8+$0x0];
	s0 =	smov.u32 s11  }
0x3d4: {  	s11 =	smov.u32 s8;
	v3 =	vld [tilespmem:s13+$0x0]  }
0x3d5: {  	s12 =	sadd.s32 $0x20, s12;
	v4 =	vadd.f32 v2, v5;
	v2 =	vld [tilespmem:s17+$0x0];
	[tilespmem:s0+$0x0] =	vst v6  }
0x3d6: {  	v5 =	vld [tilespmem:s8+$0xFFFFFFF0];
	_ =	sdelay $0x3  }
0x3d7: {  	v1 =	vadd.f32 v3, v1  }
0x3d8: {  	[tilespmem:s0+$0xFFFFFFF0] =	vst v4;
	v2 =	vadd.f32 v2, v5  }
0x3d9: {  	[tilespmem:s11+$0x0] =	vst v1  }
0x3da: {  	[tilespmem:s11+$0xFFFFFFF0] =	vst v2  }
0x3db: {  	[bflag:$0x0] =	sbarrier.arrive $0xFFFF  }
0x3dc: {  	[spmem:s28] =	stream.linear.scatter [tilespmem:s3], [sflag:$0x1], $0x280, $0x38;
	[tilespmem:$0x1F480] =	vst v63  }
0x3dd: {  	_ =	swait.ge [sflag:s29], $0x280  }
0x3de: {  	[sflag:s29] =	ssyncset.done $0x0  }
0x3df: {  	[sflag:s29] =	ssyncadd.s32 $0xFFFFFD80  }
0x3e0: {  	s26 =	simm.s32 $0x40;
	[bflag:$0x0] =	sbarrier.arrive $0xFFFF  }
0x3e1: {  	v1 =	vld [tilespmem:s26+$0x30]  }
0x3e2: {  	v2 =	vld [tilespmem:s26+$0xFFFFFFD0]  }
0x3e3: {  	v3 =	vld [tilespmem:s26+$0xFFFFFFE0]  }
0x3e4: {  	v4 =	vld [tilespmem:s26+$0xFFFFFFF0]  }
0x3e5: {  	v6 =	vld [tilespmem:s26+$0x0]  }
0x3e6: {  	v7 =	vld [tilespmem:s26+$0x10]  }
0x3e7: {  	v8 =	vld [tilespmem:s26+$0x20]  }
0x3e8: {  	s0 =	simm.s32 $0xEBC0;
	v9 =	vld [tilespmem:s26+$0xFFFFFFC0]  }
0x3e9: {  	v12 =	vld [tilespmem:s0+$0x30]  }
0x3ea: {  	v15 =	vld [tilespmem:s0+$0xFFFFFFD0]  }
0x3eb: {  	v10 =	vld [tilespmem:s0+$0xFFFFFFE0]  }
0x3ec: {  	v11 =	vld.idx.msk [tilespmem:v1+s2+$0x0], $0xffff  }
0x3ed: {  	v13 =	vld.idx.msk [tilespmem:v2+s2+$0x0], $0xffff  }
0x3ee: {  	v5 =	vld.idx.msk [tilespmem:v3+s2+$0x0], $0xffff  }
0x3ef: {  	v4 =	vld.idx.msk [tilespmem:v4+s2+$0x0], $0xffff  }
0x3f0: {  	v14 =	vld.idx.msk [tilespmem:v9+s2+$0x0], $0xffff  }
0x3f1: {  	v3 =	vld.idx.msk [tilespmem:v8+s2+$0x0], $0xffff  }
0x3f2: {  	v8 =	vld [tilespmem:s0+$0xFFFFFFC0]  }
0x3f3: {  	v2 =	vld.idx.msk [tilespmem:v6+s2+$0x0], $0xffff  }
0x3f4: {  	v1 =	vld.idx.msk [tilespmem:v7+s2+$0x0], $0xffff  }
0x3f5: {  	v9 =	vld [tilespmem:s0+$0xFFFFFFF0]  }
0x3f6: {  	v7 =	vld [tilespmem:s0+$0x0];
	v11 =	vmul.f32 v12, v11  }
0x3f7: {  	s8 =	simm.s32 $0x13A40;
	v6 =	vld [tilespmem:s0+$0x10];
	v12 =	vmul.f32 v8, v14  }
0x3f8: {  	s12 =	simm.s32 $0xC0;
	s11 =	simm.s32 $0x0;
	v8 =	vld [tilespmem:s0+$0x20];
	[tilespmem:s8+$0x30] =	vst v11;
	v11 =	vmul.f32 v15, v13  }
.LBB2_51:
0x3f9: {  	v13 =	vld [tilespmem:s12+$0x30];
	s11 =	sadd.s32 $0x80, s11;
	[tilespmem:s8+$0xFFFFFFC0] =	vst v12;
	v5 =	vmul.f32 v10, v5  }
0x3fa: {  	v10 =	vld [tilespmem:s12+$0xFFFFFFD0];
	p2 =	slt.u32 s11, $0x4D80;
	[tilespmem:s8+$0xFFFFFFD0] =	vst v11;
	v4 =	vmul.f32 v9, v4  }
0x3fb: {  	v9 =	vld [tilespmem:s12+$0xFFFFFFE0];
	[tilespmem:s8+$0xFFFFFFE0] =	vst v5;
	v2 =	vmul.f32 v7, v2  }
0x3fc: {  	v7 =	vld [tilespmem:s12+$0xFFFFFFF0];
	[tilespmem:s8+$0xFFFFFFF0] =	vst v4;
	v1 =	vmul.f32 v6, v1  }
0x3fd: {  	v6 =	vld [tilespmem:s12+$0x0];
	[tilespmem:s8+$0x0] =	vst v2;
	v2 =	vmul.f32 v8, v3  }
0x3fe: {  	v3 =	vld [tilespmem:s12+$0x10];
	[tilespmem:s8+$0x10] =	vst v1  }
0x3ff: {  	v8 =	vld [tilespmem:s12+$0x20];
	[tilespmem:s8+$0x20] =	vst v2  }
0x400: {  	v11 =	vld [tilespmem:s12+$0xFFFFFFC0]  }
0x401: {  	s0 =	sadd.s32 $0x80, s0;
	v12 =	vld.idx.msk [tilespmem:v13+s2+$0x0], $0xffff  }
0x402: {  	v13 =	vld [tilespmem:s0+$0x30]  }
0x403: {  	v14 =	vld.idx.msk [tilespmem:v10+s2+$0x0], $0xffff  }
0x404: {  	v5 =	vld.idx.msk [tilespmem:v9+s2+$0x0], $0xffff  }
0x405: {  	v4 =	vld.idx.msk [tilespmem:v7+s2+$0x0], $0xffff  }
0x406: {  	v2 =	vld.idx.msk [tilespmem:v6+s2+$0x0], $0xffff  }
0x407: {  	v1 =	vld.idx.msk [tilespmem:v3+s2+$0x0], $0xffff;
	v6 =	vmul.f32 v13, v12  }
0x408: {  	s13 =	simm.s32 $0x4E00;
	s8 =	sadd.s32 $0x80, s8;
	v11 =	vld.idx.msk [tilespmem:v11+s2+$0x0], $0xffff  }
0x409: {  	s17 =	simm.s32 $0x4DF0;
	s18 =	simm.s32 $0x18800;
	s19 =	simm.s32 $0x13980;
	v3 =	vld.idx.msk [tilespmem:v8+s2+$0x0], $0xffff;
	[tilespmem:s8+$0x30] =	vst v6  }
0x40a: {  	v6 =	vld [tilespmem:s0+$0xFFFFFFC0]  }
0x40b: {  	v8 =	vld [tilespmem:s0+$0xFFFFFFD0]  }
.Ltmp27:
0x40c: {  	v10 =	vld [tilespmem:s0+$0xFFFFFFE0];
	(pc) =	sbr.rel @p2 .LBB2_51-.Ltmp27, $4  }
0x40d: {  	v9 =	vld [tilespmem:s0+$0xFFFFFFF0]  }
0x40e: {  	v7 =	vld [tilespmem:s0+$0x0]  }
0x40f: {  	v12 =	vmul.f32 v6, v11;
	v6 =	vld [tilespmem:s0+$0x10]  }
0x410: {  	s12 =	sadd.s32 $0x80, s12;
	v11 =	vmul.f32 v8, v14;
	v8 =	vld [tilespmem:s0+$0x20]  }
0x411: {  	[tilespmem:s8+$0xFFFFFFC0] =	vst v12;
	v5 =	vmul.f32 v10, v5  }
0x412: {  	[tilespmem:s8+$0xFFFFFFD0] =	vst v11;
	v4 =	vmul.f32 v9, v4  }
0x413: {  	[tilespmem:s8+$0xFFFFFFE0] =	vst v5;
	v2 =	vmul.f32 v7, v2  }
0x414: {  	[tilespmem:s8+$0xFFFFFFF0] =	vst v4;
	v1 =	vmul.f32 v6, v1  }
0x415: {  	[tilespmem:s8+$0x0] =	vst v2;
	v2 =	vmul.f32 v8, v3  }
0x416: {  	[tilespmem:s8+$0x10] =	vst v1  }
0x417: {  	[tilespmem:s8+$0x20] =	vst v2  }
.LBB2_53:
0x418: {  	v1 =	vld [tilespmem:s13+$0x0];
	_ =	sdelay $0x6  }
0x419: {  	v2 =	vld [tilespmem:s19+$0x0]  }
0x41a: {  	v1 =	vld.idx.msk [tilespmem:v1+s2+$0x0], $0xffff  }
0x41b: {  	s17 =	sadd.s32 $0x10, s17  }
0x41c: {  	p2 =	slt.u32 s17, $0x4E10  }
.Ltmp28:
0x41d: {  	_ = 	snop;
	(pc) =	sbr.rel @p2 .LBB2_53-.Ltmp28, $3  }
0x41e: {  	_ = 	snop  }
0x41f: {  	v1 =	vmul.f32 v2, v1;
	_ =	sdelay $0x1  }
0x420: {  	s19 =	sadd.s32 $0x10, s19;
	s13 =	sadd.s32 $0x10, s13;
	[tilespmem:s18+$0x0] =	vst v1;
	s18 =	sadd.s32 $0x10, s18  }
0x421: {  	[spmem:s7] =	stream.indirect.scatter.add.f32 [tilespmem:s1], [sflag:$0x1], $0x1, s30, s31, $0xb8;
	[tilespmem:$0x1F480] =	vst v63  }
0x422: {  	_ =	swait.ge [sflag:s29], $0x4E20  }
0x423: {  	[sflag:s29] =	ssyncset.done $0x0  }
0x424: {  	[sflag:s29] =	ssyncadd.s32 $0xFFFFB1E0  }
0x425: {  	s0 =	sadd.s32 $0x0, s10;
	[bflag:$0x0] =	sbarrier.arrive $0xFFFF  }
0x426: {  	[tilespmem:s2], [sflag:$0x1] =	stream.linear.gather [spmem:s7], $0x2800, $0x38;
	[tilespmem:$0x1F480] =	vst v63  }
0x427: {  	s8 =	simm.s32 $0x0;
	s12 =	simm.s32 $0x10;
	_ =	swait.ge [sflag:s29], $0x2800  }
0x428: {  	s11 =	sand.u32 $0x7F80, s0;
	s0 =	simm.s32 $0x1D890;
	[sflag:s29] =	ssyncset.done $0x0  }
0x429: {  	s12 =	sand.u32 $0x70, s12;
	s11 =	sadd.s32 $0x18880, s11;
	[sflag:s29] =	ssyncadd.s32 $0xFFFFD800  }
0x42a: {  	s8 =	sand.u32 $0x60, s8;
	s12 =	sor.u32 s12, s11;
	v2 =	vld [tilespmem:s0+$0x0]  }
0x42b: {  	s8 =	sor.u32 s8, s11;
	v3 =	vld [tilespmem:s12+$0x0]  }
0x42c: {  	v4 =	vld [tilespmem:s8+$0x0]  }
0x42d: {  	s22 =	sadd.s32 $0x20, s10;
	v5 =	vld [tilespmem:s0+$0xFFFFFFF0]  }
0x42e: {  	s23 =	simm.s32 $0x20;
	s26 =	simm.s32 $0x30;
	s8 =	sand.u32 $0x7F80, s22  }
0x42f: {  	s12 =	sand.u32 $0x70, s26;
	s13 =	sadd.s32 $0x18880, s8;
	s8 =	simm.s32 $0x1D8B0  }
0x430: {  	s11 =	sand.u32 $0x60, s23;
	v1 =	vld [tilespmem:s8+$0x0];
	s12 =	sor.u32 s12, s13;
	v6 =	vadd.f32 v3, v2  }
0x431: {  	s11 =	sor.u32 s11, s13;
	v3 =	vld [tilespmem:s12+$0x0]  }
0x432: {  	v2 =	vld [tilespmem:s11+$0x0];
	s12 =	simm.s32 $0x40;
	v4 =	vadd.f32 v4, v5;
	s11 =	simm.s32 $0x1D8B0;
	[tilespmem:s0+$0x0] =	vst v6  }
.LBB2_55:
0x433: {  	s13 =	sadd.s32 s12, s10;
	p2 =	slt.u32 s12, $0x260;
	v5 =	vld [tilespmem:s8+$0xFFFFFFF0];
	s17 =	sand.u32 $0x60, s12  }
.Ltmp29:
0x434: {  	s18 =	sadd.s32 $0x10, s12;
	s13 =	sand.u32 $0x7F80, s13;
	[tilespmem:s0+$0xFFFFFFF0] =	vst v4;
	(pc) =	sbr.rel @p2 .LBB2_55-.Ltmp29, $4  }
0x435: {  	s8 =	sadd.s32 $0x20, s8;
	s0 =	sadd.s32 $0x18880, s13;
	s13 =	sand.u32 $0x70, s18  }
0x436: {  	s17 =	sor.u32 s17, s0;
	s13 =	sor.u32 s13, s0;
	v6 =	vadd.f32 v3, v1;
	v1 =	vld [tilespmem:s8+$0x0];
	s0 =	smov.u32 s11  }
0x437: {  	s11 =	smov.u32 s8;
	v3 =	vld [tilespmem:s13+$0x0]  }
0x438: {  	s12 =	sadd.s32 $0x20, s12;
	v4 =	vadd.f32 v2, v5;
	v2 =	vld [tilespmem:s17+$0x0];
	[tilespmem:s0+$0x0] =	vst v6  }
0x439: {  	v5 =	vld [tilespmem:s8+$0xFFFFFFF0];
	_ =	sdelay $0x3  }
0x43a: {  	v1 =	vadd.f32 v3, v1  }
0x43b: {  	[tilespmem:s0+$0xFFFFFFF0] =	vst v4;
	v2 =	vadd.f32 v2, v5  }
0x43c: {  	[tilespmem:s11+$0x0] =	vst v1  }
0x43d: {  	[tilespmem:s11+$0xFFFFFFF0] =	vst v2  }
0x43e: {  	[bflag:$0x0] =	sbarrier.arrive $0xFFFF  }
0x43f: {  	[spmem:s28] =	stream.linear.scatter [tilespmem:s3], [sflag:$0x1], $0x280, $0x38;
	[tilespmem:$0x1F480] =	vst v63  }
0x440: {  	_ =	swait.ge [sflag:s29], $0x280  }
0x441: {  	[sflag:s29] =	ssyncset.done $0x0  }
0x442: {  	[sflag:s29] =	ssyncadd.s32 $0xFFFFFD80  }
0x443: {  	s26 =	simm.s32 $0x40;
	[bflag:$0x0] =	sbarrier.arrive $0xFFFF  }
0x444: {  	v1 =	vld [tilespmem:s26+$0x30]  }
0x445: {  	v2 =	vld [tilespmem:s26+$0xFFFFFFD0]  }
0x446: {  	v3 =	vld [tilespmem:s26+$0xFFFFFFE0]  }
0x447: {  	v4 =	vld [tilespmem:s26+$0xFFFFFFF0]  }
0x448: {  	v6 =	vld [tilespmem:s26+$0x0]  }
0x449: {  	v7 =	vld [tilespmem:s26+$0x10]  }
0x44a: {  	v8 =	vld [tilespmem:s26+$0x20]  }
0x44b: {  	s0 =	simm.s32 $0xEBC0;
	v9 =	vld [tilespmem:s26+$0xFFFFFFC0]  }
0x44c: {  	v12 =	vld [tilespmem:s0+$0x30]  }
0x44d: {  	v15 =	vld [tilespmem:s0+$0xFFFFFFD0]  }
0x44e: {  	v10 =	vld [tilespmem:s0+$0xFFFFFFE0]  }
0x44f: {  	v11 =	vld.idx.msk [tilespmem:v1+s2+$0x0], $0xffff  }
0x450: {  	v13 =	vld.idx.msk [tilespmem:v2+s2+$0x0], $0xffff  }
0x451: {  	v5 =	vld.idx.msk [tilespmem:v3+s2+$0x0], $0xffff  }
0x452: {  	v4 =	vld.idx.msk [tilespmem:v4+s2+$0x0], $0xffff  }
0x453: {  	v14 =	vld.idx.msk [tilespmem:v9+s2+$0x0], $0xffff  }
0x454: {  	v3 =	vld.idx.msk [tilespmem:v8+s2+$0x0], $0xffff  }
0x455: {  	v8 =	vld [tilespmem:s0+$0xFFFFFFC0]  }
0x456: {  	v2 =	vld.idx.msk [tilespmem:v6+s2+$0x0], $0xffff  }
0x457: {  	v1 =	vld.idx.msk [tilespmem:v7+s2+$0x0], $0xffff  }
0x458: {  	v9 =	vld [tilespmem:s0+$0xFFFFFFF0]  }
0x459: {  	v7 =	vld [tilespmem:s0+$0x0];
	v11 =	vmul.f32 v12, v11  }
0x45a: {  	s8 =	simm.s32 $0x13A40;
	v6 =	vld [tilespmem:s0+$0x10];
	v12 =	vmul.f32 v8, v14  }
0x45b: {  	s12 =	simm.s32 $0xC0;
	s11 =	simm.s32 $0x0;
	v8 =	vld [tilespmem:s0+$0x20];
	[tilespmem:s8+$0x30] =	vst v11;
	v11 =	vmul.f32 v15, v13  }
.LBB2_57:
0x45c: {  	v13 =	vld [tilespmem:s12+$0x30];
	s11 =	sadd.s32 $0x80, s11;
	[tilespmem:s8+$0xFFFFFFC0] =	vst v12;
	v5 =	vmul.f32 v10, v5  }
0x45d: {  	v10 =	vld [tilespmem:s12+$0xFFFFFFD0];
	p2 =	slt.u32 s11, $0x4D80;
	[tilespmem:s8+$0xFFFFFFD0] =	vst v11;
	v4 =	vmul.f32 v9, v4  }
0x45e: {  	v9 =	vld [tilespmem:s12+$0xFFFFFFE0];
	[tilespmem:s8+$0xFFFFFFE0] =	vst v5;
	v2 =	vmul.f32 v7, v2  }
0x45f: {  	v7 =	vld [tilespmem:s12+$0xFFFFFFF0];
	[tilespmem:s8+$0xFFFFFFF0] =	vst v4;
	v1 =	vmul.f32 v6, v1  }
0x460: {  	v6 =	vld [tilespmem:s12+$0x0];
	[tilespmem:s8+$0x0] =	vst v2;
	v2 =	vmul.f32 v8, v3  }
0x461: {  	v3 =	vld [tilespmem:s12+$0x10];
	[tilespmem:s8+$0x10] =	vst v1  }
0x462: {  	v8 =	vld [tilespmem:s12+$0x20];
	[tilespmem:s8+$0x20] =	vst v2  }
0x463: {  	v11 =	vld [tilespmem:s12+$0xFFFFFFC0]  }
0x464: {  	s0 =	sadd.s32 $0x80, s0;
	v12 =	vld.idx.msk [tilespmem:v13+s2+$0x0], $0xffff  }
0x465: {  	v13 =	vld [tilespmem:s0+$0x30]  }
0x466: {  	v14 =	vld.idx.msk [tilespmem:v10+s2+$0x0], $0xffff  }
0x467: {  	v5 =	vld.idx.msk [tilespmem:v9+s2+$0x0], $0xffff  }
0x468: {  	v4 =	vld.idx.msk [tilespmem:v7+s2+$0x0], $0xffff  }
0x469: {  	v2 =	vld.idx.msk [tilespmem:v6+s2+$0x0], $0xffff  }
0x46a: {  	v1 =	vld.idx.msk [tilespmem:v3+s2+$0x0], $0xffff;
	v6 =	vmul.f32 v13, v12  }
0x46b: {  	s13 =	simm.s32 $0x4E00;
	s8 =	sadd.s32 $0x80, s8;
	v11 =	vld.idx.msk [tilespmem:v11+s2+$0x0], $0xffff  }
0x46c: {  	s17 =	simm.s32 $0x4DF0;
	s18 =	simm.s32 $0x18800;
	s19 =	simm.s32 $0x13980;
	v3 =	vld.idx.msk [tilespmem:v8+s2+$0x0], $0xffff;
	[tilespmem:s8+$0x30] =	vst v6  }
0x46d: {  	v6 =	vld [tilespmem:s0+$0xFFFFFFC0]  }
0x46e: {  	v8 =	vld [tilespmem:s0+$0xFFFFFFD0]  }
.Ltmp30:
0x46f: {  	v10 =	vld [tilespmem:s0+$0xFFFFFFE0];
	(pc) =	sbr.rel @p2 .LBB2_57-.Ltmp30, $4  }
0x470: {  	v9 =	vld [tilespmem:s0+$0xFFFFFFF0]  }
0x471: {  	v7 =	vld [tilespmem:s0+$0x0]  }
0x472: {  	v12 =	vmul.f32 v6, v11;
	v6 =	vld [tilespmem:s0+$0x10]  }
0x473: {  	s12 =	sadd.s32 $0x80, s12;
	v11 =	vmul.f32 v8, v14;
	v8 =	vld [tilespmem:s0+$0x20]  }
0x474: {  	[tilespmem:s8+$0xFFFFFFC0] =	vst v12;
	v5 =	vmul.f32 v10, v5  }
0x475: {  	[tilespmem:s8+$0xFFFFFFD0] =	vst v11;
	v4 =	vmul.f32 v9, v4  }
0x476: {  	[tilespmem:s8+$0xFFFFFFE0] =	vst v5;
	v2 =	vmul.f32 v7, v2  }
0x477: {  	[tilespmem:s8+$0xFFFFFFF0] =	vst v4;
	v1 =	vmul.f32 v6, v1  }
0x478: {  	[tilespmem:s8+$0x0] =	vst v2;
	v2 =	vmul.f32 v8, v3  }
0x479: {  	[tilespmem:s8+$0x10] =	vst v1  }
0x47a: {  	[tilespmem:s8+$0x20] =	vst v2  }
.LBB2_59:
0x47b: {  	v1 =	vld [tilespmem:s13+$0x0];
	_ =	sdelay $0x6  }
0x47c: {  	v2 =	vld [tilespmem:s19+$0x0]  }
0x47d: {  	v1 =	vld.idx.msk [tilespmem:v1+s2+$0x0], $0xffff  }
0x47e: {  	s17 =	sadd.s32 $0x10, s17  }
0x47f: {  	p2 =	slt.u32 s17, $0x4E10  }
.Ltmp31:
0x480: {  	_ = 	snop;
	(pc) =	sbr.rel @p2 .LBB2_59-.Ltmp31, $3  }
0x481: {  	_ = 	snop  }
0x482: {  	v1 =	vmul.f32 v2, v1;
	_ =	sdelay $0x1  }
0x483: {  	s19 =	sadd.s32 $0x10, s19;
	s13 =	sadd.s32 $0x10, s13;
	[tilespmem:s18+$0x0] =	vst v1;
	s18 =	sadd.s32 $0x10, s18  }
0x484: {  	[spmem:s7] =	stream.indirect.scatter.add.f32 [tilespmem:s1], [sflag:$0x1], $0x1, s30, s31, $0xb8;
	[tilespmem:$0x1F480] =	vst v63  }
0x485: {  	_ =	swait.ge [sflag:s29], $0x4E20  }
0x486: {  	[sflag:s29] =	ssyncset.done $0x0  }
0x487: {  	[sflag:s29] =	ssyncadd.s32 $0xFFFFB1E0  }
0x488: {  	s0 =	sadd.s32 $0x0, s10;
	[bflag:$0x0] =	sbarrier.arrive $0xFFFF  }
0x489: {  	[tilespmem:s2], [sflag:$0x1] =	stream.linear.gather [spmem:s7], $0x2800, $0x38;
	[tilespmem:$0x1F480] =	vst v63  }
0x48a: {  	s8 =	simm.s32 $0x0;
	s12 =	simm.s32 $0x10;
	_ =	swait.ge [sflag:s29], $0x2800  }
0x48b: {  	s11 =	sand.u32 $0x7F80, s0;
	s0 =	simm.s32 $0x1D890;
	[sflag:s29] =	ssyncset.done $0x0  }
0x48c: {  	s12 =	sand.u32 $0x70, s12;
	s11 =	sadd.s32 $0x18880, s11;
	[sflag:s29] =	ssyncadd.s32 $0xFFFFD800  }
0x48d: {  	s8 =	sand.u32 $0x60, s8;
	s12 =	sor.u32 s12, s11;
	v2 =	vld [tilespmem:s0+$0x0]  }
0x48e: {  	s8 =	sor.u32 s8, s11;
	v3 =	vld [tilespmem:s12+$0x0]  }
0x48f: {  	v4 =	vld [tilespmem:s8+$0x0]  }
0x490: {  	s22 =	sadd.s32 $0x20, s10;
	v5 =	vld [tilespmem:s0+$0xFFFFFFF0]  }
0x491: {  	s23 =	simm.s32 $0x20;
	s26 =	simm.s32 $0x30;
	s8 =	sand.u32 $0x7F80, s22  }
0x492: {  	s12 =	sand.u32 $0x70, s26;
	s13 =	sadd.s32 $0x18880, s8;
	s8 =	simm.s32 $0x1D8B0  }
0x493: {  	s11 =	sand.u32 $0x60, s23;
	v1 =	vld [tilespmem:s8+$0x0];
	s12 =	sor.u32 s12, s13;
	v6 =	vadd.f32 v3, v2  }
0x494: {  	s11 =	sor.u32 s11, s13;
	v3 =	vld [tilespmem:s12+$0x0]  }
0x495: {  	v2 =	vld [tilespmem:s11+$0x0];
	s12 =	simm.s32 $0x40;
	v4 =	vadd.f32 v4, v5;
	s11 =	simm.s32 $0x1D8B0;
	[tilespmem:s0+$0x0] =	vst v6  }
.LBB2_61:
0x496: {  	s13 =	sadd.s32 s12, s10;
	p2 =	slt.u32 s12, $0x260;
	v5 =	vld [tilespmem:s8+$0xFFFFFFF0];
	s17 =	sand.u32 $0x60, s12  }
.Ltmp32:
0x497: {  	s18 =	sadd.s32 $0x10, s12;
	s13 =	sand.u32 $0x7F80, s13;
	[tilespmem:s0+$0xFFFFFFF0] =	vst v4;
	(pc) =	sbr.rel @p2 .LBB2_61-.Ltmp32, $4  }
0x498: {  	s8 =	sadd.s32 $0x20, s8;
	s0 =	sadd.s32 $0x18880, s13;
	s13 =	sand.u32 $0x70, s18  }
0x499: {  	s17 =	sor.u32 s17, s0;
	s13 =	sor.u32 s13, s0;
	v6 =	vadd.f32 v3, v1;
	v1 =	vld [tilespmem:s8+$0x0];
	s0 =	smov.u32 s11  }
0x49a: {  	s11 =	smov.u32 s8;
	v3 =	vld [tilespmem:s13+$0x0]  }
0x49b: {  	s12 =	sadd.s32 $0x20, s12;
	v4 =	vadd.f32 v2, v5;
	v2 =	vld [tilespmem:s17+$0x0];
	[tilespmem:s0+$0x0] =	vst v6  }
0x49c: {  	v5 =	vld [tilespmem:s8+$0xFFFFFFF0];
	_ =	sdelay $0x3  }
0x49d: {  	v1 =	vadd.f32 v3, v1  }
0x49e: {  	[tilespmem:s0+$0xFFFFFFF0] =	vst v4;
	v2 =	vadd.f32 v2, v5  }
0x49f: {  	[tilespmem:s11+$0x0] =	vst v1  }
0x4a0: {  	[tilespmem:s11+$0xFFFFFFF0] =	vst v2  }
0x4a1: {  	[bflag:$0x0] =	sbarrier.arrive $0xFFFF  }
0x4a2: {  	v1 =	vld [tilespmem:$0x1DE00]  }
0x4a3: {  	s8 =	simm.s32 $0x1DE90;
	v3 =	vld [tilespmem:$0x1DE10]  }
0x4a4: {  	s11 =	simm.s32 $0x1E110;
	v2 =	vld [tilespmem:s8+$0x0]  }
0x4a5: {  	v4 =	vld [tilespmem:s11+$0x0]  }
0x4a6: {  	s12 =	simm.s32 $0x1E390;
	v5 =	vld [tilespmem:$0x1DE20]  }
0x4a7: {  	v6 =	vld [tilespmem:s12+$0x0];
	_ =	sdelay $0x2  }
0x4a8: {  	v2 =	vsub.f32 v2, v1;
	v4 =	vsub.f32 v4, v3;
	_ =	sdelay $0x1  }
0x4a9: {  	v6 =	vsub.f32 v6, v5;
	v2 =	vmul.f32 v2, v2;
	v4 =	vmul.f32 v4, v4;
	_ =	sdelay $0x1  }
0x4aa: {  	v6 =	vmul.f32 v6, v6;
	v2 =	vadd.f32 v4, v2  }
0x4ab: {  	v4 =	vld [tilespmem:s11+$0xFFFFFFF0]  }
0x4ac: {  	v2 =	vadd.f32 v6, v2;
	v6 =	vld [tilespmem:s8+$0xFFFFFFF0];
	_ =	sdelay $0x1  }
0x4ad: {  	v8 =	vld [tilespmem:s12+$0xFFFFFFF0];
	v7 =	vshrl.u32 v2, $0x1  }
0x4ae: {  	v7 =	vadd.s32 $0x1FBD1DF5, v7  }
0x4af: {  	(erf) = vrcp.f32 v7  }
0x4b0: {  	v3 =	vsub.f32 v4, v3;
	v1 =	vsub.f32 v6, v1  }
0x4b1: {  	s17 =	simm.s32 $0x1DEB0  }
0x4b2: {  	v9 =	vld [tilespmem:s17+$0x0];
	v5 =	vsub.f32 v8, v5;
	v3 =	vmul.f32 v3, v3;
	v1 =	vmul.f32 v1, v1  }
0x4b3: {  	v8 =	vld [tilespmem:$0x1DE10]  }
0x4b4: {  	s13 =	simm.s32 $0x1E130;
	v4 =	vld [tilespmem:$0x1DE00];
	v1 =	vadd.f32 v3, v1;
	v3 =	vmul.f32 v5, v5  }
0x4b5: {  	v5 =	vld [tilespmem:s13+$0x0]  }
0x4b6: {  	s18 =	simm.s32 $0x1E3B0;
	v10 =	vld [tilespmem:$0x1DE20]  }
0x4b7: {  	v6 =	vadd.f32 v3, v1;
	v1 =	vld [tilespmem:s18+$0x0]  }
0x4b8: {  	v3 =	vpop (erf)  }
0x4b9: {  	v11 =	vshrl.u32 v6, $0x1;
	v3 =	vmul.f32 v3, v2  }
0x4ba: {  	v9 =	vsub.f32 v9, v4;
	v11 =	vadd.s32 $0x1FBD1DF5, v11;
	v5 =	vsub.f32 v5, v8  }
0x4bb: {  	v12 =	vadd.f32 $1.000000000e+00, v6;
	(erf) = vrcp.f32 v11;
	v3 =	vadd.f32 v7, v3  }
0x4bc: {  	v13 =	vld [tilespmem:s13+$0xFFFFFFF0];
	v1 =	vsub.f32 v1, v10;
	v7 =	vmul.f32 v9, v9;
	v5 =	vmul.f32 v5, v5  }
0x4bd: {  	(erf) = vrcp.f32 v12;
	v12 =	vld [tilespmem:s17+$0xFFFFFFF0];
	v3 =	vmul.f32 $5.000000000e-01, v3  }
0x4be: {  	v1 =	vmul.f32 v1, v1;
	v5 =	vadd.f32 v5, v7  }
0x4bf: {  	v7 =	vld [tilespmem:s18+$0xFFFFFFF0];
	(erf) = vrcp.f32 v3  }
0x4c0: {  	v9 =	vadd.f32 v1, v5  }
0x4c1: {  	v5 =	vsub.f32 v13, v8  }
0x4c2: {  	v4 =	vsub.f32 v12, v4;
	v1 =	vshrl.u32 v9, $0x1  }
0x4c3: {  	v5 =	vmul.f32 v5, v5;
	v1 =	vadd.s32 $0x1FBD1DF5, v1  }
0x4c4: {  	v10 =	vsub.f32 v7, v10;
	v4 =	vmul.f32 v4, v4;
	(erf) = vrcp.f32 v1;
	v8 =	vpop (erf)  }
0x4c5: {  	v8 =	vmul.f32 v8, v6  }
0x4c6: {  	s20 =	simm.s32 $0x1E3D0;
	v4 =	vadd.f32 v5, v4;
	v5 =	vmul.f32 v10, v10  }
0x4c7: {  	v16 =	vld [tilespmem:s20+$0x0];
	v7 =	vpop (erf);
	v11 =	vadd.f32 v11, v8  }
0x4c8: {  	v12 =	vld [tilespmem:$0x1DE00];
	v8 =	vadd.f32 v5, v4;
	v13 =	vpop (erf)  }
0x4c9: {  	s18 =	simm.s32 $0x1DED0;
	v4 =	vld [tilespmem:$0x1DE10];
	v11 =	vmul.f32 $5.000000000e-01, v11;
	v5 =	vmul.f32 v13, v2  }
0x4ca: {  	s19 =	simm.s32 $0x1E150;
	v14 =	vshrl.u32 v8, $0x1;
	v15 =	vadd.f32 $1.000000000e+00, v8;
	v13 =	vld [tilespmem:s18+$0x0]  }
0x4cb: {  	v14 =	vadd.s32 $0x1FBD1DF5, v14;
	(erf) = vrcp.f32 v11;
	v3 =	vadd.f32 v5, v3;
	v5 =	vld [tilespmem:s19+$0x0]  }
0x4cc: {  	v10 =	vld [tilespmem:$0x1DE20];
	(erf) = vrcp.f32 v14  }
0x4cd: {  	v18 =	vpop (erf);
	(erf) = vrcp.f32 v15;
	v15 =	vld [tilespmem:s18+$0xFFFFFFF0];
	v17 =	vmul.f32 $5.000000000e-01, v3  }
0x4ce: {  	v3 =	vld [tilespmem:s19+$0xFFFFFFF0];
	v18 =	vmul.f32 v18, v9  }
0x4cf: {  	v13 =	vsub.f32 v13, v12;
	(erf) = vrcp.f32 v17  }
0x4d0: {  	v1 =	vadd.f32 v1, v18;
	v5 =	vsub.f32 v5, v4  }
0x4d1: {  	v18 =	vld [tilespmem:s20+$0xFFFFFFF0];
	v13 =	vmul.f32 v13, v13  }
0x4d2: {  	v16 =	vsub.f32 v16, v10;
	v19 =	vmul.f32 $5.000000000e-01, v1;
	v5 =	vmul.f32 v5, v5  }
0x4d3: {  	v1 =	vsub.f32 v3, v4;
	v3 =	vsub.f32 v15, v12  }
0x4d4: {  	v4 =	vmul.f32 v16, v16;
	(erf) = vrcp.f32 v19;
	v5 =	vadd.f32 v5, v13  }
0x4d5: {  	v12 =	vpop (erf);
	v15 =	vmul.f32 v3, v3  }
0x4d6: {  	v13 =	vpop (erf);
	v16 =	vmul.f32 v1, v1;
	v3 =	vadd.f32 v4, v5;
	v5 =	vsub.f32 v18, v10  }
0x4d7: {  	v1 =	vpop (erf);
	v10 =	vmul.f32 v13, v8  }
0x4d8: {  	v4 =	vmul.f32 v12, v6;
	v12 =	vadd.f32 v16, v15;
	v13 =	vpop (erf);
	v5 =	vmul.f32 v5, v5  }
0x4d9: {  	v15 =	vshrl.u32 v3, $0x1;
	v10 =	vadd.f32 v14, v10;
	v13 =	vmul.f32 v13, v2  }
0x4da: {  	v11 =	vadd.f32 v4, v11;
	v15 =	vadd.s32 $0x1FBD1DF5, v15;
	v4 =	vadd.f32 v5, v12  }
0x4db: {  	v20 =	vld [tilespmem:$0x1DE20];
	s19 =	simm.s32 $0x1DEF0;
	(erf) = vrcp.f32 v15;
	v10 =	vmul.f32 $5.000000000e-01, v10;
	v5 =	vadd.f32 v13, v17  }
0x4dc: {  	v21 =	vld [tilespmem:s19+$0xFFFFFFF0];
	v11 =	vmul.f32 $5.000000000e-01, v11;
	v12 =	vshrl.u32 v4, $0x1  }
0x4dd: {  	v18 =	vld [tilespmem:s19+$0x0];
	v14 =	vpop (erf);
	v16 =	vadd.f32 $1.000000000e+00, v4;
	(erf) = vrcp.f32 v10;
	v5 =	vmul.f32 $5.000000000e-01, v5  }
0x4de: {  	v13 =	vld [tilespmem:$0x1DE00];
	v14 =	vmul.f32 v14, v9;
	v12 =	vadd.s32 $0x1FBD1DF5, v12;
	(erf) = vrcp.f32 v11  }
0x4df: {  	s21 =	simm.s32 $0x1E170;
	v2 =	vadd.f32 $1.000000000e+00, v2;
	v17 =	vld [tilespmem:$0x1DE10];
	(erf) = vrcp.f32 v12;
	v5 =	vmul.f32 $-1.000000050e-03, v5  }
0x4e0: {  	s22 =	simm.s32 $0x1E3F0;
	v14 =	vadd.f32 v14, v19;
	v19 =	vld [tilespmem:s21+$0x0];
	(erf) = vrcp.f32 v16  }
0x4e1: {  	(erf) = vrcp.f32 v2;
	v2 =	vld [tilespmem:s22+$0x0];
	v5 =	vmul.f32 $1.442695020e+00, v5  }
0x4e2: {  	v14 =	vmul.f32 $5.000000000e-01, v14  }
0x4e3: {  	(erf) = vpow2.f32 v5;
	v5 =	vld [tilespmem:s21+$0xFFFFFFF0]  }
0x4e4: {  	v16 =	vpop (erf);
	(erf) = vrcp.f32 v14  }
0x4e5: {  	v18 =	vsub.f32 v18, v13;
	v13 =	vsub.f32 v21, v13  }
0x4e6: {  	v22 =	vld [tilespmem:s22+$0xFFFFFFF0];
	v16 =	vmul.f32 v16, v3;
	v19 =	vsub.f32 v19, v17;
	v24 =	vpop (erf);
	v2 =	vsub.f32 v2, v20  }
0x4e7: {  	s23 =	simm.s32 $0x1D890;
	v18 =	vmul.f32 v18, v18;
	v13 =	vmul.f32 v13, v13;
	v25 =	vpop (erf)  }
0x4e8: {  	s26 =	simm.s32 $0x1E610;
	v23 =	vld [tilespmem:s23+$0x0];
	v15 =	vadd.f32 v15, v16;
	v19 =	vmul.f32 v19, v19;
	v5 =	vsub.f32 v5, v17;
	v17 =	vpop (erf)  }
0x4e9: {  	v16 =	vld [tilespmem:s26+$0x0];
	v24 =	vmul.f32 v24, v8;
	v17 =	vmul.f32 v17, v4  }
0x4ea: {  	v52 =	vmul.f32 v2, v2;
	v15 =	vmul.f32 $5.000000000e-01, v15;
	v18 =	vadd.f32 v19, v18;
	v2 =	vpop (erf)  }
0x4eb: {  	v19 =	vsub.f32 v22, v20;
	v10 =	vadd.f32 v24, v10;
	v20 =	vpop (erf);
	v53 =	vmul.f32 v5, v5  }
0x4ec: {  	(erf) = vrcp.f32 v15;
	v5 =	vadd.f32 v52, v18;
	v18 =	vmul.f32 v25, v6;
	v54 =	vpop (erf)  }
0x4ed: {  	v6 =	vadd.f32 v12, v17;
	v12 =	vadd.f32 v53, v13;
	v13 =	vmul.f32 v19, v19;
	v17 =	vpop (erf)  }
0x4ee: {  	v16 =	vmul.f32 v16, v23;
	v19 =	vshrl.u32 v5, $0x1;
	v17 =	vmul.f32 v17, v9  }
0x4ef: {  	v19 =	vadd.s32 $0x1FBD1DF5, v19;
	v56 =	vmul.f32 $5.000000000e-01, v6;
	v6 =	vadd.f32 v13, v12  }
0x4f0: {  	v13 =	vmul.f32 v20, v16;
	v20 =	vmul.f32 $5.000000000e-01, v10;
	v10 =	vadd.f32 v17, v14  }
0x4f1: {  	v55 =	vld [tilespmem:s23+$0xFFFFFFF0];
	v11 =	vadd.f32 v18, v11;
	(erf) = vrcp.f32 v19  }
0x4f2: {  	s0 =	simm.s32 $0x1DF10;
	v57 =	vld [tilespmem:$0x1DE10];
	v10 =	vmul.f32 $5.000000000e-01, v10  }
0x4f3: {  	v27 =	vld [tilespmem:s0+$0x0];
	s11 =	simm.s32 $0x1E190;
	v11 =	vmul.f32 $5.000000000e-01, v11;
	(erf) = vrcp.f32 v56  }
0x4f4: {  	v59 =	vld [tilespmem:s11+$0x0];
	v16 =	vshrl.u32 v6, $0x1;
	(erf) = vrcp.f32 v20;
	v10 =	vmul.f32 $-1.000000050e-03, v10  }
0x4f5: {  	s20 =	simm.s32 $0x1D8B0;
	v12 =	vld [tilespmem:s26+$0xFFFFFFF0];
	v18 =	vadd.f32 $1.000000000e+00, v6;
	v11 =	vmul.f32 $-1.000000050e-03, v11;
	v16 =	vadd.s32 $0x1FBD1DF5, v16  }
0x4f6: {  	v26 =	vld [tilespmem:s20+$0x0];
	v9 =	vadd.f32 $1.000000000e+00, v9;
	(erf) = vrcp.f32 v16;
	v58 =	vpop (erf);
	v10 =	vmul.f32 $1.442695020e+00, v10  }
0x4f7: {  	v17 =	vld [tilespmem:$0x1DE00];
	(erf) = vrcp.f32 v18;
	v25 =	vmul.f32 v58, v3  }
0x4f8: {  	s22 =	simm.s32 $0x1E630;
	v14 =	vld [tilespmem:$0x1DE20];
	(erf) = vrcp.f32 v9  }
0x4f9: {  	s12 =	simm.s32 $0x1E410;
	v18 =	vld [tilespmem:s22+$0x0];
	v9 =	vmul.f32 $1.442695020e+00, v11;
	v15 =	vadd.f32 v25, v15  }
0x4fa: {  	v11 =	vmul.f32 v12, v55;
	v12 =	vld [tilespmem:s12+$0x0];
	(erf) = vpow2.f32 v10;
	v10 =	vpop (erf)  }
0x4fb: {  	v60 =	vmul.f32 $5.000000000e-01, v15;
	v15 =	vld [tilespmem:s11+$0xFFFFFFF0];
	v10 =	vmul.f32 v10, v5  }
0x4fc: {  	v28 =	vld [tilespmem:s0+$0xFFFFFFF0];
	(erf) = vpow2.f32 v9;
	v9 =	vmul.f32 v7, v11;
	v7 =	vsub.f32 v27, v17  }
0x4fd: {  	v25 =	vsub.f32 v59, v57;
	v29 =	vpop (erf);
	(erf) = vrcp.f32 v60;
	v10 =	vadd.f32 v19, v10;
	v19 =	vld [tilespmem:s12+$0xFFFFFFF0]  }
0x4fe: {  	v13 =	vmul.f32 v54, v13;
	v18 =	vmul.f32 v18, v26;
	v11 =	vpop (erf)  }
0x4ff: {  	v25 =	vmul.f32 v25, v25;
	v62 =	vmul.f32 v11, v8;
	v8 =	vpop (erf)  }
0x500: {  	v11 =	vsub.f32 v12, v14;
	v12 =	vmul.f32 v7, v7;
	v24 =	vsub.f32 v15, v57;
	v7 =	vpop (erf)  }
0x501: {  	v8 =	vmul.f32 v8, v6;
	v15 =	vmul.f32 $5.000000000e-01, v10;
	v10 =	vsub.f32 v28, v17;
	v17 =	vpop (erf)  }
0x502: {  	v61 =	vmul.f32 v29, v4;
	v17 =	vmul.f32 v17, v18;
	v18 =	vsub.f32 v19, v14  }
0x503: {  	v11 =	vmul.f32 v11, v11;
	v12 =	vadd.f32 v25, v12;
	(erf) = vrcp.f32 v15  }
0x504: {  	v10 =	vmul.f32 v10, v10;
	v63 =	vpop (erf);
	v19 =	vmul.f32 v24, v24  }
0x505: {  	v14 =	vadd.f32 v11, v12;
	v11 =	vadd.f32 v16, v8;
	v16 =	vmul.f32 v63, v17;
	v8 =	vpop (erf)  }
0x506: {  	s26 =	simm.s32 $0x1DB10;
	[tilespmem:s8+$0x0] =	vst v13;
	v17 =	vadd.f32 v61, v56;
	v10 =	vadd.f32 v19, v10;
	v13 =	vmul.f32 v18, v18;
	v18 =	vpop (erf)  }
0x507: {  	[tilespmem:s26+$0x0] =	vst v54;
	v19 =	vshrl.u32 v14, $0x1;
	v12 =	vmul.f32 $5.000000000e-01, v11;
	v18 =	vmul.f32 v18, v3  }
0x508: {  	s23 =	simm.s32 $0x1DB30;
	v11 =	vld [tilespmem:s20+$0xFFFFFFF0];
	[tilespmem:s17+$0x0] =	vst v16;
	v17 =	vmul.f32 $5.000000000e-01, v17;
	v16 =	vadd.s32 $0x1FBD1DF5, v19;
	v10 =	vadd.f32 v13, v10  }
0x509: {  	s13 =	simm.s32 $0x80;
	s21 =	simm.s32 $0x1DF10;
	[tilespmem:s23+$0x0] =	vst v63;
	v13 =	vld [tilespmem:s22+$0xFFFFFFF0];
	(erf) = vrcp.f32 v16;
	v19 =	vadd.f32 v18, v60;
	v18 =	vadd.f32 v62, v20  }
.LBB2_63:
0x50a: {  	v20 =	vld [tilespmem:$0x1DE20];
	v21 =	vshrl.u32 v10, $0x1;
	v22 =	vadd.f32 $1.000000000e+00, v10;
	(erf) = vrcp.f32 v12;
	v23 =	vmovc v17  }
0x50b: {  	v17 =	vld [tilespmem:$0x1DE00];
	v21 =	vadd.s32 $0x1FBD1DF5, v21;
	v19 =	vmul.f32 $5.000000000e-01, v19;
	(erf) = vrcp.f32 v23  }
0x50c: {  	s20 =	sadd.s32 $0x20, s20;
	v18 =	vmul.f32 $5.000000000e-01, v18;
	v24 =	vld [tilespmem:$0x1DE10];
	(erf) = vrcp.f32 v21;
	v25 =	vpop (erf)  }
0x50d: {  	v27 =	vadd.f32 $1.000000000e+00, v3;
	s22 =	sadd.s32 $0x20, s22;
	v3 =	vmovc v5;
	v25 =	vmul.f32 v25, v5;
	v19 =	vmul.f32 $-1.000000050e-03, v19;
	v26 =	vld [tilespmem:s20+$0x0];
	v5 =	vmovc v14  }
0x50e: {  	s0 =	sadd.s32 $0x20, s0;
	v18 =	vmul.f32 $-1.000000050e-03, v18;
	(erf) = vrcp.f32 v22;
	v14 =	vld [tilespmem:s22+$0x0]  }
0x50f: {  	s11 =	sadd.s32 $0x20, s11;
	v22 =	vld [tilespmem:s0+$0x0];
	v15 =	vadd.f32 v25, v15;
	v28 =	vmul.f32 $1.442695020e+00, v19;
	(erf) = vrcp.f32 v27  }
0x510: {  	s12 =	sadd.s32 $0x20, s12;
	v11 =	vmul.f32 v13, v11;
	v18 =	vmul.f32 $1.442695020e+00, v18;
	v25 =	vld [tilespmem:s11+$0x0]  }
0x511: {  	s13 =	sadd.s32 $0x20, s13;
	v13 =	vld [tilespmem:s12+$0x0];
	v27 =	vmul.f32 $5.000000000e-01, v15;
	(erf) = vpow2.f32 v28  }
0x512: {  	p2 =	slt.u32 s13, $0x260;
	v28 =	vmul.f32 v1, v11;
	v1 =	vmov v2;
	v15 =	vld [tilespmem:s11+$0xFFFFFFF0];
	v19 =	vpop (erf);
	(erf) = vpow2.f32 v18  }
0x513: {  	v2 =	vmov v7;
	v18 =	vld [tilespmem:s0+$0xFFFFFFF0];
	v11 =	vmul.f32 v19, v5;
	v19 =	vpop (erf);
	(erf) = vrcp.f32 v27  }
0x514: {  	v9 =	vmul.f32 v8, v9;
	v29 =	vld [tilespmem:s12+$0xFFFFFFF0];
	v32 =	vsub.f32 v22, v17;
	v19 =	vmul.f32 v19, v6;
	v22 =	vpop (erf)  }
0x515: {  	v25 =	vsub.f32 v25, v24;
	v16 =	vadd.f32 v16, v11;
	v30 =	vpop (erf);
	v22 =	vmul.f32 v22, v4;
	v11 =	vld [tilespmem:s20+$0xFFFFFFF0]  }
0x516: {  	v14 =	vmul.f32 v14, v26;
	v33 =	vsub.f32 v13, v20;
	v31 =	vmul.f32 v32, v32;
	v13 =	vld [tilespmem:s22+$0xFFFFFFF0];
	[tilespmem:s8+$0xFFFFFFF0] =	vst v9;
	s8 =	smov.u32 s17;
	s17 =	smov.u32 s18;
	s18 =	smov.u32 s19  }
0x517: {  	s19 =	smov.u32 s21;
	s21 =	smov.u32 s0;
	v24 =	vsub.f32 v15, v24;
	v34 =	vmul.f32 v25, v25;
	v15 =	vmul.f32 $5.000000000e-01, v16;
	v7 =	vpop (erf);
	[tilespmem:s26+$0xFFFFFFF0] =	vst v8;
	s26 =	smov.u32 s23  }
0x518: {  	v32 =	vsub.f32 v18, v17;
	v16 =	vmul.f32 v33, v33;
	v17 =	vmul.f32 v30, v10;
	v4 =	vpop (erf)  }
0x519: {  	v9 =	vmovc v28;
	v18 =	vadd.f32 v34, v31;
	(erf) = vrcp.f32 v15;
	v25 =	vmul.f32 v4, v14;
	v4 =	vmovc v6  }
0x51a: {  	v28 =	vsub.f32 v29, v20;
	v24 =	vmul.f32 v24, v24;
	v20 =	vmul.f32 v32, v32;
	v26 =	vpop (erf)  }
.Ltmp33:
0x51b: {  	v14 =	vadd.f32 v16, v18;
	v16 =	vadd.f32 v21, v17;
	v17 =	vmul.f32 v26, v25;
	v8 =	vpop (erf);
	(pc) =	sbr.rel @p2 .LBB2_63-.Ltmp33, $4  }
0x51c: {  	v19 =	vadd.f32 v19, v12;
	v18 =	vadd.f32 v24, v20;
	v20 =	vmul.f32 v28, v28;
	v6 =	vpop (erf)  }
0x51d: {  	s23 =	sadd.s32 $0x20, s23;
	v21 =	vshrl.u32 v14, $0x1;
	v12 =	vmul.f32 $5.000000000e-01, v16;
	v24 =	vmul.f32 v6, v3;
	[tilespmem:s17+$0x0] =	vst v17;
	v6 =	vmovc v10  }
0x51e: {  	v17 =	vmul.f32 $5.000000000e-01, v19;
	v10 =	vadd.f32 v20, v18;
	v16 =	vadd.s32 $0x1FBD1DF5, v21;
	[tilespmem:s23+$0x0] =	vst v26  }
0x51f: {  	v18 =	vadd.f32 v22, v23;
	(erf) = vrcp.f32 v16;
	v19 =	vadd.f32 v24, v27  }
0x520: {  	_ = 	snop  }
0x521: {  	v20 =	vshrl.u32 v10, $0x1;
	(erf) = vrcp.f32 v12;
	v19 =	vmul.f32 $5.000000000e-01, v19  }
0x522: {  	v21 =	vadd.f32 $1.000000000e+00, v10;
	(erf) = vrcp.f32 v17;
	v18 =	vmul.f32 $5.000000000e-01, v18;
	v22 =	vpop (erf)  }
0x523: {  	v20 =	vadd.s32 $0x1FBD1DF5, v20;
	v22 =	vmul.f32 v22, v5;
	v19 =	vmul.f32 $-1.000000050e-03, v19  }
0x524: {  	v3 =	vadd.f32 $1.000000000e+00, v3;
	(erf) = vrcp.f32 v20;
	v18 =	vmul.f32 $-1.000000050e-03, v18  }
0x525: {  	(erf) = vrcp.f32 v21;
	v15 =	vadd.f32 v22, v15;
	v19 =	vmul.f32 $1.442695020e+00, v19  }
0x526: {  	(erf) = vrcp.f32 v3;
	v3 =	vmul.f32 $1.442695020e+00, v18  }
0x527: {  	v15 =	vmul.f32 $5.000000000e-01, v15;
	(erf) = vpow2.f32 v19  }
0x528: {  	v18 =	vpop (erf);
	(erf) = vpow2.f32 v3  }
0x529: {  	v3 =	vmul.f32 v18, v14;
	(erf) = vrcp.f32 v15;
	_ =	sdelay $0x1  }
0x52a: {  	v18 =	vpop (erf);
	v3 =	vadd.f32 v16, v3  }
0x52b: {  	v16 =	vpop (erf)  }
0x52c: {  	v19 =	vpop (erf);
	v3 =	vmul.f32 $5.000000000e-01, v3  }
0x52d: {  	v21 =	vpop (erf);
	v19 =	vmul.f32 v19, v10  }
0x52e: {  	v22 =	vpop (erf);
	(erf) = vrcp.f32 v3  }
0x52f: {  	v19 =	vadd.f32 v20, v19;
	v23 =	vpop (erf)  }
0x530: {  	v20 =	vpop (erf)  }
0x531: {  	v19 =	vmul.f32 $5.000000000e-01, v19;
	v24 =	vpop (erf)  }
0x532: {  	v18 =	vmul.f32 v18, v6;
	v24 =	vmul.f32 v24, v5  }
0x533: {  	v4 =	vmul.f32 v16, v4;
	(erf) = vrcp.f32 v19  }
0x534: {  	v15 =	vadd.f32 v24, v15  }
0x535: {  	v12 =	vadd.f32 v18, v12;
	v4 =	vadd.f32 v4, v17  }
0x536: {  	v15 =	vmul.f32 $5.000000000e-01, v15  }
0x537: {  	v12 =	vmul.f32 $5.000000000e-01, v12;
	v4 =	vmul.f32 $5.000000000e-01, v4;
	v16 =	vpop (erf)  }
0x538: {  	v5 =	vadd.f32 $1.000000000e+00, v5;
	v16 =	vmul.f32 v16, v14;
	v15 =	vmul.f32 $-1.000000050e-03, v15  }
0x539: {  	v4 =	vmul.f32 $-1.000000050e-03, v4  }
0x53a: {  	(erf) = vrcp.f32 v12;
	v3 =	vadd.f32 v16, v3;
	v15 =	vmul.f32 $1.442695020e+00, v15  }
0x53b: {  	v4 =	vmul.f32 $1.442695020e+00, v4;
	(erf) = vrcp.f32 v5  }
0x53c: {  	v5 =	vpop (erf);
	v3 =	vmul.f32 $5.000000000e-01, v3;
	(erf) = vpow2.f32 v15  }
0x53d: {  	(erf) = vpow2.f32 v4;
	v4 =	vmul.f32 v5, v10;
	_ =	sdelay $0x1  }
0x53e: {  	(erf) = vrcp.f32 v3;
	v4 =	vadd.f32 v4, v19;
	_ =	sdelay $0x1  }
0x53f: {  	v4 =	vmul.f32 $5.000000000e-01, v4;
	_ =	sdelay $0x1  }
0x540: {  	v5 =	vpop (erf);
	(erf) = vrcp.f32 v4;
	_ =	sdelay $0x1  }
0x541: {  	v15 =	vpop (erf)  }
0x542: {  	v16 =	vpop (erf)  }
0x543: {  	v17 =	vpop (erf)  }
0x544: {  	s11 =	sadd.s32 $0x20, s22;
	v18 =	vpop (erf)  }
0x545: {  	s0 =	sadd.s32 $0x20, s20;
	v24 =	vld [tilespmem:s11+$0x0];
	v18 =	vmul.f32 v18, v14  }
0x546: {  	v5 =	vmul.f32 v5, v6;
	v19 =	vld [tilespmem:s0+$0x0]  }
0x547: {  	v9 =	vmul.f32 v8, v9;
	v3 =	vadd.f32 v18, v3  }
0x548: {  	v11 =	vmul.f32 v13, v11;
	s13 =	sadd.s32 $0x20, s11;
	v5 =	vadd.f32 v5, v12;
	v6 =	vpop (erf)  }
0x549: {  	[tilespmem:s8+$0xFFFFFFF0] =	vst v9;
	v9 =	vld [tilespmem:s13+$0xFFFFFFF0];
	v3 =	vmul.f32 $5.000000000e-01, v3;
	v6 =	vmul.f32 v6, v10  }
0x54a: {  	v13 =	vadd.f32 $1.000000000e+00, v14;
	s12 =	sadd.s32 $0x20, s0;
	v1 =	vmul.f32 v1, v11;
	v12 =	vld [tilespmem:s13+$0x0];
	v5 =	vmul.f32 $5.000000000e-01, v5  }
0x54b: {  	v11 =	vmul.f32 v24, v19;
	v10 =	vld [tilespmem:s12+$0x0];
	v3 =	vmul.f32 $-1.000000050e-03, v3;
	v4 =	vadd.f32 v6, v4  }
0x54c: {  	v5 =	vmul.f32 $-1.000000050e-03, v5;
	v14 =	vld [tilespmem:s11+$0xFFFFFFF0];
	(erf) = vrcp.f32 v13  }
0x54d: {  	s11 =	sadd.s32 $0x20, s12;
	v6 =	vld [tilespmem:s0+$0xFFFFFFF0];
	v3 =	vmul.f32 $1.442695020e+00, v3;
	v4 =	vmul.f32 $5.000000000e-01, v4  }
0x54e: {  	v11 =	vmul.f32 v22, v11;
	v5 =	vmul.f32 $1.442695020e+00, v5;
	v18 =	vld [tilespmem:s11+$0x0]  }
0x54f: {  	v13 =	vld [tilespmem:s12+$0xFFFFFFF0];
	s12 =	sadd.s32 $0x20, s13;
	(erf) = vpow2.f32 v3;
	v3 =	vmul.f32 $-1.000000050e-03, v4  }
0x550: {  	v10 =	vmul.f32 v12, v10;
	v4 =	vmul.f32 v23, v11;
	v11 =	vld [tilespmem:s12+$0x0]  }
0x551: {  	(erf) = vpow2.f32 v5;
	v3 =	vmul.f32 $1.442695020e+00, v3  }
0x552: {  	[tilespmem:s26+$0xFFFFFFF0] =	vst v8;
	v1 =	vmul.f32 v20, v1;
	v5 =	vmul.f32 v14, v6  }
0x553: {  	v6 =	vld [tilespmem:s11+$0xFFFFFFF0];
	[tilespmem:s18+$0x0] =	vst v4;
	v4 =	vmul.f32 v15, v10;
	(erf) = vpow2.f32 v3  }
0x554: {  	[tilespmem:s17+$0xFFFFFFF0] =	vst v1;
	v2 =	vmul.f32 v2, v5;
	v5 =	vmul.f32 v9, v13;
	v3 =	vld [tilespmem:s12+$0xFFFFFFF0]  }
0x555: {  	s20 =	sadd.s32 $0x20, s23;
	[tilespmem:s23+$0xFFFFFFF0] =	vst v20;
	v1 =	vmul.f32 v16, v4;
	v4 =	vmul.f32 v11, v18  }
0x556: {  	v8 =	vpop (erf);
	[tilespmem:s20+$0x0] =	vst v23  }
0x557: {  	s22 =	sadd.s32 $0x20, s20;
	[tilespmem:s19+$0x0] =	vst v1;
	v1 =	vmul.f32 v17, v2;
	v2 =	vmul.f32 v8, v4  }
0x558: {  	[tilespmem:s22+$0x0] =	vst v16;
	v4 =	vmul.f32 v7, v5;
	v5 =	vpop (erf)  }
0x559: {  	[tilespmem:s18+$0xFFFFFFF0] =	vst v1;
	v1 =	vmul.f32 v5, v2;
	v2 =	vmul.f32 v3, v6  }
0x55a: {  	[tilespmem:s20+$0xFFFFFFF0] =	vst v17;
	v3 =	vpop (erf)  }
0x55b: {  	s23 =	sadd.s32 $0x20, s22;
	[tilespmem:s21+$0x0] =	vst v1;
	v1 =	vmul.f32 v21, v2;
	v2 =	vmul.f32 v3, v4  }
0x55c: {  	[tilespmem:s23+$0x0] =	vst v5;
	v4 =	vpop (erf)  }
0x55d: {  	[tilespmem:s19+$0xFFFFFFF0] =	vst v2;
	v1 =	vmul.f32 v4, v1  }
0x55e: {  	[tilespmem:s22+$0xFFFFFFF0] =	vst v3  }
0x55f: {  	[tilespmem:s21+$0xFFFFFFF0] =	vst v1  }
0x560: {  	[tilespmem:s23+$0xFFFFFFF0] =	vst v4  }
0x561: {  	v6 =	vld [tilespmem:$0x1DE80]  }
0x562: {  	v7 =	vld [tilespmem:$0x1DE90];
	_ =	sdelay $0x1  }
0x563: {  	v8 =	vld [tilespmem:$0x1DEA0];
	_ =	sdelay $0x1  }
0x564: {  	v9 =	vld [tilespmem:$0x1DEB0]  }
0x565: {  	v1 =	vadd.f32 v7, v6  }
0x566: {  	v10 =	vld [tilespmem:$0x1DEC0]  }
0x567: {  	v1 =	vadd.f32 v8, v1  }
0x568: {  	v11 =	vld [tilespmem:$0x1DED0]  }
0x569: {  	v2 =	vadd.f32 v9, v1  }
0x56a: {  	v12 =	vld [tilespmem:$0x1DEE0]  }
0x56b: {  	v13 =	vld [tilespmem:$0x1DEF0];
	v3 =	vadd.f32 v10, v2  }
0x56c: {  	v1 =	vld [tilespmem:$0x1DB00]  }
0x56d: {  	v2 =	vld [tilespmem:$0x1DB10];
	v4 =	vadd.f32 v11, v3  }
0x56e: {  	v14 =	vld [tilespmem:$0x1DF00]  }
0x56f: {  	v3 =	vld [tilespmem:$0x1DB20];
	v4 =	vadd.f32 v12, v4  }
0x570: {  	v15 =	vld [tilespmem:$0x1DF10]  }
0x571: {  	v5 =	vld [tilespmem:$0x1DB30];
	v16 =	vadd.f32 v13, v4  }
0x572: {  	v17 =	vld [tilespmem:$0x1DF20];
	v18 =	vmul.f32 v6, v1;
	v19 =	vmul.f32 v7, v2  }
0x573: {  	v4 =	vld [tilespmem:$0x1DB40];
	v7 =	vadd.f32 v14, v16  }
0x574: {  	v20 =	vmul.f32 v8, v3;
	v8 =	vadd.f32 v19, v18;
	v16 =	vld [tilespmem:$0x1DF30]  }
0x575: {  	v6 =	vld [tilespmem:$0x1DB50];
	v21 =	vadd.f32 v15, v7  }
0x576: {  	v22 =	vld [tilespmem:$0x1DF40];
	v23 =	vmul.f32 v9, v5;
	v8 =	vadd.f32 v20, v8  }
0x577: {  	v7 =	vld [tilespmem:$0x1DB60];
	v21 =	vadd.f32 v17, v21  }
0x578: {  	v24 =	vld [tilespmem:$0x1DF50];
	v8 =	vadd.f32 v23, v8;
	v25 =	vmul.f32 v10, v4  }
0x579: {  	v9 =	vld [tilespmem:$0x1DB70];
	v21 =	vadd.f32 v16, v21  }
0x57a: {  	v26 =	vld [tilespmem:$0x1DF60];
	v27 =	vmul.f32 v11, v6;
	v8 =	vadd.f32 v25, v8  }
0x57b: {  	v10 =	vld [tilespmem:$0x1DB80];
	v21 =	vadd.f32 v22, v21  }
0x57c: {  	v28 =	vld [tilespmem:$0x1DF70];
	v30 =	vmul.f32 v12, v7;
	v8 =	vadd.f32 v27, v8  }
0x57d: {  	v11 =	vld [tilespmem:$0x1DB90];
	v21 =	vadd.f32 v24, v21  }
0x57e: {  	v32 =	vld [tilespmem:$0x1DF80];
	v34 =	vmul.f32 v13, v9;
	v8 =	vadd.f32 v30, v8  }
0x57f: {  	v12 =	vld [tilespmem:$0x1DBA0];
	v21 =	vadd.f32 v26, v21  }
0x580: {  	v39 =	vld [tilespmem:$0x1DF90];
	v36 =	vmul.f32 v14, v10;
	v8 =	vadd.f32 v34, v8  }
0x581: {  	v13 =	vld [tilespmem:$0x1DBB0];
	v18 =	vmul.f32 v18, v1;
	v37 =	vmul.f32 v19, v2;
	v21 =	vadd.f32 v28, v21  }
0x582: {  	v42 =	vld [tilespmem:$0x1DFA0];
	v41 =	vmul.f32 v15, v11;
	v15 =	vadd.f32 v36, v8  }
0x583: {  	v40 =	vmul.f32 v20, v3;
	v20 =	vadd.f32 v37, v18;
	v14 =	vld [tilespmem:$0x1DBC0];
	v19 =	vadd.f32 v32, v21  }
0x584: {  	v43 =	vmul.f32 v17, v12;
	v8 =	vld [tilespmem:$0x1DFB0];
	v17 =	vadd.f32 v41, v15  }
0x585: {  	v44 =	vmul.f32 v23, v5;
	v20 =	vadd.f32 v40, v20;
	v15 =	vld [tilespmem:$0x1DBD0];
	v19 =	vadd.f32 v39, v19  }
0x586: {  	v21 =	vmul.f32 v16, v13;
	v17 =	vadd.f32 v43, v17  }
0x587: {  	v20 =	vadd.f32 v44, v20;
	v16 =	vld [tilespmem:$0x1DBE0];
	v19 =	vadd.f32 v42, v19  }
0x588: {  	v29 =	vmul.f32 v25, v4;
	v23 =	vmul.f32 v22, v14;
	v25 =	vadd.f32 v21, v17  }
0x589: {  	v31 =	vmul.f32 v27, v6;
	v17 =	vld [tilespmem:$0x1DBF0];
	v19 =	vadd.f32 v8, v19  }
0x58a: {  	v20 =	vadd.f32 v29, v20;
	v24 =	vmul.f32 v24, v15;
	v22 =	vadd.f32 v23, v25  }
0x58b: {  	v33 =	vmul.f32 v30, v7;
	(xrf2) =	vadd.scan.msk.f32 $0xffff, v19;
	v19 =	vld [tilespmem:$0x1DC00]  }
0x58c: {  	v20 =	vadd.f32 v31, v20;
	v25 =	vmul.f32 v26, v16;
	v22 =	vadd.f32 v24, v22  }
0x58d: {  	v35 =	vmul.f32 v18, v1;
	v34 =	vmul.f32 v34, v9  }
0x58e: {  	v18 =	vld [tilespmem:$0x1DC10];
	v27 =	vadd.f32 v33, v20;
	v26 =	vmul.f32 v28, v17;
	v22 =	vadd.f32 v25, v22  }
0x58f: {  	v36 =	vmul.f32 v36, v10  }
0x590: {  	v20 =	vld [tilespmem:$0x1DC20];
	v30 =	vadd.f32 v34, v27;
	v22 =	vadd.f32 v26, v22;
	v28 =	vmul.f32 v32, v19  }
0x591: {  	v38 =	vmul.f32 v37, v2  }
0x592: {  	s26 =	simm.s32 $0x0;
	v37 =	vmul.f32 v41, v11;
	v30 =	vadd.f32 v36, v30;
	v46 =	vadd.f32 v28, v22;
	v22 =	vld [tilespmem:$0x1DC30]  }
0x593: {  	v40 =	vmul.f32 v40, v3;
	v27 =	vmul.f32 v39, v18;
	v32 =	vmov s26  }
0x594: {  	s8 =	simm.s32 $0x3;
	v45 =	vadd.f32 v38, v35;
	v41 =	vmul.f32 v44, v5;
	v44 =	vadd.f32 v37, v30  }
0x595: {  	s0 =	simm.s32 $0x1;
	s11 =	simm.s32 $0x2;
	s12 =	simm.s32 $0x4;
	v30 =	vmul.f32 v42, v20;
	v39 =	vmul.f32 v43, v12;
	v43 =	vadd.f32 v27, v46;
	v42, _, _ =	vpop (xrf2)  }
.LBB2_65:
0x596: {  	p2 =	sne.s32 s12, $0x7F;
	v45 =	vadd.f32 v40, v45;
	v21 =	vmul.f32 v21, v13;
	v42 =	vbroadcast v42, $0xF  }
0x597: {  	v8 =	vmul.f32 v8, v22;
	v44 =	vadd.f32 v39, v44;
	v43 =	vadd.f32 v30, v43  }
0x598: {  	v29 =	vmul.f32 v29, v4;
	v45 =	vadd.f32 v41, v45;
	[tilespmem:v32+s4+$0x0] =	vst.idx.msk $0x1, v42  }
0x599: {  	v23 =	vmul.f32 v23, v14;
	v32 =	vadd.f32 v21, v44;
	v42 =	vadd.f32 v8, v43  }
0x59a: {  	v31 =	vmul.f32 v31, v6  }
0x59b: {  	v24 =	vmul.f32 v24, v15;
	v43 =	vadd.f32 v29, v45;
	v32 =	vadd.f32 v23, v32;
	(xrf2) =	vadd.scan.msk.f32 $0xffff, v42  }
0x59c: {  	v35 =	vmul.f32 v35, v1;
	v33 =	vmul.f32 v33, v7  }
0x59d: {  	v25 =	vmul.f32 v25, v16;
	v42 =	vadd.f32 v31, v43;
	v32 =	vadd.f32 v24, v32  }
0x59e: {  	v38 =	vmul.f32 v38, v2;
	v34 =	vmul.f32 v34, v9  }
0x59f: {  	v26 =	vmul.f32 v26, v17;
	v42 =	vadd.f32 v33, v42;
	v32 =	vadd.f32 v25, v32  }
0x5a0: {  	v40 =	vmul.f32 v40, v3;
	v36 =	vmul.f32 v36, v10  }
.Ltmp34:
0x5a1: {  	v28 =	vmul.f32 v28, v19;
	v42 =	vadd.f32 v34, v42;
	v32 =	vadd.f32 v26, v32;
	(pc) =	sbr.rel @p2 .LBB2_65-.Ltmp34, $4  }
0x5a2: {  	v37 =	vmul.f32 v37, v11;
	v27 =	vmul.f32 v27, v18  }
0x5a3: {  	v46 =	vadd.f32 v36, v42;
	v43 =	vadd.f32 v28, v32;
	v32 =	vmov s0;
	s0 =	smov.u32 s11;
	s11 =	smov.u32 s8;
	s8 =	smov.u32 s12  }
0x5a4: {  	v39 =	vmul.f32 v39, v12;
	v41 =	vmul.f32 v41, v5;
	v45 =	vadd.f32 v38, v35  }
0x5a5: {  	v30 =	vmul.f32 v30, v20;
	s12 =	sadd.s32 $0x1, s12;
	v44 =	vadd.f32 v37, v46;
	v43 =	vadd.f32 v27, v43;
	v42, _, _ =	vpop (xrf2)  }
0x5a6: {  	v1 =	vadd.f32 v40, v45;
	_ =	sdelay $0x1  }
0x5a7: {  	v2 =	vmul.f32 v29, v4;
	v1 =	vadd.f32 v41, v1;
	_ =	sdelay $0x1  }
0x5a8: {  	v3 =	vmul.f32 v31, v6;
	v1 =	vadd.f32 v2, v1;
	_ =	sdelay $0x1  }
0x5a9: {  	v2 =	vmul.f32 v33, v7;
	v1 =	vadd.f32 v3, v1;
	_ =	sdelay $0x1  }
0x5aa: {  	v3 =	vmul.f32 v34, v9;
	v1 =	vadd.f32 v2, v1;
	_ =	sdelay $0x1  }
0x5ab: {  	v2 =	vmul.f32 v36, v10;
	v1 =	vadd.f32 v3, v1;
	_ =	sdelay $0x1  }
0x5ac: {  	v3 =	vmul.f32 v37, v11;
	v1 =	vadd.f32 v2, v1;
	_ =	sdelay $0x1  }
0x5ad: {  	v4 =	vmul.f32 v39, v12;
	v2 =	vmul.f32 v21, v13;
	v1 =	vadd.f32 v3, v1  }
0x5ae: {  	v3 =	vadd.f32 v39, v44  }
0x5af: {  	v5 =	vmul.f32 v23, v14;
	v6 =	vmul.f32 v2, v13;
	v1 =	vadd.f32 v4, v1  }
0x5b0: {  	v2 =	vadd.f32 v2, v3  }
0x5b1: {  	v3 =	vmul.f32 v24, v15;
	v4 =	vmul.f32 v5, v14;
	v1 =	vadd.f32 v6, v1  }
0x5b2: {  	v2 =	vadd.f32 v5, v2  }
0x5b3: {  	v5 =	vmul.f32 v25, v16;
	v1 =	vadd.f32 v4, v1;
	v4 =	vmul.f32 v3, v15  }
0x5b4: {  	v2 =	vadd.f32 v3, v2  }
0x5b5: {  	v3 =	vmul.f32 v26, v17;
	v1 =	vadd.f32 v4, v1;
	v4 =	vmul.f32 v5, v16  }
0x5b6: {  	v2 =	vadd.f32 v5, v2  }
0x5b7: {  	v5 =	vmul.f32 v28, v19;
	v1 =	vadd.f32 v4, v1;
	v4 =	vmul.f32 v3, v17  }
0x5b8: {  	v2 =	vadd.f32 v3, v2  }
0x5b9: {  	v3 =	vmul.f32 v27, v18;
	v1 =	vadd.f32 v4, v1;
	v4 =	vmul.f32 v5, v19  }
0x5ba: {  	v6 =	vmul.f32 v8, v22;
	v2 =	vadd.f32 v5, v2  }
0x5bb: {  	v5 =	vmul.f32 v30, v20;
	v7 =	vmul.f32 v3, v18;
	v1 =	vadd.f32 v4, v1  }
0x5bc: {  	v4 =	vadd.f32 v30, v43;
	v2 =	vadd.f32 v3, v2  }
0x5bd: {  	v3 =	vmul.f32 v6, v22;
	v1 =	vadd.f32 v7, v1;
	v7 =	vmul.f32 v5, v20  }
0x5be: {  	v2 =	vadd.f32 v5, v2  }
0x5bf: {  	v4 =	vadd.f32 v6, v4;
	v5 =	vmul.f32 v3, v22;
	v1 =	vadd.f32 v7, v1  }
0x5c0: {  	v2 =	vadd.f32 v3, v2  }
0x5c1: {  	(xrf2) =	vadd.scan.msk.f32 $0xffff, v4;
	v1 =	vadd.f32 v5, v1  }
0x5c2: {  	(xrf2) =	vadd.scan.msk.f32 $0xffff, v2  }
0x5c3: {  	(xrf2) =	vadd.scan.msk.f32 $0xffff, v1;
	_ =	sdelay $0x5  }
0x5c4: {  	v1 =	vmov s0  }
0x5c5: {  	v2 =	vmov s11  }
0x5c6: {  	v4 =	vbroadcast v42, $0xF;
	v5 =	vmov s8;
	v3, _, _ =	vpop (xrf2)  }
0x5c7: {  	v3 =	vbroadcast v3, $0xF;
	v6, _, _ =	vpop (xrf2)  }
0x5c8: {  	[tilespmem:v32+s4+$0x0] =	vst.idx.msk $0x1, v4;
	v4 =	vbroadcast v6, $0xF;
	v6, _, _ =	vpop (xrf2)  }
0x5c9: {  	[tilespmem:v1+s4+$0x0] =	vst.idx.msk $0x1, v3;
	v1 =	vbroadcast v6, $0xF  }
0x5ca: {  	[tilespmem:v2+s4+$0x0] =	vst.idx.msk $0x1, v4  }
0x5cb: {  	[tilespmem:v5+s4+$0x0] =	vst.idx.msk $0x1, v1  }
0x5cc: {  	v6 =	vld [tilespmem:$0x1DFC0]  }
0x5cd: {  	v7 =	vld [tilespmem:$0x1DFD0];
	_ =	sdelay $0x1  }
0x5ce: {  	v8 =	vld [tilespmem:$0x1DFE0];
	_ =	sdelay $0x1  }
0x5cf: {  	v9 =	vld [tilespmem:$0x1DFF0]  }
0x5d0: {  	v1 =	vadd.f32 v7, v6  }
0x5d1: {  	v10 =	vld [tilespmem:$0x1E000]  }
0x5d2: {  	v1 =	vadd.f32 v8, v1  }
0x5d3: {  	v11 =	vld [tilespmem:$0x1E010]  }
0x5d4: {  	v2 =	vadd.f32 v9, v1  }
0x5d5: {  	v12 =	vld [tilespmem:$0x1E020]  }
0x5d6: {  	v13 =	vld [tilespmem:$0x1E030];
	v3 =	vadd.f32 v10, v2  }
0x5d7: {  	v1 =	vld [tilespmem:$0x1DC40]  }
0x5d8: {  	v2 =	vld [tilespmem:$0x1DC50];
	v4 =	vadd.f32 v11, v3  }
0x5d9: {  	v14 =	vld [tilespmem:$0x1E040]  }
0x5da: {  	v3 =	vld [tilespmem:$0x1DC60];
	v4 =	vadd.f32 v12, v4  }
0x5db: {  	v15 =	vld [tilespmem:$0x1E050]  }
0x5dc: {  	v5 =	vld [tilespmem:$0x1DC70];
	v16 =	vadd.f32 v13, v4  }
0x5dd: {  	v17 =	vld [tilespmem:$0x1E060];
	v18 =	vmul.f32 v6, v1;
	v19 =	vmul.f32 v7, v2  }
0x5de: {  	v4 =	vld [tilespmem:$0x1DC80];
	v7 =	vadd.f32 v14, v16  }
0x5df: {  	v20 =	vmul.f32 v8, v3;
	v8 =	vadd.f32 v19, v18;
	v16 =	vld [tilespmem:$0x1E070]  }
0x5e0: {  	v6 =	vld [tilespmem:$0x1DC90];
	v21 =	vadd.f32 v15, v7  }
0x5e1: {  	v22 =	vld [tilespmem:$0x1E080];
	v23 =	vmul.f32 v9, v5;
	v8 =	vadd.f32 v20, v8  }
0x5e2: {  	v7 =	vld [tilespmem:$0x1DCA0];
	v21 =	vadd.f32 v17, v21  }
0x5e3: {  	v24 =	vld [tilespmem:$0x1E090];
	v8 =	vadd.f32 v23, v8;
	v25 =	vmul.f32 v10, v4  }
0x5e4: {  	v9 =	vld [tilespmem:$0x1DCB0];
	v21 =	vadd.f32 v16, v21  }
0x5e5: {  	v26 =	vld [tilespmem:$0x1E0A0];
	v27 =	vmul.f32 v11, v6;
	v8 =	vadd.f32 v25, v8  }
0x5e6: {  	v10 =	vld [tilespmem:$0x1DCC0];
	v21 =	vadd.f32 v22, v21  }
0x5e7: {  	v28 =	vld [tilespmem:$0x1E0B0];
	v30 =	vmul.f32 v12, v7;
	v8 =	vadd.f32 v27, v8  }
0x5e8: {  	v11 =	vld [tilespmem:$0x1DCD0];
	v21 =	vadd.f32 v24, v21  }
0x5e9: {  	v32 =	vld [tilespmem:$0x1E0C0];
	v55 =	vmul.f32 v13, v9;
	v8 =	vadd.f32 v30, v8  }
0x5ea: {  	v12 =	vld [tilespmem:$0x1DCE0];
	v21 =	vadd.f32 v26, v21  }
0x5eb: {  	v56 =	vld [tilespmem:$0x1E0D0];
	v57 =	vmul.f32 v14, v10;
	v8 =	vadd.f32 v55, v8  }
0x5ec: {  	v13 =	vld [tilespmem:$0x1DCF0];
	v21 =	vadd.f32 v28, v21  }
0x5ed: {  	v58 =	vld [tilespmem:$0x1E0E0];
	v60 =	vmul.f32 v15, v11;
	v15 =	vadd.f32 v57, v8  }
0x5ee: {  	v18 =	vmul.f32 v18, v1;
	v59 =	vmul.f32 v19, v2;
	v14 =	vld [tilespmem:$0x1DD00];
	v19 =	vadd.f32 v32, v21  }
0x5ef: {  	v62 =	vmul.f32 v17, v12;
	v8 =	vld [tilespmem:$0x1E0F0];
	v17 =	vadd.f32 v60, v15  }
0x5f0: {  	v61 =	vmul.f32 v20, v3;
	v20 =	vadd.f32 v59, v18;
	v15 =	vld [tilespmem:$0x1DD10];
	v19 =	vadd.f32 v56, v19  }
0x5f1: {  	v21 =	vmul.f32 v16, v13;
	v17 =	vadd.f32 v62, v17  }
0x5f2: {  	v63 =	vmul.f32 v23, v5;
	v20 =	vadd.f32 v61, v20;
	v16 =	vld [tilespmem:$0x1DD20];
	v19 =	vadd.f32 v58, v19  }
0x5f3: {  	v29 =	vmul.f32 v25, v4;
	v23 =	vmul.f32 v22, v14;
	v25 =	vadd.f32 v21, v17  }
0x5f4: {  	v20 =	vadd.f32 v63, v20;
	v17 =	vld [tilespmem:$0x1DD30];
	v19 =	vadd.f32 v8, v19  }
0x5f5: {  	v24 =	vmul.f32 v24, v15;
	v22 =	vadd.f32 v23, v25  }
0x5f6: {  	v31 =	vmul.f32 v27, v6;
	v20 =	vadd.f32 v29, v20;
	(xrf2) =	vadd.scan.msk.f32 $0xffff, v19;
	v19 =	vld [tilespmem:$0x1DD40]  }
0x5f7: {  	v25 =	vmul.f32 v26, v16;
	v22 =	vadd.f32 v24, v22  }
0x5f8: {  	v33 =	vmul.f32 v30, v7;
	v20 =	vadd.f32 v31, v20  }
0x5f9: {  	v35 =	vmul.f32 v18, v1;
	v18 =	vld [tilespmem:$0x1DD50];
	v26 =	vmul.f32 v28, v17;
	v22 =	vadd.f32 v25, v22  }
0x5fa: {  	v34 =	vmul.f32 v55, v9;
	v27 =	vadd.f32 v33, v20  }
0x5fb: {  	v20 =	vld [tilespmem:$0x1DD60];
	v22 =	vadd.f32 v26, v22;
	v28 =	vmul.f32 v32, v19  }
0x5fc: {  	v41 =	vmul.f32 v63, v5;
	v36 =	vmul.f32 v57, v10;
	v30 =	vadd.f32 v34, v27  }
0x5fd: {  	s26 =	simm.s32 $0x0;
	v38 =	vmul.f32 v59, v2;
	v37 =	vmul.f32 v60, v11;
	v46 =	vadd.f32 v28, v22;
	v22 =	vld [tilespmem:$0x1DD70]  }
0x5fe: {  	v27 =	vmul.f32 v56, v18;
	v30 =	vadd.f32 v36, v30;
	v32 =	vmov s26  }
0x5ff: {  	s12 =	simm.s32 $0x4;
	v40 =	vmul.f32 v61, v3;
	v45 =	vadd.f32 v38, v35;
	v39 =	vmul.f32 v62, v12  }
0x600: {  	s11 =	simm.s32 $0x2;
	s8 =	simm.s32 $0x3;
	s0 =	simm.s32 $0x1;
	v44 =	vadd.f32 v37, v30;
	v30 =	vmul.f32 v58, v20;
	v43 =	vadd.f32 v27, v46;
	v42, _, _ =	vpop (xrf2)  }
.LBB2_67:
0x601: {  	p2 =	sne.s32 s12, $0x7F;
	v45 =	vadd.f32 v40, v45;
	v21 =	vmul.f32 v21, v13;
	v42 =	vbroadcast v42, $0xF  }
0x602: {  	v8 =	vmul.f32 v8, v22;
	v44 =	vadd.f32 v39, v44;
	v43 =	vadd.f32 v30, v43  }
0x603: {  	v29 =	vmul.f32 v29, v4;
	v45 =	vadd.f32 v41, v45;
	[tilespmem:v32+s4+$0x0] =	vst.idx.add.f32.msk $0x1, v42  }
0x604: {  	v23 =	vmul.f32 v23, v14;
	v32 =	vadd.f32 v21, v44;
	v42 =	vadd.f32 v8, v43  }
0x605: {  	v31 =	vmul.f32 v31, v6  }
0x606: {  	v24 =	vmul.f32 v24, v15;
	v43 =	vadd.f32 v29, v45;
	v32 =	vadd.f32 v23, v32;
	(xrf2) =	vadd.scan.msk.f32 $0xffff, v42  }
0x607: {  	v35 =	vmul.f32 v35, v1;
	v33 =	vmul.f32 v33, v7  }
0x608: {  	v25 =	vmul.f32 v25, v16;
	v42 =	vadd.f32 v31, v43;
	v32 =	vadd.f32 v24, v32  }
0x609: {  	v38 =	vmul.f32 v38, v2;
	v34 =	vmul.f32 v34, v9  }
0x60a: {  	v26 =	vmul.f32 v26, v17;
	v42 =	vadd.f32 v33, v42;
	v32 =	vadd.f32 v25, v32  }
0x60b: {  	v40 =	vmul.f32 v40, v3;
	v36 =	vmul.f32 v36, v10  }
.Ltmp35:
0x60c: {  	v28 =	vmul.f32 v28, v19;
	v42 =	vadd.f32 v34, v42;
	v32 =	vadd.f32 v26, v32;
	(pc) =	sbr.rel @p2 .LBB2_67-.Ltmp35, $4  }
0x60d: {  	v37 =	vmul.f32 v37, v11;
	v27 =	vmul.f32 v27, v18  }
0x60e: {  	v46 =	vadd.f32 v36, v42;
	v43 =	vadd.f32 v28, v32;
	v32 =	vmov s0;
	s0 =	smov.u32 s11;
	s11 =	smov.u32 s8;
	s8 =	smov.u32 s12  }
0x60f: {  	v39 =	vmul.f32 v39, v12;
	v41 =	vmul.f32 v41, v5;
	v45 =	vadd.f32 v38, v35  }
0x610: {  	v30 =	vmul.f32 v30, v20;
	s12 =	sadd.s32 $0x1, s12;
	v44 =	vadd.f32 v37, v46;
	v43 =	vadd.f32 v27, v43;
	v42, _, _ =	vpop (xrf2)  }
0x611: {  	v1 =	vadd.f32 v40, v45;
	_ =	sdelay $0x1  }
0x612: {  	v2 =	vmul.f32 v29, v4;
	v1 =	vadd.f32 v41, v1;
	_ =	sdelay $0x1  }
0x613: {  	v3 =	vmul.f32 v31, v6;
	v1 =	vadd.f32 v2, v1;
	_ =	sdelay $0x1  }
0x614: {  	v2 =	vmul.f32 v33, v7;
	v1 =	vadd.f32 v3, v1;
	_ =	sdelay $0x1  }
0x615: {  	v3 =	vmul.f32 v34, v9;
	v1 =	vadd.f32 v2, v1;
	_ =	sdelay $0x1  }
0x616: {  	v2 =	vmul.f32 v36, v10;
	v1 =	vadd.f32 v3, v1;
	_ =	sdelay $0x1  }
0x617: {  	v3 =	vmul.f32 v37, v11;
	v1 =	vadd.f32 v2, v1;
	_ =	sdelay $0x1  }
0x618: {  	v41 =	vmul.f32 v39, v12;
	v2 =	vmul.f32 v21, v13;
	v1 =	vadd.f32 v3, v1  }
0x619: {  	v3 =	vadd.f32 v39, v44  }
0x61a: {  	v5 =	vmul.f32 v23, v14;
	v45 =	vmul.f32 v2, v13;
	v1 =	vadd.f32 v41, v1  }
0x61b: {  	v2 =	vadd.f32 v2, v3  }
0x61c: {  	v46 =	vmul.f32 v5, v14;
	v3 =	vmul.f32 v24, v15;
	v1 =	vadd.f32 v45, v1  }
0x61d: {  	v2 =	vadd.f32 v5, v2  }
0x61e: {  	v47 =	vmul.f32 v25, v16;
	v48 =	vmul.f32 v3, v15;
	v1 =	vadd.f32 v46, v1  }
0x61f: {  	v2 =	vadd.f32 v3, v2  }
0x620: {  	v49 =	vmul.f32 v47, v16;
	v3 =	vmul.f32 v26, v17;
	v1 =	vadd.f32 v48, v1  }
0x621: {  	v2 =	vadd.f32 v47, v2  }
0x622: {  	v50 =	vmul.f32 v28, v19;
	v51 =	vmul.f32 v3, v17;
	v1 =	vadd.f32 v49, v1  }
0x623: {  	v2 =	vadd.f32 v3, v2  }
0x624: {  	v52 =	vmul.f32 v50, v19;
	v3 =	vmul.f32 v27, v18;
	v1 =	vadd.f32 v51, v1  }
0x625: {  	v53 =	vmul.f32 v8, v22;
	v2 =	vadd.f32 v50, v2  }
0x626: {  	v54 =	vmul.f32 v30, v20;
	v55 =	vmul.f32 v3, v18;
	v1 =	vadd.f32 v52, v1  }
0x627: {  	v56 =	vadd.f32 v30, v43;
	v2 =	vadd.f32 v3, v2  }
0x628: {  	v57 =	vmul.f32 v54, v20;
	v3 =	vmul.f32 v53, v22;
	v1 =	vadd.f32 v55, v1  }
0x629: {  	v2 =	vadd.f32 v54, v2  }
0x62a: {  	v4 =	vadd.f32 v53, v56;
	v58 =	vmul.f32 v3, v22;
	v1 =	vadd.f32 v57, v1  }
0x62b: {  	v2 =	vadd.f32 v3, v2  }
0x62c: {  	(xrf2) =	vadd.scan.msk.f32 $0xffff, v4;
	v1 =	vadd.f32 v58, v1  }
0x62d: {  	(xrf2) =	vadd.scan.msk.f32 $0xffff, v2  }
0x62e: {  	(xrf2) =	vadd.scan.msk.f32 $0xffff, v1;
	_ =	sdelay $0x5  }
0x62f: {  	v1 =	vmov s0  }
0x630: {  	v2 =	vmov s11  }
0x631: {  	v59 =	vbroadcast v42, $0xF;
	v60 =	vmov s8;
	v3, _, _ =	vpop (xrf2)  }
0x632: {  	v3 =	vbroadcast v3, $0xF;
	v61, _, _ =	vpop (xrf2)  }
0x633: {  	[tilespmem:v32+s4+$0x0] =	vst.idx.add.f32.msk $0x1, v59;
	v62 =	vbroadcast v61, $0xF;
	v63, _, _ =	vpop (xrf2)  }
0x634: {  	[tilespmem:v1+s4+$0x0] =	vst.idx.add.f32.msk $0x1, v3;
	v1 =	vbroadcast v63, $0xF  }
0x635: {  	[tilespmem:v2+s4+$0x0] =	vst.idx.add.f32.msk $0x1, v62  }
0x636: {  	[tilespmem:v60+s4+$0x0] =	vst.idx.add.f32.msk $0x1, v1  }
0x637: {  	[spmem:s24] =	stream.linear.scatter [tilespmem:s4], [sflag:$0x1], $0x80, $0x38;
	[tilespmem:$0x1F480] =	vst v63  }
.Ltmp36:
0x638: {  	_ =	swait.ge [sflag:s29], $0x80;
	(pc) =	sbr.rel @p0 .LBB2_70-.Ltmp36, $3  }
0x639: {  	[sflag:s29] =	ssyncset.done $0x0  }
0x63a: {  	[sflag:s29] =	ssyncadd.s32 $0xFFFFFF80  }
0x63b: {  	[bflag:$0x0] =	sbarrier.arrive $0xFFFF;
	_ =	sdelay $0x1  }
0x63c: {  	s0 =	rddreg [dreg:$0xa];
	s8 =	simm.s32 $0x1E980  }
0x63d: {  	[tilespmem:s8], [sflag:$0x1] =	stream.linear.gather [spmem:s0], $0x800, $0x38;
	[tilespmem:$0x1F480] =	vst v63  }
0x63e: {  	_ =	swait.ge [sflag:s29], $0x800  }
0x63f: {  	[sflag:s29] =	ssyncset.done $0x0  }
0x640: {  	[sflag:s29] =	ssyncadd.s32 $0xFFFFF800  }
0x641: {  	s23 =	simm.s32 $0x1E900;
	s22 =	rddreg [dreg:$0x7]  }
0x642: {  	[tilespmem:s23], [sflag:$0x1] =	stream.linear.gather [hbm4b:s22+s9], $0x80, $0x38;
	[tilespmem:$0x1F480] =	vst v63  }
0x643: {  	_ =	swait.ge [sflag:s29], $0x80  }
0x644: {  	[sflag:s29] =	ssyncset.done $0x0  }
0x645: {  	[sflag:s29] =	ssyncadd.s32 $0xFFFFFF80  }
0x646: {  	v2 =	vld [tilespmem:$0x1DD80]  }
0x647: {  	v3 =	vld [tilespmem:$0x1DE00]  }
0x648: {  	v4 =	vld [tilespmem:$0x1DD90]  }
0x649: {  	v5 =	vld [tilespmem:$0x1DE10]  }
0x64a: {  	v7 =	vld [tilespmem:$0x1DDA0]  }
0x64b: {  	v8 =	vld [tilespmem:$0x1DE20]  }
0x64c: {  	v9 =	vld [tilespmem:$0x1E980]  }
0x64d: {  	v11 =	vld [tilespmem:$0x1EA00]  }
0x64e: {  	v14 =	vld [tilespmem:$0x1EA80]  }
0x64f: {  	v18 =	vld [tilespmem:$0x1EB00]  }
0x650: {  	v22 =	vld [tilespmem:$0x1EB80]  }
0x651: {  	v23 =	vld [tilespmem:$0x1EC00]  }
0x652: {  	v24 =	vld [tilespmem:$0x1EC80]  }
0x653: {  	v25 =	vld [tilespmem:$0x1ED00]  }
0x654: {  	v26 =	vld [tilespmem:$0x1ED80]  }
0x655: {  	v27 =	vld [tilespmem:$0x1EE00]  }
0x656: {  	v28 =	vld [tilespmem:$0x1EE80]  }
0x657: {  	v20 =	vld [tilespmem:$0x1EF00]  }
0x658: {  	v1 =	vld [tilespmem:$0x1EF80]  }
0x659: {  	v29 =	vld [tilespmem:$0x1E990]  }
0x65a: {  	v30 =	vld [tilespmem:$0x1EA10]  }
0x65b: {  	v31 =	vld [tilespmem:$0x1EA90]  }
0x65c: {  	v32 =	vld [tilespmem:$0x1EB10]  }
0x65d: {  	v33 =	vld [tilespmem:$0x1EB90]  }
0x65e: {  	v34 =	vld [tilespmem:$0x1EC10]  }
0x65f: {  	v35 =	vld [tilespmem:$0x1EC90]  }
0x660: {  	v36 =	vld [tilespmem:$0x1ED10]  }
0x661: {  	v37 =	vld [tilespmem:$0x1ED90]  }
0x662: {  	v38 =	vld [tilespmem:$0x1EE10]  }
0x663: {  	v39 =	vld [tilespmem:$0x1EE90]  }
0x664: {  	[tilespmem:$0x1FF30] =	vst v1;
	v1 =	vld [tilespmem:$0x1F000]  }
0x665: {  	v21 =	vld [tilespmem:$0x1EF10]  }
0x666: {  	v40 =	vld [tilespmem:$0x1EA20]  }
0x667: {  	v41 =	vld [tilespmem:$0x1EAA0]  }
0x668: {  	v42 =	vld [tilespmem:$0x1EB20]  }
0x669: {  	[tilespmem:$0x1FF40] =	vst v1;
	v1 =	vld [tilespmem:$0x1F080]  }
0x66a: {  	v43 =	vld [tilespmem:$0x1EBA0]  }
0x66b: {  	v44 =	vld [tilespmem:$0x1EC20]  }
0x66c: {  	v45 =	vld [tilespmem:$0x1ECA0]  }
0x66d: {  	v46 =	vld [tilespmem:$0x1ED20]  }
0x66e: {  	[tilespmem:$0x1FF50] =	vst v1;
	v1 =	vld [tilespmem:$0x1F100]  }
0x66f: {  	v47 =	vld [tilespmem:$0x1EDA0]  }
0x670: {  	v48 =	vld [tilespmem:$0x1EE20]  }
0x671: {  	v49 =	vld [tilespmem:$0x1EEA0]  }
0x672: {  	v50 =	vld [tilespmem:$0x1EF20]  }
0x673: {  	[tilespmem:$0x1FF60] =	vst v1;
	v1 =	vld [tilespmem:$0x1E900]  }
0x674: {  	v51 =	vld [tilespmem:$0x1EFA0]  }
0x675: {  	v52 =	vld [tilespmem:$0x1F020]  }
0x676: {  	v53 =	vld [tilespmem:$0x1F0A0]  }
0x677: {  	v54 =	vld [tilespmem:$0x1E9B0]  }
0x678: {  	v2 =	vsub.f32 v2, v3;
	v3 =	vsub.f32 v4, v5;
	[tilespmem:$0x1FFC0] =	vst v1;
	v1 =	vld [tilespmem:$0x1EF90]  }
0x679: {  	v55 =	vld [tilespmem:$0x1EA30]  }
0x67a: {  	v56 =	vld [tilespmem:$0x1EAB0];
	v17 =	vsub.f32 v7, v8;
	v2 =	vmul.f32 v2, v2;
	v3 =	vmul.f32 v3, v3  }
0x67b: {  	v57 =	vld [tilespmem:$0x1EB30]  }
0x67c: {  	v58 =	vld [tilespmem:$0x1EBB0];
	v2 =	vadd.f32 v3, v2;
	v3 =	vmul.f32 v17, v17  }
0x67d: {  	[tilespmem:$0x1FF70] =	vst v1;
	v1 =	vld [tilespmem:$0x1F010]  }
0x67e: {  	v59 =	vld [tilespmem:$0x1EC30];
	v5 =	vadd.f32 v3, v2  }
0x67f: {  	v60 =	vld [tilespmem:$0x1ECB0]  }
0x680: {  	v61 =	vld [tilespmem:$0x1ED30];
	v3 =	vshrl.u32 v5, $0x1  }
0x681: {  	v62 =	vld [tilespmem:$0x1EDB0];
	v3 =	vadd.s32 $0x1FBD1DF5, v3  }
0x682: {  	(erf) = vrcp.f32 v3;
	[tilespmem:$0x1FF80] =	vst v1;
	v1 =	vld [tilespmem:$0x1F090]  }
0x683: {  	v63 =	vld [tilespmem:$0x1EE30]  }
0x684: {  	v6 =	vld [tilespmem:$0x1EEB0]  }
0x685: {  	v10 =	vld [tilespmem:$0x1EFB0]  }
0x686: {  	v13 =	vld [tilespmem:$0x1F030]  }
0x687: {  	[tilespmem:$0x1FF90] =	vst v1;
	v1 =	vld [tilespmem:$0x1F110]  }
0x688: {  	v15 =	vld [tilespmem:$0x1F0B0]  }
0x689: {  	v12 =	vld [tilespmem:$0x1EC40]  }
0x68a: {  	v16 =	vld [tilespmem:$0x1ED40]  }
0x68b: {  	v7 =	vld [tilespmem:$0x1E9A0];
	v19 =	vpop (erf)  }
0x68c: {  	v4 =	vmul.f32 v19, v5;
	[tilespmem:$0x1FFA0] =	vst v1;
	v1 =	vld [tilespmem:$0x1E910]  }
0x68d: {  	v8 =	vld [tilespmem:$0x1EF30];
	v9 =	vadd.f32 v11, v9  }
0x68e: {  	v11 =	vld [tilespmem:$0x1EAC0];
	v29 =	vadd.f32 v30, v29;
	v3 =	vadd.f32 v3, v4  }
0x68f: {  	v9 =	vadd.f32 v14, v9;
	v14 =	vld [tilespmem:$0x1EBC0]  }
0x690: {  	v29 =	vadd.f32 v31, v29;
	v31 =	vld [tilespmem:$0x1EF40];
	v4 =	vmul.f32 $5.000000000e-01, v3  }
0x691: {  	[tilespmem:$0x1FFD0] =	vst v1;
	v1 =	vld [tilespmem:$0x1F120]  }
0x692: {  	v17 =	vld [tilespmem:$0x1F130];
	(erf) = vrcp.f32 v4  }
0x693: {  	v9 =	vadd.f32 v18, v9;
	v18 =	vld [tilespmem:$0x1ECC0]  }
0x694: {  	v7 =	vadd.f32 v40, v7;
	v2 =	vld [tilespmem:$0x1E930]  }
0x695: {  	v32 =	vadd.f32 v32, v29;
	v9 =	vadd.f32 v22, v9;
	v22 =	vld [tilespmem:$0x1EDC0]  }
0x696: {  	v7 =	vadd.f32 v41, v7;
	[tilespmem:$0x1FFB0] =	vst v1;
	v1 =	vld [tilespmem:$0x1E920]  }
0x697: {  	v32 =	vadd.f32 v33, v32;
	v33 =	vld [tilespmem:$0x1E9D0]  }
0x698: {  	v54 =	vadd.f32 v55, v54;
	v55 =	vadd.f32 v42, v7;
	v7 =	vld [tilespmem:$0x1F140]  }
0x699: {  	v42 =	vadd.f32 v34, v32;
	v34 =	vld [tilespmem:$0x1EAD0]  }
0x69a: {  	[tilespmem:$0x1FFF0] =	vst v2;
	v2 =	vld [tilespmem:$0x1EA40]  }
0x69b: {  	v29 =	vadd.f32 v35, v42;
	v35 =	vld [tilespmem:$0x1EBD0];
	[tilespmem:$0x1FFE0] =	vst v1;
	v1 =	vpop (erf)  }
0x69c: {  	v3 =	vld [tilespmem:$0x1E9C0];
	v1 =	vmul.f32 v1, v5  }
0x69d: {  	v43 =	vadd.f32 v43, v55;
	v42 =	vld [tilespmem:$0x1EF50]  }
0x69e: {  	v29 =	vadd.f32 v36, v29;
	v36 =	vld [tilespmem:$0x1ECD0];
	v1 =	vadd.f32 v1, v4  }
0x69f: {  	v32 =	vadd.f32 v44, v43;
	v43 =	vld [tilespmem:$0x1F050]  }
0x6a0: {  	v4 =	vld [tilespmem:$0x1EB40];
	v1 =	vmul.f32 $5.000000000e-01, v1  }
0x6a1: {  	v44 =	vld [tilespmem:$0x1F0D0];
	v32 =	vadd.f32 v45, v32;
	v2 =	vadd.f32 v2, v3  }
0x6a2: {  	v41 =	vadd.f32 v56, v54;
	v29 =	vadd.f32 v37, v29;
	v37 =	vld [tilespmem:$0x1ED50];
	(erf) = vrcp.f32 v1  }
0x6a3: {  	v54 =	vld [tilespmem:$0x1FF60];
	v32 =	vadd.f32 v46, v32;
	v2 =	vadd.f32 v11, v2  }
0x6a4: {  	v46 =	vld [tilespmem:$0x1FF30];
	v29 =	vadd.f32 v38, v29  }
0x6a5: {  	v38 =	vld [tilespmem:$0x1EDD0];
	v32 =	vadd.f32 v47, v32;
	v2 =	vadd.f32 v4, v2  }
0x6a6: {  	v47 =	vld [tilespmem:$0x1FF40];
	v29 =	vadd.f32 v39, v29  }
0x6a7: {  	v39 =	vld [tilespmem:$0x1EED0];
	v32 =	vadd.f32 v48, v32;
	v2 =	vadd.f32 v14, v2  }
0x6a8: {  	v19 =	vld [tilespmem:$0x1EE40]  }
0x6a9: {  	v48 =	vld [tilespmem:$0x1FF50];
	v49 =	vadd.f32 v49, v32;
	v2 =	vadd.f32 v12, v2  }
0x6aa: {  	v21 =	vadd.f32 v21, v29;
	v32 =	vld [tilespmem:$0x1EFD0]  }
0x6ab: {  	v29 =	vadd.f32 v50, v49;
	v50 =	vld [tilespmem:$0x1EA70];
	v2 =	vadd.f32 v18, v2;
	v30 =	vpop (erf)  }
0x6ac: {  	v9 =	vadd.f32 v23, v9;
	v55 =	vld [tilespmem:$0x1FF70];
	v23 =	vmul.f32 v30, v5  }
0x6ad: {  	v3 =	vld [tilespmem:$0x1F150];
	v2 =	vadd.f32 v16, v2  }
0x6ae: {  	v30 =	vld [tilespmem:$0x1EEC0];
	v40 =	vadd.f32 v23, v1;
	v1 =	vadd.f32 v24, v9  }
0x6af: {  	v56 =	vld [tilespmem:$0x1FF80];
	v2 =	vadd.f32 v22, v2  }
0x6b0: {  	v24 =	vld [tilespmem:$0x1EFC0];
	v1 =	vadd.f32 v25, v1  }
0x6b1: {  	v23 =	vld [tilespmem:$0x1F040];
	v2 =	vadd.f32 v19, v2  }
0x6b2: {  	v9 =	vld [tilespmem:$0x1E940];
	v1 =	vadd.f32 v26, v1;
	v26 =	vadd.f32 v57, v41  }
0x6b3: {  	v25 =	vld [tilespmem:$0x1F0C0];
	v2 =	vadd.f32 v30, v2  }
0x6b4: {  	v30 =	vld [tilespmem:$0x1FFC0];
	v1 =	vadd.f32 v27, v1;
	v26 =	vadd.f32 v58, v26  }
0x6b5: {  	v41 =	vld [tilespmem:$0x1EE50];
	v57 =	vadd.f32 v51, v29  }
0x6b6: {  	v29 =	vld [tilespmem:$0x1E950];
	v1 =	vadd.f32 v28, v1;
	v45 =	vadd.f32 v59, v26  }
0x6b7: {  	v51 =	vld [tilespmem:$0x1EBE0];
	v2 =	vadd.f32 v31, v2  }
0x6b8: {  	v31 =	vld [tilespmem:$0x1EEE0];
	v1 =	vadd.f32 v20, v1;
	v20 =	vadd.f32 v60, v45  }
0x6b9: {  	v27 =	vld [tilespmem:$0x1EA50]  }
0x6ba: {  	v58 =	vld [tilespmem:$0x1E9E0];
	v20 =	vadd.f32 v61, v20  }
0x6bb: {  	v28 =	vld [tilespmem:$0x1EB50]  }
0x6bc: {  	v26 =	vld [tilespmem:$0x1EC50];
	v20 =	vadd.f32 v62, v20  }
0x6bd: {  	v59 =	vld [tilespmem:$0x1FF90]  }
0x6be: {  	v45 =	vld [tilespmem:$0x1FFA0];
	v20 =	vadd.f32 v63, v20  }
0x6bf: {  	v60 =	vadd.f32 v52, v57;
	v57 =	vld [tilespmem:$0x1ECE0]  }
0x6c0: {  	v49 =	vadd.f32 v27, v33;
	v27 =	vld [tilespmem:$0x1ED70];
	v6 =	vadd.f32 v6, v20  }
0x6c1: {  	v33 =	vld [tilespmem:$0x1EDF0];
	v1 =	vadd.f32 v46, v1  }
0x6c2: {  	v21 =	vadd.f32 v55, v21;
	v61 =	vld [tilespmem:$0x1EA60];
	v62 =	vmul.f32 $5.000000000e-01, v40;
	v6 =	vadd.f32 v8, v6  }
0x6c3: {  	v46 =	vld [tilespmem:$0x1EB60];
	v52 =	vadd.f32 v34, v49;
	v1 =	vadd.f32 v47, v1  }
0x6c4: {  	v63 =	vld [tilespmem:$0x1EAE0];
	v20 =	vadd.f32 v56, v21;
	v6 =	vadd.f32 v10, v6;
	v10 =	vmul.f32 $-1.000000050e-03, v62  }
0x6c5: {  	v5 =	vadd.f32 $1.000000000e+00, v5;
	v47 =	vld [tilespmem:$0x1E9F0];
	v55 =	vadd.f32 v28, v52  }
0x6c6: {  	v34 =	vld [tilespmem:$0x1EF60];
	v1 =	vadd.f32 v48, v1;
	v11 =	vadd.f32 v59, v20;
	v10 =	vmul.f32 $1.442695020e+00, v10  }
0x6c7: {  	v20 =	vadd.f32 v53, v60;
	v53 =	vld [tilespmem:$0x1EAF0];
	v8 =	vadd.f32 v61, v58  }
0x6c8: {  	v2 =	vadd.f32 v24, v2;
	v48 =	vld [tilespmem:$0x1FFB0];
	v1 =	vadd.f32 v54, v1;
	(erf) = vpow2.f32 v10  }
0x6c9: {  	v56 =	vld [tilespmem:$0x1EB70];
	v4 =	vadd.f32 v63, v8;
	(erf) = vrcp.f32 v5;
	v5 =	vadd.f32 v35, v55  }
0x6ca: {  	v54 =	vld [tilespmem:$0x1EC60];
	v6 =	vadd.f32 v13, v6;
	v13 =	vadd.f32 v50, v47  }
0x6cb: {  	v58 =	vld [tilespmem:$0x1EBF0];
	v4 =	vadd.f32 v46, v4;
	v5 =	vadd.f32 v26, v5  }
0x6cc: {  	v2 =	vadd.f32 v23, v2;
	v59 =	vld [tilespmem:$0x1ED60];
	v13 =	vadd.f32 v53, v13  }
0x6cd: {  	v60 =	vld [tilespmem:$0x1EC70];
	v4 =	vadd.f32 v51, v4;
	v5 =	vadd.f32 v36, v5  }
0x6ce: {  	v2 =	vadd.f32 v25, v2;
	v62 =	vld [tilespmem:$0x1ECF0];
	v13 =	vadd.f32 v56, v13  }
0x6cf: {  	v35 =	vld [tilespmem:$0x1FFD0];
	v4 =	vadd.f32 v54, v4;
	v5 =	vadd.f32 v37, v5  }
0x6d0: {  	v2 =	vadd.f32 v7, v2;
	v61 =	vld [tilespmem:$0x1EDE0];
	v8 =	vadd.f32 v58, v13  }
0x6d1: {  	v63 =	vld [tilespmem:$0x1EE60];
	v4 =	vadd.f32 v57, v4;
	v5 =	vadd.f32 v38, v5  }
0x6d2: {  	v11 =	vadd.f32 v45, v11;
	v8 =	vadd.f32 v60, v8;
	v37 =	vld [tilespmem:$0x1FFE0]  }
0x6d3: {  	v21 =	vmul.f32 $1.442695020e+00, v30;
	v4 =	vadd.f32 v59, v4;
	v5 =	vadd.f32 v41, v5;
	v41 =	vld [tilespmem:$0x1FFF0]  }
0x6d4: {  	v40 =	vld [tilespmem:$0x1EF70];
	v14 =	vadd.f32 v48, v20;
	v20 =	vmul.f32 $1.442695020e+00, v35;
	v8 =	vadd.f32 v62, v8  }
0x6d5: {  	v45 =	vmul.f32 $1.442695020e+00, v9;
	(erf) = vpow2.f32 v21;
	v36 =	vld [tilespmem:$0x1EE70];
	v4 =	vadd.f32 v61, v4;
	v26 =	vpop (erf)  }
0x6d6: {  	v46 =	vld [tilespmem:$0x1EFE0];
	v6 =	vadd.f32 v15, v6;
	v28 =	vpop (erf);
	v8 =	vadd.f32 v27, v8;
	(erf) = vpow2.f32 v20  }
0x6d7: {  	v4 =	vadd.f32 v63, v4;
	v21 =	vmul.f32 $1.442695020e+00, v37;
	v5 =	vadd.f32 v39, v5;
	v39 =	vld [tilespmem:$0x1EEF0]  }
0x6d8: {  	v38 =	vld [tilespmem:$0x1E960];
	v19 =	vmul.f32 v26, v28;
	v8 =	vadd.f32 v33, v8;
	v20 =	vmul.f32 $1.442695020e+00, v41  }
0x6d9: {  	v4 =	vadd.f32 v31, v4;
	(erf) = vpow2.f32 v21;
	v5 =	vadd.f32 v42, v5;
	v42 =	vld [tilespmem:$0x1E970]  }
0x6da: {  	v49 =	vld [tilespmem:$0x1F060];
	v6 =	vadd.f32 v17, v6;
	v8 =	vadd.f32 v36, v8;
	(erf) = vpow2.f32 v20  }
0x6db: {  	v47 =	vld [tilespmem:$0x1EFF0];
	v1 =	vadd.f32 v19, v1;
	v4 =	vadd.f32 v34, v4;
	(erf) = vpow2.f32 v45  }
0x6dc: {  	v52 =	vld [tilespmem:$0x1F0E0];
	v48 =	vmul.f32 $1.442695020e+00, v29;
	v11 =	vadd.f32 v11, v19;
	v8 =	vadd.f32 v39, v8  }
0x6dd: {  	v50 =	vld [tilespmem:$0x1F070];
	v10 =	vmul.f32 $1.442695020e+00, v38;
	v4 =	vadd.f32 v46, v4;
	v5 =	vadd.f32 v32, v5  }
0x6de: {  	v54 =	vld [tilespmem:$0x1F160];
	(erf) = vpow2.f32 v48;
	v51 =	vadd.f32 v40, v8;
	v13 =	vmul.f32 $1.442695020e+00, v42  }
0x6df: {  	v53 =	vld [tilespmem:$0x1F0F0];
	v58 =	vadd.f32 v14, v19;
	v4 =	vadd.f32 v49, v4;
	(erf) = vpow2.f32 v10  }
0x6e0: {  	v56 =	vpop (erf);
	v5 =	vadd.f32 v43, v5;
	v7 =	vadd.f32 v47, v51;
	(erf) = vpow2.f32 v13  }
0x6e1: {  	v55 =	vld [tilespmem:$0x1F170];
	v6 =	vadd.f32 v6, v19;
	v1 =	vmul.f32 v1, v56;
	v57 =	vpop (erf);
	v4 =	vadd.f32 v52, v4  }
0x6e2: {  	v5 =	vadd.f32 v44, v5;
	v59 =	vpop (erf);
	v7 =	vadd.f32 v50, v7  }
0x6e3: {  	v2 =	vadd.f32 v2, v19;
	[tilespmem:$0x1E880] =	vst v1;
	v4 =	vadd.f32 v54, v4;
	v1 =	vmul.f32 v59, v58;
	v60 =	vpop (erf)  }
0x6e4: {  	v3 =	vadd.f32 v3, v5;
	v7 =	vadd.f32 v53, v7;
	v61 =	vpop (erf)  }
0x6e5: {  	v11 =	vmul.f32 v57, v11;
	[tilespmem:$0x1E8A0] =	vst v1;
	v1 =	vmul.f32 v61, v2;
	v2 =	vadd.f32 v4, v19  }
0x6e6: {  	v3 =	vadd.f32 v3, v19;
	v6 =	vmul.f32 v60, v6;
	v5 =	vadd.f32 v55, v7  }
0x6e7: {  	[tilespmem:$0x1E890] =	vst v11;
	v62 =	vpop (erf)  }
0x6e8: {  	v63 =	vpop (erf);
	[tilespmem:$0x1E8B0] =	vst v6;
	v3 =	vmul.f32 v62, v3;
	v5 =	vadd.f32 v5, v19  }
0x6e9: {  	[tilespmem:$0x1E8C0] =	vst v1;
	v1 =	vmul.f32 v63, v2;
	v2 =	vpop (erf)  }
0x6ea: {  	[tilespmem:$0x1E8D0] =	vst v3;
	v2 =	vmul.f32 v2, v5  }
0x6eb: {  	[tilespmem:$0x1E8E0] =	vst v1  }
.Ltmp37:
0x6ec: {  	s26 =	rddreg [dreg:$0x8];
	[tilespmem:$0x1E8F0] =	vst v2;
	(pc) =	sbr.rel .LBB2_70-.Ltmp37, $4  }
0x6ed: {  	[hbm4b:s26+s9] =	stream.linear.scatter [tilespmem:s4], [sflag:$0x1], $0x80, $0x38;
	[tilespmem:$0x1F480] =	vst v63  }
0x6ee: {  	_ =	swait.ge [sflag:s29], $0x80  }
0x6ef: {  	[sflag:s29] =	ssyncset.done $0x0  }
0x6f0: {  	[sflag:s29] =	ssyncadd.s32 $0xFFFFFF80  }
.LBB2_71:
0x6f1: {  	_ =	sfence.sel $0x180000  }
0x6f2: {  	[bflag:$0x0] =	sbarrier.arrive $0xFFFF  }
0x6f3: {  	_ =	strace $0x90000047  }
0x6f4: {  	s0 =	stileid.u32;
	[bflag:$0x2] =	sbarrier.arrive $0xFFFF  }
0x6f5: {  	p0 =	sne.s32 s0, $0x0;
	s0 =	rddreg [dreg:$0xb]  }
0x6f6: {  	s0 =	sadd.s32 @!p0 $0x100000, s0  }
0x6f7: {  	[sflag:s0] =	ssyncadd.tile.s32 @!p0 $0x1;
	_ =	shalt  }
.Lfunc_end2:
_tile_overlayer_lowered:
.L_overlay_start_2:
0x6f8: {  	(tag) =	ssettag $0x2  }
0x6f9: {  	s0 =	rddreg [dreg:$0x0];
	s2 =	stileid.u32  }
0x6fa: {  	s1 =	rddreg [dreg:$0x1];
	p0 =	sne.s32 s2, $0x0  }
0x6fb: {  	s3 =	rddreg [dreg:$0x2];
	[bflag:$0x3] =	sbarrier.arrive $0xFFFF;
	s2 =	simm.s32 @!p0 $0x1C01  }
0x6fc: {  	[timem:s3], [sflag:s2] =	dma.local @!p0 [hbm:s0], s1  }
0x6fd: {  	s0 =	simm.s32 @!p0 $0x1  }
0x6fe: {  	_ =	swait.ge @!p0 [sflag:s0], s1  }
0x6ff: {  	s1 =	ssub.s32 @!p0 $0x0, s1;
	[sflag:s0] =	ssyncset.done @!p0 $0x0  }
0x700: {  	[sflag:s0] =	ssyncadd.s32 @!p0 s1  }
0x701: {  	[bflag:$0x3] =	sbarrier.arrive $0xFFFF  }
0x702: {  	_ =	shalt  }

</sc_bundles>
